<compile_context>
chip_gen: v7x
topology: tpu7x:2x2x1
jax: 0.10.2.dev20260603
libtpu: 0.0.44.dev20260713+nightly
codegen_flags: <defaults>
</compile_context>

<pallas_src>
import functools

import jax
import jax.numpy as jnp
from jax import lax
from jax.experimental import pallas as pl
from jax.experimental.pallas import tpu as pltpu
from jax.experimental.pallas import tpu_sc as plsc

N = 800
B = 4
R = 200
E = 32000
INDIM = 200
D1 = 32
D2 = 32
K = 8
NCLASS = 2

_NW = 32
_EPW = E // _NW
_EPAD = 1024
_ROWS = N // 16
_FLAT = N * N


def _sc_body(src_hbm, dst_hbm, attr_hbm, a_out, c_out,
             srcv, dstv, attrv, aidx, aval, cidx, cval, zbuf, vbounce,
             a_sh, c_sh):
    c = lax.axis_index("c")
    s = lax.axis_index("s")
    wid = c * 16 + s

    def _z(i, _):
        zbuf[pl.ds(pl.multiple_of(i * 16, 8), 16)] = jnp.zeros((16,), jnp.float32)
        return 0
    lax.fori_loop(0, 500, _z, 0)
    for kk in range(5):
        pltpu.sync_copy(zbuf.at[pl.ds(0, 8000)],
                        a_sh.at[pl.ds(pl.multiple_of(s * 40000 + kk * 8000, 8), 8000)])

    @pl.when(s == 0)
    def _zc():
        pltpu.sync_copy(zbuf.at[pl.ds(0, 800)], c_sh.at[pl.ds(0, 800)])

    off = pl.multiple_of(wid * _EPW, 8)
    pltpu.sync_copy(src_hbm.at[pl.ds(off, _EPAD)], srcv)
    pltpu.sync_copy(dst_hbm.at[pl.ds(off, _EPAD)], dstv)
    pltpu.sync_copy(attr_hbm.at[pl.ds(off, _EPAD)], attrv)

    for i in range(_EPAD // 16):
        sl = pl.ds(i * 16, 16)
        sv = srcv[sl]
        dv = dstv[sl]
        wv = attrv[sl]
        m = (lax.iota(jnp.int32, 16) + i * 16) < _EPW
        fi = jnp.where(m, sv * N + dv, 0)
        wv = jnp.where(m, wv, 0.0)
        r = i // 8
        cb = pl.ds((i % 8) * 16, 16)
        aidx[r, cb] = fi
        aval[r, cb] = wv
        cidx[r, cb] = jnp.where(m, dv, 0)
        cval[r, cb] = jnp.where(m, 1.0, 0.0)

    plsc.subcore_barrier()
    for j in range(8):
        pltpu.sync_copy(aval.at[j], a_sh.at[aidx.at[j]], add=True)
        pltpu.sync_copy(cval.at[j], c_sh.at[cidx.at[j]], add=True)
    plsc.subcore_barrier()

    dst_off = pl.multiple_of(c * _FLAT + s * 40000, 8)
    pltpu.sync_copy(a_sh.at[pl.ds(pl.multiple_of(s * 40000, 8), 40000)], vbounce)
    pltpu.sync_copy(vbounce, a_out.at[pl.ds(dst_off, 40000)])

    @pl.when(s == 1)
    def _wc():
        pltpu.sync_copy(c_sh.at[pl.ds(0, 800)], zbuf.at[pl.ds(0, 800)])
        pltpu.sync_copy(zbuf.at[pl.ds(0, 800)],
                        c_out.at[pl.ds(pl.multiple_of(c * N, 8), 800)])


@jax.jit
def _sc_scatter(srcp, dstp, attrp):
    f32 = jnp.float32
    kfn = pl.kernel(
        _sc_body,
        mesh=plsc.VectorSubcoreMesh(core_axis_name="c", subcore_axis_name="s"),
        out_type=[jax.ShapeDtypeStruct((2 * _FLAT,), f32),
                  jax.ShapeDtypeStruct((2 * N,), f32)],
        scratch_types=[
            pltpu.VMEM((_EPAD,), jnp.int32),
            pltpu.VMEM((_EPAD,), jnp.int32),
            pltpu.VMEM((_EPAD,), f32),
            pltpu.VMEM((8, 128), jnp.int32),
            pltpu.VMEM((8, 128), f32),
            pltpu.VMEM((8, 128), jnp.int32),
            pltpu.VMEM((8, 128), f32),
            pltpu.VMEM((8000,), f32),
            pltpu.VMEM((40000,), f32),
            pltpu.VMEM_SHARED((_FLAT,), f32),
            pltpu.VMEM_SHARED((N,), f32),
        ],
    )
    return kfn(srcp, dstp, attrp)


def _dot(a, b, ca, cb):
    return lax.dot_general(a, b, (((ca,), (cb,)), ((), ())),
                           precision=lax.Precision.HIGHEST,
                           preferred_element_type=jnp.float32)


def _bdot(a, b, ca, cb):
    return lax.dot_general(a.astype(jnp.bfloat16), b.astype(jnp.bfloat16),
                           (((ca,), (cb,)), ((), ())),
                           preferred_element_type=jnp.float32)


def _bf(x):
    return x.astype(jnp.bfloat16).astype(jnp.float32)


def _sigmoid(x):
    return 1.0 / (1.0 + jnp.exp(-x))


def _tc_body(x_ref, pos_ref, a0a_ref, a0b_ref, cnt0_ref, cnt1_ref,
             w1cat_ref, n1w1_ref, p1w_ref, w2cat_ref, n2w1_ref, p2w_ref,
             fc1w_ref, fc1b_ref, bn1g_ref, bn1b_ref,
             fc2w_ref, fc2b_ref, bn2g_ref, bn2b_ref,
             hw0_ref, hw1_ref, hb_ref,
             out_ref, s1o_ref, s2o_ref, p1o_ref, p2o_ref):
    f32 = jnp.float32
    x = x_ref[...]
    pos = pos_ref[...]
    A0 = a0a_ref[...] + a0b_ref[...]
    cnt_row = cnt0_ref[...] + cnt1_ref[...]

    i0 = lax.broadcasted_iota(jnp.int32, (N, N), 0)
    i1 = lax.broadcasted_iota(jnp.int32, (N, N), 1)
    eye = jnp.where(i0 == i1, 1.0, 0.0).astype(f32)
    same = (i0 // R) == (i1 // R)
    arange_col = lax.broadcasted_iota(jnp.int32, (N, 1), 0).astype(f32)
    i0f = i0.astype(f32)
    goff_row = ((lax.broadcasted_iota(jnp.int32, (1, N), 1) // R) * R).astype(f32)

    def col_of(row):
        return jnp.transpose(row, (1, 0))

    def row_of(col):
        return jnp.transpose(col, (1, 0))

    h = _bf(jnp.maximum(_bdot(pos, n1w1_ref[...], 1, 0), 0.0))
    G = _dot(x, w1cat_ref[...], 1, 0)
    xt = G[:, K * D1:(K + 1) * D1]
    for k in range(K):
        xt = xt + h[:, k:k + 1] * G[:, k * D1:(k + 1) * D1]

    agg = _dot(A0, xt, 0, 0)
    cnt_col = col_of(jnp.maximum(cnt_row, 1.0))
    h1 = agg / cnt_col

    p1w = p1w_ref[...]
    nrm1 = jnp.sqrt(jnp.sum(p1w * p1w, keepdims=True))
    s1_col = _sigmoid(_bdot(h1, p1w, 1, 0) / nrm1)
    s1_row = row_of(s1_col)

    Dm = same & ((s1_col > s1_row) | ((s1_col == s1_row) & (i0 < i1)))
    rank1_row = jnp.sum(jnp.where(Dm, 1.0, 0.0), axis=0, keepdims=True)
    inv1_row = rank1_row + goff_row
    inv1_col = col_of(inv1_row)
    P1 = jnp.where(inv1_row == i0f, 1.0, 0.0)
    perm1_col = _dot(P1, arange_col, 1, 0)
    s1_sorted = _dot(P1, s1_col, 1, 0)
    p1o_ref[...] = perm1_col.astype(jnp.int32)
    s1o_ref[...] = _sigmoid(s1_sorted)

    h1s = h1 * s1_col
    xp = _dot(P1, h1s, 1, 0)
    posp = _dot(P1, pos, 1, 0)

    parts = []
    for g in range(B):
        blk = xp[g * R:(g + 1) * R]
        parts.append(jnp.concatenate(
            [jnp.max(blk, axis=0, keepdims=True),
             jnp.sum(blk, axis=0, keepdims=True) / float(R)], axis=1))
    x1 = jnp.concatenate(parts, axis=0)

    Ap = _dot(_dot(P1, A0, 1, 0), P1, 1, 1)
    Bp = Ap + eye
    M0 = _bdot(Bp, Bp, 1, 0)
    M0 = M0 * (1.0 - eye)

    h2m = _bf(jnp.maximum(_bdot(posp, n2w1_ref[...], 1, 0), 0.0))
    G2 = _dot(xp, w2cat_ref[...], 1, 0)
    xt2 = G2[:, K * D2:(K + 1) * D2]
    for k in range(K):
        xt2 = xt2 + h2m[:, k:k + 1] * G2[:, k * D2:(k + 1) * D2]

    nz_row = jnp.sum(jnp.where(M0 != 0.0, 1.0, 0.0), axis=0, keepdims=True)
    cnt2_col = col_of(jnp.maximum(nz_row, 1.0))
    h2 = _bdot(M0, xt2, 0, 0) / cnt2_col

    p2w = p2w_ref[...]
    nrm2 = jnp.sqrt(jnp.sum(p2w * p2w, keepdims=True))
    s2_col = _sigmoid(_bdot(h2, p2w, 1, 0) / nrm2)
    s2_row = row_of(s2_col)

    D2m = same & ((s2_col > s2_row) | ((s2_col == s2_row) & (i0 < i1)))
    rank2_row = jnp.sum(jnp.where(D2m, 1.0, 0.0), axis=0, keepdims=True)
    rank2_row = rank2_row + goff_row
    P2 = jnp.where(rank2_row == i0f, 1.0, 0.0)
    perm2_col = _dot(P2, arange_col, 1, 0)
    s2_sorted = _dot(P2, s2_col, 1, 0)
    p2o_ref[...] = perm2_col.astype(jnp.int32)
    s2o_ref[...] = _sigmoid(s2_sorted)

    h2s = h2 * s2_col
    parts = []
    for g in range(B):
        blk = h2s[g * R:(g + 1) * R]
        parts.append(jnp.concatenate(
            [jnp.max(blk, axis=0, keepdims=True),
             jnp.sum(blk, axis=0, keepdims=True) / float(R)], axis=1))
    x2 = jnp.concatenate(parts, axis=0)

    xc = jnp.concatenate([x1, x2], axis=1)
    hh = jnp.maximum(_bdot(xc, fc1w_ref[...], 1, 0) + fc1b_ref[...], 0.0)

    def bn(v, g_, b_):
        m = jnp.sum(v, axis=0, keepdims=True) / float(B)
        d = v - m
        var = jnp.sum(d * d, axis=0, keepdims=True) / float(B)
        return d / jnp.sqrt(var + 1e-5) * g_ + b_

    hh = bn(hh, bn1g_ref[...], bn1b_ref[...])
    z = _bdot(hh, fc2w_ref[...], 1, 0) + fc2b_ref[...]
    zm = z - jnp.max(z, axis=1, keepdims=True)
    ls = zm - jnp.log(jnp.sum(jnp.exp(zm), axis=1, keepdims=True))
    hh = bn(ls, bn2g_ref[...], bn2b_ref[...])

    hb = hb_ref[...]
    out_ref[0:B, :] = _bdot(hh, hw0_ref[...], 1, 0) + hb[0:1, :]
    out_ref[B:2 * B, :] = _bdot(hh, hw1_ref[...], 1, 0) + hb[1:2, :]


@jax.jit
def _tc_main(args):
    f32 = jnp.float32
    outs = [
        jax.ShapeDtypeStruct((2 * B, D2), f32),
        jax.ShapeDtypeStruct((N, 1), f32),
        jax.ShapeDtypeStruct((N, 1), f32),
        jax.ShapeDtypeStruct((N, 1), jnp.int32),
        jax.ShapeDtypeStruct((N, 1), jnp.int32),
    ]
    return pl.pallas_call(_tc_body, out_shape=outs)(*args)


def kernel(x, edge_index, batch, edge_attr, pos, n1_w1, n1_w2, n1_b2, pool1_w,
           n2_w1, n2_w2, n2_b2, pool2_w, fc1_w, fc1_b, bn1_g, bn1_b,
           fc2_w, fc2_b, bn2_g, bn2_b, heads_w, heads_b):
    f32 = jnp.float32
    pad = _NW * _EPAD - E
    srcp = jnp.concatenate([edge_index[0], jnp.zeros((pad,), jnp.int32)])
    dstp = jnp.concatenate([edge_index[1], jnp.zeros((pad,), jnp.int32)])
    attrp = jnp.concatenate([edge_attr, jnp.zeros((pad,), f32)])

    a_flat, c_flat = _sc_scatter(srcp, dstp, attrp)
    a0a = a_flat[:_FLAT].reshape(N, N)
    a0b = a_flat[_FLAT:].reshape(N, N)
    cnt0 = c_flat[:N].reshape(1, N)
    cnt1 = c_flat[N:].reshape(1, N)

    rbf = lambda a: a.astype(jnp.bfloat16).astype(f32)
    w1cat = jnp.concatenate(
        [rbf(n1_w2.reshape(K, INDIM, D1).transpose(1, 0, 2).reshape(INDIM, K * D1)),
         n1_b2.reshape(INDIM, D1)], axis=1)
    w2cat = jnp.concatenate(
        [rbf(n2_w2.reshape(K, D1, D2).transpose(1, 0, 2).reshape(D1, K * D2)),
         n2_b2.reshape(D1, D2)], axis=1)

    args = (x, pos, a0a, a0b, cnt0, cnt1,
            w1cat, n1_w1, pool1_w.reshape(D1, 1), w2cat, n2_w1,
            pool2_w.reshape(D2, 1),
            fc1_w, fc1_b.reshape(1, D2), bn1_g.reshape(1, D2),
            bn1_b.reshape(1, D2),
            fc2_w, fc2_b.reshape(1, NCLASS), bn2_g.reshape(1, NCLASS),
            bn2_b.reshape(1, NCLASS),
            heads_w[0], heads_w[1], heads_b)

    out_s, s1o, s2o, p1o, p2o = _tc_main(args)
    outputs = out_s.reshape(2, B, D2)
    return (outputs, pool1_w, pool2_w,
            s1o.reshape(B, R), s2o.reshape(B, R),
            p1o.reshape(N), p2o.reshape(N))

# --- scband reference (transcript-rebuilt; emitter-appended) ---
"""Pipeline reference for scband-networkkkk-54065048322604 (READ-ONLY COPY).

The authoritative reference and input builder live on the scoring server;
editing this copy changes nothing except your own understanding.
"""

import jax, jax.numpy as jnp
import numpy as np

N = 800; B = 4; R = 200; E = 32000; INDIM = 200; D1 = 32; D2 = 32; K = 8; NCLASS = 2


def _mlp(pos, w1, w2, b2):
    return jnp.maximum(pos @ w1, 0.0) @ w2 + b2


def _topk_perm(score):
    s = score.reshape(B, R)
    order = jnp.argsort(-s, axis=1)
    offs = (jnp.arange(B) * R)[:, None]
    return (order + offs).reshape(-1)


def _gmp_gap(v, batch):
    mx = jax.ops.segment_max(v, batch, num_segments=B)
    sm = jax.ops.segment_sum(v, batch, num_segments=B)
    cnt = jax.ops.segment_sum(jnp.ones((v.shape[0],), v.dtype), batch, num_segments=B)
    return jnp.concatenate([mx, sm / cnt[:, None]], axis=1)


def _bn(v, g, b, eps=1e-5):
    m = v.mean(axis=0)
    var = v.var(axis=0)
    return (v - m) / jnp.sqrt(var + eps) * g + b


def setup_inputs(seed: int = 0):
    key = jax.random.key(seed)
    ks = jax.random.split(key, 24)
    x = jax.random.normal(ks[0], (N, INDIM), dtype=jnp.float32)
    edge_index = jax.random.randint(ks[1], (2, E), 0, N, dtype=jnp.int32)
    batch = jnp.repeat(jnp.arange(B, dtype=jnp.int32), R)
    edge_attr = jax.random.uniform(ks[2], (E,), dtype=jnp.float32)
    pos = jax.random.uniform(ks[3], (N, R), dtype=jnp.float32)
    p = lambda i, shp: jax.random.normal(ks[i], shp, dtype=jnp.float32) * 0.1
    return {
        'x': x, 'edge_index': edge_index, 'batch': batch, 'edge_attr': edge_attr, 'pos': pos,
        'n1_w1': p(4, (R, K)), 'n1_w2': p(5, (K, D1 * INDIM)), 'n1_b2': p(6, (D1 * INDIM,)),
        'pool1_w': p(7, (D1,)),
        'n2_w1': p(8, (R, K)), 'n2_w2': p(9, (K, D2 * D1)), 'n2_b2': p(10, (D2 * D1,)),
        'pool2_w': p(11, (D2,)),
        'fc1_w': p(12, ((D1 + D2) * 2, D2)), 'fc1_b': p(13, (D2,)),
        'bn1_g': jnp.ones((D2,), jnp.float32), 'bn1_b': jnp.zeros((D2,), jnp.float32),
        'fc2_w': p(14, (D2, NCLASS)), 'fc2_b': p(15, (NCLASS,)),
        'bn2_g': jnp.ones((NCLASS,), jnp.float32), 'bn2_b': jnp.zeros((NCLASS,), jnp.float32),
        'heads_w': p(16, (NCLASS, NCLASS, D2)), 'heads_b': p(17, (NCLASS, D2)),
    }


def reference(x, edge_index, batch, edge_attr, pos, n1_w1, n1_w2, n1_b2, pool1_w,
              n2_w1, n2_w2, n2_b2, pool2_w, fc1_w, fc1_b, bn1_g, bn1_b,
              fc2_w, fc2_b, bn2_g, bn2_b, heads_w, heads_b):
    # conv1: per-node weight matrix generated from pos (MyNNConv), weighted-mean aggregation
    W1 = _mlp(pos, n1_w1, n1_w2, n1_b2).reshape(N, INDIM, D1)
    xt = jnp.einsum('ni,nio->no', x, W1)
    src, dst = edge_index[0], edge_index[1]
    msg = edge_attr[:, None] * xt[src]
    agg = jax.ops.segment_sum(msg, dst, num_segments=N)
    cnt = jax.ops.segment_sum(jnp.ones((E,), jnp.float32), dst, num_segments=N)
    h1 = agg / jnp.maximum(cnt, 1.0)[:, None]
    # pool1 (TopKPooling, ratio=1 -> keep all, reorder by score)
    s1 = jax.nn.sigmoid(h1 @ pool1_w / jnp.linalg.norm(pool1_w))
    perm1 = _topk_perm(s1)
    xp = h1[perm1] * s1[perm1][:, None]
    inv = jnp.zeros((N,), jnp.int32).at[perm1].set(jnp.arange(N, dtype=jnp.int32))
    ei = inv[edge_index]
    posp = pos[perm1]
    x1 = _gmp_gap(xp, batch)
    # augment_adj: (A + I)^2 with diagonal removed (dense spspmm equivalent)
    A = jnp.zeros((N, N), jnp.float32).at[ei[0], ei[1]].add(edge_attr)
    A = A + jnp.eye(N, dtype=jnp.float32)
    M = A @ A
    M = M * (1.0 - jnp.eye(N, dtype=jnp.float32))
    # conv2 on augmented adjacency
    W2 = _mlp(posp, n2_w1, n2_w2, n2_b2).reshape(N, D1, D2)
    xt2 = jnp.einsum('ni,nio->no', xp, W2)
    cnt2 = jnp.maximum((M != 0).sum(axis=0).astype(jnp.float32), 1.0)
    h2 = (M.T @ xt2) / cnt2[:, None]
    # pool2
    s2 = jax.nn.sigmoid(h2 @ pool2_w / jnp.linalg.norm(pool2_w))
    perm2 = _topk_perm(s2)
    xp2 = h2[perm2] * s2[perm2][:, None]
    x2 = _gmp_gap(xp2, batch)
    xc = jnp.concatenate([x1, x2], axis=1)
    h = _bn(jnp.maximum(xc @ fc1_w + fc1_b, 0.0), bn1_g, bn1_b)
    h = _bn(jax.nn.log_softmax(h @ fc2_w + fc2_b, axis=-1), bn2_g, bn2_b)
    outputs = jnp.einsum('bc,tcd->tbd', h, heads_w) + heads_b[:, None, :]
    return (outputs, pool1_w, pool2_w,
            jax.nn.sigmoid(s1[perm1]).reshape(B, R),
            jax.nn.sigmoid(s2[perm2]).reshape(B, R),
            perm1, perm2)

if __name__ == "__main__":
    import jax
    _d = setup_inputs()
    print(jax.jit(kernel)(*tuple(_d.values())))

</pallas_src>

<mosaic_0001>
#map = affine_map<(d0, d1) -> (0)>
module attributes {stable_mosaic.version = 14 : i64} {
  func.func @_sc_body(%arg0: i32, %arg1: i32, %arg2: memref<32768xi32, #tpu.memory_space<hbm>>, %arg3: memref<32768xi32, #tpu.memory_space<hbm>>, %arg4: memref<32768xf32, #tpu.memory_space<hbm>>, %arg5: memref<1280000xf32, #tpu.memory_space<hbm>>, %arg6: memref<1600xf32, #tpu.memory_space<hbm>>, %arg7: memref<1024xi32, #tpu.memory_space<vmem>>, %arg8: memref<1024xi32, #tpu.memory_space<vmem>>, %arg9: memref<1024xf32, #tpu.memory_space<vmem>>, %arg10: memref<8x128xi32, #tpu.memory_space<vmem>>, %arg11: memref<8x128xf32, #tpu.memory_space<vmem>>, %arg12: memref<8x128xi32, #tpu.memory_space<vmem>>, %arg13: memref<8x128xf32, #tpu.memory_space<vmem>>, %arg14: memref<8000xf32, #tpu.memory_space<vmem>>, %arg15: memref<40000xf32, #tpu.memory_space<vmem>>, %arg16: memref<640000xf32, #tpu.memory_space<vmem_shared>>, %arg17: memref<800xf32, #tpu.memory_space<vmem_shared>>) attributes {dimension_semantics = [#tpu.dimension_semantics<core_parallel>, #tpu.dimension_semantics<subcore_parallel>], iteration_bounds = array<i64: 2, 16>, scalar_prefetch = 0 : i64, scratch_operands = 11 : i64, tpu.core_type = #tpu.core_type<sc_vector_subcore>, window_params = [{transform_indices = #map}, {transform_indices = #map}, {transform_indices = #map}, {transform_indices = #map}, {transform_indices = #map}]} {
    %mul3A = arith.constant 16 : i32
    %mul3A_0 = arith.muli %arg0, %mul3A : i32
    %add3A = arith.addi %mul3A_0, %arg1 : i32
    %scan3A = arith.constant 0 : i32
    %scan3A_1 = arith.constant 0 : i32
    %scan3A_2 = arith.constant 500 : i32
    %scan3A_3 = arith.addi %scan3A_1, %scan3A_2 : i32
    %scan3A_4 = arith.constant 1 : i32
    %scan3A_5 = scf.for %scan3A_3787 = %scan3A_1 to %scan3A_3 step %scan3A_4 iter_args(%scan3A_3788 = %scan3A) -> (i32)  : i32 {
      %broadcast_in_dim3A_3789 = arith.constant 0.000000e+00 : f32
      %broadcast_in_dim3A_3790 = vector.broadcast %broadcast_in_dim3A_3789 : f32 to vector<16xf32>
      %mul3A_3791 = arith.constant 16 : i32
      %mul3A_3792 = arith.muli %scan3A_3787, %mul3A_3791 : i32
      %multiple_of3A_3793 = tpu.assume_multiple %mul3A_3792, 8 : i32
      %swap3A_3794 = arith.index_cast %multiple_of3A_3793 : i32 to index
      %swap3A_3795 = tpu.vector_load %arg14[%swap3A_3794] {strides = array<i32>} : memref<8000xf32, #tpu.memory_space<vmem>>, vector<16xf32>,
      %swap3A_3796 = vector.shape_cast %swap3A_3795 : vector<16xf32> to vector<16xf32>
      %swap3A_3797 = vector.shape_cast %broadcast_in_dim3A_3790 : vector<16xf32> to vector<16xf32>
      tpu.vector_store %arg14[%swap3A_3794], %swap3A_3797 {strides = array<i32>} : memref<8000xf32, #tpu.memory_space<vmem>>, vector<16xf32>,
      %scan3A_3798 = arith.constant 0 : i32
      scf.yield %scan3A_3798 : i32
    }
    %scan3A_6 = arith.constant 500 : i32
    %mul3A_7 = arith.constant 40000 : i32
    %mul3A_8 = arith.muli %arg1, %mul3A_7 : i32
    %add3A_9 = arith.constant 0 : i32
    %add3A_10 = arith.addi %mul3A_8, %add3A_9 : i32
    %multiple_of3A = tpu.assume_multiple %add3A_10, 8 : i32
    "tpu.region"() ({
      %run_scoped3A_3787 = tpu.sem_alloc : memref<!tpu.dma_semaphore, #tpu.memory_space<semaphore_mem>>
      %dma_start3A = arith.constant 0 : i32
      %dma_start3A_3788 = tpu.memref_slice %arg14[%dma_start3A] : memref<8000xf32, #tpu.memory_space<vmem>> -> memref<8000xf32, #tpu.memory_space<vmem>>
      %dma_start3A_3789 = tpu.memref_slice %arg16[%multiple_of3A] : memref<640000xf32, #tpu.memory_space<vmem_shared>> -> memref<8000xf32, #tpu.memory_space<vmem_shared>>
      %dma_start3A_3790 = tpu.memref_slice %arg16[%multiple_of3A] : memref<640000xf32, #tpu.memory_space<vmem_shared>> -> memref<8000xf32, #tpu.memory_space<vmem_shared>>
      %dma_start3A_3791 = arith.constant 0 : i32
      %dma_start3A_3792 = tpu.memref_slice %arg14[%dma_start3A_3791] : memref<8000xf32, #tpu.memory_space<vmem>> -> memref<8000xf32, #tpu.memory_space<vmem>>
      tpu.enqueue_dma source(%dma_start3A_3792 : memref<8000xf32, #tpu.memory_space<vmem>>) target(%dma_start3A_3790 : memref<8000xf32, #tpu.memory_space<vmem_shared>>) target_semaphore(%run_scoped3A_3787 : memref<!tpu.dma_semaphore, #tpu.memory_space<semaphore_mem>>)
      %dma_wait3A = arith.constant 0 : i32
      %dma_wait3A_3793 = tpu.memref_slice %arg14[%dma_wait3A] : memref<8000xf32, #tpu.memory_space<vmem>> -> memref<8000xf32, #tpu.memory_space<vmem>>
      %dma_wait3A_3794 = tpu.memref_slice %arg16[%multiple_of3A] : memref<640000xf32, #tpu.memory_space<vmem_shared>> -> memref<8000xf32, #tpu.memory_space<vmem_shared>>
      %dma_wait3A_3795 = tpu.memref_slice %arg16[%multiple_of3A] : memref<640000xf32, #tpu.memory_space<vmem_shared>> -> memref<8000xf32, #tpu.memory_space<vmem_shared>>
      %dma_wait3A_3796 = arith.constant 0 : i32
      %dma_wait3A_3797 = tpu.memref_slice %arg14[%dma_wait3A_3796] : memref<8000xf32, #tpu.memory_space<vmem>> -> memref<8000xf32, #tpu.memory_space<vmem>>
      tpu.wait_dma2 semaphore(%run_scoped3A_3787 : memref<!tpu.dma_semaphore, #tpu.memory_space<semaphore_mem>>) src(%dma_wait3A_3797 : memref<8000xf32, #tpu.memory_space<vmem>>) dst(%dma_wait3A_3795 : memref<8000xf32, #tpu.memory_space<vmem_shared>>)
      tpu.yield
    }) : () -> ()
    %mul3A_11 = arith.constant 40000 : i32
    %mul3A_12 = arith.muli %arg1, %mul3A_11 : i32
    %add3A_13 = arith.constant 8000 : i32
    %add3A_14 = arith.addi %mul3A_12, %add3A_13 : i32
    %multiple_of3A_15 = tpu.assume_multiple %add3A_14, 8 : i32
    "tpu.region"() ({
      %run_scoped3A_3787 = tpu.sem_alloc : memref<!tpu.dma_semaphore, #tpu.memory_space<semaphore_mem>>
      %dma_start3A = arith.constant 0 : i32
      %dma_start3A_3788 = tpu.memref_slice %arg14[%dma_start3A] : memref<8000xf32, #tpu.memory_space<vmem>> -> memref<8000xf32, #tpu.memory_space<vmem>>
      %dma_start3A_3789 = tpu.memref_slice %arg16[%multiple_of3A_15] : memref<640000xf32, #tpu.memory_space<vmem_shared>> -> memref<8000xf32, #tpu.memory_space<vmem_shared>>
      %dma_start3A_3790 = tpu.memref_slice %arg16[%multiple_of3A_15] : memref<640000xf32, #tpu.memory_space<vmem_shared>> -> memref<8000xf32, #tpu.memory_space<vmem_shared>>
      %dma_start3A_3791 = arith.constant 0 : i32
      %dma_start3A_3792 = tpu.memref_slice %arg14[%dma_start3A_3791] : memref<8000xf32, #tpu.memory_space<vmem>> -> memref<8000xf32, #tpu.memory_space<vmem>>
      tpu.enqueue_dma source(%dma_start3A_3792 : memref<8000xf32, #tpu.memory_space<vmem>>) target(%dma_start3A_3790 : memref<8000xf32, #tpu.memory_space<vmem_shared>>) target_semaphore(%run_scoped3A_3787 : memref<!tpu.dma_semaphore, #tpu.memory_space<semaphore_mem>>)
      %dma_wait3A = arith.constant 0 : i32
      %dma_wait3A_3793 = tpu.memref_slice %arg14[%dma_wait3A] : memref<8000xf32, #tpu.memory_space<vmem>> -> memref<8000xf32, #tpu.memory_space<vmem>>
      %dma_wait3A_3794 = tpu.memref_slice %arg16[%multiple_of3A_15] : memref<640000xf32, #tpu.memory_space<vmem_shared>> -> memref<8000xf32, #tpu.memory_space<vmem_shared>>
      %dma_wait3A_3795 = tpu.memref_slice %arg16[%multiple_of3A_15] : memref<640000xf32, #tpu.memory_space<vmem_shared>> -> memref<8000xf32, #tpu.memory_space<vmem_shared>>
      %dma_wait3A_3796 = arith.constant 0 : i32
      %dma_wait3A_3797 = tpu.memref_slice %arg14[%dma_wait3A_3796] : memref<8000xf32, #tpu.memory_space<vmem>> -> memref<8000xf32, #tpu.memory_space<vmem>>
      tpu.wait_dma2 semaphore(%run_scoped3A_3787 : memref<!tpu.dma_semaphore, #tpu.memory_space<semaphore_mem>>) src(%dma_wait3A_3797 : memref<8000xf32, #tpu.memory_space<vmem>>) dst(%dma_wait3A_3795 : memref<8000xf32, #tpu.memory_space<vmem_shared>>)
      tpu.yield
    }) : () -> ()
    %mul3A_16 = arith.constant 40000 : i32
    %mul3A_17 = arith.muli %arg1, %mul3A_16 : i32
    %add3A_18 = arith.constant 16000 : i32
    %add3A_19 = arith.addi %mul3A_17, %add3A_18 : i32
    %multiple_of3A_20 = tpu.assume_multiple %add3A_19, 8 : i32
    "tpu.region"() ({
      %run_scoped3A_3787 = tpu.sem_alloc : memref<!tpu.dma_semaphore, #tpu.memory_space<semaphore_mem>>
      %dma_start3A = arith.constant 0 : i32
      %dma_start3A_3788 = tpu.memref_slice %arg14[%dma_start3A] : memref<8000xf32, #tpu.memory_space<vmem>> -> memref<8000xf32, #tpu.memory_space<vmem>>
      %dma_start3A_3789 = tpu.memref_slice %arg16[%multiple_of3A_20] : memref<640000xf32, #tpu.memory_space<vmem_shared>> -> memref<8000xf32, #tpu.memory_space<vmem_shared>>
      %dma_start3A_3790 = tpu.memref_slice %arg16[%multiple_of3A_20] : memref<640000xf32, #tpu.memory_space<vmem_shared>> -> memref<8000xf32, #tpu.memory_space<vmem_shared>>
      %dma_start3A_3791 = arith.constant 0 : i32
      %dma_start3A_3792 = tpu.memref_slice %arg14[%dma_start3A_3791] : memref<8000xf32, #tpu.memory_space<vmem>> -> memref<8000xf32, #tpu.memory_space<vmem>>
      tpu.enqueue_dma source(%dma_start3A_3792 : memref<8000xf32, #tpu.memory_space<vmem>>) target(%dma_start3A_3790 : memref<8000xf32, #tpu.memory_space<vmem_shared>>) target_semaphore(%run_scoped3A_3787 : memref<!tpu.dma_semaphore, #tpu.memory_space<semaphore_mem>>)
      %dma_wait3A = arith.constant 0 : i32
      %dma_wait3A_3793 = tpu.memref_slice %arg14[%dma_wait3A] : memref<8000xf32, #tpu.memory_space<vmem>> -> memref<8000xf32, #tpu.memory_space<vmem>>
      %dma_wait3A_3794 = tpu.memref_slice %arg16[%multiple_of3A_20] : memref<640000xf32, #tpu.memory_space<vmem_shared>> -> memref<8000xf32, #tpu.memory_space<vmem_shared>>
      %dma_wait3A_3795 = tpu.memref_slice %arg16[%multiple_of3A_20] : memref<640000xf32, #tpu.memory_space<vmem_shared>> -> memref<8000xf32, #tpu.memory_space<vmem_shared>>
      %dma_wait3A_3796 = arith.constant 0 : i32
      %dma_wait3A_3797 = tpu.memref_slice %arg14[%dma_wait3A_3796] : memref<8000xf32, #tpu.memory_space<vmem>> -> memref<8000xf32, #tpu.memory_space<vmem>>
      tpu.wait_dma2 semaphore(%run_scoped3A_3787 : memref<!tpu.dma_semaphore, #tpu.memory_space<semaphore_mem>>) src(%dma_wait3A_3797 : memref<8000xf32, #tpu.memory_space<vmem>>) dst(%dma_wait3A_3795 : memref<8000xf32, #tpu.memory_space<vmem_shared>>)
      tpu.yield
    }) : () -> ()
    %mul3A_21 = arith.constant 40000 : i32
    %mul3A_22 = arith.muli %arg1, %mul3A_21 : i32
    %add3A_23 = arith.constant 24000 : i32
    %add3A_24 = arith.addi %mul3A_22, %add3A_23 : i32
    %multiple_of3A_25 = tpu.assume_multiple %add3A_24, 8 : i32
    "tpu.region"() ({
      %run_scoped3A_3787 = tpu.sem_alloc : memref<!tpu.dma_semaphore, #tpu.memory_space<semaphore_mem>>
      %dma_start3A = arith.constant 0 : i32
      %dma_start3A_3788 = tpu.memref_slice %arg14[%dma_start3A] : memref<8000xf32, #tpu.memory_space<vmem>> -> memref<8000xf32, #tpu.memory_space<vmem>>
      %dma_start3A_3789 = tpu.memref_slice %arg16[%multiple_of3A_25] : memref<640000xf32, #tpu.memory_space<vmem_shared>> -> memref<8000xf32, #tpu.memory_space<vmem_shared>>
      %dma_start3A_3790 = tpu.memref_slice %arg16[%multiple_of3A_25] : memref<640000xf32, #tpu.memory_space<vmem_shared>> -> memref<8000xf32, #tpu.memory_space<vmem_shared>>
      %dma_start3A_3791 = arith.constant 0 : i32
      %dma_start3A_3792 = tpu.memref_slice %arg14[%dma_start3A_3791] : memref<8000xf32, #tpu.memory_space<vmem>> -> memref<8000xf32, #tpu.memory_space<vmem>>
      tpu.enqueue_dma source(%dma_start3A_3792 : memref<8000xf32, #tpu.memory_space<vmem>>) target(%dma_start3A_3790 : memref<8000xf32, #tpu.memory_space<vmem_shared>>) target_semaphore(%run_scoped3A_3787 : memref<!tpu.dma_semaphore, #tpu.memory_space<semaphore_mem>>)
      %dma_wait3A = arith.constant 0 : i32
      %dma_wait3A_3793 = tpu.memref_slice %arg14[%dma_wait3A] : memref<8000xf32, #tpu.memory_space<vmem>> -> memref<8000xf32, #tpu.memory_space<vmem>>
      %dma_wait3A_3794 = tpu.memref_slice %arg16[%multiple_of3A_25] : memref<640000xf32, #tpu.memory_space<vmem_shared>> -> memref<8000xf32, #tpu.memory_space<vmem_shared>>
      %dma_wait3A_3795 = tpu.memref_slice %arg16[%multiple_of3A_25] : memref<640000xf32, #tpu.memory_space<vmem_shared>> -> memref<8000xf32, #tpu.memory_space<vmem_shared>>
      %dma_wait3A_3796 = arith.constant 0 : i32
      %dma_wait3A_3797 = tpu.memref_slice %arg14[%dma_wait3A_3796] : memref<8000xf32, #tpu.memory_space<vmem>> -> memref<8000xf32, #tpu.memory_space<vmem>>
      tpu.wait_dma2 semaphore(%run_scoped3A_3787 : memref<!tpu.dma_semaphore, #tpu.memory_space<semaphore_mem>>) src(%dma_wait3A_3797 : memref<8000xf32, #tpu.memory_space<vmem>>) dst(%dma_wait3A_3795 : memref<8000xf32, #tpu.memory_space<vmem_shared>>)
      tpu.yield
    }) : () -> ()
    %mul3A_26 = arith.constant 40000 : i32
    %mul3A_27 = arith.muli %arg1, %mul3A_26 : i32
    %add3A_28 = arith.constant 32000 : i32
    %add3A_29 = arith.addi %mul3A_27, %add3A_28 : i32
    %multiple_of3A_30 = tpu.assume_multiple %add3A_29, 8 : i32
    "tpu.region"() ({
      %run_scoped3A_3787 = tpu.sem_alloc : memref<!tpu.dma_semaphore, #tpu.memory_space<semaphore_mem>>
      %dma_start3A = arith.constant 0 : i32
      %dma_start3A_3788 = tpu.memref_slice %arg14[%dma_start3A] : memref<8000xf32, #tpu.memory_space<vmem>> -> memref<8000xf32, #tpu.memory_space<vmem>>
      %dma_start3A_3789 = tpu.memref_slice %arg16[%multiple_of3A_30] : memref<640000xf32, #tpu.memory_space<vmem_shared>> -> memref<8000xf32, #tpu.memory_space<vmem_shared>>
      %dma_start3A_3790 = tpu.memref_slice %arg16[%multiple_of3A_30] : memref<640000xf32, #tpu.memory_space<vmem_shared>> -> memref<8000xf32, #tpu.memory_space<vmem_shared>>
      %dma_start3A_3791 = arith.constant 0 : i32
      %dma_start3A_3792 = tpu.memref_slice %arg14[%dma_start3A_3791] : memref<8000xf32, #tpu.memory_space<vmem>> -> memref<8000xf32, #tpu.memory_space<vmem>>
      tpu.enqueue_dma source(%dma_start3A_3792 : memref<8000xf32, #tpu.memory_space<vmem>>) target(%dma_start3A_3790 : memref<8000xf32, #tpu.memory_space<vmem_shared>>) target_semaphore(%run_scoped3A_3787 : memref<!tpu.dma_semaphore, #tpu.memory_space<semaphore_mem>>)
      %dma_wait3A = arith.constant 0 : i32
      %dma_wait3A_3793 = tpu.memref_slice %arg14[%dma_wait3A] : memref<8000xf32, #tpu.memory_space<vmem>> -> memref<8000xf32, #tpu.memory_space<vmem>>
      %dma_wait3A_3794 = tpu.memref_slice %arg16[%multiple_of3A_30] : memref<640000xf32, #tpu.memory_space<vmem_shared>> -> memref<8000xf32, #tpu.memory_space<vmem_shared>>
      %dma_wait3A_3795 = tpu.memref_slice %arg16[%multiple_of3A_30] : memref<640000xf32, #tpu.memory_space<vmem_shared>> -> memref<8000xf32, #tpu.memory_space<vmem_shared>>
      %dma_wait3A_3796 = arith.constant 0 : i32
      %dma_wait3A_3797 = tpu.memref_slice %arg14[%dma_wait3A_3796] : memref<8000xf32, #tpu.memory_space<vmem>> -> memref<8000xf32, #tpu.memory_space<vmem>>
      tpu.wait_dma2 semaphore(%run_scoped3A_3787 : memref<!tpu.dma_semaphore, #tpu.memory_space<semaphore_mem>>) src(%dma_wait3A_3797 : memref<8000xf32, #tpu.memory_space<vmem>>) dst(%dma_wait3A_3795 : memref<8000xf32, #tpu.memory_space<vmem_shared>>)
      tpu.yield
    }) : () -> ()
    %eq3A = arith.constant 0 : i32
    %eq3A_31 = arith.cmpi eq, %arg1, %eq3A : i32
    %convert_element_type3A = arith.extui %eq3A_31 : i1 to i32
    %cond3A = arith.constant 0 : i32
    %cond3A_32 = arith.cmpi ne, %convert_element_type3A, %cond3A : i32
    scf.if %cond3A_32 {
      "tpu.region"() ({
        %run_scoped3A_3787 = tpu.sem_alloc : memref<!tpu.dma_semaphore, #tpu.memory_space<semaphore_mem>>
        %dma_start3A = arith.constant 0 : i32
        %dma_start3A_3788 = tpu.memref_slice %arg14[%dma_start3A] : memref<8000xf32, #tpu.memory_space<vmem>> -> memref<800xf32, #tpu.memory_space<vmem>>
        %dma_start3A_3789 = arith.constant 0 : i32
        %dma_start3A_3790 = tpu.memref_slice %arg17[%dma_start3A_3789] : memref<800xf32, #tpu.memory_space<vmem_shared>> -> memref<800xf32, #tpu.memory_space<vmem_shared>>
        %dma_start3A_3791 = arith.constant 0 : i32
        %dma_start3A_3792 = tpu.memref_slice %arg17[%dma_start3A_3791] : memref<800xf32, #tpu.memory_space<vmem_shared>> -> memref<800xf32, #tpu.memory_space<vmem_shared>>
        %dma_start3A_3793 = arith.constant 0 : i32
        %dma_start3A_3794 = tpu.memref_slice %arg14[%dma_start3A_3793] : memref<8000xf32, #tpu.memory_space<vmem>> -> memref<800xf32, #tpu.memory_space<vmem>>
        tpu.enqueue_dma source(%dma_start3A_3794 : memref<800xf32, #tpu.memory_space<vmem>>) target(%dma_start3A_3792 : memref<800xf32, #tpu.memory_space<vmem_shared>>) target_semaphore(%run_scoped3A_3787 : memref<!tpu.dma_semaphore, #tpu.memory_space<semaphore_mem>>)
        %dma_wait3A = arith.constant 0 : i32
        %dma_wait3A_3795 = tpu.memref_slice %arg14[%dma_wait3A] : memref<8000xf32, #tpu.memory_space<vmem>> -> memref<800xf32, #tpu.memory_space<vmem>>
        %dma_wait3A_3796 = arith.constant 0 : i32
        %dma_wait3A_3797 = tpu.memref_slice %arg17[%dma_wait3A_3796] : memref<800xf32, #tpu.memory_space<vmem_shared>> -> memref<800xf32, #tpu.memory_space<vmem_shared>>
        %dma_wait3A_3798 = arith.constant 0 : i32
        %dma_wait3A_3799 = tpu.memref_slice %arg17[%dma_wait3A_3798] : memref<800xf32, #tpu.memory_space<vmem_shared>> -> memref<800xf32, #tpu.memory_space<vmem_shared>>
        %dma_wait3A_3800 = arith.constant 0 : i32
        %dma_wait3A_3801 = tpu.memref_slice %arg14[%dma_wait3A_3800] : memref<8000xf32, #tpu.memory_space<vmem>> -> memref<800xf32, #tpu.memory_space<vmem>>
        tpu.wait_dma2 semaphore(%run_scoped3A_3787 : memref<!tpu.dma_semaphore, #tpu.memory_space<semaphore_mem>>) src(%dma_wait3A_3801 : memref<800xf32, #tpu.memory_space<vmem>>) dst(%dma_wait3A_3799 : memref<800xf32, #tpu.memory_space<vmem_shared>>)
        tpu.yield
      }) : () -> ()
    } else {
    }
    %mul3A_33 = arith.constant 1000 : i32
    %mul3A_34 = arith.muli %add3A, %mul3A_33 : i32
    %multiple_of3A_35 = tpu.assume_multiple %mul3A_34, 8 : i32
    "tpu.region"() ({
      %run_scoped3A_3787 = tpu.sem_alloc : memref<!tpu.dma_semaphore, #tpu.memory_space<semaphore_mem>>
      %dma_start3A = tpu.memref_slice %arg2[%multiple_of3A_35] : memref<32768xi32, #tpu.memory_space<hbm>> -> memref<1024xi32, #tpu.memory_space<hbm>>
      %dma_start3A_3788 = tpu.memref_slice %arg2[%multiple_of3A_35] : memref<32768xi32, #tpu.memory_space<hbm>> -> memref<1024xi32, #tpu.memory_space<hbm>>
      tpu.enqueue_dma source(%dma_start3A_3788 : memref<1024xi32, #tpu.memory_space<hbm>>) target(%arg7 : memref<1024xi32, #tpu.memory_space<vmem>>) target_semaphore(%run_scoped3A_3787 : memref<!tpu.dma_semaphore, #tpu.memory_space<semaphore_mem>>)
      %dma_wait3A = tpu.memref_slice %arg2[%multiple_of3A_35] : memref<32768xi32, #tpu.memory_space<hbm>> -> memref<1024xi32, #tpu.memory_space<hbm>>
      %dma_wait3A_3789 = tpu.memref_slice %arg2[%multiple_of3A_35] : memref<32768xi32, #tpu.memory_space<hbm>> -> memref<1024xi32, #tpu.memory_space<hbm>>
      tpu.wait_dma2 semaphore(%run_scoped3A_3787 : memref<!tpu.dma_semaphore, #tpu.memory_space<semaphore_mem>>) src(%dma_wait3A_3789 : memref<1024xi32, #tpu.memory_space<hbm>>) dst(%arg7 : memref<1024xi32, #tpu.memory_space<vmem>>)
      tpu.yield
    }) : () -> ()
    "tpu.region"() ({
      %run_scoped3A_3787 = tpu.sem_alloc : memref<!tpu.dma_semaphore, #tpu.memory_space<semaphore_mem>>
      %dma_start3A = tpu.memref_slice %arg3[%multiple_of3A_35] : memref<32768xi32, #tpu.memory_space<hbm>> -> memref<1024xi32, #tpu.memory_space<hbm>>
      %dma_start3A_3788 = tpu.memref_slice %arg3[%multiple_of3A_35] : memref<32768xi32, #tpu.memory_space<hbm>> -> memref<1024xi32, #tpu.memory_space<hbm>>
      tpu.enqueue_dma source(%dma_start3A_3788 : memref<1024xi32, #tpu.memory_space<hbm>>) target(%arg8 : memref<1024xi32, #tpu.memory_space<vmem>>) target_semaphore(%run_scoped3A_3787 : memref<!tpu.dma_semaphore, #tpu.memory_space<semaphore_mem>>)
      %dma_wait3A = tpu.memref_slice %arg3[%multiple_of3A_35] : memref<32768xi32, #tpu.memory_space<hbm>> -> memref<1024xi32, #tpu.memory_space<hbm>>
      %dma_wait3A_3789 = tpu.memref_slice %arg3[%multiple_of3A_35] : memref<32768xi32, #tpu.memory_space<hbm>> -> memref<1024xi32, #tpu.memory_space<hbm>>
      tpu.wait_dma2 semaphore(%run_scoped3A_3787 : memref<!tpu.dma_semaphore, #tpu.memory_space<semaphore_mem>>) src(%dma_wait3A_3789 : memref<1024xi32, #tpu.memory_space<hbm>>) dst(%arg8 : memref<1024xi32, #tpu.memory_space<vmem>>)
      tpu.yield
    }) : () -> ()
    "tpu.region"() ({
      %run_scoped3A_3787 = tpu.sem_alloc : memref<!tpu.dma_semaphore, #tpu.memory_space<semaphore_mem>>
      %dma_start3A = tpu.memref_slice %arg4[%multiple_of3A_35] : memref<32768xf32, #tpu.memory_space<hbm>> -> memref<1024xf32, #tpu.memory_space<hbm>>
      %dma_start3A_3788 = tpu.memref_slice %arg4[%multiple_of3A_35] : memref<32768xf32, #tpu.memory_space<hbm>> -> memref<1024xf32, #tpu.memory_space<hbm>>
      tpu.enqueue_dma source(%dma_start3A_3788 : memref<1024xf32, #tpu.memory_space<hbm>>) target(%arg9 : memref<1024xf32, #tpu.memory_space<vmem>>) target_semaphore(%run_scoped3A_3787 : memref<!tpu.dma_semaphore, #tpu.memory_space<semaphore_mem>>)
      %dma_wait3A = tpu.memref_slice %arg4[%multiple_of3A_35] : memref<32768xf32, #tpu.memory_space<hbm>> -> memref<1024xf32, #tpu.memory_space<hbm>>
      %dma_wait3A_3789 = tpu.memref_slice %arg4[%multiple_of3A_35] : memref<32768xf32, #tpu.memory_space<hbm>> -> memref<1024xf32, #tpu.memory_space<hbm>>
      tpu.wait_dma2 semaphore(%run_scoped3A_3787 : memref<!tpu.dma_semaphore, #tpu.memory_space<semaphore_mem>>) src(%dma_wait3A_3789 : memref<1024xf32, #tpu.memory_space<hbm>>) dst(%arg9 : memref<1024xf32, #tpu.memory_space<vmem>>)
      tpu.yield
    }) : () -> ()
    %get3A = arith.constant 0 : index
    %get3A_36 = tpu.vector_load %arg7[%get3A] {strides = array<i32>} : memref<1024xi32, #tpu.memory_space<vmem>>, vector<16xi32>,
    %get3A_37 = vector.shape_cast %get3A_36 : vector<16xi32> to vector<16xi32>
    %get3A_38 = arith.constant 0 : index
    %get3A_39 = tpu.vector_load %arg8[%get3A_38] {strides = array<i32>} : memref<1024xi32, #tpu.memory_space<vmem>>, vector<16xi32>,
    %get3A_40 = vector.shape_cast %get3A_39 : vector<16xi32> to vector<16xi32>
    %get3A_41 = arith.constant 0 : index
    %get3A_42 = tpu.vector_load %arg9[%get3A_41] {strides = array<i32>} : memref<1024xf32, #tpu.memory_space<vmem>>, vector<16xf32>,
    %get3A_43 = vector.shape_cast %get3A_42 : vector<16xf32> to vector<16xf32>
    %iota3A = tpu.iota {dimensions = array<i32: 0>} : vector<16xi32>
    %add3A_44 = arith.constant 0 : i32
    %add3A_45 = vector.broadcast %add3A_44 : i32 to vector<16xi32>
    %add3A_46 = arith.addi %iota3A, %add3A_45 : vector<16xi32>
    %lt3A = arith.constant 1000 : i32
    %lt3A_47 = vector.broadcast %lt3A : i32 to vector<16xi32>
    %lt3A_48 = arith.cmpi slt, %add3A_46, %lt3A_47 : vector<16xi32>
    %mul3A_49 = arith.constant 800 : i32
    %mul3A_50 = vector.broadcast %mul3A_49 : i32 to vector<16xi32>
    %mul3A_51 = arith.muli %get3A_37, %mul3A_50 : vector<16xi32>
    %add3A_52 = arith.addi %mul3A_51, %get3A_40 : vector<16xi32>
    %jit3A = arith.constant 0 : i32
    %broadcast_in_dim3A = vector.broadcast %jit3A : i32 to vector<16xi32>
    %select_n3A = arith.select %lt3A_48, %add3A_52, %broadcast_in_dim3A : vector<16xi1>, vector<16xi32>
    %jit3A_53 = arith.constant 0.000000e+00 : f32
    %broadcast_in_dim3A_54 = vector.broadcast %jit3A_53 : f32 to vector<16xf32>
    %select_n3A_55 = arith.select %lt3A_48, %get3A_43, %broadcast_in_dim3A_54 : vector<16xi1>, vector<16xf32>
    %swap3A = arith.constant 0 : i32
    %swap3A_56 = arith.index_cast %swap3A : i32 to index
    %swap3A_57 = arith.constant 0 : index
    %swap3A_58 = tpu.vector_load %arg10[%swap3A_56, %swap3A_57] {strides = array<i32>} : memref<8x128xi32, #tpu.memory_space<vmem>>, vector<1x16xi32>,
    %swap3A_59 = vector.shape_cast %swap3A_58 : vector<1x16xi32> to vector<16xi32>
    %swap3A_60 = vector.shape_cast %select_n3A : vector<16xi32> to vector<1x16xi32>
    tpu.vector_store %arg10[%swap3A_56, %swap3A_57], %swap3A_60 {strides = array<i32>} : memref<8x128xi32, #tpu.memory_space<vmem>>, vector<1x16xi32>,
    %swap3A_61 = arith.constant 0 : i32
    %swap3A_62 = arith.index_cast %swap3A_61 : i32 to index
    %swap3A_63 = arith.constant 0 : index
    %swap3A_64 = tpu.vector_load %arg11[%swap3A_62, %swap3A_63] {strides = array<i32>} : memref<8x128xf32, #tpu.memory_space<vmem>>, vector<1x16xf32>,
    %swap3A_65 = vector.shape_cast %swap3A_64 : vector<1x16xf32> to vector<16xf32>
    %swap3A_66 = vector.shape_cast %select_n3A_55 : vector<16xf32> to vector<1x16xf32>
    tpu.vector_store %arg11[%swap3A_62, %swap3A_63], %swap3A_66 {strides = array<i32>} : memref<8x128xf32, #tpu.memory_space<vmem>>, vector<1x16xf32>,
    %jit3A_67 = arith.constant 0 : i32
    %broadcast_in_dim3A_68 = vector.broadcast %jit3A_67 : i32 to vector<16xi32>
    %select_n3A_69 = arith.select %lt3A_48, %get3A_40, %broadcast_in_dim3A_68 : vector<16xi1>, vector<16xi32>
    %swap3A_70 = arith.constant 0 : i32
    %swap3A_71 = arith.index_cast %swap3A_70 : i32 to index
    %swap3A_72 = arith.constant 0 : index
    %swap3A_73 = tpu.vector_load %arg12[%swap3A_71, %swap3A_72] {strides = array<i32>} : memref<8x128xi32, #tpu.memory_space<vmem>>, vector<1x16xi32>,
    %swap3A_74 = vector.shape_cast %swap3A_73 : vector<1x16xi32> to vector<16xi32>
    %swap3A_75 = vector.shape_cast %select_n3A_69 : vector<16xi32> to vector<1x16xi32>
    tpu.vector_store %arg12[%swap3A_71, %swap3A_72], %swap3A_75 {strides = array<i32>} : memref<8x128xi32, #tpu.memory_space<vmem>>, vector<1x16xi32>,
    %jit3A_76 = arith.constant 1.000000e+00 : f32
    %jit3A_77 = arith.constant 0.000000e+00 : f32
    %broadcast_in_dim3A_78 = vector.broadcast %jit3A_76 : f32 to vector<16xf32>
    %broadcast_in_dim3A_79 = vector.broadcast %jit3A_77 : f32 to vector<16xf32>
    %select_n3A_80 = arith.select %lt3A_48, %broadcast_in_dim3A_78, %broadcast_in_dim3A_79 : vector<16xi1>, vector<16xf32>
    %swap3A_81 = arith.constant 0 : i32
    %swap3A_82 = arith.index_cast %swap3A_81 : i32 to index
    %swap3A_83 = arith.constant 0 : index
    %swap3A_84 = tpu.vector_load %arg13[%swap3A_82, %swap3A_83] {strides = array<i32>} : memref<8x128xf32, #tpu.memory_space<vmem>>, vector<1x16xf32>,
    %swap3A_85 = vector.shape_cast %swap3A_84 : vector<1x16xf32> to vector<16xf32>
    %swap3A_86 = vector.shape_cast %select_n3A_80 : vector<16xf32> to vector<1x16xf32>
    tpu.vector_store %arg13[%swap3A_82, %swap3A_83], %swap3A_86 {strides = array<i32>} : memref<8x128xf32, #tpu.memory_space<vmem>>, vector<1x16xf32>,
    %get3A_87 = arith.constant 16 : index
    %get3A_88 = tpu.vector_load %arg7[%get3A_87] {strides = array<i32>} : memref<1024xi32, #tpu.memory_space<vmem>>, vector<16xi32>,
    %get3A_89 = vector.shape_cast %get3A_88 : vector<16xi32> to vector<16xi32>
    %get3A_90 = arith.constant 16 : index
    %get3A_91 = tpu.vector_load %arg8[%get3A_90] {strides = array<i32>} : memref<1024xi32, #tpu.memory_space<vmem>>, vector<16xi32>,
    %get3A_92 = vector.shape_cast %get3A_91 : vector<16xi32> to vector<16xi32>
    %get3A_93 = arith.constant 16 : index
    %get3A_94 = tpu.vector_load %arg9[%get3A_93] {strides = array<i32>} : memref<1024xf32, #tpu.memory_space<vmem>>, vector<16xf32>,
    %get3A_95 = vector.shape_cast %get3A_94 : vector<16xf32> to vector<16xf32>
    %iota3A_96 = tpu.iota {dimensions = array<i32: 0>} : vector<16xi32>
    %add3A_97 = arith.constant 16 : i32
    %add3A_98 = vector.broadcast %add3A_97 : i32 to vector<16xi32>
    %add3A_99 = arith.addi %iota3A_96, %add3A_98 : vector<16xi32>
    %lt3A_100 = arith.constant 1000 : i32
    %lt3A_101 = vector.broadcast %lt3A_100 : i32 to vector<16xi32>
    %lt3A_102 = arith.cmpi slt, %add3A_99, %lt3A_101 : vector<16xi32>
    %mul3A_103 = arith.constant 800 : i32
    %mul3A_104 = vector.broadcast %mul3A_103 : i32 to vector<16xi32>
    %mul3A_105 = arith.muli %get3A_89, %mul3A_104 : vector<16xi32>
    %add3A_106 = arith.addi %mul3A_105, %get3A_92 : vector<16xi32>
    %jit3A_107 = arith.constant 0 : i32
    %broadcast_in_dim3A_108 = vector.broadcast %jit3A_107 : i32 to vector<16xi32>
    %select_n3A_109 = arith.select %lt3A_102, %add3A_106, %broadcast_in_dim3A_108 : vector<16xi1>, vector<16xi32>
    %jit3A_110 = arith.constant 0.000000e+00 : f32
    %broadcast_in_dim3A_111 = vector.broadcast %jit3A_110 : f32 to vector<16xf32>
    %select_n3A_112 = arith.select %lt3A_102, %get3A_95, %broadcast_in_dim3A_111 : vector<16xi1>, vector<16xf32>
    %swap3A_113 = arith.constant 0 : i32
    %swap3A_114 = arith.index_cast %swap3A_113 : i32 to index
    %swap3A_115 = arith.constant 16 : index
    %swap3A_116 = tpu.vector_load %arg10[%swap3A_114, %swap3A_115] {strides = array<i32>} : memref<8x128xi32, #tpu.memory_space<vmem>>, vector<1x16xi32>,
    %swap3A_117 = vector.shape_cast %swap3A_116 : vector<1x16xi32> to vector<16xi32>
    %swap3A_118 = vector.shape_cast %select_n3A_109 : vector<16xi32> to vector<1x16xi32>
    tpu.vector_store %arg10[%swap3A_114, %swap3A_115], %swap3A_118 {strides = array<i32>} : memref<8x128xi32, #tpu.memory_space<vmem>>, vector<1x16xi32>,
    %swap3A_119 = arith.constant 0 : i32
    %swap3A_120 = arith.index_cast %swap3A_119 : i32 to index
    %swap3A_121 = arith.constant 16 : index
    %swap3A_122 = tpu.vector_load %arg11[%swap3A_120, %swap3A_121] {strides = array<i32>} : memref<8x128xf32, #tpu.memory_space<vmem>>, vector<1x16xf32>,
    %swap3A_123 = vector.shape_cast %swap3A_122 : vector<1x16xf32> to vector<16xf32>
    %swap3A_124 = vector.shape_cast %select_n3A_112 : vector<16xf32> to vector<1x16xf32>
    tpu.vector_store %arg11[%swap3A_120, %swap3A_121], %swap3A_124 {strides = array<i32>} : memref<8x128xf32, #tpu.memory_space<vmem>>, vector<1x16xf32>,
    %jit3A_125 = arith.constant 0 : i32
    %broadcast_in_dim3A_126 = vector.broadcast %jit3A_125 : i32 to vector<16xi32>
    %select_n3A_127 = arith.select %lt3A_102, %get3A_92, %broadcast_in_dim3A_126 : vector<16xi1>, vector<16xi32>
    %swap3A_128 = arith.constant 0 : i32
    %swap3A_129 = arith.index_cast %swap3A_128 : i32 to index
    %swap3A_130 = arith.constant 16 : index
    %swap3A_131 = tpu.vector_load %arg12[%swap3A_129, %swap3A_130] {strides = array<i32>} : memref<8x128xi32, #tpu.memory_space<vmem>>, vector<1x16xi32>,
    %swap3A_132 = vector.shape_cast %swap3A_131 : vector<1x16xi32> to vector<16xi32>
    %swap3A_133 = vector.shape_cast %select_n3A_127 : vector<16xi32> to vector<1x16xi32>
    tpu.vector_store %arg12[%swap3A_129, %swap3A_130], %swap3A_133 {strides = array<i32>} : memref<8x128xi32, #tpu.memory_space<vmem>>, vector<1x16xi32>,
    %jit3A_134 = arith.constant 1.000000e+00 : f32
    %jit3A_135 = arith.constant 0.000000e+00 : f32
    %broadcast_in_dim3A_136 = vector.broadcast %jit3A_134 : f32 to vector<16xf32>
    %broadcast_in_dim3A_137 = vector.broadcast %jit3A_135 : f32 to vector<16xf32>
    %select_n3A_138 = arith.select %lt3A_102, %broadcast_in_dim3A_136, %broadcast_in_dim3A_137 : vector<16xi1>, vector<16xf32>
    %swap3A_139 = arith.constant 0 : i32
    %swap3A_140 = arith.index_cast %swap3A_139 : i32 to index
    %swap3A_141 = arith.constant 16 : index
    %swap3A_142 = tpu.vector_load %arg13[%swap3A_140, %swap3A_141] {strides = array<i32>} : memref<8x128xf32, #tpu.memory_space<vmem>>, vector<1x16xf32>,
    %swap3A_143 = vector.shape_cast %swap3A_142 : vector<1x16xf32> to vector<16xf32>
    %swap3A_144 = vector.shape_cast %select_n3A_138 : vector<16xf32> to vector<1x16xf32>
    tpu.vector_store %arg13[%swap3A_140, %swap3A_141], %swap3A_144 {strides = array<i32>} : memref<8x128xf32, #tpu.memory_space<vmem>>, vector<1x16xf32>,
    %get3A_145 = arith.constant 32 : index
    %get3A_146 = tpu.vector_load %arg7[%get3A_145] {strides = array<i32>} : memref<1024xi32, #tpu.memory_space<vmem>>, vector<16xi32>,
    %get3A_147 = vector.shape_cast %get3A_146 : vector<16xi32> to vector<16xi32>
    %get3A_148 = arith.constant 32 : index
    %get3A_149 = tpu.vector_load %arg8[%get3A_148] {strides = array<i32>} : memref<1024xi32, #tpu.memory_space<vmem>>, vector<16xi32>,
    %get3A_150 = vector.shape_cast %get3A_149 : vector<16xi32> to vector<16xi32>
    %get3A_151 = arith.constant 32 : index
    %get3A_152 = tpu.vector_load %arg9[%get3A_151] {strides = array<i32>} : memref<1024xf32, #tpu.memory_space<vmem>>, vector<16xf32>,
    %get3A_153 = vector.shape_cast %get3A_152 : vector<16xf32> to vector<16xf32>
    %iota3A_154 = tpu.iota {dimensions = array<i32: 0>} : vector<16xi32>
    %add3A_155 = arith.constant 32 : i32
    %add3A_156 = vector.broadcast %add3A_155 : i32 to vector<16xi32>
    %add3A_157 = arith.addi %iota3A_154, %add3A_156 : vector<16xi32>
    %lt3A_158 = arith.constant 1000 : i32
    %lt3A_159 = vector.broadcast %lt3A_158 : i32 to vector<16xi32>
    %lt3A_160 = arith.cmpi slt, %add3A_157, %lt3A_159 : vector<16xi32>
    %mul3A_161 = arith.constant 800 : i32
    %mul3A_162 = vector.broadcast %mul3A_161 : i32 to vector<16xi32>
    %mul3A_163 = arith.muli %get3A_147, %mul3A_162 : vector<16xi32>
    %add3A_164 = arith.addi %mul3A_163, %get3A_150 : vector<16xi32>
    %jit3A_165 = arith.constant 0 : i32
    %broadcast_in_dim3A_166 = vector.broadcast %jit3A_165 : i32 to vector<16xi32>
    %select_n3A_167 = arith.select %lt3A_160, %add3A_164, %broadcast_in_dim3A_166 : vector<16xi1>, vector<16xi32>
    %jit3A_168 = arith.constant 0.000000e+00 : f32
    %broadcast_in_dim3A_169 = vector.broadcast %jit3A_168 : f32 to vector<16xf32>
    %select_n3A_170 = arith.select %lt3A_160, %get3A_153, %broadcast_in_dim3A_169 : vector<16xi1>, vector<16xf32>
    %swap3A_171 = arith.constant 0 : i32
    %swap3A_172 = arith.index_cast %swap3A_171 : i32 to index
    %swap3A_173 = arith.constant 32 : index
    %swap3A_174 = tpu.vector_load %arg10[%swap3A_172, %swap3A_173] {strides = array<i32>} : memref<8x128xi32, #tpu.memory_space<vmem>>, vector<1x16xi32>,
    %swap3A_175 = vector.shape_cast %swap3A_174 : vector<1x16xi32> to vector<16xi32>
    %swap3A_176 = vector.shape_cast %select_n3A_167 : vector<16xi32> to vector<1x16xi32>
    tpu.vector_store %arg10[%swap3A_172, %swap3A_173], %swap3A_176 {strides = array<i32>} : memref<8x128xi32, #tpu.memory_space<vmem>>, vector<1x16xi32>,
    %swap3A_177 = arith.constant 0 : i32
    %swap3A_178 = arith.index_cast %swap3A_177 : i32 to index
    %swap3A_179 = arith.constant 32 : index
    %swap3A_180 = tpu.vector_load %arg11[%swap3A_178, %swap3A_179] {strides = array<i32>} : memref<8x128xf32, #tpu.memory_space<vmem>>, vector<1x16xf32>,
    %swap3A_181 = vector.shape_cast %swap3A_180 : vector<1x16xf32> to vector<16xf32>
    %swap3A_182 = vector.shape_cast %select_n3A_170 : vector<16xf32> to vector<1x16xf32>
    tpu.vector_store %arg11[%swap3A_178, %swap3A_179], %swap3A_182 {strides = array<i32>} : memref<8x128xf32, #tpu.memory_space<vmem>>, vector<1x16xf32>,
    %jit3A_183 = arith.constant 0 : i32
    %broadcast_in_dim3A_184 = vector.broadcast %jit3A_183 : i32 to vector<16xi32>
    %select_n3A_185 = arith.select %lt3A_160, %get3A_150, %broadcast_in_dim3A_184 : vector<16xi1>, vector<16xi32>
    %swap3A_186 = arith.constant 0 : i32
    %swap3A_187 = arith.index_cast %swap3A_186 : i32 to index
    %swap3A_188 = arith.constant 32 : index
    %swap3A_189 = tpu.vector_load %arg12[%swap3A_187, %swap3A_188] {strides = array<i32>} : memref<8x128xi32, #tpu.memory_space<vmem>>, vector<1x16xi32>,
    %swap3A_190 = vector.shape_cast %swap3A_189 : vector<1x16xi32> to vector<16xi32>
    %swap3A_191 = vector.shape_cast %select_n3A_185 : vector<16xi32> to vector<1x16xi32>
    tpu.vector_store %arg12[%swap3A_187, %swap3A_188], %swap3A_191 {strides = array<i32>} : memref<8x128xi32, #tpu.memory_space<vmem>>, vector<1x16xi32>,
    %jit3A_192 = arith.constant 1.000000e+00 : f32
    %jit3A_193 = arith.constant 0.000000e+00 : f32
    %broadcast_in_dim3A_194 = vector.broadcast %jit3A_192 : f32 to vector<16xf32>
    %broadcast_in_dim3A_195 = vector.broadcast %jit3A_193 : f32 to vector<16xf32>
    %select_n3A_196 = arith.select %lt3A_160, %broadcast_in_dim3A_194, %broadcast_in_dim3A_195 : vector<16xi1>, vector<16xf32>
    %swap3A_197 = arith.constant 0 : i32
    %swap3A_198 = arith.index_cast %swap3A_197 : i32 to index
    %swap3A_199 = arith.constant 32 : index
    %swap3A_200 = tpu.vector_load %arg13[%swap3A_198, %swap3A_199] {strides = array<i32>} : memref<8x128xf32, #tpu.memory_space<vmem>>, vector<1x16xf32>,
    %swap3A_201 = vector.shape_cast %swap3A_200 : vector<1x16xf32> to vector<16xf32>
    %swap3A_202 = vector.shape_cast %select_n3A_196 : vector<16xf32> to vector<1x16xf32>
    tpu.vector_store %arg13[%swap3A_198, %swap3A_199], %swap3A_202 {strides = array<i32>} : memref<8x128xf32, #tpu.memory_space<vmem>>, vector<1x16xf32>,
    %get3A_203 = arith.constant 48 : index
    %get3A_204 = tpu.vector_load %arg7[%get3A_203] {strides = array<i32>} : memref<1024xi32, #tpu.memory_space<vmem>>, vector<16xi32>,
    %get3A_205 = vector.shape_cast %get3A_204 : vector<16xi32> to vector<16xi32>
    %get3A_206 = arith.constant 48 : index
    %get3A_207 = tpu.vector_load %arg8[%get3A_206] {strides = array<i32>} : memref<1024xi32, #tpu.memory_space<vmem>>, vector<16xi32>,
    %get3A_208 = vector.shape_cast %get3A_207 : vector<16xi32> to vector<16xi32>
    %get3A_209 = arith.constant 48 : index
    %get3A_210 = tpu.vector_load %arg9[%get3A_209] {strides = array<i32>} : memref<1024xf32, #tpu.memory_space<vmem>>, vector<16xf32>,
    %get3A_211 = vector.shape_cast %get3A_210 : vector<16xf32> to vector<16xf32>
    %iota3A_212 = tpu.iota {dimensions = array<i32: 0>} : vector<16xi32>
    %add3A_213 = arith.constant 48 : i32
    %add3A_214 = vector.broadcast %add3A_213 : i32 to vector<16xi32>
    %add3A_215 = arith.addi %iota3A_212, %add3A_214 : vector<16xi32>
    %lt3A_216 = arith.constant 1000 : i32
    %lt3A_217 = vector.broadcast %lt3A_216 : i32 to vector<16xi32>
    %lt3A_218 = arith.cmpi slt, %add3A_215, %lt3A_217 : vector<16xi32>
    %mul3A_219 = arith.constant 800 : i32
    %mul3A_220 = vector.broadcast %mul3A_219 : i32 to vector<16xi32>
    %mul3A_221 = arith.muli %get3A_205, %mul3A_220 : vector<16xi32>
    %add3A_222 = arith.addi %mul3A_221, %get3A_208 : vector<16xi32>
    %jit3A_223 = arith.constant 0 : i32
    %broadcast_in_dim3A_224 = vector.broadcast %jit3A_223 : i32 to vector<16xi32>
    %select_n3A_225 = arith.select %lt3A_218, %add3A_222, %broadcast_in_dim3A_224 : vector<16xi1>, vector<16xi32>
    %jit3A_226 = arith.constant 0.000000e+00 : f32
    %broadcast_in_dim3A_227 = vector.broadcast %jit3A_226 : f32 to vector<16xf32>
    %select_n3A_228 = arith.select %lt3A_218, %get3A_211, %broadcast_in_dim3A_227 : vector<16xi1>, vector<16xf32>
    %swap3A_229 = arith.constant 0 : i32
    %swap3A_230 = arith.index_cast %swap3A_229 : i32 to index
    %swap3A_231 = arith.constant 48 : index
    %swap3A_232 = tpu.vector_load %arg10[%swap3A_230, %swap3A_231] {strides = array<i32>} : memref<8x128xi32, #tpu.memory_space<vmem>>, vector<1x16xi32>,
    %swap3A_233 = vector.shape_cast %swap3A_232 : vector<1x16xi32> to vector<16xi32>
    %swap3A_234 = vector.shape_cast %select_n3A_225 : vector<16xi32> to vector<1x16xi32>
    tpu.vector_store %arg10[%swap3A_230, %swap3A_231], %swap3A_234 {strides = array<i32>} : memref<8x128xi32, #tpu.memory_space<vmem>>, vector<1x16xi32>,
    %swap3A_235 = arith.constant 0 : i32
    %swap3A_236 = arith.index_cast %swap3A_235 : i32 to index
    %swap3A_237 = arith.constant 48 : index
    %swap3A_238 = tpu.vector_load %arg11[%swap3A_236, %swap3A_237] {strides = array<i32>} : memref<8x128xf32, #tpu.memory_space<vmem>>, vector<1x16xf32>,
    %swap3A_239 = vector.shape_cast %swap3A_238 : vector<1x16xf32> to vector<16xf32>
    %swap3A_240 = vector.shape_cast %select_n3A_228 : vector<16xf32> to vector<1x16xf32>
    tpu.vector_store %arg11[%swap3A_236, %swap3A_237], %swap3A_240 {strides = array<i32>} : memref<8x128xf32, #tpu.memory_space<vmem>>, vector<1x16xf32>,
    %jit3A_241 = arith.constant 0 : i32
    %broadcast_in_dim3A_242 = vector.broadcast %jit3A_241 : i32 to vector<16xi32>
    %select_n3A_243 = arith.select %lt3A_218, %get3A_208, %broadcast_in_dim3A_242 : vector<16xi1>, vector<16xi32>
    %swap3A_244 = arith.constant 0 : i32
    %swap3A_245 = arith.index_cast %swap3A_244 : i32 to index
    %swap3A_246 = arith.constant 48 : index
    %swap3A_247 = tpu.vector_load %arg12[%swap3A_245, %swap3A_246] {strides = array<i32>} : memref<8x128xi32, #tpu.memory_space<vmem>>, vector<1x16xi32>,
    %swap3A_248 = vector.shape_cast %swap3A_247 : vector<1x16xi32> to vector<16xi32>
    %swap3A_249 = vector.shape_cast %select_n3A_243 : vector<16xi32> to vector<1x16xi32>
    tpu.vector_store %arg12[%swap3A_245, %swap3A_246], %swap3A_249 {strides = array<i32>} : memref<8x128xi32, #tpu.memory_space<vmem>>, vector<1x16xi32>,
    %jit3A_250 = arith.constant 1.000000e+00 : f32
    %jit3A_251 = arith.constant 0.000000e+00 : f32
    %broadcast_in_dim3A_252 = vector.broadcast %jit3A_250 : f32 to vector<16xf32>
    %broadcast_in_dim3A_253 = vector.broadcast %jit3A_251 : f32 to vector<16xf32>
    %select_n3A_254 = arith.select %lt3A_218, %broadcast_in_dim3A_252, %broadcast_in_dim3A_253 : vector<16xi1>, vector<16xf32>
    %swap3A_255 = arith.constant 0 : i32
    %swap3A_256 = arith.index_cast %swap3A_255 : i32 to index
    %swap3A_257 = arith.constant 48 : index
    %swap3A_258 = tpu.vector_load %arg13[%swap3A_256, %swap3A_257] {strides = array<i32>} : memref<8x128xf32, #tpu.memory_space<vmem>>, vector<1x16xf32>,
    %swap3A_259 = vector.shape_cast %swap3A_258 : vector<1x16xf32> to vector<16xf32>
    %swap3A_260 = vector.shape_cast %select_n3A_254 : vector<16xf32> to vector<1x16xf32>
    tpu.vector_store %arg13[%swap3A_256, %swap3A_257], %swap3A_260 {strides = array<i32>} : memref<8x128xf32, #tpu.memory_space<vmem>>, vector<1x16xf32>,
    %get3A_261 = arith.constant 64 : index
    %get3A_262 = tpu.vector_load %arg7[%get3A_261] {strides = array<i32>} : memref<1024xi32, #tpu.memory_space<vmem>>, vector<16xi32>,
    %get3A_263 = vector.shape_cast %get3A_262 : vector<16xi32> to vector<16xi32>
    %get3A_264 = arith.constant 64 : index
    %get3A_265 = tpu.vector_load %arg8[%get3A_264] {strides = array<i32>} : memref<1024xi32, #tpu.memory_space<vmem>>, vector<16xi32>,
    %get3A_266 = vector.shape_cast %get3A_265 : vector<16xi32> to vector<16xi32>
    %get3A_267 = arith.constant 64 : index
    %get3A_268 = tpu.vector_load %arg9[%get3A_267] {strides = array<i32>} : memref<1024xf32, #tpu.memory_space<vmem>>, vector<16xf32>,
    %get3A_269 = vector.shape_cast %get3A_268 : vector<16xf32> to vector<16xf32>
    %iota3A_270 = tpu.iota {dimensions = array<i32: 0>} : vector<16xi32>
    %add3A_271 = arith.constant 64 : i32
    %add3A_272 = vector.broadcast %add3A_271 : i32 to vector<16xi32>
    %add3A_273 = arith.addi %iota3A_270, %add3A_272 : vector<16xi32>
    %lt3A_274 = arith.constant 1000 : i32
    %lt3A_275 = vector.broadcast %lt3A_274 : i32 to vector<16xi32>
    %lt3A_276 = arith.cmpi slt, %add3A_273, %lt3A_275 : vector<16xi32>
    %mul3A_277 = arith.constant 800 : i32
    %mul3A_278 = vector.broadcast %mul3A_277 : i32 to vector<16xi32>
    %mul3A_279 = arith.muli %get3A_263, %mul3A_278 : vector<16xi32>
    %add3A_280 = arith.addi %mul3A_279, %get3A_266 : vector<16xi32>
    %jit3A_281 = arith.constant 0 : i32
    %broadcast_in_dim3A_282 = vector.broadcast %jit3A_281 : i32 to vector<16xi32>
    %select_n3A_283 = arith.select %lt3A_276, %add3A_280, %broadcast_in_dim3A_282 : vector<16xi1>, vector<16xi32>
    %jit3A_284 = arith.constant 0.000000e+00 : f32
    %broadcast_in_dim3A_285 = vector.broadcast %jit3A_284 : f32 to vector<16xf32>
    %select_n3A_286 = arith.select %lt3A_276, %get3A_269, %broadcast_in_dim3A_285 : vector<16xi1>, vector<16xf32>
    %swap3A_287 = arith.constant 0 : i32
    %swap3A_288 = arith.index_cast %swap3A_287 : i32 to index
    %swap3A_289 = arith.constant 64 : index
    %swap3A_290 = tpu.vector_load %arg10[%swap3A_288, %swap3A_289] {strides = array<i32>} : memref<8x128xi32, #tpu.memory_space<vmem>>, vector<1x16xi32>,
    %swap3A_291 = vector.shape_cast %swap3A_290 : vector<1x16xi32> to vector<16xi32>
    %swap3A_292 = vector.shape_cast %select_n3A_283 : vector<16xi32> to vector<1x16xi32>
    tpu.vector_store %arg10[%swap3A_288, %swap3A_289], %swap3A_292 {strides = array<i32>} : memref<8x128xi32, #tpu.memory_space<vmem>>, vector<1x16xi32>,
    %swap3A_293 = arith.constant 0 : i32
    %swap3A_294 = arith.index_cast %swap3A_293 : i32 to index
    %swap3A_295 = arith.constant 64 : index
    %swap3A_296 = tpu.vector_load %arg11[%swap3A_294, %swap3A_295] {strides = array<i32>} : memref<8x128xf32, #tpu.memory_space<vmem>>, vector<1x16xf32>,
    %swap3A_297 = vector.shape_cast %swap3A_296 : vector<1x16xf32> to vector<16xf32>
    %swap3A_298 = vector.shape_cast %select_n3A_286 : vector<16xf32> to vector<1x16xf32>
    tpu.vector_store %arg11[%swap3A_294, %swap3A_295], %swap3A_298 {strides = array<i32>} : memref<8x128xf32, #tpu.memory_space<vmem>>, vector<1x16xf32>,
    %jit3A_299 = arith.constant 0 : i32
    %broadcast_in_dim3A_300 = vector.broadcast %jit3A_299 : i32 to vector<16xi32>
    %select_n3A_301 = arith.select %lt3A_276, %get3A_266, %broadcast_in_dim3A_300 : vector<16xi1>, vector<16xi32>
    %swap3A_302 = arith.constant 0 : i32
    %swap3A_303 = arith.index_cast %swap3A_302 : i32 to index
    %swap3A_304 = arith.constant 64 : index
    %swap3A_305 = tpu.vector_load %arg12[%swap3A_303, %swap3A_304] {strides = array<i32>} : memref<8x128xi32, #tpu.memory_space<vmem>>, vector<1x16xi32>,
    %swap3A_306 = vector.shape_cast %swap3A_305 : vector<1x16xi32> to vector<16xi32>
    %swap3A_307 = vector.shape_cast %select_n3A_301 : vector<16xi32> to vector<1x16xi32>
    tpu.vector_store %arg12[%swap3A_303, %swap3A_304], %swap3A_307 {strides = array<i32>} : memref<8x128xi32, #tpu.memory_space<vmem>>, vector<1x16xi32>,
    %jit3A_308 = arith.constant 1.000000e+00 : f32
    %jit3A_309 = arith.constant 0.000000e+00 : f32
    %broadcast_in_dim3A_310 = vector.broadcast %jit3A_308 : f32 to vector<16xf32>
    %broadcast_in_dim3A_311 = vector.broadcast %jit3A_309 : f32 to vector<16xf32>
    %select_n3A_312 = arith.select %lt3A_276, %broadcast_in_dim3A_310, %broadcast_in_dim3A_311 : vector<16xi1>, vector<16xf32>
    %swap3A_313 = arith.constant 0 : i32
    %swap3A_314 = arith.index_cast %swap3A_313 : i32 to index
    %swap3A_315 = arith.constant 64 : index
    %swap3A_316 = tpu.vector_load %arg13[%swap3A_314, %swap3A_315] {strides = array<i32>} : memref<8x128xf32, #tpu.memory_space<vmem>>, vector<1x16xf32>,
    %swap3A_317 = vector.shape_cast %swap3A_316 : vector<1x16xf32> to vector<16xf32>
    %swap3A_318 = vector.shape_cast %select_n3A_312 : vector<16xf32> to vector<1x16xf32>
    tpu.vector_store %arg13[%swap3A_314, %swap3A_315], %swap3A_318 {strides = array<i32>} : memref<8x128xf32, #tpu.memory_space<vmem>>, vector<1x16xf32>,
    %get3A_319 = arith.constant 80 : index
    %get3A_320 = tpu.vector_load %arg7[%get3A_319] {strides = array<i32>} : memref<1024xi32, #tpu.memory_space<vmem>>, vector<16xi32>,
    %get3A_321 = vector.shape_cast %get3A_320 : vector<16xi32> to vector<16xi32>
    %get3A_322 = arith.constant 80 : index
    %get3A_323 = tpu.vector_load %arg8[%get3A_322] {strides = array<i32>} : memref<1024xi32, #tpu.memory_space<vmem>>, vector<16xi32>,
    %get3A_324 = vector.shape_cast %get3A_323 : vector<16xi32> to vector<16xi32>
    %get3A_325 = arith.constant 80 : index
    %get3A_326 = tpu.vector_load %arg9[%get3A_325] {strides = array<i32>} : memref<1024xf32, #tpu.memory_space<vmem>>, vector<16xf32>,
    %get3A_327 = vector.shape_cast %get3A_326 : vector<16xf32> to vector<16xf32>
    %iota3A_328 = tpu.iota {dimensions = array<i32: 0>} : vector<16xi32>
    %add3A_329 = arith.constant 80 : i32
    %add3A_330 = vector.broadcast %add3A_329 : i32 to vector<16xi32>
    %add3A_331 = arith.addi %iota3A_328, %add3A_330 : vector<16xi32>
    %lt3A_332 = arith.constant 1000 : i32
    %lt3A_333 = vector.broadcast %lt3A_332 : i32 to vector<16xi32>
    %lt3A_334 = arith.cmpi slt, %add3A_331, %lt3A_333 : vector<16xi32>
    %mul3A_335 = arith.constant 800 : i32
    %mul3A_336 = vector.broadcast %mul3A_335 : i32 to vector<16xi32>
    %mul3A_337 = arith.muli %get3A_321, %mul3A_336 : vector<16xi32>
    %add3A_338 = arith.addi %mul3A_337, %get3A_324 : vector<16xi32>
    %jit3A_339 = arith.constant 0 : i32
    %broadcast_in_dim3A_340 = vector.broadcast %jit3A_339 : i32 to vector<16xi32>
    %select_n3A_341 = arith.select %lt3A_334, %add3A_338, %broadcast_in_dim3A_340 : vector<16xi1>, vector<16xi32>
    %jit3A_342 = arith.constant 0.000000e+00 : f32
    %broadcast_in_dim3A_343 = vector.broadcast %jit3A_342 : f32 to vector<16xf32>
    %select_n3A_344 = arith.select %lt3A_334, %get3A_327, %broadcast_in_dim3A_343 : vector<16xi1>, vector<16xf32>
    %swap3A_345 = arith.constant 0 : i32
    %swap3A_346 = arith.index_cast %swap3A_345 : i32 to index
    %swap3A_347 = arith.constant 80 : index
    %swap3A_348 = tpu.vector_load %arg10[%swap3A_346, %swap3A_347] {strides = array<i32>} : memref<8x128xi32, #tpu.memory_space<vmem>>, vector<1x16xi32>,
    %swap3A_349 = vector.shape_cast %swap3A_348 : vector<1x16xi32> to vector<16xi32>
    %swap3A_350 = vector.shape_cast %select_n3A_341 : vector<16xi32> to vector<1x16xi32>
    tpu.vector_store %arg10[%swap3A_346, %swap3A_347], %swap3A_350 {strides = array<i32>} : memref<8x128xi32, #tpu.memory_space<vmem>>, vector<1x16xi32>,
    %swap3A_351 = arith.constant 0 : i32
    %swap3A_352 = arith.index_cast %swap3A_351 : i32 to index
    %swap3A_353 = arith.constant 80 : index
    %swap3A_354 = tpu.vector_load %arg11[%swap3A_352, %swap3A_353] {strides = array<i32>} : memref<8x128xf32, #tpu.memory_space<vmem>>, vector<1x16xf32>,
    %swap3A_355 = vector.shape_cast %swap3A_354 : vector<1x16xf32> to vector<16xf32>
    %swap3A_356 = vector.shape_cast %select_n3A_344 : vector<16xf32> to vector<1x16xf32>
    tpu.vector_store %arg11[%swap3A_352, %swap3A_353], %swap3A_356 {strides = array<i32>} : memref<8x128xf32, #tpu.memory_space<vmem>>, vector<1x16xf32>,
    %jit3A_357 = arith.constant 0 : i32
    %broadcast_in_dim3A_358 = vector.broadcast %jit3A_357 : i32 to vector<16xi32>
    %select_n3A_359 = arith.select %lt3A_334, %get3A_324, %broadcast_in_dim3A_358 : vector<16xi1>, vector<16xi32>
    %swap3A_360 = arith.constant 0 : i32
    %swap3A_361 = arith.index_cast %swap3A_360 : i32 to index
    %swap3A_362 = arith.constant 80 : index
    %swap3A_363 = tpu.vector_load %arg12[%swap3A_361, %swap3A_362] {strides = array<i32>} : memref<8x128xi32, #tpu.memory_space<vmem>>, vector<1x16xi32>,
    %swap3A_364 = vector.shape_cast %swap3A_363 : vector<1x16xi32> to vector<16xi32>
    %swap3A_365 = vector.shape_cast %select_n3A_359 : vector<16xi32> to vector<1x16xi32>
    tpu.vector_store %arg12[%swap3A_361, %swap3A_362], %swap3A_365 {strides = array<i32>} : memref<8x128xi32, #tpu.memory_space<vmem>>, vector<1x16xi32>,
    %jit3A_366 = arith.constant 1.000000e+00 : f32
    %jit3A_367 = arith.constant 0.000000e+00 : f32
    %broadcast_in_dim3A_368 = vector.broadcast %jit3A_366 : f32 to vector<16xf32>
    %broadcast_in_dim3A_369 = vector.broadcast %jit3A_367 : f32 to vector<16xf32>
    %select_n3A_370 = arith.select %lt3A_334, %broadcast_in_dim3A_368, %broadcast_in_dim3A_369 : vector<16xi1>, vector<16xf32>
    %swap3A_371 = arith.constant 0 : i32
    %swap3A_372 = arith.index_cast %swap3A_371 : i32 to index
    %swap3A_373 = arith.constant 80 : index
    %swap3A_374 = tpu.vector_load %arg13[%swap3A_372, %swap3A_373] {strides = array<i32>} : memref<8x128xf32, #tpu.memory_space<vmem>>, vector<1x16xf32>,
    %swap3A_375 = vector.shape_cast %swap3A_374 : vector<1x16xf32> to vector<16xf32>
    %swap3A_376 = vector.shape_cast %select_n3A_370 : vector<16xf32> to vector<1x16xf32>
    tpu.vector_store %arg13[%swap3A_372, %swap3A_373], %swap3A_376 {strides = array<i32>} : memref<8x128xf32, #tpu.memory_space<vmem>>, vector<1x16xf32>,
    %get3A_377 = arith.constant 96 : index
    %get3A_378 = tpu.vector_load %arg7[%get3A_377] {strides = array<i32>} : memref<1024xi32, #tpu.memory_space<vmem>>, vector<16xi32>,
    %get3A_379 = vector.shape_cast %get3A_378 : vector<16xi32> to vector<16xi32>
    %get3A_380 = arith.constant 96 : index
    %get3A_381 = tpu.vector_load %arg8[%get3A_380] {strides = array<i32>} : memref<1024xi32, #tpu.memory_space<vmem>>, vector<16xi32>,
    %get3A_382 = vector.shape_cast %get3A_381 : vector<16xi32> to vector<16xi32>
    %get3A_383 = arith.constant 96 : index
    %get3A_384 = tpu.vector_load %arg9[%get3A_383] {strides = array<i32>} : memref<1024xf32, #tpu.memory_space<vmem>>, vector<16xf32>,
    %get3A_385 = vector.shape_cast %get3A_384 : vector<16xf32> to vector<16xf32>
    %iota3A_386 = tpu.iota {dimensions = array<i32: 0>} : vector<16xi32>
    %add3A_387 = arith.constant 96 : i32
    %add3A_388 = vector.broadcast %add3A_387 : i32 to vector<16xi32>
    %add3A_389 = arith.addi %iota3A_386, %add3A_388 : vector<16xi32>
    %lt3A_390 = arith.constant 1000 : i32
    %lt3A_391 = vector.broadcast %lt3A_390 : i32 to vector<16xi32>
    %lt3A_392 = arith.cmpi slt, %add3A_389, %lt3A_391 : vector<16xi32>
    %mul3A_393 = arith.constant 800 : i32
    %mul3A_394 = vector.broadcast %mul3A_393 : i32 to vector<16xi32>
    %mul3A_395 = arith.muli %get3A_379, %mul3A_394 : vector<16xi32>
    %add3A_396 = arith.addi %mul3A_395, %get3A_382 : vector<16xi32>
    %jit3A_397 = arith.constant 0 : i32
    %broadcast_in_dim3A_398 = vector.broadcast %jit3A_397 : i32 to vector<16xi32>
    %select_n3A_399 = arith.select %lt3A_392, %add3A_396, %broadcast_in_dim3A_398 : vector<16xi1>, vector<16xi32>
    %jit3A_400 = arith.constant 0.000000e+00 : f32
    %broadcast_in_dim3A_401 = vector.broadcast %jit3A_400 : f32 to vector<16xf32>
    %select_n3A_402 = arith.select %lt3A_392, %get3A_385, %broadcast_in_dim3A_401 : vector<16xi1>, vector<16xf32>
    %swap3A_403 = arith.constant 0 : i32
    %swap3A_404 = arith.index_cast %swap3A_403 : i32 to index
    %swap3A_405 = arith.constant 96 : index
    %swap3A_406 = tpu.vector_load %arg10[%swap3A_404, %swap3A_405] {strides = array<i32>} : memref<8x128xi32, #tpu.memory_space<vmem>>, vector<1x16xi32>,
    %swap3A_407 = vector.shape_cast %swap3A_406 : vector<1x16xi32> to vector<16xi32>
    %swap3A_408 = vector.shape_cast %select_n3A_399 : vector<16xi32> to vector<1x16xi32>
    tpu.vector_store %arg10[%swap3A_404, %swap3A_405], %swap3A_408 {strides = array<i32>} : memref<8x128xi32, #tpu.memory_space<vmem>>, vector<1x16xi32>,
    %swap3A_409 = arith.constant 0 : i32
    %swap3A_410 = arith.index_cast %swap3A_409 : i32 to index
    %swap3A_411 = arith.constant 96 : index
    %swap3A_412 = tpu.vector_load %arg11[%swap3A_410, %swap3A_411] {strides = array<i32>} : memref<8x128xf32, #tpu.memory_space<vmem>>, vector<1x16xf32>,
    %swap3A_413 = vector.shape_cast %swap3A_412 : vector<1x16xf32> to vector<16xf32>
    %swap3A_414 = vector.shape_cast %select_n3A_402 : vector<16xf32> to vector<1x16xf32>
    tpu.vector_store %arg11[%swap3A_410, %swap3A_411], %swap3A_414 {strides = array<i32>} : memref<8x128xf32, #tpu.memory_space<vmem>>, vector<1x16xf32>,
    %jit3A_415 = arith.constant 0 : i32
    %broadcast_in_dim3A_416 = vector.broadcast %jit3A_415 : i32 to vector<16xi32>
    %select_n3A_417 = arith.select %lt3A_392, %get3A_382, %broadcast_in_dim3A_416 : vector<16xi1>, vector<16xi32>
    %swap3A_418 = arith.constant 0 : i32
    %swap3A_419 = arith.index_cast %swap3A_418 : i32 to index
    %swap3A_420 = arith.constant 96 : index
    %swap3A_421 = tpu.vector_load %arg12[%swap3A_419, %swap3A_420] {strides = array<i32>} : memref<8x128xi32, #tpu.memory_space<vmem>>, vector<1x16xi32>,
    %swap3A_422 = vector.shape_cast %swap3A_421 : vector<1x16xi32> to vector<16xi32>
    %swap3A_423 = vector.shape_cast %select_n3A_417 : vector<16xi32> to vector<1x16xi32>
    tpu.vector_store %arg12[%swap3A_419, %swap3A_420], %swap3A_423 {strides = array<i32>} : memref<8x128xi32, #tpu.memory_space<vmem>>, vector<1x16xi32>,
    %jit3A_424 = arith.constant 1.000000e+00 : f32
    %jit3A_425 = arith.constant 0.000000e+00 : f32
    %broadcast_in_dim3A_426 = vector.broadcast %jit3A_424 : f32 to vector<16xf32>
    %broadcast_in_dim3A_427 = vector.broadcast %jit3A_425 : f32 to vector<16xf32>
    %select_n3A_428 = arith.select %lt3A_392, %broadcast_in_dim3A_426, %broadcast_in_dim3A_427 : vector<16xi1>, vector<16xf32>
    %swap3A_429 = arith.constant 0 : i32
    %swap3A_430 = arith.index_cast %swap3A_429 : i32 to index
    %swap3A_431 = arith.constant 96 : index
    %swap3A_432 = tpu.vector_load %arg13[%swap3A_430, %swap3A_431] {strides = array<i32>} : memref<8x128xf32, #tpu.memory_space<vmem>>, vector<1x16xf32>,
    %swap3A_433 = vector.shape_cast %swap3A_432 : vector<1x16xf32> to vector<16xf32>
    %swap3A_434 = vector.shape_cast %select_n3A_428 : vector<16xf32> to vector<1x16xf32>
    tpu.vector_store %arg13[%swap3A_430, %swap3A_431], %swap3A_434 {strides = array<i32>} : memref<8x128xf32, #tpu.memory_space<vmem>>, vector<1x16xf32>,
    %get3A_435 = arith.constant 112 : index
    %get3A_436 = tpu.vector_load %arg7[%get3A_435] {strides = array<i32>} : memref<1024xi32, #tpu.memory_space<vmem>>, vector<16xi32>,
    %get3A_437 = vector.shape_cast %get3A_436 : vector<16xi32> to vector<16xi32>
    %get3A_438 = arith.constant 112 : index
    %get3A_439 = tpu.vector_load %arg8[%get3A_438] {strides = array<i32>} : memref<1024xi32, #tpu.memory_space<vmem>>, vector<16xi32>,
    %get3A_440 = vector.shape_cast %get3A_439 : vector<16xi32> to vector<16xi32>
    %get3A_441 = arith.constant 112 : index
    %get3A_442 = tpu.vector_load %arg9[%get3A_441] {strides = array<i32>} : memref<1024xf32, #tpu.memory_space<vmem>>, vector<16xf32>,
    %get3A_443 = vector.shape_cast %get3A_442 : vector<16xf32> to vector<16xf32>
    %iota3A_444 = tpu.iota {dimensions = array<i32: 0>} : vector<16xi32>
    %add3A_445 = arith.constant 112 : i32
    %add3A_446 = vector.broadcast %add3A_445 : i32 to vector<16xi32>
    %add3A_447 = arith.addi %iota3A_444, %add3A_446 : vector<16xi32>
    %lt3A_448 = arith.constant 1000 : i32
    %lt3A_449 = vector.broadcast %lt3A_448 : i32 to vector<16xi32>
    %lt3A_450 = arith.cmpi slt, %add3A_447, %lt3A_449 : vector<16xi32>
    %mul3A_451 = arith.constant 800 : i32
    %mul3A_452 = vector.broadcast %mul3A_451 : i32 to vector<16xi32>
    %mul3A_453 = arith.muli %get3A_437, %mul3A_452 : vector<16xi32>
    %add3A_454 = arith.addi %mul3A_453, %get3A_440 : vector<16xi32>
    %jit3A_455 = arith.constant 0 : i32
    %broadcast_in_dim3A_456 = vector.broadcast %jit3A_455 : i32 to vector<16xi32>
    %select_n3A_457 = arith.select %lt3A_450, %add3A_454, %broadcast_in_dim3A_456 : vector<16xi1>, vector<16xi32>
    %jit3A_458 = arith.constant 0.000000e+00 : f32
    %broadcast_in_dim3A_459 = vector.broadcast %jit3A_458 : f32 to vector<16xf32>
    %select_n3A_460 = arith.select %lt3A_450, %get3A_443, %broadcast_in_dim3A_459 : vector<16xi1>, vector<16xf32>
    %swap3A_461 = arith.constant 0 : i32
    %swap3A_462 = arith.index_cast %swap3A_461 : i32 to index
    %swap3A_463 = arith.constant 112 : index
    %swap3A_464 = tpu.vector_load %arg10[%swap3A_462, %swap3A_463] {strides = array<i32>} : memref<8x128xi32, #tpu.memory_space<vmem>>, vector<1x16xi32>,
    %swap3A_465 = vector.shape_cast %swap3A_464 : vector<1x16xi32> to vector<16xi32>
    %swap3A_466 = vector.shape_cast %select_n3A_457 : vector<16xi32> to vector<1x16xi32>
    tpu.vector_store %arg10[%swap3A_462, %swap3A_463], %swap3A_466 {strides = array<i32>} : memref<8x128xi32, #tpu.memory_space<vmem>>, vector<1x16xi32>,
    %swap3A_467 = arith.constant 0 : i32
    %swap3A_468 = arith.index_cast %swap3A_467 : i32 to index
    %swap3A_469 = arith.constant 112 : index
    %swap3A_470 = tpu.vector_load %arg11[%swap3A_468, %swap3A_469] {strides = array<i32>} : memref<8x128xf32, #tpu.memory_space<vmem>>, vector<1x16xf32>,
    %swap3A_471 = vector.shape_cast %swap3A_470 : vector<1x16xf32> to vector<16xf32>
    %swap3A_472 = vector.shape_cast %select_n3A_460 : vector<16xf32> to vector<1x16xf32>
    tpu.vector_store %arg11[%swap3A_468, %swap3A_469], %swap3A_472 {strides = array<i32>} : memref<8x128xf32, #tpu.memory_space<vmem>>, vector<1x16xf32>,
    %jit3A_473 = arith.constant 0 : i32
    %broadcast_in_dim3A_474 = vector.broadcast %jit3A_473 : i32 to vector<16xi32>
    %select_n3A_475 = arith.select %lt3A_450, %get3A_440, %broadcast_in_dim3A_474 : vector<16xi1>, vector<16xi32>
    %swap3A_476 = arith.constant 0 : i32
    %swap3A_477 = arith.index_cast %swap3A_476 : i32 to index
    %swap3A_478 = arith.constant 112 : index
    %swap3A_479 = tpu.vector_load %arg12[%swap3A_477, %swap3A_478] {strides = array<i32>} : memref<8x128xi32, #tpu.memory_space<vmem>>, vector<1x16xi32>,
    %swap3A_480 = vector.shape_cast %swap3A_479 : vector<1x16xi32> to vector<16xi32>
    %swap3A_481 = vector.shape_cast %select_n3A_475 : vector<16xi32> to vector<1x16xi32>
    tpu.vector_store %arg12[%swap3A_477, %swap3A_478], %swap3A_481 {strides = array<i32>} : memref<8x128xi32, #tpu.memory_space<vmem>>, vector<1x16xi32>,
    %jit3A_482 = arith.constant 1.000000e+00 : f32
    %jit3A_483 = arith.constant 0.000000e+00 : f32
    %broadcast_in_dim3A_484 = vector.broadcast %jit3A_482 : f32 to vector<16xf32>
    %broadcast_in_dim3A_485 = vector.broadcast %jit3A_483 : f32 to vector<16xf32>
    %select_n3A_486 = arith.select %lt3A_450, %broadcast_in_dim3A_484, %broadcast_in_dim3A_485 : vector<16xi1>, vector<16xf32>
    %swap3A_487 = arith.constant 0 : i32
    %swap3A_488 = arith.index_cast %swap3A_487 : i32 to index
    %swap3A_489 = arith.constant 112 : index
    %swap3A_490 = tpu.vector_load %arg13[%swap3A_488, %swap3A_489] {strides = array<i32>} : memref<8x128xf32, #tpu.memory_space<vmem>>, vector<1x16xf32>,
    %swap3A_491 = vector.shape_cast %swap3A_490 : vector<1x16xf32> to vector<16xf32>
    %swap3A_492 = vector.shape_cast %select_n3A_486 : vector<16xf32> to vector<1x16xf32>
    tpu.vector_store %arg13[%swap3A_488, %swap3A_489], %swap3A_492 {strides = array<i32>} : memref<8x128xf32, #tpu.memory_space<vmem>>, vector<1x16xf32>,
    %get3A_493 = arith.constant 128 : index
    %get3A_494 = tpu.vector_load %arg7[%get3A_493] {strides = array<i32>} : memref<1024xi32, #tpu.memory_space<vmem>>, vector<16xi32>,
    %get3A_495 = vector.shape_cast %get3A_494 : vector<16xi32> to vector<16xi32>
    %get3A_496 = arith.constant 128 : index
    %get3A_497 = tpu.vector_load %arg8[%get3A_496] {strides = array<i32>} : memref<1024xi32, #tpu.memory_space<vmem>>, vector<16xi32>,
    %get3A_498 = vector.shape_cast %get3A_497 : vector<16xi32> to vector<16xi32>
    %get3A_499 = arith.constant 128 : index
    %get3A_500 = tpu.vector_load %arg9[%get3A_499] {strides = array<i32>} : memref<1024xf32, #tpu.memory_space<vmem>>, vector<16xf32>,
    %get3A_501 = vector.shape_cast %get3A_500 : vector<16xf32> to vector<16xf32>
    %iota3A_502 = tpu.iota {dimensions = array<i32: 0>} : vector<16xi32>
    %add3A_503 = arith.constant 128 : i32
    %add3A_504 = vector.broadcast %add3A_503 : i32 to vector<16xi32>
    %add3A_505 = arith.addi %iota3A_502, %add3A_504 : vector<16xi32>
    %lt3A_506 = arith.constant 1000 : i32
    %lt3A_507 = vector.broadcast %lt3A_506 : i32 to vector<16xi32>
    %lt3A_508 = arith.cmpi slt, %add3A_505, %lt3A_507 : vector<16xi32>
    %mul3A_509 = arith.constant 800 : i32
    %mul3A_510 = vector.broadcast %mul3A_509 : i32 to vector<16xi32>
    %mul3A_511 = arith.muli %get3A_495, %mul3A_510 : vector<16xi32>
    %add3A_512 = arith.addi %mul3A_511, %get3A_498 : vector<16xi32>
    %jit3A_513 = arith.constant 0 : i32
    %broadcast_in_dim3A_514 = vector.broadcast %jit3A_513 : i32 to vector<16xi32>
    %select_n3A_515 = arith.select %lt3A_508, %add3A_512, %broadcast_in_dim3A_514 : vector<16xi1>, vector<16xi32>
    %jit3A_516 = arith.constant 0.000000e+00 : f32
    %broadcast_in_dim3A_517 = vector.broadcast %jit3A_516 : f32 to vector<16xf32>
    %select_n3A_518 = arith.select %lt3A_508, %get3A_501, %broadcast_in_dim3A_517 : vector<16xi1>, vector<16xf32>
    %swap3A_519 = arith.constant 1 : i32
    %swap3A_520 = arith.index_cast %swap3A_519 : i32 to index
    %swap3A_521 = arith.constant 0 : index
    %swap3A_522 = tpu.vector_load %arg10[%swap3A_520, %swap3A_521] {strides = array<i32>} : memref<8x128xi32, #tpu.memory_space<vmem>>, vector<1x16xi32>,
    %swap3A_523 = vector.shape_cast %swap3A_522 : vector<1x16xi32> to vector<16xi32>
    %swap3A_524 = vector.shape_cast %select_n3A_515 : vector<16xi32> to vector<1x16xi32>
    tpu.vector_store %arg10[%swap3A_520, %swap3A_521], %swap3A_524 {strides = array<i32>} : memref<8x128xi32, #tpu.memory_space<vmem>>, vector<1x16xi32>,
    %swap3A_525 = arith.constant 1 : i32
    %swap3A_526 = arith.index_cast %swap3A_525 : i32 to index
    %swap3A_527 = arith.constant 0 : index
    %swap3A_528 = tpu.vector_load %arg11[%swap3A_526, %swap3A_527] {strides = array<i32>} : memref<8x128xf32, #tpu.memory_space<vmem>>, vector<1x16xf32>,
    %swap3A_529 = vector.shape_cast %swap3A_528 : vector<1x16xf32> to vector<16xf32>
    %swap3A_530 = vector.shape_cast %select_n3A_518 : vector<16xf32> to vector<1x16xf32>
    tpu.vector_store %arg11[%swap3A_526, %swap3A_527], %swap3A_530 {strides = array<i32>} : memref<8x128xf32, #tpu.memory_space<vmem>>, vector<1x16xf32>,
    %jit3A_531 = arith.constant 0 : i32
    %broadcast_in_dim3A_532 = vector.broadcast %jit3A_531 : i32 to vector<16xi32>
    %select_n3A_533 = arith.select %lt3A_508, %get3A_498, %broadcast_in_dim3A_532 : vector<16xi1>, vector<16xi32>
    %swap3A_534 = arith.constant 1 : i32
    %swap3A_535 = arith.index_cast %swap3A_534 : i32 to index
    %swap3A_536 = arith.constant 0 : index
    %swap3A_537 = tpu.vector_load %arg12[%swap3A_535, %swap3A_536] {strides = array<i32>} : memref<8x128xi32, #tpu.memory_space<vmem>>, vector<1x16xi32>,
    %swap3A_538 = vector.shape_cast %swap3A_537 : vector<1x16xi32> to vector<16xi32>
    %swap3A_539 = vector.shape_cast %select_n3A_533 : vector<16xi32> to vector<1x16xi32>
    tpu.vector_store %arg12[%swap3A_535, %swap3A_536], %swap3A_539 {strides = array<i32>} : memref<8x128xi32, #tpu.memory_space<vmem>>, vector<1x16xi32>,
    %jit3A_540 = arith.constant 1.000000e+00 : f32
    %jit3A_541 = arith.constant 0.000000e+00 : f32
    %broadcast_in_dim3A_542 = vector.broadcast %jit3A_540 : f32 to vector<16xf32>
    %broadcast_in_dim3A_543 = vector.broadcast %jit3A_541 : f32 to vector<16xf32>
    %select_n3A_544 = arith.select %lt3A_508, %broadcast_in_dim3A_542, %broadcast_in_dim3A_543 : vector<16xi1>, vector<16xf32>
    %swap3A_545 = arith.constant 1 : i32
    %swap3A_546 = arith.index_cast %swap3A_545 : i32 to index
    %swap3A_547 = arith.constant 0 : index
    %swap3A_548 = tpu.vector_load %arg13[%swap3A_546, %swap3A_547] {strides = array<i32>} : memref<8x128xf32, #tpu.memory_space<vmem>>, vector<1x16xf32>,
    %swap3A_549 = vector.shape_cast %swap3A_548 : vector<1x16xf32> to vector<16xf32>
    %swap3A_550 = vector.shape_cast %select_n3A_544 : vector<16xf32> to vector<1x16xf32>
    tpu.vector_store %arg13[%swap3A_546, %swap3A_547], %swap3A_550 {strides = array<i32>} : memref<8x128xf32, #tpu.memory_space<vmem>>, vector<1x16xf32>,
    %get3A_551 = arith.constant 144 : index
    %get3A_552 = tpu.vector_load %arg7[%get3A_551] {strides = array<i32>} : memref<1024xi32, #tpu.memory_space<vmem>>, vector<16xi32>,
    %get3A_553 = vector.shape_cast %get3A_552 : vector<16xi32> to vector<16xi32>
    %get3A_554 = arith.constant 144 : index
    %get3A_555 = tpu.vector_load %arg8[%get3A_554] {strides = array<i32>} : memref<1024xi32, #tpu.memory_space<vmem>>, vector<16xi32>,
    %get3A_556 = vector.shape_cast %get3A_555 : vector<16xi32> to vector<16xi32>
    %get3A_557 = arith.constant 144 : index
    %get3A_558 = tpu.vector_load %arg9[%get3A_557] {strides = array<i32>} : memref<1024xf32, #tpu.memory_space<vmem>>, vector<16xf32>,
    %get3A_559 = vector.shape_cast %get3A_558 : vector<16xf32> to vector<16xf32>
    %iota3A_560 = tpu.iota {dimensions = array<i32: 0>} : vector<16xi32>
    %add3A_561 = arith.constant 144 : i32
    %add3A_562 = vector.broadcast %add3A_561 : i32 to vector<16xi32>
    %add3A_563 = arith.addi %iota3A_560, %add3A_562 : vector<16xi32>
    %lt3A_564 = arith.constant 1000 : i32
    %lt3A_565 = vector.broadcast %lt3A_564 : i32 to vector<16xi32>
    %lt3A_566 = arith.cmpi slt, %add3A_563, %lt3A_565 : vector<16xi32>
    %mul3A_567 = arith.constant 800 : i32
    %mul3A_568 = vector.broadcast %mul3A_567 : i32 to vector<16xi32>
    %mul3A_569 = arith.muli %get3A_553, %mul3A_568 : vector<16xi32>
    %add3A_570 = arith.addi %mul3A_569, %get3A_556 : vector<16xi32>
    %jit3A_571 = arith.constant 0 : i32
    %broadcast_in_dim3A_572 = vector.broadcast %jit3A_571 : i32 to vector<16xi32>
    %select_n3A_573 = arith.select %lt3A_566, %add3A_570, %broadcast_in_dim3A_572 : vector<16xi1>, vector<16xi32>
    %jit3A_574 = arith.constant 0.000000e+00 : f32
    %broadcast_in_dim3A_575 = vector.broadcast %jit3A_574 : f32 to vector<16xf32>
    %select_n3A_576 = arith.select %lt3A_566, %get3A_559, %broadcast_in_dim3A_575 : vector<16xi1>, vector<16xf32>
    %swap3A_577 = arith.constant 1 : i32
    %swap3A_578 = arith.index_cast %swap3A_577 : i32 to index
    %swap3A_579 = arith.constant 16 : index
    %swap3A_580 = tpu.vector_load %arg10[%swap3A_578, %swap3A_579] {strides = array<i32>} : memref<8x128xi32, #tpu.memory_space<vmem>>, vector<1x16xi32>,
    %swap3A_581 = vector.shape_cast %swap3A_580 : vector<1x16xi32> to vector<16xi32>
    %swap3A_582 = vector.shape_cast %select_n3A_573 : vector<16xi32> to vector<1x16xi32>
    tpu.vector_store %arg10[%swap3A_578, %swap3A_579], %swap3A_582 {strides = array<i32>} : memref<8x128xi32, #tpu.memory_space<vmem>>, vector<1x16xi32>,
    %swap3A_583 = arith.constant 1 : i32
    %swap3A_584 = arith.index_cast %swap3A_583 : i32 to index
    %swap3A_585 = arith.constant 16 : index
    %swap3A_586 = tpu.vector_load %arg11[%swap3A_584, %swap3A_585] {strides = array<i32>} : memref<8x128xf32, #tpu.memory_space<vmem>>, vector<1x16xf32>,
    %swap3A_587 = vector.shape_cast %swap3A_586 : vector<1x16xf32> to vector<16xf32>
    %swap3A_588 = vector.shape_cast %select_n3A_576 : vector<16xf32> to vector<1x16xf32>
    tpu.vector_store %arg11[%swap3A_584, %swap3A_585], %swap3A_588 {strides = array<i32>} : memref<8x128xf32, #tpu.memory_space<vmem>>, vector<1x16xf32>,
    %jit3A_589 = arith.constant 0 : i32
    %broadcast_in_dim3A_590 = vector.broadcast %jit3A_589 : i32 to vector<16xi32>
    %select_n3A_591 = arith.select %lt3A_566, %get3A_556, %broadcast_in_dim3A_590 : vector<16xi1>, vector<16xi32>
    %swap3A_592 = arith.constant 1 : i32
    %swap3A_593 = arith.index_cast %swap3A_592 : i32 to index
    %swap3A_594 = arith.constant 16 : index
    %swap3A_595 = tpu.vector_load %arg12[%swap3A_593, %swap3A_594] {strides = array<i32>} : memref<8x128xi32, #tpu.memory_space<vmem>>, vector<1x16xi32>,
    %swap3A_596 = vector.shape_cast %swap3A_595 : vector<1x16xi32> to vector<16xi32>
    %swap3A_597 = vector.shape_cast %select_n3A_591 : vector<16xi32> to vector<1x16xi32>
    tpu.vector_store %arg12[%swap3A_593, %swap3A_594], %swap3A_597 {strides = array<i32>} : memref<8x128xi32, #tpu.memory_space<vmem>>, vector<1x16xi32>,
    %jit3A_598 = arith.constant 1.000000e+00 : f32
    %jit3A_599 = arith.constant 0.000000e+00 : f32
    %broadcast_in_dim3A_600 = vector.broadcast %jit3A_598 : f32 to vector<16xf32>
    %broadcast_in_dim3A_601 = vector.broadcast %jit3A_599 : f32 to vector<16xf32>
    %select_n3A_602 = arith.select %lt3A_566, %broadcast_in_dim3A_600, %broadcast_in_dim3A_601 : vector<16xi1>, vector<16xf32>
    %swap3A_603 = arith.constant 1 : i32
    %swap3A_604 = arith.index_cast %swap3A_603 : i32 to index
    %swap3A_605 = arith.constant 16 : index
    %swap3A_606 = tpu.vector_load %arg13[%swap3A_604, %swap3A_605] {strides = array<i32>} : memref<8x128xf32, #tpu.memory_space<vmem>>, vector<1x16xf32>,
    %swap3A_607 = vector.shape_cast %swap3A_606 : vector<1x16xf32> to vector<16xf32>
    %swap3A_608 = vector.shape_cast %select_n3A_602 : vector<16xf32> to vector<1x16xf32>
    tpu.vector_store %arg13[%swap3A_604, %swap3A_605], %swap3A_608 {strides = array<i32>} : memref<8x128xf32, #tpu.memory_space<vmem>>, vector<1x16xf32>,
    %get3A_609 = arith.constant 160 : index
    %get3A_610 = tpu.vector_load %arg7[%get3A_609] {strides = array<i32>} : memref<1024xi32, #tpu.memory_space<vmem>>, vector<16xi32>,
    %get3A_611 = vector.shape_cast %get3A_610 : vector<16xi32> to vector<16xi32>
    %get3A_612 = arith.constant 160 : index
    %get3A_613 = tpu.vector_load %arg8[%get3A_612] {strides = array<i32>} : memref<1024xi32, #tpu.memory_space<vmem>>, vector<16xi32>,
    %get3A_614 = vector.shape_cast %get3A_613 : vector<16xi32> to vector<16xi32>
    %get3A_615 = arith.constant 160 : index
    %get3A_616 = tpu.vector_load %arg9[%get3A_615] {strides = array<i32>} : memref<1024xf32, #tpu.memory_space<vmem>>, vector<16xf32>,
    %get3A_617 = vector.shape_cast %get3A_616 : vector<16xf32> to vector<16xf32>
    %iota3A_618 = tpu.iota {dimensions = array<i32: 0>} : vector<16xi32>
    %add3A_619 = arith.constant 160 : i32
    %add3A_620 = vector.broadcast %add3A_619 : i32 to vector<16xi32>
    %add3A_621 = arith.addi %iota3A_618, %add3A_620 : vector<16xi32>
    %lt3A_622 = arith.constant 1000 : i32
    %lt3A_623 = vector.broadcast %lt3A_622 : i32 to vector<16xi32>
    %lt3A_624 = arith.cmpi slt, %add3A_621, %lt3A_623 : vector<16xi32>
    %mul3A_625 = arith.constant 800 : i32
    %mul3A_626 = vector.broadcast %mul3A_625 : i32 to vector<16xi32>
    %mul3A_627 = arith.muli %get3A_611, %mul3A_626 : vector<16xi32>
    %add3A_628 = arith.addi %mul3A_627, %get3A_614 : vector<16xi32>
    %jit3A_629 = arith.constant 0 : i32
    %broadcast_in_dim3A_630 = vector.broadcast %jit3A_629 : i32 to vector<16xi32>
    %select_n3A_631 = arith.select %lt3A_624, %add3A_628, %broadcast_in_dim3A_630 : vector<16xi1>, vector<16xi32>
    %jit3A_632 = arith.constant 0.000000e+00 : f32
    %broadcast_in_dim3A_633 = vector.broadcast %jit3A_632 : f32 to vector<16xf32>
    %select_n3A_634 = arith.select %lt3A_624, %get3A_617, %broadcast_in_dim3A_633 : vector<16xi1>, vector<16xf32>
    %swap3A_635 = arith.constant 1 : i32
    %swap3A_636 = arith.index_cast %swap3A_635 : i32 to index
    %swap3A_637 = arith.constant 32 : index
    %swap3A_638 = tpu.vector_load %arg10[%swap3A_636, %swap3A_637] {strides = array<i32>} : memref<8x128xi32, #tpu.memory_space<vmem>>, vector<1x16xi32>,
    %swap3A_639 = vector.shape_cast %swap3A_638 : vector<1x16xi32> to vector<16xi32>
    %swap3A_640 = vector.shape_cast %select_n3A_631 : vector<16xi32> to vector<1x16xi32>
    tpu.vector_store %arg10[%swap3A_636, %swap3A_637], %swap3A_640 {strides = array<i32>} : memref<8x128xi32, #tpu.memory_space<vmem>>, vector<1x16xi32>,
    %swap3A_641 = arith.constant 1 : i32
    %swap3A_642 = arith.index_cast %swap3A_641 : i32 to index
    %swap3A_643 = arith.constant 32 : index
    %swap3A_644 = tpu.vector_load %arg11[%swap3A_642, %swap3A_643] {strides = array<i32>} : memref<8x128xf32, #tpu.memory_space<vmem>>, vector<1x16xf32>,
    %swap3A_645 = vector.shape_cast %swap3A_644 : vector<1x16xf32> to vector<16xf32>
    %swap3A_646 = vector.shape_cast %select_n3A_634 : vector<16xf32> to vector<1x16xf32>
    tpu.vector_store %arg11[%swap3A_642, %swap3A_643], %swap3A_646 {strides = array<i32>} : memref<8x128xf32, #tpu.memory_space<vmem>>, vector<1x16xf32>,
    %jit3A_647 = arith.constant 0 : i32
    %broadcast_in_dim3A_648 = vector.broadcast %jit3A_647 : i32 to vector<16xi32>
    %select_n3A_649 = arith.select %lt3A_624, %get3A_614, %broadcast_in_dim3A_648 : vector<16xi1>, vector<16xi32>
    %swap3A_650 = arith.constant 1 : i32
    %swap3A_651 = arith.index_cast %swap3A_650 : i32 to index
    %swap3A_652 = arith.constant 32 : index
    %swap3A_653 = tpu.vector_load %arg12[%swap3A_651, %swap3A_652] {strides = array<i32>} : memref<8x128xi32, #tpu.memory_space<vmem>>, vector<1x16xi32>,
    %swap3A_654 = vector.shape_cast %swap3A_653 : vector<1x16xi32> to vector<16xi32>
    %swap3A_655 = vector.shape_cast %select_n3A_649 : vector<16xi32> to vector<1x16xi32>
    tpu.vector_store %arg12[%swap3A_651, %swap3A_652], %swap3A_655 {strides = array<i32>} : memref<8x128xi32, #tpu.memory_space<vmem>>, vector<1x16xi32>,
    %jit3A_656 = arith.constant 1.000000e+00 : f32
    %jit3A_657 = arith.constant 0.000000e+00 : f32
    %broadcast_in_dim3A_658 = vector.broadcast %jit3A_656 : f32 to vector<16xf32>
    %broadcast_in_dim3A_659 = vector.broadcast %jit3A_657 : f32 to vector<16xf32>
    %select_n3A_660 = arith.select %lt3A_624, %broadcast_in_dim3A_658, %broadcast_in_dim3A_659 : vector<16xi1>, vector<16xf32>
    %swap3A_661 = arith.constant 1 : i32
    %swap3A_662 = arith.index_cast %swap3A_661 : i32 to index
    %swap3A_663 = arith.constant 32 : index
    %swap3A_664 = tpu.vector_load %arg13[%swap3A_662, %swap3A_663] {strides = array<i32>} : memref<8x128xf32, #tpu.memory_space<vmem>>, vector<1x16xf32>,
    %swap3A_665 = vector.shape_cast %swap3A_664 : vector<1x16xf32> to vector<16xf32>
    %swap3A_666 = vector.shape_cast %select_n3A_660 : vector<16xf32> to vector<1x16xf32>
    tpu.vector_store %arg13[%swap3A_662, %swap3A_663], %swap3A_666 {strides = array<i32>} : memref<8x128xf32, #tpu.memory_space<vmem>>, vector<1x16xf32>,
    %get3A_667 = arith.constant 176 : index
    %get3A_668 = tpu.vector_load %arg7[%get3A_667] {strides = array<i32>} : memref<1024xi32, #tpu.memory_space<vmem>>, vector<16xi32>,
    %get3A_669 = vector.shape_cast %get3A_668 : vector<16xi32> to vector<16xi32>
    %get3A_670 = arith.constant 176 : index
    %get3A_671 = tpu.vector_load %arg8[%get3A_670] {strides = array<i32>} : memref<1024xi32, #tpu.memory_space<vmem>>, vector<16xi32>,
    %get3A_672 = vector.shape_cast %get3A_671 : vector<16xi32> to vector<16xi32>
    %get3A_673 = arith.constant 176 : index
    %get3A_674 = tpu.vector_load %arg9[%get3A_673] {strides = array<i32>} : memref<1024xf32, #tpu.memory_space<vmem>>, vector<16xf32>,
    %get3A_675 = vector.shape_cast %get3A_674 : vector<16xf32> to vector<16xf32>
    %iota3A_676 = tpu.iota {dimensions = array<i32: 0>} : vector<16xi32>
    %add3A_677 = arith.constant 176 : i32
    %add3A_678 = vector.broadcast %add3A_677 : i32 to vector<16xi32>
    %add3A_679 = arith.addi %iota3A_676, %add3A_678 : vector<16xi32>
    %lt3A_680 = arith.constant 1000 : i32
    %lt3A_681 = vector.broadcast %lt3A_680 : i32 to vector<16xi32>
    %lt3A_682 = arith.cmpi slt, %add3A_679, %lt3A_681 : vector<16xi32>
    %mul3A_683 = arith.constant 800 : i32
    %mul3A_684 = vector.broadcast %mul3A_683 : i32 to vector<16xi32>
    %mul3A_685 = arith.muli %get3A_669, %mul3A_684 : vector<16xi32>
    %add3A_686 = arith.addi %mul3A_685, %get3A_672 : vector<16xi32>
    %jit3A_687 = arith.constant 0 : i32
    %broadcast_in_dim3A_688 = vector.broadcast %jit3A_687 : i32 to vector<16xi32>
    %select_n3A_689 = arith.select %lt3A_682, %add3A_686, %broadcast_in_dim3A_688 : vector<16xi1>, vector<16xi32>
    %jit3A_690 = arith.constant 0.000000e+00 : f32
    %broadcast_in_dim3A_691 = vector.broadcast %jit3A_690 : f32 to vector<16xf32>
    %select_n3A_692 = arith.select %lt3A_682, %get3A_675, %broadcast_in_dim3A_691 : vector<16xi1>, vector<16xf32>
    %swap3A_693 = arith.constant 1 : i32
    %swap3A_694 = arith.index_cast %swap3A_693 : i32 to index
    %swap3A_695 = arith.constant 48 : index
    %swap3A_696 = tpu.vector_load %arg10[%swap3A_694, %swap3A_695] {strides = array<i32>} : memref<8x128xi32, #tpu.memory_space<vmem>>, vector<1x16xi32>,
    %swap3A_697 = vector.shape_cast %swap3A_696 : vector<1x16xi32> to vector<16xi32>
    %swap3A_698 = vector.shape_cast %select_n3A_689 : vector<16xi32> to vector<1x16xi32>
    tpu.vector_store %arg10[%swap3A_694, %swap3A_695], %swap3A_698 {strides = array<i32>} : memref<8x128xi32, #tpu.memory_space<vmem>>, vector<1x16xi32>,
    %swap3A_699 = arith.constant 1 : i32
    %swap3A_700 = arith.index_cast %swap3A_699 : i32 to index
    %swap3A_701 = arith.constant 48 : index
    %swap3A_702 = tpu.vector_load %arg11[%swap3A_700, %swap3A_701] {strides = array<i32>} : memref<8x128xf32, #tpu.memory_space<vmem>>, vector<1x16xf32>,
    %swap3A_703 = vector.shape_cast %swap3A_702 : vector<1x16xf32> to vector<16xf32>
    %swap3A_704 = vector.shape_cast %select_n3A_692 : vector<16xf32> to vector<1x16xf32>
    tpu.vector_store %arg11[%swap3A_700, %swap3A_701], %swap3A_704 {strides = array<i32>} : memref<8x128xf32, #tpu.memory_space<vmem>>, vector<1x16xf32>,
    %jit3A_705 = arith.constant 0 : i32
    %broadcast_in_dim3A_706 = vector.broadcast %jit3A_705 : i32 to vector<16xi32>
    %select_n3A_707 = arith.select %lt3A_682, %get3A_672, %broadcast_in_dim3A_706 : vector<16xi1>, vector<16xi32>
    %swap3A_708 = arith.constant 1 : i32
    %swap3A_709 = arith.index_cast %swap3A_708 : i32 to index
    %swap3A_710 = arith.constant 48 : index
    %swap3A_711 = tpu.vector_load %arg12[%swap3A_709, %swap3A_710] {strides = array<i32>} : memref<8x128xi32, #tpu.memory_space<vmem>>, vector<1x16xi32>,
    %swap3A_712 = vector.shape_cast %swap3A_711 : vector<1x16xi32> to vector<16xi32>
    %swap3A_713 = vector.shape_cast %select_n3A_707 : vector<16xi32> to vector<1x16xi32>
    tpu.vector_store %arg12[%swap3A_709, %swap3A_710], %swap3A_713 {strides = array<i32>} : memref<8x128xi32, #tpu.memory_space<vmem>>, vector<1x16xi32>,
    %jit3A_714 = arith.constant 1.000000e+00 : f32
    %jit3A_715 = arith.constant 0.000000e+00 : f32
    %broadcast_in_dim3A_716 = vector.broadcast %jit3A_714 : f32 to vector<16xf32>
    %broadcast_in_dim3A_717 = vector.broadcast %jit3A_715 : f32 to vector<16xf32>
    %select_n3A_718 = arith.select %lt3A_682, %broadcast_in_dim3A_716, %broadcast_in_dim3A_717 : vector<16xi1>, vector<16xf32>
    %swap3A_719 = arith.constant 1 : i32
    %swap3A_720 = arith.index_cast %swap3A_719 : i32 to index
    %swap3A_721 = arith.constant 48 : index
    %swap3A_722 = tpu.vector_load %arg13[%swap3A_720, %swap3A_721] {strides = array<i32>} : memref<8x128xf32, #tpu.memory_space<vmem>>, vector<1x16xf32>,
    %swap3A_723 = vector.shape_cast %swap3A_722 : vector<1x16xf32> to vector<16xf32>
    %swap3A_724 = vector.shape_cast %select_n3A_718 : vector<16xf32> to vector<1x16xf32>
    tpu.vector_store %arg13[%swap3A_720, %swap3A_721], %swap3A_724 {strides = array<i32>} : memref<8x128xf32, #tpu.memory_space<vmem>>, vector<1x16xf32>,
    %get3A_725 = arith.constant 192 : index
    %get3A_726 = tpu.vector_load %arg7[%get3A_725] {strides = array<i32>} : memref<1024xi32, #tpu.memory_space<vmem>>, vector<16xi32>,
    %get3A_727 = vector.shape_cast %get3A_726 : vector<16xi32> to vector<16xi32>
    %get3A_728 = arith.constant 192 : index
    %get3A_729 = tpu.vector_load %arg8[%get3A_728] {strides = array<i32>} : memref<1024xi32, #tpu.memory_space<vmem>>, vector<16xi32>,
    %get3A_730 = vector.shape_cast %get3A_729 : vector<16xi32> to vector<16xi32>
    %get3A_731 = arith.constant 192 : index
    %get3A_732 = tpu.vector_load %arg9[%get3A_731] {strides = array<i32>} : memref<1024xf32, #tpu.memory_space<vmem>>, vector<16xf32>,
    %get3A_733 = vector.shape_cast %get3A_732 : vector<16xf32> to vector<16xf32>
    %iota3A_734 = tpu.iota {dimensions = array<i32: 0>} : vector<16xi32>
    %add3A_735 = arith.constant 192 : i32
    %add3A_736 = vector.broadcast %add3A_735 : i32 to vector<16xi32>
    %add3A_737 = arith.addi %iota3A_734, %add3A_736 : vector<16xi32>
    %lt3A_738 = arith.constant 1000 : i32
    %lt3A_739 = vector.broadcast %lt3A_738 : i32 to vector<16xi32>
    %lt3A_740 = arith.cmpi slt, %add3A_737, %lt3A_739 : vector<16xi32>
    %mul3A_741 = arith.constant 800 : i32
    %mul3A_742 = vector.broadcast %mul3A_741 : i32 to vector<16xi32>
    %mul3A_743 = arith.muli %get3A_727, %mul3A_742 : vector<16xi32>
    %add3A_744 = arith.addi %mul3A_743, %get3A_730 : vector<16xi32>
    %jit3A_745 = arith.constant 0 : i32
    %broadcast_in_dim3A_746 = vector.broadcast %jit3A_745 : i32 to vector<16xi32>
    %select_n3A_747 = arith.select %lt3A_740, %add3A_744, %broadcast_in_dim3A_746 : vector<16xi1>, vector<16xi32>
    %jit3A_748 = arith.constant 0.000000e+00 : f32
    %broadcast_in_dim3A_749 = vector.broadcast %jit3A_748 : f32 to vector<16xf32>
    %select_n3A_750 = arith.select %lt3A_740, %get3A_733, %broadcast_in_dim3A_749 : vector<16xi1>, vector<16xf32>
    %swap3A_751 = arith.constant 1 : i32
    %swap3A_752 = arith.index_cast %swap3A_751 : i32 to index
    %swap3A_753 = arith.constant 64 : index
    %swap3A_754 = tpu.vector_load %arg10[%swap3A_752, %swap3A_753] {strides = array<i32>} : memref<8x128xi32, #tpu.memory_space<vmem>>, vector<1x16xi32>,
    %swap3A_755 = vector.shape_cast %swap3A_754 : vector<1x16xi32> to vector<16xi32>
    %swap3A_756 = vector.shape_cast %select_n3A_747 : vector<16xi32> to vector<1x16xi32>
    tpu.vector_store %arg10[%swap3A_752, %swap3A_753], %swap3A_756 {strides = array<i32>} : memref<8x128xi32, #tpu.memory_space<vmem>>, vector<1x16xi32>,
    %swap3A_757 = arith.constant 1 : i32
    %swap3A_758 = arith.index_cast %swap3A_757 : i32 to index
    %swap3A_759 = arith.constant 64 : index
    %swap3A_760 = tpu.vector_load %arg11[%swap3A_758, %swap3A_759] {strides = array<i32>} : memref<8x128xf32, #tpu.memory_space<vmem>>, vector<1x16xf32>,
    %swap3A_761 = vector.shape_cast %swap3A_760 : vector<1x16xf32> to vector<16xf32>
    %swap3A_762 = vector.shape_cast %select_n3A_750 : vector<16xf32> to vector<1x16xf32>
    tpu.vector_store %arg11[%swap3A_758, %swap3A_759], %swap3A_762 {strides = array<i32>} : memref<8x128xf32, #tpu.memory_space<vmem>>, vector<1x16xf32>,
    %jit3A_763 = arith.constant 0 : i32
    %broadcast_in_dim3A_764 = vector.broadcast %jit3A_763 : i32 to vector<16xi32>
    %select_n3A_765 = arith.select %lt3A_740, %get3A_730, %broadcast_in_dim3A_764 : vector<16xi1>, vector<16xi32>
    %swap3A_766 = arith.constant 1 : i32
    %swap3A_767 = arith.index_cast %swap3A_766 : i32 to index
    %swap3A_768 = arith.constant 64 : index
    %swap3A_769 = tpu.vector_load %arg12[%swap3A_767, %swap3A_768] {strides = array<i32>} : memref<8x128xi32, #tpu.memory_space<vmem>>, vector<1x16xi32>,
    %swap3A_770 = vector.shape_cast %swap3A_769 : vector<1x16xi32> to vector<16xi32>
    %swap3A_771 = vector.shape_cast %select_n3A_765 : vector<16xi32> to vector<1x16xi32>
    tpu.vector_store %arg12[%swap3A_767, %swap3A_768], %swap3A_771 {strides = array<i32>} : memref<8x128xi32, #tpu.memory_space<vmem>>, vector<1x16xi32>,
    %jit3A_772 = arith.constant 1.000000e+00 : f32
    %jit3A_773 = arith.constant 0.000000e+00 : f32
    %broadcast_in_dim3A_774 = vector.broadcast %jit3A_772 : f32 to vector<16xf32>
    %broadcast_in_dim3A_775 = vector.broadcast %jit3A_773 : f32 to vector<16xf32>
    %select_n3A_776 = arith.select %lt3A_740, %broadcast_in_dim3A_774, %broadcast_in_dim3A_775 : vector<16xi1>, vector<16xf32>
    %swap3A_777 = arith.constant 1 : i32
    %swap3A_778 = arith.index_cast %swap3A_777 : i32 to index
    %swap3A_779 = arith.constant 64 : index
    %swap3A_780 = tpu.vector_load %arg13[%swap3A_778, %swap3A_779] {strides = array<i32>} : memref<8x128xf32, #tpu.memory_space<vmem>>, vector<1x16xf32>,
    %swap3A_781 = vector.shape_cast %swap3A_780 : vector<1x16xf32> to vector<16xf32>
    %swap3A_782 = vector.shape_cast %select_n3A_776 : vector<16xf32> to vector<1x16xf32>
    tpu.vector_store %arg13[%swap3A_778, %swap3A_779], %swap3A_782 {strides = array<i32>} : memref<8x128xf32, #tpu.memory_space<vmem>>, vector<1x16xf32>,
    %get3A_783 = arith.constant 208 : index
    %get3A_784 = tpu.vector_load %arg7[%get3A_783] {strides = array<i32>} : memref<1024xi32, #tpu.memory_space<vmem>>, vector<16xi32>,
    %get3A_785 = vector.shape_cast %get3A_784 : vector<16xi32> to vector<16xi32>
    %get3A_786 = arith.constant 208 : index
    %get3A_787 = tpu.vector_load %arg8[%get3A_786] {strides = array<i32>} : memref<1024xi32, #tpu.memory_space<vmem>>, vector<16xi32>,
    %get3A_788 = vector.shape_cast %get3A_787 : vector<16xi32> to vector<16xi32>
    %get3A_789 = arith.constant 208 : index
    %get3A_790 = tpu.vector_load %arg9[%get3A_789] {strides = array<i32>} : memref<1024xf32, #tpu.memory_space<vmem>>, vector<16xf32>,
    %get3A_791 = vector.shape_cast %get3A_790 : vector<16xf32> to vector<16xf32>
    %iota3A_792 = tpu.iota {dimensions = array<i32: 0>} : vector<16xi32>
    %add3A_793 = arith.constant 208 : i32
    %add3A_794 = vector.broadcast %add3A_793 : i32 to vector<16xi32>
    %add3A_795 = arith.addi %iota3A_792, %add3A_794 : vector<16xi32>
    %lt3A_796 = arith.constant 1000 : i32
    %lt3A_797 = vector.broadcast %lt3A_796 : i32 to vector<16xi32>
    %lt3A_798 = arith.cmpi slt, %add3A_795, %lt3A_797 : vector<16xi32>
    %mul3A_799 = arith.constant 800 : i32
    %mul3A_800 = vector.broadcast %mul3A_799 : i32 to vector<16xi32>
    %mul3A_801 = arith.muli %get3A_785, %mul3A_800 : vector<16xi32>
    %add3A_802 = arith.addi %mul3A_801, %get3A_788 : vector<16xi32>
    %jit3A_803 = arith.constant 0 : i32
    %broadcast_in_dim3A_804 = vector.broadcast %jit3A_803 : i32 to vector<16xi32>
    %select_n3A_805 = arith.select %lt3A_798, %add3A_802, %broadcast_in_dim3A_804 : vector<16xi1>, vector<16xi32>
    %jit3A_806 = arith.constant 0.000000e+00 : f32
    %broadcast_in_dim3A_807 = vector.broadcast %jit3A_806 : f32 to vector<16xf32>
    %select_n3A_808 = arith.select %lt3A_798, %get3A_791, %broadcast_in_dim3A_807 : vector<16xi1>, vector<16xf32>
    %swap3A_809 = arith.constant 1 : i32
    %swap3A_810 = arith.index_cast %swap3A_809 : i32 to index
    %swap3A_811 = arith.constant 80 : index
    %swap3A_812 = tpu.vector_load %arg10[%swap3A_810, %swap3A_811] {strides = array<i32>} : memref<8x128xi32, #tpu.memory_space<vmem>>, vector<1x16xi32>,
    %swap3A_813 = vector.shape_cast %swap3A_812 : vector<1x16xi32> to vector<16xi32>
    %swap3A_814 = vector.shape_cast %select_n3A_805 : vector<16xi32> to vector<1x16xi32>
    tpu.vector_store %arg10[%swap3A_810, %swap3A_811], %swap3A_814 {strides = array<i32>} : memref<8x128xi32, #tpu.memory_space<vmem>>, vector<1x16xi32>,
    %swap3A_815 = arith.constant 1 : i32
    %swap3A_816 = arith.index_cast %swap3A_815 : i32 to index
    %swap3A_817 = arith.constant 80 : index
    %swap3A_818 = tpu.vector_load %arg11[%swap3A_816, %swap3A_817] {strides = array<i32>} : memref<8x128xf32, #tpu.memory_space<vmem>>, vector<1x16xf32>,
    %swap3A_819 = vector.shape_cast %swap3A_818 : vector<1x16xf32> to vector<16xf32>
    %swap3A_820 = vector.shape_cast %select_n3A_808 : vector<16xf32> to vector<1x16xf32>
    tpu.vector_store %arg11[%swap3A_816, %swap3A_817], %swap3A_820 {strides = array<i32>} : memref<8x128xf32, #tpu.memory_space<vmem>>, vector<1x16xf32>,
    %jit3A_821 = arith.constant 0 : i32
    %broadcast_in_dim3A_822 = vector.broadcast %jit3A_821 : i32 to vector<16xi32>
    %select_n3A_823 = arith.select %lt3A_798, %get3A_788, %broadcast_in_dim3A_822 : vector<16xi1>, vector<16xi32>
    %swap3A_824 = arith.constant 1 : i32
    %swap3A_825 = arith.index_cast %swap3A_824 : i32 to index
    %swap3A_826 = arith.constant 80 : index
    %swap3A_827 = tpu.vector_load %arg12[%swap3A_825, %swap3A_826] {strides = array<i32>} : memref<8x128xi32, #tpu.memory_space<vmem>>, vector<1x16xi32>,
    %swap3A_828 = vector.shape_cast %swap3A_827 : vector<1x16xi32> to vector<16xi32>
    %swap3A_829 = vector.shape_cast %select_n3A_823 : vector<16xi32> to vector<1x16xi32>
    tpu.vector_store %arg12[%swap3A_825, %swap3A_826], %swap3A_829 {strides = array<i32>} : memref<8x128xi32, #tpu.memory_space<vmem>>, vector<1x16xi32>,
    %jit3A_830 = arith.constant 1.000000e+00 : f32
    %jit3A_831 = arith.constant 0.000000e+00 : f32
    %broadcast_in_dim3A_832 = vector.broadcast %jit3A_830 : f32 to vector<16xf32>
    %broadcast_in_dim3A_833 = vector.broadcast %jit3A_831 : f32 to vector<16xf32>
    %select_n3A_834 = arith.select %lt3A_798, %broadcast_in_dim3A_832, %broadcast_in_dim3A_833 : vector<16xi1>, vector<16xf32>
    %swap3A_835 = arith.constant 1 : i32
    %swap3A_836 = arith.index_cast %swap3A_835 : i32 to index
    %swap3A_837 = arith.constant 80 : index
    %swap3A_838 = tpu.vector_load %arg13[%swap3A_836, %swap3A_837] {strides = array<i32>} : memref<8x128xf32, #tpu.memory_space<vmem>>, vector<1x16xf32>,
    %swap3A_839 = vector.shape_cast %swap3A_838 : vector<1x16xf32> to vector<16xf32>
    %swap3A_840 = vector.shape_cast %select_n3A_834 : vector<16xf32> to vector<1x16xf32>
    tpu.vector_store %arg13[%swap3A_836, %swap3A_837], %swap3A_840 {strides = array<i32>} : memref<8x128xf32, #tpu.memory_space<vmem>>, vector<1x16xf32>,
    %get3A_841 = arith.constant 224 : index
    %get3A_842 = tpu.vector_load %arg7[%get3A_841] {strides = array<i32>} : memref<1024xi32, #tpu.memory_space<vmem>>, vector<16xi32>,
    %get3A_843 = vector.shape_cast %get3A_842 : vector<16xi32> to vector<16xi32>
    %get3A_844 = arith.constant 224 : index
    %get3A_845 = tpu.vector_load %arg8[%get3A_844] {strides = array<i32>} : memref<1024xi32, #tpu.memory_space<vmem>>, vector<16xi32>,
    %get3A_846 = vector.shape_cast %get3A_845 : vector<16xi32> to vector<16xi32>
    %get3A_847 = arith.constant 224 : index
    %get3A_848 = tpu.vector_load %arg9[%get3A_847] {strides = array<i32>} : memref<1024xf32, #tpu.memory_space<vmem>>, vector<16xf32>,
    %get3A_849 = vector.shape_cast %get3A_848 : vector<16xf32> to vector<16xf32>
    %iota3A_850 = tpu.iota {dimensions = array<i32: 0>} : vector<16xi32>
    %add3A_851 = arith.constant 224 : i32
    %add3A_852 = vector.broadcast %add3A_851 : i32 to vector<16xi32>
    %add3A_853 = arith.addi %iota3A_850, %add3A_852 : vector<16xi32>
    %lt3A_854 = arith.constant 1000 : i32
    %lt3A_855 = vector.broadcast %lt3A_854 : i32 to vector<16xi32>
    %lt3A_856 = arith.cmpi slt, %add3A_853, %lt3A_855 : vector<16xi32>
    %mul3A_857 = arith.constant 800 : i32
    %mul3A_858 = vector.broadcast %mul3A_857 : i32 to vector<16xi32>
    %mul3A_859 = arith.muli %get3A_843, %mul3A_858 : vector<16xi32>
    %add3A_860 = arith.addi %mul3A_859, %get3A_846 : vector<16xi32>
    %jit3A_861 = arith.constant 0 : i32
    %broadcast_in_dim3A_862 = vector.broadcast %jit3A_861 : i32 to vector<16xi32>
    %select_n3A_863 = arith.select %lt3A_856, %add3A_860, %broadcast_in_dim3A_862 : vector<16xi1>, vector<16xi32>
    %jit3A_864 = arith.constant 0.000000e+00 : f32
    %broadcast_in_dim3A_865 = vector.broadcast %jit3A_864 : f32 to vector<16xf32>
    %select_n3A_866 = arith.select %lt3A_856, %get3A_849, %broadcast_in_dim3A_865 : vector<16xi1>, vector<16xf32>
    %swap3A_867 = arith.constant 1 : i32
    %swap3A_868 = arith.index_cast %swap3A_867 : i32 to index
    %swap3A_869 = arith.constant 96 : index
    %swap3A_870 = tpu.vector_load %arg10[%swap3A_868, %swap3A_869] {strides = array<i32>} : memref<8x128xi32, #tpu.memory_space<vmem>>, vector<1x16xi32>,
    %swap3A_871 = vector.shape_cast %swap3A_870 : vector<1x16xi32> to vector<16xi32>
    %swap3A_872 = vector.shape_cast %select_n3A_863 : vector<16xi32> to vector<1x16xi32>
    tpu.vector_store %arg10[%swap3A_868, %swap3A_869], %swap3A_872 {strides = array<i32>} : memref<8x128xi32, #tpu.memory_space<vmem>>, vector<1x16xi32>,
    %swap3A_873 = arith.constant 1 : i32
    %swap3A_874 = arith.index_cast %swap3A_873 : i32 to index
    %swap3A_875 = arith.constant 96 : index
    %swap3A_876 = tpu.vector_load %arg11[%swap3A_874, %swap3A_875] {strides = array<i32>} : memref<8x128xf32, #tpu.memory_space<vmem>>, vector<1x16xf32>,
    %swap3A_877 = vector.shape_cast %swap3A_876 : vector<1x16xf32> to vector<16xf32>
    %swap3A_878 = vector.shape_cast %select_n3A_866 : vector<16xf32> to vector<1x16xf32>
    tpu.vector_store %arg11[%swap3A_874, %swap3A_875], %swap3A_878 {strides = array<i32>} : memref<8x128xf32, #tpu.memory_space<vmem>>, vector<1x16xf32>,
    %jit3A_879 = arith.constant 0 : i32
    %broadcast_in_dim3A_880 = vector.broadcast %jit3A_879 : i32 to vector<16xi32>
    %select_n3A_881 = arith.select %lt3A_856, %get3A_846, %broadcast_in_dim3A_880 : vector<16xi1>, vector<16xi32>
    %swap3A_882 = arith.constant 1 : i32
    %swap3A_883 = arith.index_cast %swap3A_882 : i32 to index
    %swap3A_884 = arith.constant 96 : index
    %swap3A_885 = tpu.vector_load %arg12[%swap3A_883, %swap3A_884] {strides = array<i32>} : memref<8x128xi32, #tpu.memory_space<vmem>>, vector<1x16xi32>,
    %swap3A_886 = vector.shape_cast %swap3A_885 : vector<1x16xi32> to vector<16xi32>
    %swap3A_887 = vector.shape_cast %select_n3A_881 : vector<16xi32> to vector<1x16xi32>
    tpu.vector_store %arg12[%swap3A_883, %swap3A_884], %swap3A_887 {strides = array<i32>} : memref<8x128xi32, #tpu.memory_space<vmem>>, vector<1x16xi32>,
    %jit3A_888 = arith.constant 1.000000e+00 : f32
    %jit3A_889 = arith.constant 0.000000e+00 : f32
    %broadcast_in_dim3A_890 = vector.broadcast %jit3A_888 : f32 to vector<16xf32>
    %broadcast_in_dim3A_891 = vector.broadcast %jit3A_889 : f32 to vector<16xf32>
    %select_n3A_892 = arith.select %lt3A_856, %broadcast_in_dim3A_890, %broadcast_in_dim3A_891 : vector<16xi1>, vector<16xf32>
    %swap3A_893 = arith.constant 1 : i32
    %swap3A_894 = arith.index_cast %swap3A_893 : i32 to index
    %swap3A_895 = arith.constant 96 : index
    %swap3A_896 = tpu.vector_load %arg13[%swap3A_894, %swap3A_895] {strides = array<i32>} : memref<8x128xf32, #tpu.memory_space<vmem>>, vector<1x16xf32>,
    %swap3A_897 = vector.shape_cast %swap3A_896 : vector<1x16xf32> to vector<16xf32>
    %swap3A_898 = vector.shape_cast %select_n3A_892 : vector<16xf32> to vector<1x16xf32>
    tpu.vector_store %arg13[%swap3A_894, %swap3A_895], %swap3A_898 {strides = array<i32>} : memref<8x128xf32, #tpu.memory_space<vmem>>, vector<1x16xf32>,
    %get3A_899 = arith.constant 240 : index
    %get3A_900 = tpu.vector_load %arg7[%get3A_899] {strides = array<i32>} : memref<1024xi32, #tpu.memory_space<vmem>>, vector<16xi32>,
    %get3A_901 = vector.shape_cast %get3A_900 : vector<16xi32> to vector<16xi32>
    %get3A_902 = arith.constant 240 : index
    %get3A_903 = tpu.vector_load %arg8[%get3A_902] {strides = array<i32>} : memref<1024xi32, #tpu.memory_space<vmem>>, vector<16xi32>,
    %get3A_904 = vector.shape_cast %get3A_903 : vector<16xi32> to vector<16xi32>
    %get3A_905 = arith.constant 240 : index
    %get3A_906 = tpu.vector_load %arg9[%get3A_905] {strides = array<i32>} : memref<1024xf32, #tpu.memory_space<vmem>>, vector<16xf32>,
    %get3A_907 = vector.shape_cast %get3A_906 : vector<16xf32> to vector<16xf32>
    %iota3A_908 = tpu.iota {dimensions = array<i32: 0>} : vector<16xi32>
    %add3A_909 = arith.constant 240 : i32
    %add3A_910 = vector.broadcast %add3A_909 : i32 to vector<16xi32>
    %add3A_911 = arith.addi %iota3A_908, %add3A_910 : vector<16xi32>
    %lt3A_912 = arith.constant 1000 : i32
    %lt3A_913 = vector.broadcast %lt3A_912 : i32 to vector<16xi32>
    %lt3A_914 = arith.cmpi slt, %add3A_911, %lt3A_913 : vector<16xi32>
    %mul3A_915 = arith.constant 800 : i32
    %mul3A_916 = vector.broadcast %mul3A_915 : i32 to vector<16xi32>
    %mul3A_917 = arith.muli %get3A_901, %mul3A_916 : vector<16xi32>
    %add3A_918 = arith.addi %mul3A_917, %get3A_904 : vector<16xi32>
    %jit3A_919 = arith.constant 0 : i32
    %broadcast_in_dim3A_920 = vector.broadcast %jit3A_919 : i32 to vector<16xi32>
    %select_n3A_921 = arith.select %lt3A_914, %add3A_918, %broadcast_in_dim3A_920 : vector<16xi1>, vector<16xi32>
    %jit3A_922 = arith.constant 0.000000e+00 : f32
    %broadcast_in_dim3A_923 = vector.broadcast %jit3A_922 : f32 to vector<16xf32>
    %select_n3A_924 = arith.select %lt3A_914, %get3A_907, %broadcast_in_dim3A_923 : vector<16xi1>, vector<16xf32>
    %swap3A_925 = arith.constant 1 : i32
    %swap3A_926 = arith.index_cast %swap3A_925 : i32 to index
    %swap3A_927 = arith.constant 112 : index
    %swap3A_928 = tpu.vector_load %arg10[%swap3A_926, %swap3A_927] {strides = array<i32>} : memref<8x128xi32, #tpu.memory_space<vmem>>, vector<1x16xi32>,
    %swap3A_929 = vector.shape_cast %swap3A_928 : vector<1x16xi32> to vector<16xi32>
    %swap3A_930 = vector.shape_cast %select_n3A_921 : vector<16xi32> to vector<1x16xi32>
    tpu.vector_store %arg10[%swap3A_926, %swap3A_927], %swap3A_930 {strides = array<i32>} : memref<8x128xi32, #tpu.memory_space<vmem>>, vector<1x16xi32>,
    %swap3A_931 = arith.constant 1 : i32
    %swap3A_932 = arith.index_cast %swap3A_931 : i32 to index
    %swap3A_933 = arith.constant 112 : index
    %swap3A_934 = tpu.vector_load %arg11[%swap3A_932, %swap3A_933] {strides = array<i32>} : memref<8x128xf32, #tpu.memory_space<vmem>>, vector<1x16xf32>,
    %swap3A_935 = vector.shape_cast %swap3A_934 : vector<1x16xf32> to vector<16xf32>
    %swap3A_936 = vector.shape_cast %select_n3A_924 : vector<16xf32> to vector<1x16xf32>
    tpu.vector_store %arg11[%swap3A_932, %swap3A_933], %swap3A_936 {strides = array<i32>} : memref<8x128xf32, #tpu.memory_space<vmem>>, vector<1x16xf32>,
    %jit3A_937 = arith.constant 0 : i32
    %broadcast_in_dim3A_938 = vector.broadcast %jit3A_937 : i32 to vector<16xi32>
    %select_n3A_939 = arith.select %lt3A_914, %get3A_904, %broadcast_in_dim3A_938 : vector<16xi1>, vector<16xi32>
    %swap3A_940 = arith.constant 1 : i32
    %swap3A_941 = arith.index_cast %swap3A_940 : i32 to index
    %swap3A_942 = arith.constant 112 : index
    %swap3A_943 = tpu.vector_load %arg12[%swap3A_941, %swap3A_942] {strides = array<i32>} : memref<8x128xi32, #tpu.memory_space<vmem>>, vector<1x16xi32>,
    %swap3A_944 = vector.shape_cast %swap3A_943 : vector<1x16xi32> to vector<16xi32>
    %swap3A_945 = vector.shape_cast %select_n3A_939 : vector<16xi32> to vector<1x16xi32>
    tpu.vector_store %arg12[%swap3A_941, %swap3A_942], %swap3A_945 {strides = array<i32>} : memref<8x128xi32, #tpu.memory_space<vmem>>, vector<1x16xi32>,
    %jit3A_946 = arith.constant 1.000000e+00 : f32
    %jit3A_947 = arith.constant 0.000000e+00 : f32
    %broadcast_in_dim3A_948 = vector.broadcast %jit3A_946 : f32 to vector<16xf32>
    %broadcast_in_dim3A_949 = vector.broadcast %jit3A_947 : f32 to vector<16xf32>
    %select_n3A_950 = arith.select %lt3A_914, %broadcast_in_dim3A_948, %broadcast_in_dim3A_949 : vector<16xi1>, vector<16xf32>
    %swap3A_951 = arith.constant 1 : i32
    %swap3A_952 = arith.index_cast %swap3A_951 : i32 to index
    %swap3A_953 = arith.constant 112 : index
    %swap3A_954 = tpu.vector_load %arg13[%swap3A_952, %swap3A_953] {strides = array<i32>} : memref<8x128xf32, #tpu.memory_space<vmem>>, vector<1x16xf32>,
    %swap3A_955 = vector.shape_cast %swap3A_954 : vector<1x16xf32> to vector<16xf32>
    %swap3A_956 = vector.shape_cast %select_n3A_950 : vector<16xf32> to vector<1x16xf32>
    tpu.vector_store %arg13[%swap3A_952, %swap3A_953], %swap3A_956 {strides = array<i32>} : memref<8x128xf32, #tpu.memory_space<vmem>>, vector<1x16xf32>,
    %get3A_957 = arith.constant 256 : index
    %get3A_958 = tpu.vector_load %arg7[%get3A_957] {strides = array<i32>} : memref<1024xi32, #tpu.memory_space<vmem>>, vector<16xi32>,
    %get3A_959 = vector.shape_cast %get3A_958 : vector<16xi32> to vector<16xi32>
    %get3A_960 = arith.constant 256 : index
    %get3A_961 = tpu.vector_load %arg8[%get3A_960] {strides = array<i32>} : memref<1024xi32, #tpu.memory_space<vmem>>, vector<16xi32>,
    %get3A_962 = vector.shape_cast %get3A_961 : vector<16xi32> to vector<16xi32>
    %get3A_963 = arith.constant 256 : index
    %get3A_964 = tpu.vector_load %arg9[%get3A_963] {strides = array<i32>} : memref<1024xf32, #tpu.memory_space<vmem>>, vector<16xf32>,
    %get3A_965 = vector.shape_cast %get3A_964 : vector<16xf32> to vector<16xf32>
    %iota3A_966 = tpu.iota {dimensions = array<i32: 0>} : vector<16xi32>
    %add3A_967 = arith.constant 256 : i32
    %add3A_968 = vector.broadcast %add3A_967 : i32 to vector<16xi32>
    %add3A_969 = arith.addi %iota3A_966, %add3A_968 : vector<16xi32>
    %lt3A_970 = arith.constant 1000 : i32
    %lt3A_971 = vector.broadcast %lt3A_970 : i32 to vector<16xi32>
    %lt3A_972 = arith.cmpi slt, %add3A_969, %lt3A_971 : vector<16xi32>
    %mul3A_973 = arith.constant 800 : i32
    %mul3A_974 = vector.broadcast %mul3A_973 : i32 to vector<16xi32>
    %mul3A_975 = arith.muli %get3A_959, %mul3A_974 : vector<16xi32>
    %add3A_976 = arith.addi %mul3A_975, %get3A_962 : vector<16xi32>
    %jit3A_977 = arith.constant 0 : i32
    %broadcast_in_dim3A_978 = vector.broadcast %jit3A_977 : i32 to vector<16xi32>
    %select_n3A_979 = arith.select %lt3A_972, %add3A_976, %broadcast_in_dim3A_978 : vector<16xi1>, vector<16xi32>
    %jit3A_980 = arith.constant 0.000000e+00 : f32
    %broadcast_in_dim3A_981 = vector.broadcast %jit3A_980 : f32 to vector<16xf32>
    %select_n3A_982 = arith.select %lt3A_972, %get3A_965, %broadcast_in_dim3A_981 : vector<16xi1>, vector<16xf32>
    %swap3A_983 = arith.constant 2 : i32
    %swap3A_984 = arith.index_cast %swap3A_983 : i32 to index
    %swap3A_985 = arith.constant 0 : index
    %swap3A_986 = tpu.vector_load %arg10[%swap3A_984, %swap3A_985] {strides = array<i32>} : memref<8x128xi32, #tpu.memory_space<vmem>>, vector<1x16xi32>,
    %swap3A_987 = vector.shape_cast %swap3A_986 : vector<1x16xi32> to vector<16xi32>
    %swap3A_988 = vector.shape_cast %select_n3A_979 : vector<16xi32> to vector<1x16xi32>
    tpu.vector_store %arg10[%swap3A_984, %swap3A_985], %swap3A_988 {strides = array<i32>} : memref<8x128xi32, #tpu.memory_space<vmem>>, vector<1x16xi32>,
    %swap3A_989 = arith.constant 2 : i32
    %swap3A_990 = arith.index_cast %swap3A_989 : i32 to index
    %swap3A_991 = arith.constant 0 : index
    %swap3A_992 = tpu.vector_load %arg11[%swap3A_990, %swap3A_991] {strides = array<i32>} : memref<8x128xf32, #tpu.memory_space<vmem>>, vector<1x16xf32>,
    %swap3A_993 = vector.shape_cast %swap3A_992 : vector<1x16xf32> to vector<16xf32>
    %swap3A_994 = vector.shape_cast %select_n3A_982 : vector<16xf32> to vector<1x16xf32>
    tpu.vector_store %arg11[%swap3A_990, %swap3A_991], %swap3A_994 {strides = array<i32>} : memref<8x128xf32, #tpu.memory_space<vmem>>, vector<1x16xf32>,
    %jit3A_995 = arith.constant 0 : i32
    %broadcast_in_dim3A_996 = vector.broadcast %jit3A_995 : i32 to vector<16xi32>
    %select_n3A_997 = arith.select %lt3A_972, %get3A_962, %broadcast_in_dim3A_996 : vector<16xi1>, vector<16xi32>
    %swap3A_998 = arith.constant 2 : i32
    %swap3A_999 = arith.index_cast %swap3A_998 : i32 to index
    %swap3A_1000 = arith.constant 0 : index
    %swap3A_1001 = tpu.vector_load %arg12[%swap3A_999, %swap3A_1000] {strides = array<i32>} : memref<8x128xi32, #tpu.memory_space<vmem>>, vector<1x16xi32>,
    %swap3A_1002 = vector.shape_cast %swap3A_1001 : vector<1x16xi32> to vector<16xi32>
    %swap3A_1003 = vector.shape_cast %select_n3A_997 : vector<16xi32> to vector<1x16xi32>
    tpu.vector_store %arg12[%swap3A_999, %swap3A_1000], %swap3A_1003 {strides = array<i32>} : memref<8x128xi32, #tpu.memory_space<vmem>>, vector<1x16xi32>,
    %jit3A_1004 = arith.constant 1.000000e+00 : f32
    %jit3A_1005 = arith.constant 0.000000e+00 : f32
    %broadcast_in_dim3A_1006 = vector.broadcast %jit3A_1004 : f32 to vector<16xf32>
    %broadcast_in_dim3A_1007 = vector.broadcast %jit3A_1005 : f32 to vector<16xf32>
    %select_n3A_1008 = arith.select %lt3A_972, %broadcast_in_dim3A_1006, %broadcast_in_dim3A_1007 : vector<16xi1>, vector<16xf32>
    %swap3A_1009 = arith.constant 2 : i32
    %swap3A_1010 = arith.index_cast %swap3A_1009 : i32 to index
    %swap3A_1011 = arith.constant 0 : index
    %swap3A_1012 = tpu.vector_load %arg13[%swap3A_1010, %swap3A_1011] {strides = array<i32>} : memref<8x128xf32, #tpu.memory_space<vmem>>, vector<1x16xf32>,
    %swap3A_1013 = vector.shape_cast %swap3A_1012 : vector<1x16xf32> to vector<16xf32>
    %swap3A_1014 = vector.shape_cast %select_n3A_1008 : vector<16xf32> to vector<1x16xf32>
    tpu.vector_store %arg13[%swap3A_1010, %swap3A_1011], %swap3A_1014 {strides = array<i32>} : memref<8x128xf32, #tpu.memory_space<vmem>>, vector<1x16xf32>,
    %get3A_1015 = arith.constant 272 : index
    %get3A_1016 = tpu.vector_load %arg7[%get3A_1015] {strides = array<i32>} : memref<1024xi32, #tpu.memory_space<vmem>>, vector<16xi32>,
    %get3A_1017 = vector.shape_cast %get3A_1016 : vector<16xi32> to vector<16xi32>
    %get3A_1018 = arith.constant 272 : index
    %get3A_1019 = tpu.vector_load %arg8[%get3A_1018] {strides = array<i32>} : memref<1024xi32, #tpu.memory_space<vmem>>, vector<16xi32>,
    %get3A_1020 = vector.shape_cast %get3A_1019 : vector<16xi32> to vector<16xi32>
    %get3A_1021 = arith.constant 272 : index
    %get3A_1022 = tpu.vector_load %arg9[%get3A_1021] {strides = array<i32>} : memref<1024xf32, #tpu.memory_space<vmem>>, vector<16xf32>,
    %get3A_1023 = vector.shape_cast %get3A_1022 : vector<16xf32> to vector<16xf32>
    %iota3A_1024 = tpu.iota {dimensions = array<i32: 0>} : vector<16xi32>
    %add3A_1025 = arith.constant 272 : i32
    %add3A_1026 = vector.broadcast %add3A_1025 : i32 to vector<16xi32>
    %add3A_1027 = arith.addi %iota3A_1024, %add3A_1026 : vector<16xi32>
    %lt3A_1028 = arith.constant 1000 : i32
    %lt3A_1029 = vector.broadcast %lt3A_1028 : i32 to vector<16xi32>
    %lt3A_1030 = arith.cmpi slt, %add3A_1027, %lt3A_1029 : vector<16xi32>
    %mul3A_1031 = arith.constant 800 : i32
    %mul3A_1032 = vector.broadcast %mul3A_1031 : i32 to vector<16xi32>
    %mul3A_1033 = arith.muli %get3A_1017, %mul3A_1032 : vector<16xi32>
    %add3A_1034 = arith.addi %mul3A_1033, %get3A_1020 : vector<16xi32>
    %jit3A_1035 = arith.constant 0 : i32
    %broadcast_in_dim3A_1036 = vector.broadcast %jit3A_1035 : i32 to vector<16xi32>
    %select_n3A_1037 = arith.select %lt3A_1030, %add3A_1034, %broadcast_in_dim3A_1036 : vector<16xi1>, vector<16xi32>
    %jit3A_1038 = arith.constant 0.000000e+00 : f32
    %broadcast_in_dim3A_1039 = vector.broadcast %jit3A_1038 : f32 to vector<16xf32>
    %select_n3A_1040 = arith.select %lt3A_1030, %get3A_1023, %broadcast_in_dim3A_1039 : vector<16xi1>, vector<16xf32>
    %swap3A_1041 = arith.constant 2 : i32
    %swap3A_1042 = arith.index_cast %swap3A_1041 : i32 to index
    %swap3A_1043 = arith.constant 16 : index
    %swap3A_1044 = tpu.vector_load %arg10[%swap3A_1042, %swap3A_1043] {strides = array<i32>} : memref<8x128xi32, #tpu.memory_space<vmem>>, vector<1x16xi32>,
    %swap3A_1045 = vector.shape_cast %swap3A_1044 : vector<1x16xi32> to vector<16xi32>
    %swap3A_1046 = vector.shape_cast %select_n3A_1037 : vector<16xi32> to vector<1x16xi32>
    tpu.vector_store %arg10[%swap3A_1042, %swap3A_1043], %swap3A_1046 {strides = array<i32>} : memref<8x128xi32, #tpu.memory_space<vmem>>, vector<1x16xi32>,
    %swap3A_1047 = arith.constant 2 : i32
    %swap3A_1048 = arith.index_cast %swap3A_1047 : i32 to index
    %swap3A_1049 = arith.constant 16 : index
    %swap3A_1050 = tpu.vector_load %arg11[%swap3A_1048, %swap3A_1049] {strides = array<i32>} : memref<8x128xf32, #tpu.memory_space<vmem>>, vector<1x16xf32>,
    %swap3A_1051 = vector.shape_cast %swap3A_1050 : vector<1x16xf32> to vector<16xf32>
    %swap3A_1052 = vector.shape_cast %select_n3A_1040 : vector<16xf32> to vector<1x16xf32>
    tpu.vector_store %arg11[%swap3A_1048, %swap3A_1049], %swap3A_1052 {strides = array<i32>} : memref<8x128xf32, #tpu.memory_space<vmem>>, vector<1x16xf32>,
    %jit3A_1053 = arith.constant 0 : i32
    %broadcast_in_dim3A_1054 = vector.broadcast %jit3A_1053 : i32 to vector<16xi32>
    %select_n3A_1055 = arith.select %lt3A_1030, %get3A_1020, %broadcast_in_dim3A_1054 : vector<16xi1>, vector<16xi32>
    %swap3A_1056 = arith.constant 2 : i32
    %swap3A_1057 = arith.index_cast %swap3A_1056 : i32 to index
    %swap3A_1058 = arith.constant 16 : index
    %swap3A_1059 = tpu.vector_load %arg12[%swap3A_1057, %swap3A_1058] {strides = array<i32>} : memref<8x128xi32, #tpu.memory_space<vmem>>, vector<1x16xi32>,
    %swap3A_1060 = vector.shape_cast %swap3A_1059 : vector<1x16xi32> to vector<16xi32>
    %swap3A_1061 = vector.shape_cast %select_n3A_1055 : vector<16xi32> to vector<1x16xi32>
    tpu.vector_store %arg12[%swap3A_1057, %swap3A_1058], %swap3A_1061 {strides = array<i32>} : memref<8x128xi32, #tpu.memory_space<vmem>>, vector<1x16xi32>,
    %jit3A_1062 = arith.constant 1.000000e+00 : f32
    %jit3A_1063 = arith.constant 0.000000e+00 : f32
    %broadcast_in_dim3A_1064 = vector.broadcast %jit3A_1062 : f32 to vector<16xf32>
    %broadcast_in_dim3A_1065 = vector.broadcast %jit3A_1063 : f32 to vector<16xf32>
    %select_n3A_1066 = arith.select %lt3A_1030, %broadcast_in_dim3A_1064, %broadcast_in_dim3A_1065 : vector<16xi1>, vector<16xf32>
    %swap3A_1067 = arith.constant 2 : i32
    %swap3A_1068 = arith.index_cast %swap3A_1067 : i32 to index
    %swap3A_1069 = arith.constant 16 : index
    %swap3A_1070 = tpu.vector_load %arg13[%swap3A_1068, %swap3A_1069] {strides = array<i32>} : memref<8x128xf32, #tpu.memory_space<vmem>>, vector<1x16xf32>,
    %swap3A_1071 = vector.shape_cast %swap3A_1070 : vector<1x16xf32> to vector<16xf32>
    %swap3A_1072 = vector.shape_cast %select_n3A_1066 : vector<16xf32> to vector<1x16xf32>
    tpu.vector_store %arg13[%swap3A_1068, %swap3A_1069], %swap3A_1072 {strides = array<i32>} : memref<8x128xf32, #tpu.memory_space<vmem>>, vector<1x16xf32>,
    %get3A_1073 = arith.constant 288 : index
    %get3A_1074 = tpu.vector_load %arg7[%get3A_1073] {strides = array<i32>} : memref<1024xi32, #tpu.memory_space<vmem>>, vector<16xi32>,
    %get3A_1075 = vector.shape_cast %get3A_1074 : vector<16xi32> to vector<16xi32>
    %get3A_1076 = arith.constant 288 : index
    %get3A_1077 = tpu.vector_load %arg8[%get3A_1076] {strides = array<i32>} : memref<1024xi32, #tpu.memory_space<vmem>>, vector<16xi32>,
    %get3A_1078 = vector.shape_cast %get3A_1077 : vector<16xi32> to vector<16xi32>
    %get3A_1079 = arith.constant 288 : index
    %get3A_1080 = tpu.vector_load %arg9[%get3A_1079] {strides = array<i32>} : memref<1024xf32, #tpu.memory_space<vmem>>, vector<16xf32>,
    %get3A_1081 = vector.shape_cast %get3A_1080 : vector<16xf32> to vector<16xf32>
    %iota3A_1082 = tpu.iota {dimensions = array<i32: 0>} : vector<16xi32>
    %add3A_1083 = arith.constant 288 : i32
    %add3A_1084 = vector.broadcast %add3A_1083 : i32 to vector<16xi32>
    %add3A_1085 = arith.addi %iota3A_1082, %add3A_1084 : vector<16xi32>
    %lt3A_1086 = arith.constant 1000 : i32
    %lt3A_1087 = vector.broadcast %lt3A_1086 : i32 to vector<16xi32>
    %lt3A_1088 = arith.cmpi slt, %add3A_1085, %lt3A_1087 : vector<16xi32>
    %mul3A_1089 = arith.constant 800 : i32
    %mul3A_1090 = vector.broadcast %mul3A_1089 : i32 to vector<16xi32>
    %mul3A_1091 = arith.muli %get3A_1075, %mul3A_1090 : vector<16xi32>
    %add3A_1092 = arith.addi %mul3A_1091, %get3A_1078 : vector<16xi32>
    %jit3A_1093 = arith.constant 0 : i32
    %broadcast_in_dim3A_1094 = vector.broadcast %jit3A_1093 : i32 to vector<16xi32>
    %select_n3A_1095 = arith.select %lt3A_1088, %add3A_1092, %broadcast_in_dim3A_1094 : vector<16xi1>, vector<16xi32>
    %jit3A_1096 = arith.constant 0.000000e+00 : f32
    %broadcast_in_dim3A_1097 = vector.broadcast %jit3A_1096 : f32 to vector<16xf32>
    %select_n3A_1098 = arith.select %lt3A_1088, %get3A_1081, %broadcast_in_dim3A_1097 : vector<16xi1>, vector<16xf32>
    %swap3A_1099 = arith.constant 2 : i32
    %swap3A_1100 = arith.index_cast %swap3A_1099 : i32 to index
    %swap3A_1101 = arith.constant 32 : index
    %swap3A_1102 = tpu.vector_load %arg10[%swap3A_1100, %swap3A_1101] {strides = array<i32>} : memref<8x128xi32, #tpu.memory_space<vmem>>, vector<1x16xi32>,
    %swap3A_1103 = vector.shape_cast %swap3A_1102 : vector<1x16xi32> to vector<16xi32>
    %swap3A_1104 = vector.shape_cast %select_n3A_1095 : vector<16xi32> to vector<1x16xi32>
    tpu.vector_store %arg10[%swap3A_1100, %swap3A_1101], %swap3A_1104 {strides = array<i32>} : memref<8x128xi32, #tpu.memory_space<vmem>>, vector<1x16xi32>,
    %swap3A_1105 = arith.constant 2 : i32
    %swap3A_1106 = arith.index_cast %swap3A_1105 : i32 to index
    %swap3A_1107 = arith.constant 32 : index
    %swap3A_1108 = tpu.vector_load %arg11[%swap3A_1106, %swap3A_1107] {strides = array<i32>} : memref<8x128xf32, #tpu.memory_space<vmem>>, vector<1x16xf32>,
    %swap3A_1109 = vector.shape_cast %swap3A_1108 : vector<1x16xf32> to vector<16xf32>
    %swap3A_1110 = vector.shape_cast %select_n3A_1098 : vector<16xf32> to vector<1x16xf32>
    tpu.vector_store %arg11[%swap3A_1106, %swap3A_1107], %swap3A_1110 {strides = array<i32>} : memref<8x128xf32, #tpu.memory_space<vmem>>, vector<1x16xf32>,
    %jit3A_1111 = arith.constant 0 : i32
    %broadcast_in_dim3A_1112 = vector.broadcast %jit3A_1111 : i32 to vector<16xi32>
    %select_n3A_1113 = arith.select %lt3A_1088, %get3A_1078, %broadcast_in_dim3A_1112 : vector<16xi1>, vector<16xi32>
    %swap3A_1114 = arith.constant 2 : i32
    %swap3A_1115 = arith.index_cast %swap3A_1114 : i32 to index
    %swap3A_1116 = arith.constant 32 : index
    %swap3A_1117 = tpu.vector_load %arg12[%swap3A_1115, %swap3A_1116] {strides = array<i32>} : memref<8x128xi32, #tpu.memory_space<vmem>>, vector<1x16xi32>,
    %swap3A_1118 = vector.shape_cast %swap3A_1117 : vector<1x16xi32> to vector<16xi32>
    %swap3A_1119 = vector.shape_cast %select_n3A_1113 : vector<16xi32> to vector<1x16xi32>
    tpu.vector_store %arg12[%swap3A_1115, %swap3A_1116], %swap3A_1119 {strides = array<i32>} : memref<8x128xi32, #tpu.memory_space<vmem>>, vector<1x16xi32>,
    %jit3A_1120 = arith.constant 1.000000e+00 : f32
    %jit3A_1121 = arith.constant 0.000000e+00 : f32
    %broadcast_in_dim3A_1122 = vector.broadcast %jit3A_1120 : f32 to vector<16xf32>
    %broadcast_in_dim3A_1123 = vector.broadcast %jit3A_1121 : f32 to vector<16xf32>
    %select_n3A_1124 = arith.select %lt3A_1088, %broadcast_in_dim3A_1122, %broadcast_in_dim3A_1123 : vector<16xi1>, vector<16xf32>
    %swap3A_1125 = arith.constant 2 : i32
    %swap3A_1126 = arith.index_cast %swap3A_1125 : i32 to index
    %swap3A_1127 = arith.constant 32 : index
    %swap3A_1128 = tpu.vector_load %arg13[%swap3A_1126, %swap3A_1127] {strides = array<i32>} : memref<8x128xf32, #tpu.memory_space<vmem>>, vector<1x16xf32>,
    %swap3A_1129 = vector.shape_cast %swap3A_1128 : vector<1x16xf32> to vector<16xf32>
    %swap3A_1130 = vector.shape_cast %select_n3A_1124 : vector<16xf32> to vector<1x16xf32>
    tpu.vector_store %arg13[%swap3A_1126, %swap3A_1127], %swap3A_1130 {strides = array<i32>} : memref<8x128xf32, #tpu.memory_space<vmem>>, vector<1x16xf32>,
    %get3A_1131 = arith.constant 304 : index
    %get3A_1132 = tpu.vector_load %arg7[%get3A_1131] {strides = array<i32>} : memref<1024xi32, #tpu.memory_space<vmem>>, vector<16xi32>,
    %get3A_1133 = vector.shape_cast %get3A_1132 : vector<16xi32> to vector<16xi32>
    %get3A_1134 = arith.constant 304 : index
    %get3A_1135 = tpu.vector_load %arg8[%get3A_1134] {strides = array<i32>} : memref<1024xi32, #tpu.memory_space<vmem>>, vector<16xi32>,
    %get3A_1136 = vector.shape_cast %get3A_1135 : vector<16xi32> to vector<16xi32>
    %get3A_1137 = arith.constant 304 : index
    %get3A_1138 = tpu.vector_load %arg9[%get3A_1137] {strides = array<i32>} : memref<1024xf32, #tpu.memory_space<vmem>>, vector<16xf32>,
    %get3A_1139 = vector.shape_cast %get3A_1138 : vector<16xf32> to vector<16xf32>
    %iota3A_1140 = tpu.iota {dimensions = array<i32: 0>} : vector<16xi32>
    %add3A_1141 = arith.constant 304 : i32
    %add3A_1142 = vector.broadcast %add3A_1141 : i32 to vector<16xi32>
    %add3A_1143 = arith.addi %iota3A_1140, %add3A_1142 : vector<16xi32>
    %lt3A_1144 = arith.constant 1000 : i32
    %lt3A_1145 = vector.broadcast %lt3A_1144 : i32 to vector<16xi32>
    %lt3A_1146 = arith.cmpi slt, %add3A_1143, %lt3A_1145 : vector<16xi32>
    %mul3A_1147 = arith.constant 800 : i32
    %mul3A_1148 = vector.broadcast %mul3A_1147 : i32 to vector<16xi32>
    %mul3A_1149 = arith.muli %get3A_1133, %mul3A_1148 : vector<16xi32>
    %add3A_1150 = arith.addi %mul3A_1149, %get3A_1136 : vector<16xi32>
    %jit3A_1151 = arith.constant 0 : i32
    %broadcast_in_dim3A_1152 = vector.broadcast %jit3A_1151 : i32 to vector<16xi32>
    %select_n3A_1153 = arith.select %lt3A_1146, %add3A_1150, %broadcast_in_dim3A_1152 : vector<16xi1>, vector<16xi32>
    %jit3A_1154 = arith.constant 0.000000e+00 : f32
    %broadcast_in_dim3A_1155 = vector.broadcast %jit3A_1154 : f32 to vector<16xf32>
    %select_n3A_1156 = arith.select %lt3A_1146, %get3A_1139, %broadcast_in_dim3A_1155 : vector<16xi1>, vector<16xf32>
    %swap3A_1157 = arith.constant 2 : i32
    %swap3A_1158 = arith.index_cast %swap3A_1157 : i32 to index
    %swap3A_1159 = arith.constant 48 : index
    %swap3A_1160 = tpu.vector_load %arg10[%swap3A_1158, %swap3A_1159] {strides = array<i32>} : memref<8x128xi32, #tpu.memory_space<vmem>>, vector<1x16xi32>,
    %swap3A_1161 = vector.shape_cast %swap3A_1160 : vector<1x16xi32> to vector<16xi32>
    %swap3A_1162 = vector.shape_cast %select_n3A_1153 : vector<16xi32> to vector<1x16xi32>
    tpu.vector_store %arg10[%swap3A_1158, %swap3A_1159], %swap3A_1162 {strides = array<i32>} : memref<8x128xi32, #tpu.memory_space<vmem>>, vector<1x16xi32>,
    %swap3A_1163 = arith.constant 2 : i32
    %swap3A_1164 = arith.index_cast %swap3A_1163 : i32 to index
    %swap3A_1165 = arith.constant 48 : index
    %swap3A_1166 = tpu.vector_load %arg11[%swap3A_1164, %swap3A_1165] {strides = array<i32>} : memref<8x128xf32, #tpu.memory_space<vmem>>, vector<1x16xf32>,
    %swap3A_1167 = vector.shape_cast %swap3A_1166 : vector<1x16xf32> to vector<16xf32>
    %swap3A_1168 = vector.shape_cast %select_n3A_1156 : vector<16xf32> to vector<1x16xf32>
    tpu.vector_store %arg11[%swap3A_1164, %swap3A_1165], %swap3A_1168 {strides = array<i32>} : memref<8x128xf32, #tpu.memory_space<vmem>>, vector<1x16xf32>,
    %jit3A_1169 = arith.constant 0 : i32
    %broadcast_in_dim3A_1170 = vector.broadcast %jit3A_1169 : i32 to vector<16xi32>
    %select_n3A_1171 = arith.select %lt3A_1146, %get3A_1136, %broadcast_in_dim3A_1170 : vector<16xi1>, vector<16xi32>
    %swap3A_1172 = arith.constant 2 : i32
    %swap3A_1173 = arith.index_cast %swap3A_1172 : i32 to index
    %swap3A_1174 = arith.constant 48 : index
    %swap3A_1175 = tpu.vector_load %arg12[%swap3A_1173, %swap3A_1174] {strides = array<i32>} : memref<8x128xi32, #tpu.memory_space<vmem>>, vector<1x16xi32>,
    %swap3A_1176 = vector.shape_cast %swap3A_1175 : vector<1x16xi32> to vector<16xi32>
    %swap3A_1177 = vector.shape_cast %select_n3A_1171 : vector<16xi32> to vector<1x16xi32>
    tpu.vector_store %arg12[%swap3A_1173, %swap3A_1174], %swap3A_1177 {strides = array<i32>} : memref<8x128xi32, #tpu.memory_space<vmem>>, vector<1x16xi32>,
    %jit3A_1178 = arith.constant 1.000000e+00 : f32
    %jit3A_1179 = arith.constant 0.000000e+00 : f32
    %broadcast_in_dim3A_1180 = vector.broadcast %jit3A_1178 : f32 to vector<16xf32>
    %broadcast_in_dim3A_1181 = vector.broadcast %jit3A_1179 : f32 to vector<16xf32>
    %select_n3A_1182 = arith.select %lt3A_1146, %broadcast_in_dim3A_1180, %broadcast_in_dim3A_1181 : vector<16xi1>, vector<16xf32>
    %swap3A_1183 = arith.constant 2 : i32
    %swap3A_1184 = arith.index_cast %swap3A_1183 : i32 to index
    %swap3A_1185 = arith.constant 48 : index
    %swap3A_1186 = tpu.vector_load %arg13[%swap3A_1184, %swap3A_1185] {strides = array<i32>} : memref<8x128xf32, #tpu.memory_space<vmem>>, vector<1x16xf32>,
    %swap3A_1187 = vector.shape_cast %swap3A_1186 : vector<1x16xf32> to vector<16xf32>
    %swap3A_1188 = vector.shape_cast %select_n3A_1182 : vector<16xf32> to vector<1x16xf32>
    tpu.vector_store %arg13[%swap3A_1184, %swap3A_1185], %swap3A_1188 {strides = array<i32>} : memref<8x128xf32, #tpu.memory_space<vmem>>, vector<1x16xf32>,
    %get3A_1189 = arith.constant 320 : index
    %get3A_1190 = tpu.vector_load %arg7[%get3A_1189] {strides = array<i32>} : memref<1024xi32, #tpu.memory_space<vmem>>, vector<16xi32>,
    %get3A_1191 = vector.shape_cast %get3A_1190 : vector<16xi32> to vector<16xi32>
    %get3A_1192 = arith.constant 320 : index
    %get3A_1193 = tpu.vector_load %arg8[%get3A_1192] {strides = array<i32>} : memref<1024xi32, #tpu.memory_space<vmem>>, vector<16xi32>,
    %get3A_1194 = vector.shape_cast %get3A_1193 : vector<16xi32> to vector<16xi32>
    %get3A_1195 = arith.constant 320 : index
    %get3A_1196 = tpu.vector_load %arg9[%get3A_1195] {strides = array<i32>} : memref<1024xf32, #tpu.memory_space<vmem>>, vector<16xf32>,
    %get3A_1197 = vector.shape_cast %get3A_1196 : vector<16xf32> to vector<16xf32>
    %iota3A_1198 = tpu.iota {dimensions = array<i32: 0>} : vector<16xi32>
    %add3A_1199 = arith.constant 320 : i32
    %add3A_1200 = vector.broadcast %add3A_1199 : i32 to vector<16xi32>
    %add3A_1201 = arith.addi %iota3A_1198, %add3A_1200 : vector<16xi32>
    %lt3A_1202 = arith.constant 1000 : i32
    %lt3A_1203 = vector.broadcast %lt3A_1202 : i32 to vector<16xi32>
    %lt3A_1204 = arith.cmpi slt, %add3A_1201, %lt3A_1203 : vector<16xi32>
    %mul3A_1205 = arith.constant 800 : i32
    %mul3A_1206 = vector.broadcast %mul3A_1205 : i32 to vector<16xi32>
    %mul3A_1207 = arith.muli %get3A_1191, %mul3A_1206 : vector<16xi32>
    %add3A_1208 = arith.addi %mul3A_1207, %get3A_1194 : vector<16xi32>
    %jit3A_1209 = arith.constant 0 : i32
    %broadcast_in_dim3A_1210 = vector.broadcast %jit3A_1209 : i32 to vector<16xi32>
    %select_n3A_1211 = arith.select %lt3A_1204, %add3A_1208, %broadcast_in_dim3A_1210 : vector<16xi1>, vector<16xi32>
    %jit3A_1212 = arith.constant 0.000000e+00 : f32
    %broadcast_in_dim3A_1213 = vector.broadcast %jit3A_1212 : f32 to vector<16xf32>
    %select_n3A_1214 = arith.select %lt3A_1204, %get3A_1197, %broadcast_in_dim3A_1213 : vector<16xi1>, vector<16xf32>
    %swap3A_1215 = arith.constant 2 : i32
    %swap3A_1216 = arith.index_cast %swap3A_1215 : i32 to index
    %swap3A_1217 = arith.constant 64 : index
    %swap3A_1218 = tpu.vector_load %arg10[%swap3A_1216, %swap3A_1217] {strides = array<i32>} : memref<8x128xi32, #tpu.memory_space<vmem>>, vector<1x16xi32>,
    %swap3A_1219 = vector.shape_cast %swap3A_1218 : vector<1x16xi32> to vector<16xi32>
    %swap3A_1220 = vector.shape_cast %select_n3A_1211 : vector<16xi32> to vector<1x16xi32>
    tpu.vector_store %arg10[%swap3A_1216, %swap3A_1217], %swap3A_1220 {strides = array<i32>} : memref<8x128xi32, #tpu.memory_space<vmem>>, vector<1x16xi32>,
    %swap3A_1221 = arith.constant 2 : i32
    %swap3A_1222 = arith.index_cast %swap3A_1221 : i32 to index
    %swap3A_1223 = arith.constant 64 : index
    %swap3A_1224 = tpu.vector_load %arg11[%swap3A_1222, %swap3A_1223] {strides = array<i32>} : memref<8x128xf32, #tpu.memory_space<vmem>>, vector<1x16xf32>,
    %swap3A_1225 = vector.shape_cast %swap3A_1224 : vector<1x16xf32> to vector<16xf32>
    %swap3A_1226 = vector.shape_cast %select_n3A_1214 : vector<16xf32> to vector<1x16xf32>
    tpu.vector_store %arg11[%swap3A_1222, %swap3A_1223], %swap3A_1226 {strides = array<i32>} : memref<8x128xf32, #tpu.memory_space<vmem>>, vector<1x16xf32>,
    %jit3A_1227 = arith.constant 0 : i32
    %broadcast_in_dim3A_1228 = vector.broadcast %jit3A_1227 : i32 to vector<16xi32>
    %select_n3A_1229 = arith.select %lt3A_1204, %get3A_1194, %broadcast_in_dim3A_1228 : vector<16xi1>, vector<16xi32>
    %swap3A_1230 = arith.constant 2 : i32
    %swap3A_1231 = arith.index_cast %swap3A_1230 : i32 to index
    %swap3A_1232 = arith.constant 64 : index
    %swap3A_1233 = tpu.vector_load %arg12[%swap3A_1231, %swap3A_1232] {strides = array<i32>} : memref<8x128xi32, #tpu.memory_space<vmem>>, vector<1x16xi32>,
    %swap3A_1234 = vector.shape_cast %swap3A_1233 : vector<1x16xi32> to vector<16xi32>
    %swap3A_1235 = vector.shape_cast %select_n3A_1229 : vector<16xi32> to vector<1x16xi32>
    tpu.vector_store %arg12[%swap3A_1231, %swap3A_1232], %swap3A_1235 {strides = array<i32>} : memref<8x128xi32, #tpu.memory_space<vmem>>, vector<1x16xi32>,
    %jit3A_1236 = arith.constant 1.000000e+00 : f32
    %jit3A_1237 = arith.constant 0.000000e+00 : f32
    %broadcast_in_dim3A_1238 = vector.broadcast %jit3A_1236 : f32 to vector<16xf32>
    %broadcast_in_dim3A_1239 = vector.broadcast %jit3A_1237 : f32 to vector<16xf32>
    %select_n3A_1240 = arith.select %lt3A_1204, %broadcast_in_dim3A_1238, %broadcast_in_dim3A_1239 : vector<16xi1>, vector<16xf32>
    %swap3A_1241 = arith.constant 2 : i32
    %swap3A_1242 = arith.index_cast %swap3A_1241 : i32 to index
    %swap3A_1243 = arith.constant 64 : index
    %swap3A_1244 = tpu.vector_load %arg13[%swap3A_1242, %swap3A_1243] {strides = array<i32>} : memref<8x128xf32, #tpu.memory_space<vmem>>, vector<1x16xf32>,
    %swap3A_1245 = vector.shape_cast %swap3A_1244 : vector<1x16xf32> to vector<16xf32>
    %swap3A_1246 = vector.shape_cast %select_n3A_1240 : vector<16xf32> to vector<1x16xf32>
    tpu.vector_store %arg13[%swap3A_1242, %swap3A_1243], %swap3A_1246 {strides = array<i32>} : memref<8x128xf32, #tpu.memory_space<vmem>>, vector<1x16xf32>,
    %get3A_1247 = arith.constant 336 : index
    %get3A_1248 = tpu.vector_load %arg7[%get3A_1247] {strides = array<i32>} : memref<1024xi32, #tpu.memory_space<vmem>>, vector<16xi32>,
    %get3A_1249 = vector.shape_cast %get3A_1248 : vector<16xi32> to vector<16xi32>
    %get3A_1250 = arith.constant 336 : index
    %get3A_1251 = tpu.vector_load %arg8[%get3A_1250] {strides = array<i32>} : memref<1024xi32, #tpu.memory_space<vmem>>, vector<16xi32>,
    %get3A_1252 = vector.shape_cast %get3A_1251 : vector<16xi32> to vector<16xi32>
    %get3A_1253 = arith.constant 336 : index
    %get3A_1254 = tpu.vector_load %arg9[%get3A_1253] {strides = array<i32>} : memref<1024xf32, #tpu.memory_space<vmem>>, vector<16xf32>,
    %get3A_1255 = vector.shape_cast %get3A_1254 : vector<16xf32> to vector<16xf32>
    %iota3A_1256 = tpu.iota {dimensions = array<i32: 0>} : vector<16xi32>
    %add3A_1257 = arith.constant 336 : i32
    %add3A_1258 = vector.broadcast %add3A_1257 : i32 to vector<16xi32>
    %add3A_1259 = arith.addi %iota3A_1256, %add3A_1258 : vector<16xi32>
    %lt3A_1260 = arith.constant 1000 : i32
    %lt3A_1261 = vector.broadcast %lt3A_1260 : i32 to vector<16xi32>
    %lt3A_1262 = arith.cmpi slt, %add3A_1259, %lt3A_1261 : vector<16xi32>
    %mul3A_1263 = arith.constant 800 : i32
    %mul3A_1264 = vector.broadcast %mul3A_1263 : i32 to vector<16xi32>
    %mul3A_1265 = arith.muli %get3A_1249, %mul3A_1264 : vector<16xi32>
    %add3A_1266 = arith.addi %mul3A_1265, %get3A_1252 : vector<16xi32>
    %jit3A_1267 = arith.constant 0 : i32
    %broadcast_in_dim3A_1268 = vector.broadcast %jit3A_1267 : i32 to vector<16xi32>
    %select_n3A_1269 = arith.select %lt3A_1262, %add3A_1266, %broadcast_in_dim3A_1268 : vector<16xi1>, vector<16xi32>
    %jit3A_1270 = arith.constant 0.000000e+00 : f32
    %broadcast_in_dim3A_1271 = vector.broadcast %jit3A_1270 : f32 to vector<16xf32>
    %select_n3A_1272 = arith.select %lt3A_1262, %get3A_1255, %broadcast_in_dim3A_1271 : vector<16xi1>, vector<16xf32>
    %swap3A_1273 = arith.constant 2 : i32
    %swap3A_1274 = arith.index_cast %swap3A_1273 : i32 to index
    %swap3A_1275 = arith.constant 80 : index
    %swap3A_1276 = tpu.vector_load %arg10[%swap3A_1274, %swap3A_1275] {strides = array<i32>} : memref<8x128xi32, #tpu.memory_space<vmem>>, vector<1x16xi32>,
    %swap3A_1277 = vector.shape_cast %swap3A_1276 : vector<1x16xi32> to vector<16xi32>
    %swap3A_1278 = vector.shape_cast %select_n3A_1269 : vector<16xi32> to vector<1x16xi32>
    tpu.vector_store %arg10[%swap3A_1274, %swap3A_1275], %swap3A_1278 {strides = array<i32>} : memref<8x128xi32, #tpu.memory_space<vmem>>, vector<1x16xi32>,
    %swap3A_1279 = arith.constant 2 : i32
    %swap3A_1280 = arith.index_cast %swap3A_1279 : i32 to index
    %swap3A_1281 = arith.constant 80 : index
    %swap3A_1282 = tpu.vector_load %arg11[%swap3A_1280, %swap3A_1281] {strides = array<i32>} : memref<8x128xf32, #tpu.memory_space<vmem>>, vector<1x16xf32>,
    %swap3A_1283 = vector.shape_cast %swap3A_1282 : vector<1x16xf32> to vector<16xf32>
    %swap3A_1284 = vector.shape_cast %select_n3A_1272 : vector<16xf32> to vector<1x16xf32>
    tpu.vector_store %arg11[%swap3A_1280, %swap3A_1281], %swap3A_1284 {strides = array<i32>} : memref<8x128xf32, #tpu.memory_space<vmem>>, vector<1x16xf32>,
    %jit3A_1285 = arith.constant 0 : i32
    %broadcast_in_dim3A_1286 = vector.broadcast %jit3A_1285 : i32 to vector<16xi32>
    %select_n3A_1287 = arith.select %lt3A_1262, %get3A_1252, %broadcast_in_dim3A_1286 : vector<16xi1>, vector<16xi32>
    %swap3A_1288 = arith.constant 2 : i32
    %swap3A_1289 = arith.index_cast %swap3A_1288 : i32 to index
    %swap3A_1290 = arith.constant 80 : index
    %swap3A_1291 = tpu.vector_load %arg12[%swap3A_1289, %swap3A_1290] {strides = array<i32>} : memref<8x128xi32, #tpu.memory_space<vmem>>, vector<1x16xi32>,
    %swap3A_1292 = vector.shape_cast %swap3A_1291 : vector<1x16xi32> to vector<16xi32>
    %swap3A_1293 = vector.shape_cast %select_n3A_1287 : vector<16xi32> to vector<1x16xi32>
    tpu.vector_store %arg12[%swap3A_1289, %swap3A_1290], %swap3A_1293 {strides = array<i32>} : memref<8x128xi32, #tpu.memory_space<vmem>>, vector<1x16xi32>,
    %jit3A_1294 = arith.constant 1.000000e+00 : f32
    %jit3A_1295 = arith.constant 0.000000e+00 : f32
    %broadcast_in_dim3A_1296 = vector.broadcast %jit3A_1294 : f32 to vector<16xf32>
    %broadcast_in_dim3A_1297 = vector.broadcast %jit3A_1295 : f32 to vector<16xf32>
    %select_n3A_1298 = arith.select %lt3A_1262, %broadcast_in_dim3A_1296, %broadcast_in_dim3A_1297 : vector<16xi1>, vector<16xf32>
    %swap3A_1299 = arith.constant 2 : i32
    %swap3A_1300 = arith.index_cast %swap3A_1299 : i32 to index
    %swap3A_1301 = arith.constant 80 : index
    %swap3A_1302 = tpu.vector_load %arg13[%swap3A_1300, %swap3A_1301] {strides = array<i32>} : memref<8x128xf32, #tpu.memory_space<vmem>>, vector<1x16xf32>,
    %swap3A_1303 = vector.shape_cast %swap3A_1302 : vector<1x16xf32> to vector<16xf32>
    %swap3A_1304 = vector.shape_cast %select_n3A_1298 : vector<16xf32> to vector<1x16xf32>
    tpu.vector_store %arg13[%swap3A_1300, %swap3A_1301], %swap3A_1304 {strides = array<i32>} : memref<8x128xf32, #tpu.memory_space<vmem>>, vector<1x16xf32>,
    %get3A_1305 = arith.constant 352 : index
    %get3A_1306 = tpu.vector_load %arg7[%get3A_1305] {strides = array<i32>} : memref<1024xi32, #tpu.memory_space<vmem>>, vector<16xi32>,
    %get3A_1307 = vector.shape_cast %get3A_1306 : vector<16xi32> to vector<16xi32>
    %get3A_1308 = arith.constant 352 : index
    %get3A_1309 = tpu.vector_load %arg8[%get3A_1308] {strides = array<i32>} : memref<1024xi32, #tpu.memory_space<vmem>>, vector<16xi32>,
    %get3A_1310 = vector.shape_cast %get3A_1309 : vector<16xi32> to vector<16xi32>
    %get3A_1311 = arith.constant 352 : index
    %get3A_1312 = tpu.vector_load %arg9[%get3A_1311] {strides = array<i32>} : memref<1024xf32, #tpu.memory_space<vmem>>, vector<16xf32>,
    %get3A_1313 = vector.shape_cast %get3A_1312 : vector<16xf32> to vector<16xf32>
    %iota3A_1314 = tpu.iota {dimensions = array<i32: 0>} : vector<16xi32>
    %add3A_1315 = arith.constant 352 : i32
    %add3A_1316 = vector.broadcast %add3A_1315 : i32 to vector<16xi32>
    %add3A_1317 = arith.addi %iota3A_1314, %add3A_1316 : vector<16xi32>
    %lt3A_1318 = arith.constant 1000 : i32
    %lt3A_1319 = vector.broadcast %lt3A_1318 : i32 to vector<16xi32>
    %lt3A_1320 = arith.cmpi slt, %add3A_1317, %lt3A_1319 : vector<16xi32>
    %mul3A_1321 = arith.constant 800 : i32
    %mul3A_1322 = vector.broadcast %mul3A_1321 : i32 to vector<16xi32>
    %mul3A_1323 = arith.muli %get3A_1307, %mul3A_1322 : vector<16xi32>
    %add3A_1324 = arith.addi %mul3A_1323, %get3A_1310 : vector<16xi32>
    %jit3A_1325 = arith.constant 0 : i32
    %broadcast_in_dim3A_1326 = vector.broadcast %jit3A_1325 : i32 to vector<16xi32>
    %select_n3A_1327 = arith.select %lt3A_1320, %add3A_1324, %broadcast_in_dim3A_1326 : vector<16xi1>, vector<16xi32>
    %jit3A_1328 = arith.constant 0.000000e+00 : f32
    %broadcast_in_dim3A_1329 = vector.broadcast %jit3A_1328 : f32 to vector<16xf32>
    %select_n3A_1330 = arith.select %lt3A_1320, %get3A_1313, %broadcast_in_dim3A_1329 : vector<16xi1>, vector<16xf32>
    %swap3A_1331 = arith.constant 2 : i32
    %swap3A_1332 = arith.index_cast %swap3A_1331 : i32 to index
    %swap3A_1333 = arith.constant 96 : index
    %swap3A_1334 = tpu.vector_load %arg10[%swap3A_1332, %swap3A_1333] {strides = array<i32>} : memref<8x128xi32, #tpu.memory_space<vmem>>, vector<1x16xi32>,
    %swap3A_1335 = vector.shape_cast %swap3A_1334 : vector<1x16xi32> to vector<16xi32>
    %swap3A_1336 = vector.shape_cast %select_n3A_1327 : vector<16xi32> to vector<1x16xi32>
    tpu.vector_store %arg10[%swap3A_1332, %swap3A_1333], %swap3A_1336 {strides = array<i32>} : memref<8x128xi32, #tpu.memory_space<vmem>>, vector<1x16xi32>,
    %swap3A_1337 = arith.constant 2 : i32
    %swap3A_1338 = arith.index_cast %swap3A_1337 : i32 to index
    %swap3A_1339 = arith.constant 96 : index
    %swap3A_1340 = tpu.vector_load %arg11[%swap3A_1338, %swap3A_1339] {strides = array<i32>} : memref<8x128xf32, #tpu.memory_space<vmem>>, vector<1x16xf32>,
    %swap3A_1341 = vector.shape_cast %swap3A_1340 : vector<1x16xf32> to vector<16xf32>
    %swap3A_1342 = vector.shape_cast %select_n3A_1330 : vector<16xf32> to vector<1x16xf32>
    tpu.vector_store %arg11[%swap3A_1338, %swap3A_1339], %swap3A_1342 {strides = array<i32>} : memref<8x128xf32, #tpu.memory_space<vmem>>, vector<1x16xf32>,
    %jit3A_1343 = arith.constant 0 : i32
    %broadcast_in_dim3A_1344 = vector.broadcast %jit3A_1343 : i32 to vector<16xi32>
    %select_n3A_1345 = arith.select %lt3A_1320, %get3A_1310, %broadcast_in_dim3A_1344 : vector<16xi1>, vector<16xi32>
    %swap3A_1346 = arith.constant 2 : i32
    %swap3A_1347 = arith.index_cast %swap3A_1346 : i32 to index
    %swap3A_1348 = arith.constant 96 : index
    %swap3A_1349 = tpu.vector_load %arg12[%swap3A_1347, %swap3A_1348] {strides = array<i32>} : memref<8x128xi32, #tpu.memory_space<vmem>>, vector<1x16xi32>,
    %swap3A_1350 = vector.shape_cast %swap3A_1349 : vector<1x16xi32> to vector<16xi32>
    %swap3A_1351 = vector.shape_cast %select_n3A_1345 : vector<16xi32> to vector<1x16xi32>
    tpu.vector_store %arg12[%swap3A_1347, %swap3A_1348], %swap3A_1351 {strides = array<i32>} : memref<8x128xi32, #tpu.memory_space<vmem>>, vector<1x16xi32>,
    %jit3A_1352 = arith.constant 1.000000e+00 : f32
    %jit3A_1353 = arith.constant 0.000000e+00 : f32
    %broadcast_in_dim3A_1354 = vector.broadcast %jit3A_1352 : f32 to vector<16xf32>
    %broadcast_in_dim3A_1355 = vector.broadcast %jit3A_1353 : f32 to vector<16xf32>
    %select_n3A_1356 = arith.select %lt3A_1320, %broadcast_in_dim3A_1354, %broadcast_in_dim3A_1355 : vector<16xi1>, vector<16xf32>
    %swap3A_1357 = arith.constant 2 : i32
    %swap3A_1358 = arith.index_cast %swap3A_1357 : i32 to index
    %swap3A_1359 = arith.constant 96 : index
    %swap3A_1360 = tpu.vector_load %arg13[%swap3A_1358, %swap3A_1359] {strides = array<i32>} : memref<8x128xf32, #tpu.memory_space<vmem>>, vector<1x16xf32>,
    %swap3A_1361 = vector.shape_cast %swap3A_1360 : vector<1x16xf32> to vector<16xf32>
    %swap3A_1362 = vector.shape_cast %select_n3A_1356 : vector<16xf32> to vector<1x16xf32>
    tpu.vector_store %arg13[%swap3A_1358, %swap3A_1359], %swap3A_1362 {strides = array<i32>} : memref<8x128xf32, #tpu.memory_space<vmem>>, vector<1x16xf32>,
    %get3A_1363 = arith.constant 368 : index
    %get3A_1364 = tpu.vector_load %arg7[%get3A_1363] {strides = array<i32>} : memref<1024xi32, #tpu.memory_space<vmem>>, vector<16xi32>,
    %get3A_1365 = vector.shape_cast %get3A_1364 : vector<16xi32> to vector<16xi32>
    %get3A_1366 = arith.constant 368 : index
    %get3A_1367 = tpu.vector_load %arg8[%get3A_1366] {strides = array<i32>} : memref<1024xi32, #tpu.memory_space<vmem>>, vector<16xi32>,
    %get3A_1368 = vector.shape_cast %get3A_1367 : vector<16xi32> to vector<16xi32>
    %get3A_1369 = arith.constant 368 : index
    %get3A_1370 = tpu.vector_load %arg9[%get3A_1369] {strides = array<i32>} : memref<1024xf32, #tpu.memory_space<vmem>>, vector<16xf32>,
    %get3A_1371 = vector.shape_cast %get3A_1370 : vector<16xf32> to vector<16xf32>
    %iota3A_1372 = tpu.iota {dimensions = array<i32: 0>} : vector<16xi32>
    %add3A_1373 = arith.constant 368 : i32
    %add3A_1374 = vector.broadcast %add3A_1373 : i32 to vector<16xi32>
    %add3A_1375 = arith.addi %iota3A_1372, %add3A_1374 : vector<16xi32>
    %lt3A_1376 = arith.constant 1000 : i32
    %lt3A_1377 = vector.broadcast %lt3A_1376 : i32 to vector<16xi32>
    %lt3A_1378 = arith.cmpi slt, %add3A_1375, %lt3A_1377 : vector<16xi32>
    %mul3A_1379 = arith.constant 800 : i32
    %mul3A_1380 = vector.broadcast %mul3A_1379 : i32 to vector<16xi32>
    %mul3A_1381 = arith.muli %get3A_1365, %mul3A_1380 : vector<16xi32>
    %add3A_1382 = arith.addi %mul3A_1381, %get3A_1368 : vector<16xi32>
    %jit3A_1383 = arith.constant 0 : i32
    %broadcast_in_dim3A_1384 = vector.broadcast %jit3A_1383 : i32 to vector<16xi32>
    %select_n3A_1385 = arith.select %lt3A_1378, %add3A_1382, %broadcast_in_dim3A_1384 : vector<16xi1>, vector<16xi32>
    %jit3A_1386 = arith.constant 0.000000e+00 : f32
    %broadcast_in_dim3A_1387 = vector.broadcast %jit3A_1386 : f32 to vector<16xf32>
    %select_n3A_1388 = arith.select %lt3A_1378, %get3A_1371, %broadcast_in_dim3A_1387 : vector<16xi1>, vector<16xf32>
    %swap3A_1389 = arith.constant 2 : i32
    %swap3A_1390 = arith.index_cast %swap3A_1389 : i32 to index
    %swap3A_1391 = arith.constant 112 : index
    %swap3A_1392 = tpu.vector_load %arg10[%swap3A_1390, %swap3A_1391] {strides = array<i32>} : memref<8x128xi32, #tpu.memory_space<vmem>>, vector<1x16xi32>,
    %swap3A_1393 = vector.shape_cast %swap3A_1392 : vector<1x16xi32> to vector<16xi32>
    %swap3A_1394 = vector.shape_cast %select_n3A_1385 : vector<16xi32> to vector<1x16xi32>
    tpu.vector_store %arg10[%swap3A_1390, %swap3A_1391], %swap3A_1394 {strides = array<i32>} : memref<8x128xi32, #tpu.memory_space<vmem>>, vector<1x16xi32>,
    %swap3A_1395 = arith.constant 2 : i32
    %swap3A_1396 = arith.index_cast %swap3A_1395 : i32 to index
    %swap3A_1397 = arith.constant 112 : index
    %swap3A_1398 = tpu.vector_load %arg11[%swap3A_1396, %swap3A_1397] {strides = array<i32>} : memref<8x128xf32, #tpu.memory_space<vmem>>, vector<1x16xf32>,
    %swap3A_1399 = vector.shape_cast %swap3A_1398 : vector<1x16xf32> to vector<16xf32>
    %swap3A_1400 = vector.shape_cast %select_n3A_1388 : vector<16xf32> to vector<1x16xf32>
    tpu.vector_store %arg11[%swap3A_1396, %swap3A_1397], %swap3A_1400 {strides = array<i32>} : memref<8x128xf32, #tpu.memory_space<vmem>>, vector<1x16xf32>,
    %jit3A_1401 = arith.constant 0 : i32
    %broadcast_in_dim3A_1402 = vector.broadcast %jit3A_1401 : i32 to vector<16xi32>
    %select_n3A_1403 = arith.select %lt3A_1378, %get3A_1368, %broadcast_in_dim3A_1402 : vector<16xi1>, vector<16xi32>
    %swap3A_1404 = arith.constant 2 : i32
    %swap3A_1405 = arith.index_cast %swap3A_1404 : i32 to index
    %swap3A_1406 = arith.constant 112 : index
    %swap3A_1407 = tpu.vector_load %arg12[%swap3A_1405, %swap3A_1406] {strides = array<i32>} : memref<8x128xi32, #tpu.memory_space<vmem>>, vector<1x16xi32>,
    %swap3A_1408 = vector.shape_cast %swap3A_1407 : vector<1x16xi32> to vector<16xi32>
    %swap3A_1409 = vector.shape_cast %select_n3A_1403 : vector<16xi32> to vector<1x16xi32>
    tpu.vector_store %arg12[%swap3A_1405, %swap3A_1406], %swap3A_1409 {strides = array<i32>} : memref<8x128xi32, #tpu.memory_space<vmem>>, vector<1x16xi32>,
    %jit3A_1410 = arith.constant 1.000000e+00 : f32
    %jit3A_1411 = arith.constant 0.000000e+00 : f32
    %broadcast_in_dim3A_1412 = vector.broadcast %jit3A_1410 : f32 to vector<16xf32>
    %broadcast_in_dim3A_1413 = vector.broadcast %jit3A_1411 : f32 to vector<16xf32>
    %select_n3A_1414 = arith.select %lt3A_1378, %broadcast_in_dim3A_1412, %broadcast_in_dim3A_1413 : vector<16xi1>, vector<16xf32>
    %swap3A_1415 = arith.constant 2 : i32
    %swap3A_1416 = arith.index_cast %swap3A_1415 : i32 to index
    %swap3A_1417 = arith.constant 112 : index
    %swap3A_1418 = tpu.vector_load %arg13[%swap3A_1416, %swap3A_1417] {strides = array<i32>} : memref<8x128xf32, #tpu.memory_space<vmem>>, vector<1x16xf32>,
    %swap3A_1419 = vector.shape_cast %swap3A_1418 : vector<1x16xf32> to vector<16xf32>
    %swap3A_1420 = vector.shape_cast %select_n3A_1414 : vector<16xf32> to vector<1x16xf32>
    tpu.vector_store %arg13[%swap3A_1416, %swap3A_1417], %swap3A_1420 {strides = array<i32>} : memref<8x128xf32, #tpu.memory_space<vmem>>, vector<1x16xf32>,
    %get3A_1421 = arith.constant 384 : index
    %get3A_1422 = tpu.vector_load %arg7[%get3A_1421] {strides = array<i32>} : memref<1024xi32, #tpu.memory_space<vmem>>, vector<16xi32>,
    %get3A_1423 = vector.shape_cast %get3A_1422 : vector<16xi32> to vector<16xi32>
    %get3A_1424 = arith.constant 384 : index
    %get3A_1425 = tpu.vector_load %arg8[%get3A_1424] {strides = array<i32>} : memref<1024xi32, #tpu.memory_space<vmem>>, vector<16xi32>,
    %get3A_1426 = vector.shape_cast %get3A_1425 : vector<16xi32> to vector<16xi32>
    %get3A_1427 = arith.constant 384 : index
    %get3A_1428 = tpu.vector_load %arg9[%get3A_1427] {strides = array<i32>} : memref<1024xf32, #tpu.memory_space<vmem>>, vector<16xf32>,
    %get3A_1429 = vector.shape_cast %get3A_1428 : vector<16xf32> to vector<16xf32>
    %iota3A_1430 = tpu.iota {dimensions = array<i32: 0>} : vector<16xi32>
    %add3A_1431 = arith.constant 384 : i32
    %add3A_1432 = vector.broadcast %add3A_1431 : i32 to vector<16xi32>
    %add3A_1433 = arith.addi %iota3A_1430, %add3A_1432 : vector<16xi32>
    %lt3A_1434 = arith.constant 1000 : i32
    %lt3A_1435 = vector.broadcast %lt3A_1434 : i32 to vector<16xi32>
    %lt3A_1436 = arith.cmpi slt, %add3A_1433, %lt3A_1435 : vector<16xi32>
    %mul3A_1437 = arith.constant 800 : i32
    %mul3A_1438 = vector.broadcast %mul3A_1437 : i32 to vector<16xi32>
    %mul3A_1439 = arith.muli %get3A_1423, %mul3A_1438 : vector<16xi32>
    %add3A_1440 = arith.addi %mul3A_1439, %get3A_1426 : vector<16xi32>
    %jit3A_1441 = arith.constant 0 : i32
    %broadcast_in_dim3A_1442 = vector.broadcast %jit3A_1441 : i32 to vector<16xi32>
    %select_n3A_1443 = arith.select %lt3A_1436, %add3A_1440, %broadcast_in_dim3A_1442 : vector<16xi1>, vector<16xi32>
    %jit3A_1444 = arith.constant 0.000000e+00 : f32
    %broadcast_in_dim3A_1445 = vector.broadcast %jit3A_1444 : f32 to vector<16xf32>
    %select_n3A_1446 = arith.select %lt3A_1436, %get3A_1429, %broadcast_in_dim3A_1445 : vector<16xi1>, vector<16xf32>
    %swap3A_1447 = arith.constant 3 : i32
    %swap3A_1448 = arith.index_cast %swap3A_1447 : i32 to index
    %swap3A_1449 = arith.constant 0 : index
    %swap3A_1450 = tpu.vector_load %arg10[%swap3A_1448, %swap3A_1449] {strides = array<i32>} : memref<8x128xi32, #tpu.memory_space<vmem>>, vector<1x16xi32>,
    %swap3A_1451 = vector.shape_cast %swap3A_1450 : vector<1x16xi32> to vector<16xi32>
    %swap3A_1452 = vector.shape_cast %select_n3A_1443 : vector<16xi32> to vector<1x16xi32>
    tpu.vector_store %arg10[%swap3A_1448, %swap3A_1449], %swap3A_1452 {strides = array<i32>} : memref<8x128xi32, #tpu.memory_space<vmem>>, vector<1x16xi32>,
    %swap3A_1453 = arith.constant 3 : i32
    %swap3A_1454 = arith.index_cast %swap3A_1453 : i32 to index
    %swap3A_1455 = arith.constant 0 : index
    %swap3A_1456 = tpu.vector_load %arg11[%swap3A_1454, %swap3A_1455] {strides = array<i32>} : memref<8x128xf32, #tpu.memory_space<vmem>>, vector<1x16xf32>,
    %swap3A_1457 = vector.shape_cast %swap3A_1456 : vector<1x16xf32> to vector<16xf32>
    %swap3A_1458 = vector.shape_cast %select_n3A_1446 : vector<16xf32> to vector<1x16xf32>
    tpu.vector_store %arg11[%swap3A_1454, %swap3A_1455], %swap3A_1458 {strides = array<i32>} : memref<8x128xf32, #tpu.memory_space<vmem>>, vector<1x16xf32>,
    %jit3A_1459 = arith.constant 0 : i32
    %broadcast_in_dim3A_1460 = vector.broadcast %jit3A_1459 : i32 to vector<16xi32>
    %select_n3A_1461 = arith.select %lt3A_1436, %get3A_1426, %broadcast_in_dim3A_1460 : vector<16xi1>, vector<16xi32>
    %swap3A_1462 = arith.constant 3 : i32
    %swap3A_1463 = arith.index_cast %swap3A_1462 : i32 to index
    %swap3A_1464 = arith.constant 0 : index
    %swap3A_1465 = tpu.vector_load %arg12[%swap3A_1463, %swap3A_1464] {strides = array<i32>} : memref<8x128xi32, #tpu.memory_space<vmem>>, vector<1x16xi32>,
    %swap3A_1466 = vector.shape_cast %swap3A_1465 : vector<1x16xi32> to vector<16xi32>
    %swap3A_1467 = vector.shape_cast %select_n3A_1461 : vector<16xi32> to vector<1x16xi32>
    tpu.vector_store %arg12[%swap3A_1463, %swap3A_1464], %swap3A_1467 {strides = array<i32>} : memref<8x128xi32, #tpu.memory_space<vmem>>, vector<1x16xi32>,
    %jit3A_1468 = arith.constant 1.000000e+00 : f32
    %jit3A_1469 = arith.constant 0.000000e+00 : f32
    %broadcast_in_dim3A_1470 = vector.broadcast %jit3A_1468 : f32 to vector<16xf32>
    %broadcast_in_dim3A_1471 = vector.broadcast %jit3A_1469 : f32 to vector<16xf32>
    %select_n3A_1472 = arith.select %lt3A_1436, %broadcast_in_dim3A_1470, %broadcast_in_dim3A_1471 : vector<16xi1>, vector<16xf32>
    %swap3A_1473 = arith.constant 3 : i32
    %swap3A_1474 = arith.index_cast %swap3A_1473 : i32 to index
    %swap3A_1475 = arith.constant 0 : index
    %swap3A_1476 = tpu.vector_load %arg13[%swap3A_1474, %swap3A_1475] {strides = array<i32>} : memref<8x128xf32, #tpu.memory_space<vmem>>, vector<1x16xf32>,
    %swap3A_1477 = vector.shape_cast %swap3A_1476 : vector<1x16xf32> to vector<16xf32>
    %swap3A_1478 = vector.shape_cast %select_n3A_1472 : vector<16xf32> to vector<1x16xf32>
    tpu.vector_store %arg13[%swap3A_1474, %swap3A_1475], %swap3A_1478 {strides = array<i32>} : memref<8x128xf32, #tpu.memory_space<vmem>>, vector<1x16xf32>,
    %get3A_1479 = arith.constant 400 : index
    %get3A_1480 = tpu.vector_load %arg7[%get3A_1479] {strides = array<i32>} : memref<1024xi32, #tpu.memory_space<vmem>>, vector<16xi32>,
    %get3A_1481 = vector.shape_cast %get3A_1480 : vector<16xi32> to vector<16xi32>
    %get3A_1482 = arith.constant 400 : index
    %get3A_1483 = tpu.vector_load %arg8[%get3A_1482] {strides = array<i32>} : memref<1024xi32, #tpu.memory_space<vmem>>, vector<16xi32>,
    %get3A_1484 = vector.shape_cast %get3A_1483 : vector<16xi32> to vector<16xi32>
    %get3A_1485 = arith.constant 400 : index
    %get3A_1486 = tpu.vector_load %arg9[%get3A_1485] {strides = array<i32>} : memref<1024xf32, #tpu.memory_space<vmem>>, vector<16xf32>,
    %get3A_1487 = vector.shape_cast %get3A_1486 : vector<16xf32> to vector<16xf32>
    %iota3A_1488 = tpu.iota {dimensions = array<i32: 0>} : vector<16xi32>
    %add3A_1489 = arith.constant 400 : i32
    %add3A_1490 = vector.broadcast %add3A_1489 : i32 to vector<16xi32>
    %add3A_1491 = arith.addi %iota3A_1488, %add3A_1490 : vector<16xi32>
    %lt3A_1492 = arith.constant 1000 : i32
    %lt3A_1493 = vector.broadcast %lt3A_1492 : i32 to vector<16xi32>
    %lt3A_1494 = arith.cmpi slt, %add3A_1491, %lt3A_1493 : vector<16xi32>
    %mul3A_1495 = arith.constant 800 : i32
    %mul3A_1496 = vector.broadcast %mul3A_1495 : i32 to vector<16xi32>
    %mul3A_1497 = arith.muli %get3A_1481, %mul3A_1496 : vector<16xi32>
    %add3A_1498 = arith.addi %mul3A_1497, %get3A_1484 : vector<16xi32>
    %jit3A_1499 = arith.constant 0 : i32
    %broadcast_in_dim3A_1500 = vector.broadcast %jit3A_1499 : i32 to vector<16xi32>
    %select_n3A_1501 = arith.select %lt3A_1494, %add3A_1498, %broadcast_in_dim3A_1500 : vector<16xi1>, vector<16xi32>
    %jit3A_1502 = arith.constant 0.000000e+00 : f32
    %broadcast_in_dim3A_1503 = vector.broadcast %jit3A_1502 : f32 to vector<16xf32>
    %select_n3A_1504 = arith.select %lt3A_1494, %get3A_1487, %broadcast_in_dim3A_1503 : vector<16xi1>, vector<16xf32>
    %swap3A_1505 = arith.constant 3 : i32
    %swap3A_1506 = arith.index_cast %swap3A_1505 : i32 to index
    %swap3A_1507 = arith.constant 16 : index
    %swap3A_1508 = tpu.vector_load %arg10[%swap3A_1506, %swap3A_1507] {strides = array<i32>} : memref<8x128xi32, #tpu.memory_space<vmem>>, vector<1x16xi32>,
    %swap3A_1509 = vector.shape_cast %swap3A_1508 : vector<1x16xi32> to vector<16xi32>
    %swap3A_1510 = vector.shape_cast %select_n3A_1501 : vector<16xi32> to vector<1x16xi32>
    tpu.vector_store %arg10[%swap3A_1506, %swap3A_1507], %swap3A_1510 {strides = array<i32>} : memref<8x128xi32, #tpu.memory_space<vmem>>, vector<1x16xi32>,
    %swap3A_1511 = arith.constant 3 : i32
    %swap3A_1512 = arith.index_cast %swap3A_1511 : i32 to index
    %swap3A_1513 = arith.constant 16 : index
    %swap3A_1514 = tpu.vector_load %arg11[%swap3A_1512, %swap3A_1513] {strides = array<i32>} : memref<8x128xf32, #tpu.memory_space<vmem>>, vector<1x16xf32>,
    %swap3A_1515 = vector.shape_cast %swap3A_1514 : vector<1x16xf32> to vector<16xf32>
    %swap3A_1516 = vector.shape_cast %select_n3A_1504 : vector<16xf32> to vector<1x16xf32>
    tpu.vector_store %arg11[%swap3A_1512, %swap3A_1513], %swap3A_1516 {strides = array<i32>} : memref<8x128xf32, #tpu.memory_space<vmem>>, vector<1x16xf32>,
    %jit3A_1517 = arith.constant 0 : i32
    %broadcast_in_dim3A_1518 = vector.broadcast %jit3A_1517 : i32 to vector<16xi32>
    %select_n3A_1519 = arith.select %lt3A_1494, %get3A_1484, %broadcast_in_dim3A_1518 : vector<16xi1>, vector<16xi32>
    %swap3A_1520 = arith.constant 3 : i32
    %swap3A_1521 = arith.index_cast %swap3A_1520 : i32 to index
    %swap3A_1522 = arith.constant 16 : index
    %swap3A_1523 = tpu.vector_load %arg12[%swap3A_1521, %swap3A_1522] {strides = array<i32>} : memref<8x128xi32, #tpu.memory_space<vmem>>, vector<1x16xi32>,
    %swap3A_1524 = vector.shape_cast %swap3A_1523 : vector<1x16xi32> to vector<16xi32>
    %swap3A_1525 = vector.shape_cast %select_n3A_1519 : vector<16xi32> to vector<1x16xi32>
    tpu.vector_store %arg12[%swap3A_1521, %swap3A_1522], %swap3A_1525 {strides = array<i32>} : memref<8x128xi32, #tpu.memory_space<vmem>>, vector<1x16xi32>,
    %jit3A_1526 = arith.constant 1.000000e+00 : f32
    %jit3A_1527 = arith.constant 0.000000e+00 : f32
    %broadcast_in_dim3A_1528 = vector.broadcast %jit3A_1526 : f32 to vector<16xf32>
    %broadcast_in_dim3A_1529 = vector.broadcast %jit3A_1527 : f32 to vector<16xf32>
    %select_n3A_1530 = arith.select %lt3A_1494, %broadcast_in_dim3A_1528, %broadcast_in_dim3A_1529 : vector<16xi1>, vector<16xf32>
    %swap3A_1531 = arith.constant 3 : i32
    %swap3A_1532 = arith.index_cast %swap3A_1531 : i32 to index
    %swap3A_1533 = arith.constant 16 : index
    %swap3A_1534 = tpu.vector_load %arg13[%swap3A_1532, %swap3A_1533] {strides = array<i32>} : memref<8x128xf32, #tpu.memory_space<vmem>>, vector<1x16xf32>,
    %swap3A_1535 = vector.shape_cast %swap3A_1534 : vector<1x16xf32> to vector<16xf32>
    %swap3A_1536 = vector.shape_cast %select_n3A_1530 : vector<16xf32> to vector<1x16xf32>
    tpu.vector_store %arg13[%swap3A_1532, %swap3A_1533], %swap3A_1536 {strides = array<i32>} : memref<8x128xf32, #tpu.memory_space<vmem>>, vector<1x16xf32>,
    %get3A_1537 = arith.constant 416 : index
    %get3A_1538 = tpu.vector_load %arg7[%get3A_1537] {strides = array<i32>} : memref<1024xi32, #tpu.memory_space<vmem>>, vector<16xi32>,
    %get3A_1539 = vector.shape_cast %get3A_1538 : vector<16xi32> to vector<16xi32>
    %get3A_1540 = arith.constant 416 : index
    %get3A_1541 = tpu.vector_load %arg8[%get3A_1540] {strides = array<i32>} : memref<1024xi32, #tpu.memory_space<vmem>>, vector<16xi32>,
    %get3A_1542 = vector.shape_cast %get3A_1541 : vector<16xi32> to vector<16xi32>
    %get3A_1543 = arith.constant 416 : index
    %get3A_1544 = tpu.vector_load %arg9[%get3A_1543] {strides = array<i32>} : memref<1024xf32, #tpu.memory_space<vmem>>, vector<16xf32>,
    %get3A_1545 = vector.shape_cast %get3A_1544 : vector<16xf32> to vector<16xf32>
    %iota3A_1546 = tpu.iota {dimensions = array<i32: 0>} : vector<16xi32>
    %add3A_1547 = arith.constant 416 : i32
    %add3A_1548 = vector.broadcast %add3A_1547 : i32 to vector<16xi32>
    %add3A_1549 = arith.addi %iota3A_1546, %add3A_1548 : vector<16xi32>
    %lt3A_1550 = arith.constant 1000 : i32
    %lt3A_1551 = vector.broadcast %lt3A_1550 : i32 to vector<16xi32>
    %lt3A_1552 = arith.cmpi slt, %add3A_1549, %lt3A_1551 : vector<16xi32>
    %mul3A_1553 = arith.constant 800 : i32
    %mul3A_1554 = vector.broadcast %mul3A_1553 : i32 to vector<16xi32>
    %mul3A_1555 = arith.muli %get3A_1539, %mul3A_1554 : vector<16xi32>
    %add3A_1556 = arith.addi %mul3A_1555, %get3A_1542 : vector<16xi32>
    %jit3A_1557 = arith.constant 0 : i32
    %broadcast_in_dim3A_1558 = vector.broadcast %jit3A_1557 : i32 to vector<16xi32>
    %select_n3A_1559 = arith.select %lt3A_1552, %add3A_1556, %broadcast_in_dim3A_1558 : vector<16xi1>, vector<16xi32>
    %jit3A_1560 = arith.constant 0.000000e+00 : f32
    %broadcast_in_dim3A_1561 = vector.broadcast %jit3A_1560 : f32 to vector<16xf32>
    %select_n3A_1562 = arith.select %lt3A_1552, %get3A_1545, %broadcast_in_dim3A_1561 : vector<16xi1>, vector<16xf32>
    %swap3A_1563 = arith.constant 3 : i32
    %swap3A_1564 = arith.index_cast %swap3A_1563 : i32 to index
    %swap3A_1565 = arith.constant 32 : index
    %swap3A_1566 = tpu.vector_load %arg10[%swap3A_1564, %swap3A_1565] {strides = array<i32>} : memref<8x128xi32, #tpu.memory_space<vmem>>, vector<1x16xi32>,
    %swap3A_1567 = vector.shape_cast %swap3A_1566 : vector<1x16xi32> to vector<16xi32>
    %swap3A_1568 = vector.shape_cast %select_n3A_1559 : vector<16xi32> to vector<1x16xi32>
    tpu.vector_store %arg10[%swap3A_1564, %swap3A_1565], %swap3A_1568 {strides = array<i32>} : memref<8x128xi32, #tpu.memory_space<vmem>>, vector<1x16xi32>,
    %swap3A_1569 = arith.constant 3 : i32
    %swap3A_1570 = arith.index_cast %swap3A_1569 : i32 to index
    %swap3A_1571 = arith.constant 32 : index
    %swap3A_1572 = tpu.vector_load %arg11[%swap3A_1570, %swap3A_1571] {strides = array<i32>} : memref<8x128xf32, #tpu.memory_space<vmem>>, vector<1x16xf32>,
    %swap3A_1573 = vector.shape_cast %swap3A_1572 : vector<1x16xf32> to vector<16xf32>
    %swap3A_1574 = vector.shape_cast %select_n3A_1562 : vector<16xf32> to vector<1x16xf32>
    tpu.vector_store %arg11[%swap3A_1570, %swap3A_1571], %swap3A_1574 {strides = array<i32>} : memref<8x128xf32, #tpu.memory_space<vmem>>, vector<1x16xf32>,
    %jit3A_1575 = arith.constant 0 : i32
    %broadcast_in_dim3A_1576 = vector.broadcast %jit3A_1575 : i32 to vector<16xi32>
    %select_n3A_1577 = arith.select %lt3A_1552, %get3A_1542, %broadcast_in_dim3A_1576 : vector<16xi1>, vector<16xi32>
    %swap3A_1578 = arith.constant 3 : i32
    %swap3A_1579 = arith.index_cast %swap3A_1578 : i32 to index
    %swap3A_1580 = arith.constant 32 : index
    %swap3A_1581 = tpu.vector_load %arg12[%swap3A_1579, %swap3A_1580] {strides = array<i32>} : memref<8x128xi32, #tpu.memory_space<vmem>>, vector<1x16xi32>,
    %swap3A_1582 = vector.shape_cast %swap3A_1581 : vector<1x16xi32> to vector<16xi32>
    %swap3A_1583 = vector.shape_cast %select_n3A_1577 : vector<16xi32> to vector<1x16xi32>
    tpu.vector_store %arg12[%swap3A_1579, %swap3A_1580], %swap3A_1583 {strides = array<i32>} : memref<8x128xi32, #tpu.memory_space<vmem>>, vector<1x16xi32>,
    %jit3A_1584 = arith.constant 1.000000e+00 : f32
    %jit3A_1585 = arith.constant 0.000000e+00 : f32
    %broadcast_in_dim3A_1586 = vector.broadcast %jit3A_1584 : f32 to vector<16xf32>
    %broadcast_in_dim3A_1587 = vector.broadcast %jit3A_1585 : f32 to vector<16xf32>
    %select_n3A_1588 = arith.select %lt3A_1552, %broadcast_in_dim3A_1586, %broadcast_in_dim3A_1587 : vector<16xi1>, vector<16xf32>
    %swap3A_1589 = arith.constant 3 : i32
    %swap3A_1590 = arith.index_cast %swap3A_1589 : i32 to index
    %swap3A_1591 = arith.constant 32 : index
    %swap3A_1592 = tpu.vector_load %arg13[%swap3A_1590, %swap3A_1591] {strides = array<i32>} : memref<8x128xf32, #tpu.memory_space<vmem>>, vector<1x16xf32>,
    %swap3A_1593 = vector.shape_cast %swap3A_1592 : vector<1x16xf32> to vector<16xf32>
    %swap3A_1594 = vector.shape_cast %select_n3A_1588 : vector<16xf32> to vector<1x16xf32>
    tpu.vector_store %arg13[%swap3A_1590, %swap3A_1591], %swap3A_1594 {strides = array<i32>} : memref<8x128xf32, #tpu.memory_space<vmem>>, vector<1x16xf32>,
    %get3A_1595 = arith.constant 432 : index
    %get3A_1596 = tpu.vector_load %arg7[%get3A_1595] {strides = array<i32>} : memref<1024xi32, #tpu.memory_space<vmem>>, vector<16xi32>,
    %get3A_1597 = vector.shape_cast %get3A_1596 : vector<16xi32> to vector<16xi32>
    %get3A_1598 = arith.constant 432 : index
    %get3A_1599 = tpu.vector_load %arg8[%get3A_1598] {strides = array<i32>} : memref<1024xi32, #tpu.memory_space<vmem>>, vector<16xi32>,
    %get3A_1600 = vector.shape_cast %get3A_1599 : vector<16xi32> to vector<16xi32>
    %get3A_1601 = arith.constant 432 : index
    %get3A_1602 = tpu.vector_load %arg9[%get3A_1601] {strides = array<i32>} : memref<1024xf32, #tpu.memory_space<vmem>>, vector<16xf32>,
    %get3A_1603 = vector.shape_cast %get3A_1602 : vector<16xf32> to vector<16xf32>
    %iota3A_1604 = tpu.iota {dimensions = array<i32: 0>} : vector<16xi32>
    %add3A_1605 = arith.constant 432 : i32
    %add3A_1606 = vector.broadcast %add3A_1605 : i32 to vector<16xi32>
    %add3A_1607 = arith.addi %iota3A_1604, %add3A_1606 : vector<16xi32>
    %lt3A_1608 = arith.constant 1000 : i32
    %lt3A_1609 = vector.broadcast %lt3A_1608 : i32 to vector<16xi32>
    %lt3A_1610 = arith.cmpi slt, %add3A_1607, %lt3A_1609 : vector<16xi32>
    %mul3A_1611 = arith.constant 800 : i32
    %mul3A_1612 = vector.broadcast %mul3A_1611 : i32 to vector<16xi32>
    %mul3A_1613 = arith.muli %get3A_1597, %mul3A_1612 : vector<16xi32>
    %add3A_1614 = arith.addi %mul3A_1613, %get3A_1600 : vector<16xi32>
    %jit3A_1615 = arith.constant 0 : i32
    %broadcast_in_dim3A_1616 = vector.broadcast %jit3A_1615 : i32 to vector<16xi32>
    %select_n3A_1617 = arith.select %lt3A_1610, %add3A_1614, %broadcast_in_dim3A_1616 : vector<16xi1>, vector<16xi32>
    %jit3A_1618 = arith.constant 0.000000e+00 : f32
    %broadcast_in_dim3A_1619 = vector.broadcast %jit3A_1618 : f32 to vector<16xf32>
    %select_n3A_1620 = arith.select %lt3A_1610, %get3A_1603, %broadcast_in_dim3A_1619 : vector<16xi1>, vector<16xf32>
    %swap3A_1621 = arith.constant 3 : i32
    %swap3A_1622 = arith.index_cast %swap3A_1621 : i32 to index
    %swap3A_1623 = arith.constant 48 : index
    %swap3A_1624 = tpu.vector_load %arg10[%swap3A_1622, %swap3A_1623] {strides = array<i32>} : memref<8x128xi32, #tpu.memory_space<vmem>>, vector<1x16xi32>,
    %swap3A_1625 = vector.shape_cast %swap3A_1624 : vector<1x16xi32> to vector<16xi32>
    %swap3A_1626 = vector.shape_cast %select_n3A_1617 : vector<16xi32> to vector<1x16xi32>
    tpu.vector_store %arg10[%swap3A_1622, %swap3A_1623], %swap3A_1626 {strides = array<i32>} : memref<8x128xi32, #tpu.memory_space<vmem>>, vector<1x16xi32>,
    %swap3A_1627 = arith.constant 3 : i32
    %swap3A_1628 = arith.index_cast %swap3A_1627 : i32 to index
    %swap3A_1629 = arith.constant 48 : index
    %swap3A_1630 = tpu.vector_load %arg11[%swap3A_1628, %swap3A_1629] {strides = array<i32>} : memref<8x128xf32, #tpu.memory_space<vmem>>, vector<1x16xf32>,
    %swap3A_1631 = vector.shape_cast %swap3A_1630 : vector<1x16xf32> to vector<16xf32>
    %swap3A_1632 = vector.shape_cast %select_n3A_1620 : vector<16xf32> to vector<1x16xf32>
    tpu.vector_store %arg11[%swap3A_1628, %swap3A_1629], %swap3A_1632 {strides = array<i32>} : memref<8x128xf32, #tpu.memory_space<vmem>>, vector<1x16xf32>,
    %jit3A_1633 = arith.constant 0 : i32
    %broadcast_in_dim3A_1634 = vector.broadcast %jit3A_1633 : i32 to vector<16xi32>
    %select_n3A_1635 = arith.select %lt3A_1610, %get3A_1600, %broadcast_in_dim3A_1634 : vector<16xi1>, vector<16xi32>
    %swap3A_1636 = arith.constant 3 : i32
    %swap3A_1637 = arith.index_cast %swap3A_1636 : i32 to index
    %swap3A_1638 = arith.constant 48 : index
    %swap3A_1639 = tpu.vector_load %arg12[%swap3A_1637, %swap3A_1638] {strides = array<i32>} : memref<8x128xi32, #tpu.memory_space<vmem>>, vector<1x16xi32>,
    %swap3A_1640 = vector.shape_cast %swap3A_1639 : vector<1x16xi32> to vector<16xi32>
    %swap3A_1641 = vector.shape_cast %select_n3A_1635 : vector<16xi32> to vector<1x16xi32>
    tpu.vector_store %arg12[%swap3A_1637, %swap3A_1638], %swap3A_1641 {strides = array<i32>} : memref<8x128xi32, #tpu.memory_space<vmem>>, vector<1x16xi32>,
    %jit3A_1642 = arith.constant 1.000000e+00 : f32
    %jit3A_1643 = arith.constant 0.000000e+00 : f32
    %broadcast_in_dim3A_1644 = vector.broadcast %jit3A_1642 : f32 to vector<16xf32>
    %broadcast_in_dim3A_1645 = vector.broadcast %jit3A_1643 : f32 to vector<16xf32>
    %select_n3A_1646 = arith.select %lt3A_1610, %broadcast_in_dim3A_1644, %broadcast_in_dim3A_1645 : vector<16xi1>, vector<16xf32>
    %swap3A_1647 = arith.constant 3 : i32
    %swap3A_1648 = arith.index_cast %swap3A_1647 : i32 to index
    %swap3A_1649 = arith.constant 48 : index
    %swap3A_1650 = tpu.vector_load %arg13[%swap3A_1648, %swap3A_1649] {strides = array<i32>} : memref<8x128xf32, #tpu.memory_space<vmem>>, vector<1x16xf32>,
    %swap3A_1651 = vector.shape_cast %swap3A_1650 : vector<1x16xf32> to vector<16xf32>
    %swap3A_1652 = vector.shape_cast %select_n3A_1646 : vector<16xf32> to vector<1x16xf32>
    tpu.vector_store %arg13[%swap3A_1648, %swap3A_1649], %swap3A_1652 {strides = array<i32>} : memref<8x128xf32, #tpu.memory_space<vmem>>, vector<1x16xf32>,
    %get3A_1653 = arith.constant 448 : index
    %get3A_1654 = tpu.vector_load %arg7[%get3A_1653] {strides = array<i32>} : memref<1024xi32, #tpu.memory_space<vmem>>, vector<16xi32>,
    %get3A_1655 = vector.shape_cast %get3A_1654 : vector<16xi32> to vector<16xi32>
    %get3A_1656 = arith.constant 448 : index
    %get3A_1657 = tpu.vector_load %arg8[%get3A_1656] {strides = array<i32>} : memref<1024xi32, #tpu.memory_space<vmem>>, vector<16xi32>,
    %get3A_1658 = vector.shape_cast %get3A_1657 : vector<16xi32> to vector<16xi32>
    %get3A_1659 = arith.constant 448 : index
    %get3A_1660 = tpu.vector_load %arg9[%get3A_1659] {strides = array<i32>} : memref<1024xf32, #tpu.memory_space<vmem>>, vector<16xf32>,
    %get3A_1661 = vector.shape_cast %get3A_1660 : vector<16xf32> to vector<16xf32>
    %iota3A_1662 = tpu.iota {dimensions = array<i32: 0>} : vector<16xi32>
    %add3A_1663 = arith.constant 448 : i32
    %add3A_1664 = vector.broadcast %add3A_1663 : i32 to vector<16xi32>
    %add3A_1665 = arith.addi %iota3A_1662, %add3A_1664 : vector<16xi32>
    %lt3A_1666 = arith.constant 1000 : i32
    %lt3A_1667 = vector.broadcast %lt3A_1666 : i32 to vector<16xi32>
    %lt3A_1668 = arith.cmpi slt, %add3A_1665, %lt3A_1667 : vector<16xi32>
    %mul3A_1669 = arith.constant 800 : i32
    %mul3A_1670 = vector.broadcast %mul3A_1669 : i32 to vector<16xi32>
    %mul3A_1671 = arith.muli %get3A_1655, %mul3A_1670 : vector<16xi32>
    %add3A_1672 = arith.addi %mul3A_1671, %get3A_1658 : vector<16xi32>
    %jit3A_1673 = arith.constant 0 : i32
    %broadcast_in_dim3A_1674 = vector.broadcast %jit3A_1673 : i32 to vector<16xi32>
    %select_n3A_1675 = arith.select %lt3A_1668, %add3A_1672, %broadcast_in_dim3A_1674 : vector<16xi1>, vector<16xi32>
    %jit3A_1676 = arith.constant 0.000000e+00 : f32
    %broadcast_in_dim3A_1677 = vector.broadcast %jit3A_1676 : f32 to vector<16xf32>
    %select_n3A_1678 = arith.select %lt3A_1668, %get3A_1661, %broadcast_in_dim3A_1677 : vector<16xi1>, vector<16xf32>
    %swap3A_1679 = arith.constant 3 : i32
    %swap3A_1680 = arith.index_cast %swap3A_1679 : i32 to index
    %swap3A_1681 = arith.constant 64 : index
    %swap3A_1682 = tpu.vector_load %arg10[%swap3A_1680, %swap3A_1681] {strides = array<i32>} : memref<8x128xi32, #tpu.memory_space<vmem>>, vector<1x16xi32>,
    %swap3A_1683 = vector.shape_cast %swap3A_1682 : vector<1x16xi32> to vector<16xi32>
    %swap3A_1684 = vector.shape_cast %select_n3A_1675 : vector<16xi32> to vector<1x16xi32>
    tpu.vector_store %arg10[%swap3A_1680, %swap3A_1681], %swap3A_1684 {strides = array<i32>} : memref<8x128xi32, #tpu.memory_space<vmem>>, vector<1x16xi32>,
    %swap3A_1685 = arith.constant 3 : i32
    %swap3A_1686 = arith.index_cast %swap3A_1685 : i32 to index
    %swap3A_1687 = arith.constant 64 : index
    %swap3A_1688 = tpu.vector_load %arg11[%swap3A_1686, %swap3A_1687] {strides = array<i32>} : memref<8x128xf32, #tpu.memory_space<vmem>>, vector<1x16xf32>,
    %swap3A_1689 = vector.shape_cast %swap3A_1688 : vector<1x16xf32> to vector<16xf32>
    %swap3A_1690 = vector.shape_cast %select_n3A_1678 : vector<16xf32> to vector<1x16xf32>
    tpu.vector_store %arg11[%swap3A_1686, %swap3A_1687], %swap3A_1690 {strides = array<i32>} : memref<8x128xf32, #tpu.memory_space<vmem>>, vector<1x16xf32>,
    %jit3A_1691 = arith.constant 0 : i32
    %broadcast_in_dim3A_1692 = vector.broadcast %jit3A_1691 : i32 to vector<16xi32>
    %select_n3A_1693 = arith.select %lt3A_1668, %get3A_1658, %broadcast_in_dim3A_1692 : vector<16xi1>, vector<16xi32>
    %swap3A_1694 = arith.constant 3 : i32
    %swap3A_1695 = arith.index_cast %swap3A_1694 : i32 to index
    %swap3A_1696 = arith.constant 64 : index
    %swap3A_1697 = tpu.vector_load %arg12[%swap3A_1695, %swap3A_1696] {strides = array<i32>} : memref<8x128xi32, #tpu.memory_space<vmem>>, vector<1x16xi32>,
    %swap3A_1698 = vector.shape_cast %swap3A_1697 : vector<1x16xi32> to vector<16xi32>
    %swap3A_1699 = vector.shape_cast %select_n3A_1693 : vector<16xi32> to vector<1x16xi32>
    tpu.vector_store %arg12[%swap3A_1695, %swap3A_1696], %swap3A_1699 {strides = array<i32>} : memref<8x128xi32, #tpu.memory_space<vmem>>, vector<1x16xi32>,
    %jit3A_1700 = arith.constant 1.000000e+00 : f32
    %jit3A_1701 = arith.constant 0.000000e+00 : f32
    %broadcast_in_dim3A_1702 = vector.broadcast %jit3A_1700 : f32 to vector<16xf32>
    %broadcast_in_dim3A_1703 = vector.broadcast %jit3A_1701 : f32 to vector<16xf32>
    %select_n3A_1704 = arith.select %lt3A_1668, %broadcast_in_dim3A_1702, %broadcast_in_dim3A_1703 : vector<16xi1>, vector<16xf32>
    %swap3A_1705 = arith.constant 3 : i32
    %swap3A_1706 = arith.index_cast %swap3A_1705 : i32 to index
    %swap3A_1707 = arith.constant 64 : index
    %swap3A_1708 = tpu.vector_load %arg13[%swap3A_1706, %swap3A_1707] {strides = array<i32>} : memref<8x128xf32, #tpu.memory_space<vmem>>, vector<1x16xf32>,
    %swap3A_1709 = vector.shape_cast %swap3A_1708 : vector<1x16xf32> to vector<16xf32>
    %swap3A_1710 = vector.shape_cast %select_n3A_1704 : vector<16xf32> to vector<1x16xf32>
    tpu.vector_store %arg13[%swap3A_1706, %swap3A_1707], %swap3A_1710 {strides = array<i32>} : memref<8x128xf32, #tpu.memory_space<vmem>>, vector<1x16xf32>,
    %get3A_1711 = arith.constant 464 : index
    %get3A_1712 = tpu.vector_load %arg7[%get3A_1711] {strides = array<i32>} : memref<1024xi32, #tpu.memory_space<vmem>>, vector<16xi32>,
    %get3A_1713 = vector.shape_cast %get3A_1712 : vector<16xi32> to vector<16xi32>
    %get3A_1714 = arith.constant 464 : index
    %get3A_1715 = tpu.vector_load %arg8[%get3A_1714] {strides = array<i32>} : memref<1024xi32, #tpu.memory_space<vmem>>, vector<16xi32>,
    %get3A_1716 = vector.shape_cast %get3A_1715 : vector<16xi32> to vector<16xi32>
    %get3A_1717 = arith.constant 464 : index
    %get3A_1718 = tpu.vector_load %arg9[%get3A_1717] {strides = array<i32>} : memref<1024xf32, #tpu.memory_space<vmem>>, vector<16xf32>,
    %get3A_1719 = vector.shape_cast %get3A_1718 : vector<16xf32> to vector<16xf32>
    %iota3A_1720 = tpu.iota {dimensions = array<i32: 0>} : vector<16xi32>
    %add3A_1721 = arith.constant 464 : i32
    %add3A_1722 = vector.broadcast %add3A_1721 : i32 to vector<16xi32>
    %add3A_1723 = arith.addi %iota3A_1720, %add3A_1722 : vector<16xi32>
    %lt3A_1724 = arith.constant 1000 : i32
    %lt3A_1725 = vector.broadcast %lt3A_1724 : i32 to vector<16xi32>
    %lt3A_1726 = arith.cmpi slt, %add3A_1723, %lt3A_1725 : vector<16xi32>
    %mul3A_1727 = arith.constant 800 : i32
    %mul3A_1728 = vector.broadcast %mul3A_1727 : i32 to vector<16xi32>
    %mul3A_1729 = arith.muli %get3A_1713, %mul3A_1728 : vector<16xi32>
    %add3A_1730 = arith.addi %mul3A_1729, %get3A_1716 : vector<16xi32>
    %jit3A_1731 = arith.constant 0 : i32
    %broadcast_in_dim3A_1732 = vector.broadcast %jit3A_1731 : i32 to vector<16xi32>
    %select_n3A_1733 = arith.select %lt3A_1726, %add3A_1730, %broadcast_in_dim3A_1732 : vector<16xi1>, vector<16xi32>
    %jit3A_1734 = arith.constant 0.000000e+00 : f32
    %broadcast_in_dim3A_1735 = vector.broadcast %jit3A_1734 : f32 to vector<16xf32>
    %select_n3A_1736 = arith.select %lt3A_1726, %get3A_1719, %broadcast_in_dim3A_1735 : vector<16xi1>, vector<16xf32>
    %swap3A_1737 = arith.constant 3 : i32
    %swap3A_1738 = arith.index_cast %swap3A_1737 : i32 to index
    %swap3A_1739 = arith.constant 80 : index
    %swap3A_1740 = tpu.vector_load %arg10[%swap3A_1738, %swap3A_1739] {strides = array<i32>} : memref<8x128xi32, #tpu.memory_space<vmem>>, vector<1x16xi32>,
    %swap3A_1741 = vector.shape_cast %swap3A_1740 : vector<1x16xi32> to vector<16xi32>
    %swap3A_1742 = vector.shape_cast %select_n3A_1733 : vector<16xi32> to vector<1x16xi32>
    tpu.vector_store %arg10[%swap3A_1738, %swap3A_1739], %swap3A_1742 {strides = array<i32>} : memref<8x128xi32, #tpu.memory_space<vmem>>, vector<1x16xi32>,
    %swap3A_1743 = arith.constant 3 : i32
    %swap3A_1744 = arith.index_cast %swap3A_1743 : i32 to index
    %swap3A_1745 = arith.constant 80 : index
    %swap3A_1746 = tpu.vector_load %arg11[%swap3A_1744, %swap3A_1745] {strides = array<i32>} : memref<8x128xf32, #tpu.memory_space<vmem>>, vector<1x16xf32>,
    %swap3A_1747 = vector.shape_cast %swap3A_1746 : vector<1x16xf32> to vector<16xf32>
    %swap3A_1748 = vector.shape_cast %select_n3A_1736 : vector<16xf32> to vector<1x16xf32>
    tpu.vector_store %arg11[%swap3A_1744, %swap3A_1745], %swap3A_1748 {strides = array<i32>} : memref<8x128xf32, #tpu.memory_space<vmem>>, vector<1x16xf32>,
    %jit3A_1749 = arith.constant 0 : i32
    %broadcast_in_dim3A_1750 = vector.broadcast %jit3A_1749 : i32 to vector<16xi32>
    %select_n3A_1751 = arith.select %lt3A_1726, %get3A_1716, %broadcast_in_dim3A_1750 : vector<16xi1>, vector<16xi32>
    %swap3A_1752 = arith.constant 3 : i32
    %swap3A_1753 = arith.index_cast %swap3A_1752 : i32 to index
    %swap3A_1754 = arith.constant 80 : index
    %swap3A_1755 = tpu.vector_load %arg12[%swap3A_1753, %swap3A_1754] {strides = array<i32>} : memref<8x128xi32, #tpu.memory_space<vmem>>, vector<1x16xi32>,
    %swap3A_1756 = vector.shape_cast %swap3A_1755 : vector<1x16xi32> to vector<16xi32>
    %swap3A_1757 = vector.shape_cast %select_n3A_1751 : vector<16xi32> to vector<1x16xi32>
    tpu.vector_store %arg12[%swap3A_1753, %swap3A_1754], %swap3A_1757 {strides = array<i32>} : memref<8x128xi32, #tpu.memory_space<vmem>>, vector<1x16xi32>,
    %jit3A_1758 = arith.constant 1.000000e+00 : f32
    %jit3A_1759 = arith.constant 0.000000e+00 : f32
    %broadcast_in_dim3A_1760 = vector.broadcast %jit3A_1758 : f32 to vector<16xf32>
    %broadcast_in_dim3A_1761 = vector.broadcast %jit3A_1759 : f32 to vector<16xf32>
    %select_n3A_1762 = arith.select %lt3A_1726, %broadcast_in_dim3A_1760, %broadcast_in_dim3A_1761 : vector<16xi1>, vector<16xf32>
    %swap3A_1763 = arith.constant 3 : i32
    %swap3A_1764 = arith.index_cast %swap3A_1763 : i32 to index
    %swap3A_1765 = arith.constant 80 : index
    %swap3A_1766 = tpu.vector_load %arg13[%swap3A_1764, %swap3A_1765] {strides = array<i32>} : memref<8x128xf32, #tpu.memory_space<vmem>>, vector<1x16xf32>,
    %swap3A_1767 = vector.shape_cast %swap3A_1766 : vector<1x16xf32> to vector<16xf32>
    %swap3A_1768 = vector.shape_cast %select_n3A_1762 : vector<16xf32> to vector<1x16xf32>
    tpu.vector_store %arg13[%swap3A_1764, %swap3A_1765], %swap3A_1768 {strides = array<i32>} : memref<8x128xf32, #tpu.memory_space<vmem>>, vector<1x16xf32>,
    %get3A_1769 = arith.constant 480 : index
    %get3A_1770 = tpu.vector_load %arg7[%get3A_1769] {strides = array<i32>} : memref<1024xi32, #tpu.memory_space<vmem>>, vector<16xi32>,
    %get3A_1771 = vector.shape_cast %get3A_1770 : vector<16xi32> to vector<16xi32>
    %get3A_1772 = arith.constant 480 : index
    %get3A_1773 = tpu.vector_load %arg8[%get3A_1772] {strides = array<i32>} : memref<1024xi32, #tpu.memory_space<vmem>>, vector<16xi32>,
    %get3A_1774 = vector.shape_cast %get3A_1773 : vector<16xi32> to vector<16xi32>
    %get3A_1775 = arith.constant 480 : index
    %get3A_1776 = tpu.vector_load %arg9[%get3A_1775] {strides = array<i32>} : memref<1024xf32, #tpu.memory_space<vmem>>, vector<16xf32>,
    %get3A_1777 = vector.shape_cast %get3A_1776 : vector<16xf32> to vector<16xf32>
    %iota3A_1778 = tpu.iota {dimensions = array<i32: 0>} : vector<16xi32>
    %add3A_1779 = arith.constant 480 : i32
    %add3A_1780 = vector.broadcast %add3A_1779 : i32 to vector<16xi32>
    %add3A_1781 = arith.addi %iota3A_1778, %add3A_1780 : vector<16xi32>
    %lt3A_1782 = arith.constant 1000 : i32
    %lt3A_1783 = vector.broadcast %lt3A_1782 : i32 to vector<16xi32>
    %lt3A_1784 = arith.cmpi slt, %add3A_1781, %lt3A_1783 : vector<16xi32>
    %mul3A_1785 = arith.constant 800 : i32
    %mul3A_1786 = vector.broadcast %mul3A_1785 : i32 to vector<16xi32>
    %mul3A_1787 = arith.muli %get3A_1771, %mul3A_1786 : vector<16xi32>
    %add3A_1788 = arith.addi %mul3A_1787, %get3A_1774 : vector<16xi32>
    %jit3A_1789 = arith.constant 0 : i32
    %broadcast_in_dim3A_1790 = vector.broadcast %jit3A_1789 : i32 to vector<16xi32>
    %select_n3A_1791 = arith.select %lt3A_1784, %add3A_1788, %broadcast_in_dim3A_1790 : vector<16xi1>, vector<16xi32>
    %jit3A_1792 = arith.constant 0.000000e+00 : f32
    %broadcast_in_dim3A_1793 = vector.broadcast %jit3A_1792 : f32 to vector<16xf32>
    %select_n3A_1794 = arith.select %lt3A_1784, %get3A_1777, %broadcast_in_dim3A_1793 : vector<16xi1>, vector<16xf32>
    %swap3A_1795 = arith.constant 3 : i32
    %swap3A_1796 = arith.index_cast %swap3A_1795 : i32 to index
    %swap3A_1797 = arith.constant 96 : index
    %swap3A_1798 = tpu.vector_load %arg10[%swap3A_1796, %swap3A_1797] {strides = array<i32>} : memref<8x128xi32, #tpu.memory_space<vmem>>, vector<1x16xi32>,
    %swap3A_1799 = vector.shape_cast %swap3A_1798 : vector<1x16xi32> to vector<16xi32>
    %swap3A_1800 = vector.shape_cast %select_n3A_1791 : vector<16xi32> to vector<1x16xi32>
    tpu.vector_store %arg10[%swap3A_1796, %swap3A_1797], %swap3A_1800 {strides = array<i32>} : memref<8x128xi32, #tpu.memory_space<vmem>>, vector<1x16xi32>,
    %swap3A_1801 = arith.constant 3 : i32
    %swap3A_1802 = arith.index_cast %swap3A_1801 : i32 to index
    %swap3A_1803 = arith.constant 96 : index
    %swap3A_1804 = tpu.vector_load %arg11[%swap3A_1802, %swap3A_1803] {strides = array<i32>} : memref<8x128xf32, #tpu.memory_space<vmem>>, vector<1x16xf32>,
    %swap3A_1805 = vector.shape_cast %swap3A_1804 : vector<1x16xf32> to vector<16xf32>
    %swap3A_1806 = vector.shape_cast %select_n3A_1794 : vector<16xf32> to vector<1x16xf32>
    tpu.vector_store %arg11[%swap3A_1802, %swap3A_1803], %swap3A_1806 {strides = array<i32>} : memref<8x128xf32, #tpu.memory_space<vmem>>, vector<1x16xf32>,
    %jit3A_1807 = arith.constant 0 : i32
    %broadcast_in_dim3A_1808 = vector.broadcast %jit3A_1807 : i32 to vector<16xi32>
    %select_n3A_1809 = arith.select %lt3A_1784, %get3A_1774, %broadcast_in_dim3A_1808 : vector<16xi1>, vector<16xi32>
    %swap3A_1810 = arith.constant 3 : i32
    %swap3A_1811 = arith.index_cast %swap3A_1810 : i32 to index
    %swap3A_1812 = arith.constant 96 : index
    %swap3A_1813 = tpu.vector_load %arg12[%swap3A_1811, %swap3A_1812] {strides = array<i32>} : memref<8x128xi32, #tpu.memory_space<vmem>>, vector<1x16xi32>,
    %swap3A_1814 = vector.shape_cast %swap3A_1813 : vector<1x16xi32> to vector<16xi32>
    %swap3A_1815 = vector.shape_cast %select_n3A_1809 : vector<16xi32> to vector<1x16xi32>
    tpu.vector_store %arg12[%swap3A_1811, %swap3A_1812], %swap3A_1815 {strides = array<i32>} : memref<8x128xi32, #tpu.memory_space<vmem>>, vector<1x16xi32>,
    %jit3A_1816 = arith.constant 1.000000e+00 : f32
    %jit3A_1817 = arith.constant 0.000000e+00 : f32
    %broadcast_in_dim3A_1818 = vector.broadcast %jit3A_1816 : f32 to vector<16xf32>
    %broadcast_in_dim3A_1819 = vector.broadcast %jit3A_1817 : f32 to vector<16xf32>
    %select_n3A_1820 = arith.select %lt3A_1784, %broadcast_in_dim3A_1818, %broadcast_in_dim3A_1819 : vector<16xi1>, vector<16xf32>
    %swap3A_1821 = arith.constant 3 : i32
    %swap3A_1822 = arith.index_cast %swap3A_1821 : i32 to index
    %swap3A_1823 = arith.constant 96 : index
    %swap3A_1824 = tpu.vector_load %arg13[%swap3A_1822, %swap3A_1823] {strides = array<i32>} : memref<8x128xf32, #tpu.memory_space<vmem>>, vector<1x16xf32>,
    %swap3A_1825 = vector.shape_cast %swap3A_1824 : vector<1x16xf32> to vector<16xf32>
    %swap3A_1826 = vector.shape_cast %select_n3A_1820 : vector<16xf32> to vector<1x16xf32>
    tpu.vector_store %arg13[%swap3A_1822, %swap3A_1823], %swap3A_1826 {strides = array<i32>} : memref<8x128xf32, #tpu.memory_space<vmem>>, vector<1x16xf32>,
    %get3A_1827 = arith.constant 496 : index
    %get3A_1828 = tpu.vector_load %arg7[%get3A_1827] {strides = array<i32>} : memref<1024xi32, #tpu.memory_space<vmem>>, vector<16xi32>,
    %get3A_1829 = vector.shape_cast %get3A_1828 : vector<16xi32> to vector<16xi32>
    %get3A_1830 = arith.constant 496 : index
    %get3A_1831 = tpu.vector_load %arg8[%get3A_1830] {strides = array<i32>} : memref<1024xi32, #tpu.memory_space<vmem>>, vector<16xi32>,
    %get3A_1832 = vector.shape_cast %get3A_1831 : vector<16xi32> to vector<16xi32>
    %get3A_1833 = arith.constant 496 : index
    %get3A_1834 = tpu.vector_load %arg9[%get3A_1833] {strides = array<i32>} : memref<1024xf32, #tpu.memory_space<vmem>>, vector<16xf32>,
    %get3A_1835 = vector.shape_cast %get3A_1834 : vector<16xf32> to vector<16xf32>
    %iota3A_1836 = tpu.iota {dimensions = array<i32: 0>} : vector<16xi32>
    %add3A_1837 = arith.constant 496 : i32
    %add3A_1838 = vector.broadcast %add3A_1837 : i32 to vector<16xi32>
    %add3A_1839 = arith.addi %iota3A_1836, %add3A_1838 : vector<16xi32>
    %lt3A_1840 = arith.constant 1000 : i32
    %lt3A_1841 = vector.broadcast %lt3A_1840 : i32 to vector<16xi32>
    %lt3A_1842 = arith.cmpi slt, %add3A_1839, %lt3A_1841 : vector<16xi32>
    %mul3A_1843 = arith.constant 800 : i32
    %mul3A_1844 = vector.broadcast %mul3A_1843 : i32 to vector<16xi32>
    %mul3A_1845 = arith.muli %get3A_1829, %mul3A_1844 : vector<16xi32>
    %add3A_1846 = arith.addi %mul3A_1845, %get3A_1832 : vector<16xi32>
    %jit3A_1847 = arith.constant 0 : i32
    %broadcast_in_dim3A_1848 = vector.broadcast %jit3A_1847 : i32 to vector<16xi32>
    %select_n3A_1849 = arith.select %lt3A_1842, %add3A_1846, %broadcast_in_dim3A_1848 : vector<16xi1>, vector<16xi32>
    %jit3A_1850 = arith.constant 0.000000e+00 : f32
    %broadcast_in_dim3A_1851 = vector.broadcast %jit3A_1850 : f32 to vector<16xf32>
    %select_n3A_1852 = arith.select %lt3A_1842, %get3A_1835, %broadcast_in_dim3A_1851 : vector<16xi1>, vector<16xf32>
    %swap3A_1853 = arith.constant 3 : i32
    %swap3A_1854 = arith.index_cast %swap3A_1853 : i32 to index
    %swap3A_1855 = arith.constant 112 : index
    %swap3A_1856 = tpu.vector_load %arg10[%swap3A_1854, %swap3A_1855] {strides = array<i32>} : memref<8x128xi32, #tpu.memory_space<vmem>>, vector<1x16xi32>,
    %swap3A_1857 = vector.shape_cast %swap3A_1856 : vector<1x16xi32> to vector<16xi32>
    %swap3A_1858 = vector.shape_cast %select_n3A_1849 : vector<16xi32> to vector<1x16xi32>
    tpu.vector_store %arg10[%swap3A_1854, %swap3A_1855], %swap3A_1858 {strides = array<i32>} : memref<8x128xi32, #tpu.memory_space<vmem>>, vector<1x16xi32>,
    %swap3A_1859 = arith.constant 3 : i32
    %swap3A_1860 = arith.index_cast %swap3A_1859 : i32 to index
    %swap3A_1861 = arith.constant 112 : index
    %swap3A_1862 = tpu.vector_load %arg11[%swap3A_1860, %swap3A_1861] {strides = array<i32>} : memref<8x128xf32, #tpu.memory_space<vmem>>, vector<1x16xf32>,
    %swap3A_1863 = vector.shape_cast %swap3A_1862 : vector<1x16xf32> to vector<16xf32>
    %swap3A_1864 = vector.shape_cast %select_n3A_1852 : vector<16xf32> to vector<1x16xf32>
    tpu.vector_store %arg11[%swap3A_1860, %swap3A_1861], %swap3A_1864 {strides = array<i32>} : memref<8x128xf32, #tpu.memory_space<vmem>>, vector<1x16xf32>,
    %jit3A_1865 = arith.constant 0 : i32
    %broadcast_in_dim3A_1866 = vector.broadcast %jit3A_1865 : i32 to vector<16xi32>
    %select_n3A_1867 = arith.select %lt3A_1842, %get3A_1832, %broadcast_in_dim3A_1866 : vector<16xi1>, vector<16xi32>
    %swap3A_1868 = arith.constant 3 : i32
    %swap3A_1869 = arith.index_cast %swap3A_1868 : i32 to index
    %swap3A_1870 = arith.constant 112 : index
    %swap3A_1871 = tpu.vector_load %arg12[%swap3A_1869, %swap3A_1870] {strides = array<i32>} : memref<8x128xi32, #tpu.memory_space<vmem>>, vector<1x16xi32>,
    %swap3A_1872 = vector.shape_cast %swap3A_1871 : vector<1x16xi32> to vector<16xi32>
    %swap3A_1873 = vector.shape_cast %select_n3A_1867 : vector<16xi32> to vector<1x16xi32>
    tpu.vector_store %arg12[%swap3A_1869, %swap3A_1870], %swap3A_1873 {strides = array<i32>} : memref<8x128xi32, #tpu.memory_space<vmem>>, vector<1x16xi32>,
    %jit3A_1874 = arith.constant 1.000000e+00 : f32
    %jit3A_1875 = arith.constant 0.000000e+00 : f32
    %broadcast_in_dim3A_1876 = vector.broadcast %jit3A_1874 : f32 to vector<16xf32>
    %broadcast_in_dim3A_1877 = vector.broadcast %jit3A_1875 : f32 to vector<16xf32>
    %select_n3A_1878 = arith.select %lt3A_1842, %broadcast_in_dim3A_1876, %broadcast_in_dim3A_1877 : vector<16xi1>, vector<16xf32>
    %swap3A_1879 = arith.constant 3 : i32
    %swap3A_1880 = arith.index_cast %swap3A_1879 : i32 to index
    %swap3A_1881 = arith.constant 112 : index
    %swap3A_1882 = tpu.vector_load %arg13[%swap3A_1880, %swap3A_1881] {strides = array<i32>} : memref<8x128xf32, #tpu.memory_space<vmem>>, vector<1x16xf32>,
    %swap3A_1883 = vector.shape_cast %swap3A_1882 : vector<1x16xf32> to vector<16xf32>
    %swap3A_1884 = vector.shape_cast %select_n3A_1878 : vector<16xf32> to vector<1x16xf32>
    tpu.vector_store %arg13[%swap3A_1880, %swap3A_1881], %swap3A_1884 {strides = array<i32>} : memref<8x128xf32, #tpu.memory_space<vmem>>, vector<1x16xf32>,
    %get3A_1885 = arith.constant 512 : index
    %get3A_1886 = tpu.vector_load %arg7[%get3A_1885] {strides = array<i32>} : memref<1024xi32, #tpu.memory_space<vmem>>, vector<16xi32>,
    %get3A_1887 = vector.shape_cast %get3A_1886 : vector<16xi32> to vector<16xi32>
    %get3A_1888 = arith.constant 512 : index
    %get3A_1889 = tpu.vector_load %arg8[%get3A_1888] {strides = array<i32>} : memref<1024xi32, #tpu.memory_space<vmem>>, vector<16xi32>,
    %get3A_1890 = vector.shape_cast %get3A_1889 : vector<16xi32> to vector<16xi32>
    %get3A_1891 = arith.constant 512 : index
    %get3A_1892 = tpu.vector_load %arg9[%get3A_1891] {strides = array<i32>} : memref<1024xf32, #tpu.memory_space<vmem>>, vector<16xf32>,
    %get3A_1893 = vector.shape_cast %get3A_1892 : vector<16xf32> to vector<16xf32>
    %iota3A_1894 = tpu.iota {dimensions = array<i32: 0>} : vector<16xi32>
    %add3A_1895 = arith.constant 512 : i32
    %add3A_1896 = vector.broadcast %add3A_1895 : i32 to vector<16xi32>
    %add3A_1897 = arith.addi %iota3A_1894, %add3A_1896 : vector<16xi32>
    %lt3A_1898 = arith.constant 1000 : i32
    %lt3A_1899 = vector.broadcast %lt3A_1898 : i32 to vector<16xi32>
    %lt3A_1900 = arith.cmpi slt, %add3A_1897, %lt3A_1899 : vector<16xi32>
    %mul3A_1901 = arith.constant 800 : i32
    %mul3A_1902 = vector.broadcast %mul3A_1901 : i32 to vector<16xi32>
    %mul3A_1903 = arith.muli %get3A_1887, %mul3A_1902 : vector<16xi32>
    %add3A_1904 = arith.addi %mul3A_1903, %get3A_1890 : vector<16xi32>
    %jit3A_1905 = arith.constant 0 : i32
    %broadcast_in_dim3A_1906 = vector.broadcast %jit3A_1905 : i32 to vector<16xi32>
    %select_n3A_1907 = arith.select %lt3A_1900, %add3A_1904, %broadcast_in_dim3A_1906 : vector<16xi1>, vector<16xi32>
    %jit3A_1908 = arith.constant 0.000000e+00 : f32
    %broadcast_in_dim3A_1909 = vector.broadcast %jit3A_1908 : f32 to vector<16xf32>
    %select_n3A_1910 = arith.select %lt3A_1900, %get3A_1893, %broadcast_in_dim3A_1909 : vector<16xi1>, vector<16xf32>
    %swap3A_1911 = arith.constant 4 : i32
    %swap3A_1912 = arith.index_cast %swap3A_1911 : i32 to index
    %swap3A_1913 = arith.constant 0 : index
    %swap3A_1914 = tpu.vector_load %arg10[%swap3A_1912, %swap3A_1913] {strides = array<i32>} : memref<8x128xi32, #tpu.memory_space<vmem>>, vector<1x16xi32>,
    %swap3A_1915 = vector.shape_cast %swap3A_1914 : vector<1x16xi32> to vector<16xi32>
    %swap3A_1916 = vector.shape_cast %select_n3A_1907 : vector<16xi32> to vector<1x16xi32>
    tpu.vector_store %arg10[%swap3A_1912, %swap3A_1913], %swap3A_1916 {strides = array<i32>} : memref<8x128xi32, #tpu.memory_space<vmem>>, vector<1x16xi32>,
    %swap3A_1917 = arith.constant 4 : i32
    %swap3A_1918 = arith.index_cast %swap3A_1917 : i32 to index
    %swap3A_1919 = arith.constant 0 : index
    %swap3A_1920 = tpu.vector_load %arg11[%swap3A_1918, %swap3A_1919] {strides = array<i32>} : memref<8x128xf32, #tpu.memory_space<vmem>>, vector<1x16xf32>,
    %swap3A_1921 = vector.shape_cast %swap3A_1920 : vector<1x16xf32> to vector<16xf32>
    %swap3A_1922 = vector.shape_cast %select_n3A_1910 : vector<16xf32> to vector<1x16xf32>
    tpu.vector_store %arg11[%swap3A_1918, %swap3A_1919], %swap3A_1922 {strides = array<i32>} : memref<8x128xf32, #tpu.memory_space<vmem>>, vector<1x16xf32>,
    %jit3A_1923 = arith.constant 0 : i32
    %broadcast_in_dim3A_1924 = vector.broadcast %jit3A_1923 : i32 to vector<16xi32>
    %select_n3A_1925 = arith.select %lt3A_1900, %get3A_1890, %broadcast_in_dim3A_1924 : vector<16xi1>, vector<16xi32>
    %swap3A_1926 = arith.constant 4 : i32
    %swap3A_1927 = arith.index_cast %swap3A_1926 : i32 to index
    %swap3A_1928 = arith.constant 0 : index
    %swap3A_1929 = tpu.vector_load %arg12[%swap3A_1927, %swap3A_1928] {strides = array<i32>} : memref<8x128xi32, #tpu.memory_space<vmem>>, vector<1x16xi32>,
    %swap3A_1930 = vector.shape_cast %swap3A_1929 : vector<1x16xi32> to vector<16xi32>
    %swap3A_1931 = vector.shape_cast %select_n3A_1925 : vector<16xi32> to vector<1x16xi32>
    tpu.vector_store %arg12[%swap3A_1927, %swap3A_1928], %swap3A_1931 {strides = array<i32>} : memref<8x128xi32, #tpu.memory_space<vmem>>, vector<1x16xi32>,
    %jit3A_1932 = arith.constant 1.000000e+00 : f32
    %jit3A_1933 = arith.constant 0.000000e+00 : f32
    %broadcast_in_dim3A_1934 = vector.broadcast %jit3A_1932 : f32 to vector<16xf32>
    %broadcast_in_dim3A_1935 = vector.broadcast %jit3A_1933 : f32 to vector<16xf32>
    %select_n3A_1936 = arith.select %lt3A_1900, %broadcast_in_dim3A_1934, %broadcast_in_dim3A_1935 : vector<16xi1>, vector<16xf32>
    %swap3A_1937 = arith.constant 4 : i32
    %swap3A_1938 = arith.index_cast %swap3A_1937 : i32 to index
    %swap3A_1939 = arith.constant 0 : index
    %swap3A_1940 = tpu.vector_load %arg13[%swap3A_1938, %swap3A_1939] {strides = array<i32>} : memref<8x128xf32, #tpu.memory_space<vmem>>, vector<1x16xf32>,
    %swap3A_1941 = vector.shape_cast %swap3A_1940 : vector<1x16xf32> to vector<16xf32>
    %swap3A_1942 = vector.shape_cast %select_n3A_1936 : vector<16xf32> to vector<1x16xf32>
    tpu.vector_store %arg13[%swap3A_1938, %swap3A_1939], %swap3A_1942 {strides = array<i32>} : memref<8x128xf32, #tpu.memory_space<vmem>>, vector<1x16xf32>,
    %get3A_1943 = arith.constant 528 : index
    %get3A_1944 = tpu.vector_load %arg7[%get3A_1943] {strides = array<i32>} : memref<1024xi32, #tpu.memory_space<vmem>>, vector<16xi32>,
    %get3A_1945 = vector.shape_cast %get3A_1944 : vector<16xi32> to vector<16xi32>
    %get3A_1946 = arith.constant 528 : index
    %get3A_1947 = tpu.vector_load %arg8[%get3A_1946] {strides = array<i32>} : memref<1024xi32, #tpu.memory_space<vmem>>, vector<16xi32>,
    %get3A_1948 = vector.shape_cast %get3A_1947 : vector<16xi32> to vector<16xi32>
    %get3A_1949 = arith.constant 528 : index
    %get3A_1950 = tpu.vector_load %arg9[%get3A_1949] {strides = array<i32>} : memref<1024xf32, #tpu.memory_space<vmem>>, vector<16xf32>,
    %get3A_1951 = vector.shape_cast %get3A_1950 : vector<16xf32> to vector<16xf32>
    %iota3A_1952 = tpu.iota {dimensions = array<i32: 0>} : vector<16xi32>
    %add3A_1953 = arith.constant 528 : i32
    %add3A_1954 = vector.broadcast %add3A_1953 : i32 to vector<16xi32>
    %add3A_1955 = arith.addi %iota3A_1952, %add3A_1954 : vector<16xi32>
    %lt3A_1956 = arith.constant 1000 : i32
    %lt3A_1957 = vector.broadcast %lt3A_1956 : i32 to vector<16xi32>
    %lt3A_1958 = arith.cmpi slt, %add3A_1955, %lt3A_1957 : vector<16xi32>
    %mul3A_1959 = arith.constant 800 : i32
    %mul3A_1960 = vector.broadcast %mul3A_1959 : i32 to vector<16xi32>
    %mul3A_1961 = arith.muli %get3A_1945, %mul3A_1960 : vector<16xi32>
    %add3A_1962 = arith.addi %mul3A_1961, %get3A_1948 : vector<16xi32>
    %jit3A_1963 = arith.constant 0 : i32
    %broadcast_in_dim3A_1964 = vector.broadcast %jit3A_1963 : i32 to vector<16xi32>
    %select_n3A_1965 = arith.select %lt3A_1958, %add3A_1962, %broadcast_in_dim3A_1964 : vector<16xi1>, vector<16xi32>
    %jit3A_1966 = arith.constant 0.000000e+00 : f32
    %broadcast_in_dim3A_1967 = vector.broadcast %jit3A_1966 : f32 to vector<16xf32>
    %select_n3A_1968 = arith.select %lt3A_1958, %get3A_1951, %broadcast_in_dim3A_1967 : vector<16xi1>, vector<16xf32>
    %swap3A_1969 = arith.constant 4 : i32
    %swap3A_1970 = arith.index_cast %swap3A_1969 : i32 to index
    %swap3A_1971 = arith.constant 16 : index
    %swap3A_1972 = tpu.vector_load %arg10[%swap3A_1970, %swap3A_1971] {strides = array<i32>} : memref<8x128xi32, #tpu.memory_space<vmem>>, vector<1x16xi32>,
    %swap3A_1973 = vector.shape_cast %swap3A_1972 : vector<1x16xi32> to vector<16xi32>
    %swap3A_1974 = vector.shape_cast %select_n3A_1965 : vector<16xi32> to vector<1x16xi32>
    tpu.vector_store %arg10[%swap3A_1970, %swap3A_1971], %swap3A_1974 {strides = array<i32>} : memref<8x128xi32, #tpu.memory_space<vmem>>, vector<1x16xi32>,
    %swap3A_1975 = arith.constant 4 : i32
    %swap3A_1976 = arith.index_cast %swap3A_1975 : i32 to index
    %swap3A_1977 = arith.constant 16 : index
    %swap3A_1978 = tpu.vector_load %arg11[%swap3A_1976, %swap3A_1977] {strides = array<i32>} : memref<8x128xf32, #tpu.memory_space<vmem>>, vector<1x16xf32>,
    %swap3A_1979 = vector.shape_cast %swap3A_1978 : vector<1x16xf32> to vector<16xf32>
    %swap3A_1980 = vector.shape_cast %select_n3A_1968 : vector<16xf32> to vector<1x16xf32>
    tpu.vector_store %arg11[%swap3A_1976, %swap3A_1977], %swap3A_1980 {strides = array<i32>} : memref<8x128xf32, #tpu.memory_space<vmem>>, vector<1x16xf32>,
    %jit3A_1981 = arith.constant 0 : i32
    %broadcast_in_dim3A_1982 = vector.broadcast %jit3A_1981 : i32 to vector<16xi32>
    %select_n3A_1983 = arith.select %lt3A_1958, %get3A_1948, %broadcast_in_dim3A_1982 : vector<16xi1>, vector<16xi32>
    %swap3A_1984 = arith.constant 4 : i32
    %swap3A_1985 = arith.index_cast %swap3A_1984 : i32 to index
    %swap3A_1986 = arith.constant 16 : index
    %swap3A_1987 = tpu.vector_load %arg12[%swap3A_1985, %swap3A_1986] {strides = array<i32>} : memref<8x128xi32, #tpu.memory_space<vmem>>, vector<1x16xi32>,
    %swap3A_1988 = vector.shape_cast %swap3A_1987 : vector<1x16xi32> to vector<16xi32>
    %swap3A_1989 = vector.shape_cast %select_n3A_1983 : vector<16xi32> to vector<1x16xi32>
    tpu.vector_store %arg12[%swap3A_1985, %swap3A_1986], %swap3A_1989 {strides = array<i32>} : memref<8x128xi32, #tpu.memory_space<vmem>>, vector<1x16xi32>,
    %jit3A_1990 = arith.constant 1.000000e+00 : f32
    %jit3A_1991 = arith.constant 0.000000e+00 : f32
    %broadcast_in_dim3A_1992 = vector.broadcast %jit3A_1990 : f32 to vector<16xf32>
    %broadcast_in_dim3A_1993 = vector.broadcast %jit3A_1991 : f32 to vector<16xf32>
    %select_n3A_1994 = arith.select %lt3A_1958, %broadcast_in_dim3A_1992, %broadcast_in_dim3A_1993 : vector<16xi1>, vector<16xf32>
    %swap3A_1995 = arith.constant 4 : i32
    %swap3A_1996 = arith.index_cast %swap3A_1995 : i32 to index
    %swap3A_1997 = arith.constant 16 : index
    %swap3A_1998 = tpu.vector_load %arg13[%swap3A_1996, %swap3A_1997] {strides = array<i32>} : memref<8x128xf32, #tpu.memory_space<vmem>>, vector<1x16xf32>,
    %swap3A_1999 = vector.shape_cast %swap3A_1998 : vector<1x16xf32> to vector<16xf32>
    %swap3A_2000 = vector.shape_cast %select_n3A_1994 : vector<16xf32> to vector<1x16xf32>
    tpu.vector_store %arg13[%swap3A_1996, %swap3A_1997], %swap3A_2000 {strides = array<i32>} : memref<8x128xf32, #tpu.memory_space<vmem>>, vector<1x16xf32>,
    %get3A_2001 = arith.constant 544 : index
    %get3A_2002 = tpu.vector_load %arg7[%get3A_2001] {strides = array<i32>} : memref<1024xi32, #tpu.memory_space<vmem>>, vector<16xi32>,
    %get3A_2003 = vector.shape_cast %get3A_2002 : vector<16xi32> to vector<16xi32>
    %get3A_2004 = arith.constant 544 : index
    %get3A_2005 = tpu.vector_load %arg8[%get3A_2004] {strides = array<i32>} : memref<1024xi32, #tpu.memory_space<vmem>>, vector<16xi32>,
    %get3A_2006 = vector.shape_cast %get3A_2005 : vector<16xi32> to vector<16xi32>
    %get3A_2007 = arith.constant 544 : index
    %get3A_2008 = tpu.vector_load %arg9[%get3A_2007] {strides = array<i32>} : memref<1024xf32, #tpu.memory_space<vmem>>, vector<16xf32>,
    %get3A_2009 = vector.shape_cast %get3A_2008 : vector<16xf32> to vector<16xf32>
    %iota3A_2010 = tpu.iota {dimensions = array<i32: 0>} : vector<16xi32>
    %add3A_2011 = arith.constant 544 : i32
    %add3A_2012 = vector.broadcast %add3A_2011 : i32 to vector<16xi32>
    %add3A_2013 = arith.addi %iota3A_2010, %add3A_2012 : vector<16xi32>
    %lt3A_2014 = arith.constant 1000 : i32
    %lt3A_2015 = vector.broadcast %lt3A_2014 : i32 to vector<16xi32>
    %lt3A_2016 = arith.cmpi slt, %add3A_2013, %lt3A_2015 : vector<16xi32>
    %mul3A_2017 = arith.constant 800 : i32
    %mul3A_2018 = vector.broadcast %mul3A_2017 : i32 to vector<16xi32>
    %mul3A_2019 = arith.muli %get3A_2003, %mul3A_2018 : vector<16xi32>
    %add3A_2020 = arith.addi %mul3A_2019, %get3A_2006 : vector<16xi32>
    %jit3A_2021 = arith.constant 0 : i32
    %broadcast_in_dim3A_2022 = vector.broadcast %jit3A_2021 : i32 to vector<16xi32>
    %select_n3A_2023 = arith.select %lt3A_2016, %add3A_2020, %broadcast_in_dim3A_2022 : vector<16xi1>, vector<16xi32>
    %jit3A_2024 = arith.constant 0.000000e+00 : f32
    %broadcast_in_dim3A_2025 = vector.broadcast %jit3A_2024 : f32 to vector<16xf32>
    %select_n3A_2026 = arith.select %lt3A_2016, %get3A_2009, %broadcast_in_dim3A_2025 : vector<16xi1>, vector<16xf32>
    %swap3A_2027 = arith.constant 4 : i32
    %swap3A_2028 = arith.index_cast %swap3A_2027 : i32 to index
    %swap3A_2029 = arith.constant 32 : index
    %swap3A_2030 = tpu.vector_load %arg10[%swap3A_2028, %swap3A_2029] {strides = array<i32>} : memref<8x128xi32, #tpu.memory_space<vmem>>, vector<1x16xi32>,
    %swap3A_2031 = vector.shape_cast %swap3A_2030 : vector<1x16xi32> to vector<16xi32>
    %swap3A_2032 = vector.shape_cast %select_n3A_2023 : vector<16xi32> to vector<1x16xi32>
    tpu.vector_store %arg10[%swap3A_2028, %swap3A_2029], %swap3A_2032 {strides = array<i32>} : memref<8x128xi32, #tpu.memory_space<vmem>>, vector<1x16xi32>,
    %swap3A_2033 = arith.constant 4 : i32
    %swap3A_2034 = arith.index_cast %swap3A_2033 : i32 to index
    %swap3A_2035 = arith.constant 32 : index
    %swap3A_2036 = tpu.vector_load %arg11[%swap3A_2034, %swap3A_2035] {strides = array<i32>} : memref<8x128xf32, #tpu.memory_space<vmem>>, vector<1x16xf32>,
    %swap3A_2037 = vector.shape_cast %swap3A_2036 : vector<1x16xf32> to vector<16xf32>
    %swap3A_2038 = vector.shape_cast %select_n3A_2026 : vector<16xf32> to vector<1x16xf32>
    tpu.vector_store %arg11[%swap3A_2034, %swap3A_2035], %swap3A_2038 {strides = array<i32>} : memref<8x128xf32, #tpu.memory_space<vmem>>, vector<1x16xf32>,
    %jit3A_2039 = arith.constant 0 : i32
    %broadcast_in_dim3A_2040 = vector.broadcast %jit3A_2039 : i32 to vector<16xi32>
    %select_n3A_2041 = arith.select %lt3A_2016, %get3A_2006, %broadcast_in_dim3A_2040 : vector<16xi1>, vector<16xi32>
    %swap3A_2042 = arith.constant 4 : i32
    %swap3A_2043 = arith.index_cast %swap3A_2042 : i32 to index
    %swap3A_2044 = arith.constant 32 : index
    %swap3A_2045 = tpu.vector_load %arg12[%swap3A_2043, %swap3A_2044] {strides = array<i32>} : memref<8x128xi32, #tpu.memory_space<vmem>>, vector<1x16xi32>,
    %swap3A_2046 = vector.shape_cast %swap3A_2045 : vector<1x16xi32> to vector<16xi32>
    %swap3A_2047 = vector.shape_cast %select_n3A_2041 : vector<16xi32> to vector<1x16xi32>
    tpu.vector_store %arg12[%swap3A_2043, %swap3A_2044], %swap3A_2047 {strides = array<i32>} : memref<8x128xi32, #tpu.memory_space<vmem>>, vector<1x16xi32>,
    %jit3A_2048 = arith.constant 1.000000e+00 : f32
    %jit3A_2049 = arith.constant 0.000000e+00 : f32
    %broadcast_in_dim3A_2050 = vector.broadcast %jit3A_2048 : f32 to vector<16xf32>
    %broadcast_in_dim3A_2051 = vector.broadcast %jit3A_2049 : f32 to vector<16xf32>
    %select_n3A_2052 = arith.select %lt3A_2016, %broadcast_in_dim3A_2050, %broadcast_in_dim3A_2051 : vector<16xi1>, vector<16xf32>
    %swap3A_2053 = arith.constant 4 : i32
    %swap3A_2054 = arith.index_cast %swap3A_2053 : i32 to index
    %swap3A_2055 = arith.constant 32 : index
    %swap3A_2056 = tpu.vector_load %arg13[%swap3A_2054, %swap3A_2055] {strides = array<i32>} : memref<8x128xf32, #tpu.memory_space<vmem>>, vector<1x16xf32>,
    %swap3A_2057 = vector.shape_cast %swap3A_2056 : vector<1x16xf32> to vector<16xf32>
    %swap3A_2058 = vector.shape_cast %select_n3A_2052 : vector<16xf32> to vector<1x16xf32>
    tpu.vector_store %arg13[%swap3A_2054, %swap3A_2055], %swap3A_2058 {strides = array<i32>} : memref<8x128xf32, #tpu.memory_space<vmem>>, vector<1x16xf32>,
    %get3A_2059 = arith.constant 560 : index
    %get3A_2060 = tpu.vector_load %arg7[%get3A_2059] {strides = array<i32>} : memref<1024xi32, #tpu.memory_space<vmem>>, vector<16xi32>,
    %get3A_2061 = vector.shape_cast %get3A_2060 : vector<16xi32> to vector<16xi32>
    %get3A_2062 = arith.constant 560 : index
    %get3A_2063 = tpu.vector_load %arg8[%get3A_2062] {strides = array<i32>} : memref<1024xi32, #tpu.memory_space<vmem>>, vector<16xi32>,
    %get3A_2064 = vector.shape_cast %get3A_2063 : vector<16xi32> to vector<16xi32>
    %get3A_2065 = arith.constant 560 : index
    %get3A_2066 = tpu.vector_load %arg9[%get3A_2065] {strides = array<i32>} : memref<1024xf32, #tpu.memory_space<vmem>>, vector<16xf32>,
    %get3A_2067 = vector.shape_cast %get3A_2066 : vector<16xf32> to vector<16xf32>
    %iota3A_2068 = tpu.iota {dimensions = array<i32: 0>} : vector<16xi32>
    %add3A_2069 = arith.constant 560 : i32
    %add3A_2070 = vector.broadcast %add3A_2069 : i32 to vector<16xi32>
    %add3A_2071 = arith.addi %iota3A_2068, %add3A_2070 : vector<16xi32>
    %lt3A_2072 = arith.constant 1000 : i32
    %lt3A_2073 = vector.broadcast %lt3A_2072 : i32 to vector<16xi32>
    %lt3A_2074 = arith.cmpi slt, %add3A_2071, %lt3A_2073 : vector<16xi32>
    %mul3A_2075 = arith.constant 800 : i32
    %mul3A_2076 = vector.broadcast %mul3A_2075 : i32 to vector<16xi32>
    %mul3A_2077 = arith.muli %get3A_2061, %mul3A_2076 : vector<16xi32>
    %add3A_2078 = arith.addi %mul3A_2077, %get3A_2064 : vector<16xi32>
    %jit3A_2079 = arith.constant 0 : i32
    %broadcast_in_dim3A_2080 = vector.broadcast %jit3A_2079 : i32 to vector<16xi32>
    %select_n3A_2081 = arith.select %lt3A_2074, %add3A_2078, %broadcast_in_dim3A_2080 : vector<16xi1>, vector<16xi32>
    %jit3A_2082 = arith.constant 0.000000e+00 : f32
    %broadcast_in_dim3A_2083 = vector.broadcast %jit3A_2082 : f32 to vector<16xf32>
    %select_n3A_2084 = arith.select %lt3A_2074, %get3A_2067, %broadcast_in_dim3A_2083 : vector<16xi1>, vector<16xf32>
    %swap3A_2085 = arith.constant 4 : i32
    %swap3A_2086 = arith.index_cast %swap3A_2085 : i32 to index
    %swap3A_2087 = arith.constant 48 : index
    %swap3A_2088 = tpu.vector_load %arg10[%swap3A_2086, %swap3A_2087] {strides = array<i32>} : memref<8x128xi32, #tpu.memory_space<vmem>>, vector<1x16xi32>,
    %swap3A_2089 = vector.shape_cast %swap3A_2088 : vector<1x16xi32> to vector<16xi32>
    %swap3A_2090 = vector.shape_cast %select_n3A_2081 : vector<16xi32> to vector<1x16xi32>
    tpu.vector_store %arg10[%swap3A_2086, %swap3A_2087], %swap3A_2090 {strides = array<i32>} : memref<8x128xi32, #tpu.memory_space<vmem>>, vector<1x16xi32>,
    %swap3A_2091 = arith.constant 4 : i32
    %swap3A_2092 = arith.index_cast %swap3A_2091 : i32 to index
    %swap3A_2093 = arith.constant 48 : index
    %swap3A_2094 = tpu.vector_load %arg11[%swap3A_2092, %swap3A_2093] {strides = array<i32>} : memref<8x128xf32, #tpu.memory_space<vmem>>, vector<1x16xf32>,
    %swap3A_2095 = vector.shape_cast %swap3A_2094 : vector<1x16xf32> to vector<16xf32>
    %swap3A_2096 = vector.shape_cast %select_n3A_2084 : vector<16xf32> to vector<1x16xf32>
    tpu.vector_store %arg11[%swap3A_2092, %swap3A_2093], %swap3A_2096 {strides = array<i32>} : memref<8x128xf32, #tpu.memory_space<vmem>>, vector<1x16xf32>,
    %jit3A_2097 = arith.constant 0 : i32
    %broadcast_in_dim3A_2098 = vector.broadcast %jit3A_2097 : i32 to vector<16xi32>
    %select_n3A_2099 = arith.select %lt3A_2074, %get3A_2064, %broadcast_in_dim3A_2098 : vector<16xi1>, vector<16xi32>
    %swap3A_2100 = arith.constant 4 : i32
    %swap3A_2101 = arith.index_cast %swap3A_2100 : i32 to index
    %swap3A_2102 = arith.constant 48 : index
    %swap3A_2103 = tpu.vector_load %arg12[%swap3A_2101, %swap3A_2102] {strides = array<i32>} : memref<8x128xi32, #tpu.memory_space<vmem>>, vector<1x16xi32>,
    %swap3A_2104 = vector.shape_cast %swap3A_2103 : vector<1x16xi32> to vector<16xi32>
    %swap3A_2105 = vector.shape_cast %select_n3A_2099 : vector<16xi32> to vector<1x16xi32>
    tpu.vector_store %arg12[%swap3A_2101, %swap3A_2102], %swap3A_2105 {strides = array<i32>} : memref<8x128xi32, #tpu.memory_space<vmem>>, vector<1x16xi32>,
    %jit3A_2106 = arith.constant 1.000000e+00 : f32
    %jit3A_2107 = arith.constant 0.000000e+00 : f32
    %broadcast_in_dim3A_2108 = vector.broadcast %jit3A_2106 : f32 to vector<16xf32>
    %broadcast_in_dim3A_2109 = vector.broadcast %jit3A_2107 : f32 to vector<16xf32>
    %select_n3A_2110 = arith.select %lt3A_2074, %broadcast_in_dim3A_2108, %broadcast_in_dim3A_2109 : vector<16xi1>, vector<16xf32>
    %swap3A_2111 = arith.constant 4 : i32
    %swap3A_2112 = arith.index_cast %swap3A_2111 : i32 to index
    %swap3A_2113 = arith.constant 48 : index
    %swap3A_2114 = tpu.vector_load %arg13[%swap3A_2112, %swap3A_2113] {strides = array<i32>} : memref<8x128xf32, #tpu.memory_space<vmem>>, vector<1x16xf32>,
    %swap3A_2115 = vector.shape_cast %swap3A_2114 : vector<1x16xf32> to vector<16xf32>
    %swap3A_2116 = vector.shape_cast %select_n3A_2110 : vector<16xf32> to vector<1x16xf32>
    tpu.vector_store %arg13[%swap3A_2112, %swap3A_2113], %swap3A_2116 {strides = array<i32>} : memref<8x128xf32, #tpu.memory_space<vmem>>, vector<1x16xf32>,
    %get3A_2117 = arith.constant 576 : index
    %get3A_2118 = tpu.vector_load %arg7[%get3A_2117] {strides = array<i32>} : memref<1024xi32, #tpu.memory_space<vmem>>, vector<16xi32>,
    %get3A_2119 = vector.shape_cast %get3A_2118 : vector<16xi32> to vector<16xi32>
    %get3A_2120 = arith.constant 576 : index
    %get3A_2121 = tpu.vector_load %arg8[%get3A_2120] {strides = array<i32>} : memref<1024xi32, #tpu.memory_space<vmem>>, vector<16xi32>,
    %get3A_2122 = vector.shape_cast %get3A_2121 : vector<16xi32> to vector<16xi32>
    %get3A_2123 = arith.constant 576 : index
    %get3A_2124 = tpu.vector_load %arg9[%get3A_2123] {strides = array<i32>} : memref<1024xf32, #tpu.memory_space<vmem>>, vector<16xf32>,
    %get3A_2125 = vector.shape_cast %get3A_2124 : vector<16xf32> to vector<16xf32>
    %iota3A_2126 = tpu.iota {dimensions = array<i32: 0>} : vector<16xi32>
    %add3A_2127 = arith.constant 576 : i32
    %add3A_2128 = vector.broadcast %add3A_2127 : i32 to vector<16xi32>
    %add3A_2129 = arith.addi %iota3A_2126, %add3A_2128 : vector<16xi32>
    %lt3A_2130 = arith.constant 1000 : i32
    %lt3A_2131 = vector.broadcast %lt3A_2130 : i32 to vector<16xi32>
    %lt3A_2132 = arith.cmpi slt, %add3A_2129, %lt3A_2131 : vector<16xi32>
    %mul3A_2133 = arith.constant 800 : i32
    %mul3A_2134 = vector.broadcast %mul3A_2133 : i32 to vector<16xi32>
    %mul3A_2135 = arith.muli %get3A_2119, %mul3A_2134 : vector<16xi32>
    %add3A_2136 = arith.addi %mul3A_2135, %get3A_2122 : vector<16xi32>
    %jit3A_2137 = arith.constant 0 : i32
    %broadcast_in_dim3A_2138 = vector.broadcast %jit3A_2137 : i32 to vector<16xi32>
    %select_n3A_2139 = arith.select %lt3A_2132, %add3A_2136, %broadcast_in_dim3A_2138 : vector<16xi1>, vector<16xi32>
    %jit3A_2140 = arith.constant 0.000000e+00 : f32
    %broadcast_in_dim3A_2141 = vector.broadcast %jit3A_2140 : f32 to vector<16xf32>
    %select_n3A_2142 = arith.select %lt3A_2132, %get3A_2125, %broadcast_in_dim3A_2141 : vector<16xi1>, vector<16xf32>
    %swap3A_2143 = arith.constant 4 : i32
    %swap3A_2144 = arith.index_cast %swap3A_2143 : i32 to index
    %swap3A_2145 = arith.constant 64 : index
    %swap3A_2146 = tpu.vector_load %arg10[%swap3A_2144, %swap3A_2145] {strides = array<i32>} : memref<8x128xi32, #tpu.memory_space<vmem>>, vector<1x16xi32>,
    %swap3A_2147 = vector.shape_cast %swap3A_2146 : vector<1x16xi32> to vector<16xi32>
    %swap3A_2148 = vector.shape_cast %select_n3A_2139 : vector<16xi32> to vector<1x16xi32>
    tpu.vector_store %arg10[%swap3A_2144, %swap3A_2145], %swap3A_2148 {strides = array<i32>} : memref<8x128xi32, #tpu.memory_space<vmem>>, vector<1x16xi32>,
    %swap3A_2149 = arith.constant 4 : i32
    %swap3A_2150 = arith.index_cast %swap3A_2149 : i32 to index
    %swap3A_2151 = arith.constant 64 : index
    %swap3A_2152 = tpu.vector_load %arg11[%swap3A_2150, %swap3A_2151] {strides = array<i32>} : memref<8x128xf32, #tpu.memory_space<vmem>>, vector<1x16xf32>,
    %swap3A_2153 = vector.shape_cast %swap3A_2152 : vector<1x16xf32> to vector<16xf32>
    %swap3A_2154 = vector.shape_cast %select_n3A_2142 : vector<16xf32> to vector<1x16xf32>
    tpu.vector_store %arg11[%swap3A_2150, %swap3A_2151], %swap3A_2154 {strides = array<i32>} : memref<8x128xf32, #tpu.memory_space<vmem>>, vector<1x16xf32>,
    %jit3A_2155 = arith.constant 0 : i32
    %broadcast_in_dim3A_2156 = vector.broadcast %jit3A_2155 : i32 to vector<16xi32>
    %select_n3A_2157 = arith.select %lt3A_2132, %get3A_2122, %broadcast_in_dim3A_2156 : vector<16xi1>, vector<16xi32>
    %swap3A_2158 = arith.constant 4 : i32
    %swap3A_2159 = arith.index_cast %swap3A_2158 : i32 to index
    %swap3A_2160 = arith.constant 64 : index
    %swap3A_2161 = tpu.vector_load %arg12[%swap3A_2159, %swap3A_2160] {strides = array<i32>} : memref<8x128xi32, #tpu.memory_space<vmem>>, vector<1x16xi32>,
    %swap3A_2162 = vector.shape_cast %swap3A_2161 : vector<1x16xi32> to vector<16xi32>
    %swap3A_2163 = vector.shape_cast %select_n3A_2157 : vector<16xi32> to vector<1x16xi32>
    tpu.vector_store %arg12[%swap3A_2159, %swap3A_2160], %swap3A_2163 {strides = array<i32>} : memref<8x128xi32, #tpu.memory_space<vmem>>, vector<1x16xi32>,
    %jit3A_2164 = arith.constant 1.000000e+00 : f32
    %jit3A_2165 = arith.constant 0.000000e+00 : f32
    %broadcast_in_dim3A_2166 = vector.broadcast %jit3A_2164 : f32 to vector<16xf32>
    %broadcast_in_dim3A_2167 = vector.broadcast %jit3A_2165 : f32 to vector<16xf32>
    %select_n3A_2168 = arith.select %lt3A_2132, %broadcast_in_dim3A_2166, %broadcast_in_dim3A_2167 : vector<16xi1>, vector<16xf32>
    %swap3A_2169 = arith.constant 4 : i32
    %swap3A_2170 = arith.index_cast %swap3A_2169 : i32 to index
    %swap3A_2171 = arith.constant 64 : index
    %swap3A_2172 = tpu.vector_load %arg13[%swap3A_2170, %swap3A_2171] {strides = array<i32>} : memref<8x128xf32, #tpu.memory_space<vmem>>, vector<1x16xf32>,
    %swap3A_2173 = vector.shape_cast %swap3A_2172 : vector<1x16xf32> to vector<16xf32>
    %swap3A_2174 = vector.shape_cast %select_n3A_2168 : vector<16xf32> to vector<1x16xf32>
    tpu.vector_store %arg13[%swap3A_2170, %swap3A_2171], %swap3A_2174 {strides = array<i32>} : memref<8x128xf32, #tpu.memory_space<vmem>>, vector<1x16xf32>,
    %get3A_2175 = arith.constant 592 : index
    %get3A_2176 = tpu.vector_load %arg7[%get3A_2175] {strides = array<i32>} : memref<1024xi32, #tpu.memory_space<vmem>>, vector<16xi32>,
    %get3A_2177 = vector.shape_cast %get3A_2176 : vector<16xi32> to vector<16xi32>
    %get3A_2178 = arith.constant 592 : index
    %get3A_2179 = tpu.vector_load %arg8[%get3A_2178] {strides = array<i32>} : memref<1024xi32, #tpu.memory_space<vmem>>, vector<16xi32>,
    %get3A_2180 = vector.shape_cast %get3A_2179 : vector<16xi32> to vector<16xi32>
    %get3A_2181 = arith.constant 592 : index
    %get3A_2182 = tpu.vector_load %arg9[%get3A_2181] {strides = array<i32>} : memref<1024xf32, #tpu.memory_space<vmem>>, vector<16xf32>,
    %get3A_2183 = vector.shape_cast %get3A_2182 : vector<16xf32> to vector<16xf32>
    %iota3A_2184 = tpu.iota {dimensions = array<i32: 0>} : vector<16xi32>
    %add3A_2185 = arith.constant 592 : i32
    %add3A_2186 = vector.broadcast %add3A_2185 : i32 to vector<16xi32>
    %add3A_2187 = arith.addi %iota3A_2184, %add3A_2186 : vector<16xi32>
    %lt3A_2188 = arith.constant 1000 : i32
    %lt3A_2189 = vector.broadcast %lt3A_2188 : i32 to vector<16xi32>
    %lt3A_2190 = arith.cmpi slt, %add3A_2187, %lt3A_2189 : vector<16xi32>
    %mul3A_2191 = arith.constant 800 : i32
    %mul3A_2192 = vector.broadcast %mul3A_2191 : i32 to vector<16xi32>
    %mul3A_2193 = arith.muli %get3A_2177, %mul3A_2192 : vector<16xi32>
    %add3A_2194 = arith.addi %mul3A_2193, %get3A_2180 : vector<16xi32>
    %jit3A_2195 = arith.constant 0 : i32
    %broadcast_in_dim3A_2196 = vector.broadcast %jit3A_2195 : i32 to vector<16xi32>
    %select_n3A_2197 = arith.select %lt3A_2190, %add3A_2194, %broadcast_in_dim3A_2196 : vector<16xi1>, vector<16xi32>
    %jit3A_2198 = arith.constant 0.000000e+00 : f32
    %broadcast_in_dim3A_2199 = vector.broadcast %jit3A_2198 : f32 to vector<16xf32>
    %select_n3A_2200 = arith.select %lt3A_2190, %get3A_2183, %broadcast_in_dim3A_2199 : vector<16xi1>, vector<16xf32>
    %swap3A_2201 = arith.constant 4 : i32
    %swap3A_2202 = arith.index_cast %swap3A_2201 : i32 to index
    %swap3A_2203 = arith.constant 80 : index
    %swap3A_2204 = tpu.vector_load %arg10[%swap3A_2202, %swap3A_2203] {strides = array<i32>} : memref<8x128xi32, #tpu.memory_space<vmem>>, vector<1x16xi32>,
    %swap3A_2205 = vector.shape_cast %swap3A_2204 : vector<1x16xi32> to vector<16xi32>
    %swap3A_2206 = vector.shape_cast %select_n3A_2197 : vector<16xi32> to vector<1x16xi32>
    tpu.vector_store %arg10[%swap3A_2202, %swap3A_2203], %swap3A_2206 {strides = array<i32>} : memref<8x128xi32, #tpu.memory_space<vmem>>, vector<1x16xi32>,
    %swap3A_2207 = arith.constant 4 : i32
    %swap3A_2208 = arith.index_cast %swap3A_2207 : i32 to index
    %swap3A_2209 = arith.constant 80 : index
    %swap3A_2210 = tpu.vector_load %arg11[%swap3A_2208, %swap3A_2209] {strides = array<i32>} : memref<8x128xf32, #tpu.memory_space<vmem>>, vector<1x16xf32>,
    %swap3A_2211 = vector.shape_cast %swap3A_2210 : vector<1x16xf32> to vector<16xf32>
    %swap3A_2212 = vector.shape_cast %select_n3A_2200 : vector<16xf32> to vector<1x16xf32>
    tpu.vector_store %arg11[%swap3A_2208, %swap3A_2209], %swap3A_2212 {strides = array<i32>} : memref<8x128xf32, #tpu.memory_space<vmem>>, vector<1x16xf32>,
    %jit3A_2213 = arith.constant 0 : i32
    %broadcast_in_dim3A_2214 = vector.broadcast %jit3A_2213 : i32 to vector<16xi32>
    %select_n3A_2215 = arith.select %lt3A_2190, %get3A_2180, %broadcast_in_dim3A_2214 : vector<16xi1>, vector<16xi32>
    %swap3A_2216 = arith.constant 4 : i32
    %swap3A_2217 = arith.index_cast %swap3A_2216 : i32 to index
    %swap3A_2218 = arith.constant 80 : index
    %swap3A_2219 = tpu.vector_load %arg12[%swap3A_2217, %swap3A_2218] {strides = array<i32>} : memref<8x128xi32, #tpu.memory_space<vmem>>, vector<1x16xi32>,
    %swap3A_2220 = vector.shape_cast %swap3A_2219 : vector<1x16xi32> to vector<16xi32>
    %swap3A_2221 = vector.shape_cast %select_n3A_2215 : vector<16xi32> to vector<1x16xi32>
    tpu.vector_store %arg12[%swap3A_2217, %swap3A_2218], %swap3A_2221 {strides = array<i32>} : memref<8x128xi32, #tpu.memory_space<vmem>>, vector<1x16xi32>,
    %jit3A_2222 = arith.constant 1.000000e+00 : f32
    %jit3A_2223 = arith.constant 0.000000e+00 : f32
    %broadcast_in_dim3A_2224 = vector.broadcast %jit3A_2222 : f32 to vector<16xf32>
    %broadcast_in_dim3A_2225 = vector.broadcast %jit3A_2223 : f32 to vector<16xf32>
    %select_n3A_2226 = arith.select %lt3A_2190, %broadcast_in_dim3A_2224, %broadcast_in_dim3A_2225 : vector<16xi1>, vector<16xf32>
    %swap3A_2227 = arith.constant 4 : i32
    %swap3A_2228 = arith.index_cast %swap3A_2227 : i32 to index
    %swap3A_2229 = arith.constant 80 : index
    %swap3A_2230 = tpu.vector_load %arg13[%swap3A_2228, %swap3A_2229] {strides = array<i32>} : memref<8x128xf32, #tpu.memory_space<vmem>>, vector<1x16xf32>,
    %swap3A_2231 = vector.shape_cast %swap3A_2230 : vector<1x16xf32> to vector<16xf32>
    %swap3A_2232 = vector.shape_cast %select_n3A_2226 : vector<16xf32> to vector<1x16xf32>
    tpu.vector_store %arg13[%swap3A_2228, %swap3A_2229], %swap3A_2232 {strides = array<i32>} : memref<8x128xf32, #tpu.memory_space<vmem>>, vector<1x16xf32>,
    %get3A_2233 = arith.constant 608 : index
    %get3A_2234 = tpu.vector_load %arg7[%get3A_2233] {strides = array<i32>} : memref<1024xi32, #tpu.memory_space<vmem>>, vector<16xi32>,
    %get3A_2235 = vector.shape_cast %get3A_2234 : vector<16xi32> to vector<16xi32>
    %get3A_2236 = arith.constant 608 : index
    %get3A_2237 = tpu.vector_load %arg8[%get3A_2236] {strides = array<i32>} : memref<1024xi32, #tpu.memory_space<vmem>>, vector<16xi32>,
    %get3A_2238 = vector.shape_cast %get3A_2237 : vector<16xi32> to vector<16xi32>
    %get3A_2239 = arith.constant 608 : index
    %get3A_2240 = tpu.vector_load %arg9[%get3A_2239] {strides = array<i32>} : memref<1024xf32, #tpu.memory_space<vmem>>, vector<16xf32>,
    %get3A_2241 = vector.shape_cast %get3A_2240 : vector<16xf32> to vector<16xf32>
    %iota3A_2242 = tpu.iota {dimensions = array<i32: 0>} : vector<16xi32>
    %add3A_2243 = arith.constant 608 : i32
    %add3A_2244 = vector.broadcast %add3A_2243 : i32 to vector<16xi32>
    %add3A_2245 = arith.addi %iota3A_2242, %add3A_2244 : vector<16xi32>
    %lt3A_2246 = arith.constant 1000 : i32
    %lt3A_2247 = vector.broadcast %lt3A_2246 : i32 to vector<16xi32>
    %lt3A_2248 = arith.cmpi slt, %add3A_2245, %lt3A_2247 : vector<16xi32>
    %mul3A_2249 = arith.constant 800 : i32
    %mul3A_2250 = vector.broadcast %mul3A_2249 : i32 to vector<16xi32>
    %mul3A_2251 = arith.muli %get3A_2235, %mul3A_2250 : vector<16xi32>
    %add3A_2252 = arith.addi %mul3A_2251, %get3A_2238 : vector<16xi32>
    %jit3A_2253 = arith.constant 0 : i32
    %broadcast_in_dim3A_2254 = vector.broadcast %jit3A_2253 : i32 to vector<16xi32>
    %select_n3A_2255 = arith.select %lt3A_2248, %add3A_2252, %broadcast_in_dim3A_2254 : vector<16xi1>, vector<16xi32>
    %jit3A_2256 = arith.constant 0.000000e+00 : f32
    %broadcast_in_dim3A_2257 = vector.broadcast %jit3A_2256 : f32 to vector<16xf32>
    %select_n3A_2258 = arith.select %lt3A_2248, %get3A_2241, %broadcast_in_dim3A_2257 : vector<16xi1>, vector<16xf32>
    %swap3A_2259 = arith.constant 4 : i32
    %swap3A_2260 = arith.index_cast %swap3A_2259 : i32 to index
    %swap3A_2261 = arith.constant 96 : index
    %swap3A_2262 = tpu.vector_load %arg10[%swap3A_2260, %swap3A_2261] {strides = array<i32>} : memref<8x128xi32, #tpu.memory_space<vmem>>, vector<1x16xi32>,
    %swap3A_2263 = vector.shape_cast %swap3A_2262 : vector<1x16xi32> to vector<16xi32>
    %swap3A_2264 = vector.shape_cast %select_n3A_2255 : vector<16xi32> to vector<1x16xi32>
    tpu.vector_store %arg10[%swap3A_2260, %swap3A_2261], %swap3A_2264 {strides = array<i32>} : memref<8x128xi32, #tpu.memory_space<vmem>>, vector<1x16xi32>,
    %swap3A_2265 = arith.constant 4 : i32
    %swap3A_2266 = arith.index_cast %swap3A_2265 : i32 to index
    %swap3A_2267 = arith.constant 96 : index
    %swap3A_2268 = tpu.vector_load %arg11[%swap3A_2266, %swap3A_2267] {strides = array<i32>} : memref<8x128xf32, #tpu.memory_space<vmem>>, vector<1x16xf32>,
    %swap3A_2269 = vector.shape_cast %swap3A_2268 : vector<1x16xf32> to vector<16xf32>
    %swap3A_2270 = vector.shape_cast %select_n3A_2258 : vector<16xf32> to vector<1x16xf32>
    tpu.vector_store %arg11[%swap3A_2266, %swap3A_2267], %swap3A_2270 {strides = array<i32>} : memref<8x128xf32, #tpu.memory_space<vmem>>, vector<1x16xf32>,
    %jit3A_2271 = arith.constant 0 : i32
    %broadcast_in_dim3A_2272 = vector.broadcast %jit3A_2271 : i32 to vector<16xi32>
    %select_n3A_2273 = arith.select %lt3A_2248, %get3A_2238, %broadcast_in_dim3A_2272 : vector<16xi1>, vector<16xi32>
    %swap3A_2274 = arith.constant 4 : i32
    %swap3A_2275 = arith.index_cast %swap3A_2274 : i32 to index
    %swap3A_2276 = arith.constant 96 : index
    %swap3A_2277 = tpu.vector_load %arg12[%swap3A_2275, %swap3A_2276] {strides = array<i32>} : memref<8x128xi32, #tpu.memory_space<vmem>>, vector<1x16xi32>,
    %swap3A_2278 = vector.shape_cast %swap3A_2277 : vector<1x16xi32> to vector<16xi32>
    %swap3A_2279 = vector.shape_cast %select_n3A_2273 : vector<16xi32> to vector<1x16xi32>
    tpu.vector_store %arg12[%swap3A_2275, %swap3A_2276], %swap3A_2279 {strides = array<i32>} : memref<8x128xi32, #tpu.memory_space<vmem>>, vector<1x16xi32>,
    %jit3A_2280 = arith.constant 1.000000e+00 : f32
    %jit3A_2281 = arith.constant 0.000000e+00 : f32
    %broadcast_in_dim3A_2282 = vector.broadcast %jit3A_2280 : f32 to vector<16xf32>
    %broadcast_in_dim3A_2283 = vector.broadcast %jit3A_2281 : f32 to vector<16xf32>
    %select_n3A_2284 = arith.select %lt3A_2248, %broadcast_in_dim3A_2282, %broadcast_in_dim3A_2283 : vector<16xi1>, vector<16xf32>
    %swap3A_2285 = arith.constant 4 : i32
    %swap3A_2286 = arith.index_cast %swap3A_2285 : i32 to index
    %swap3A_2287 = arith.constant 96 : index
    %swap3A_2288 = tpu.vector_load %arg13[%swap3A_2286, %swap3A_2287] {strides = array<i32>} : memref<8x128xf32, #tpu.memory_space<vmem>>, vector<1x16xf32>,
    %swap3A_2289 = vector.shape_cast %swap3A_2288 : vector<1x16xf32> to vector<16xf32>
    %swap3A_2290 = vector.shape_cast %select_n3A_2284 : vector<16xf32> to vector<1x16xf32>
    tpu.vector_store %arg13[%swap3A_2286, %swap3A_2287], %swap3A_2290 {strides = array<i32>} : memref<8x128xf32, #tpu.memory_space<vmem>>, vector<1x16xf32>,
    %get3A_2291 = arith.constant 624 : index
    %get3A_2292 = tpu.vector_load %arg7[%get3A_2291] {strides = array<i32>} : memref<1024xi32, #tpu.memory_space<vmem>>, vector<16xi32>,
    %get3A_2293 = vector.shape_cast %get3A_2292 : vector<16xi32> to vector<16xi32>
    %get3A_2294 = arith.constant 624 : index
    %get3A_2295 = tpu.vector_load %arg8[%get3A_2294] {strides = array<i32>} : memref<1024xi32, #tpu.memory_space<vmem>>, vector<16xi32>,
    %get3A_2296 = vector.shape_cast %get3A_2295 : vector<16xi32> to vector<16xi32>
    %get3A_2297 = arith.constant 624 : index
    %get3A_2298 = tpu.vector_load %arg9[%get3A_2297] {strides = array<i32>} : memref<1024xf32, #tpu.memory_space<vmem>>, vector<16xf32>,
    %get3A_2299 = vector.shape_cast %get3A_2298 : vector<16xf32> to vector<16xf32>
    %iota3A_2300 = tpu.iota {dimensions = array<i32: 0>} : vector<16xi32>
    %add3A_2301 = arith.constant 624 : i32
    %add3A_2302 = vector.broadcast %add3A_2301 : i32 to vector<16xi32>
    %add3A_2303 = arith.addi %iota3A_2300, %add3A_2302 : vector<16xi32>
    %lt3A_2304 = arith.constant 1000 : i32
    %lt3A_2305 = vector.broadcast %lt3A_2304 : i32 to vector<16xi32>
    %lt3A_2306 = arith.cmpi slt, %add3A_2303, %lt3A_2305 : vector<16xi32>
    %mul3A_2307 = arith.constant 800 : i32
    %mul3A_2308 = vector.broadcast %mul3A_2307 : i32 to vector<16xi32>
    %mul3A_2309 = arith.muli %get3A_2293, %mul3A_2308 : vector<16xi32>
    %add3A_2310 = arith.addi %mul3A_2309, %get3A_2296 : vector<16xi32>
    %jit3A_2311 = arith.constant 0 : i32
    %broadcast_in_dim3A_2312 = vector.broadcast %jit3A_2311 : i32 to vector<16xi32>
    %select_n3A_2313 = arith.select %lt3A_2306, %add3A_2310, %broadcast_in_dim3A_2312 : vector<16xi1>, vector<16xi32>
    %jit3A_2314 = arith.constant 0.000000e+00 : f32
    %broadcast_in_dim3A_2315 = vector.broadcast %jit3A_2314 : f32 to vector<16xf32>
    %select_n3A_2316 = arith.select %lt3A_2306, %get3A_2299, %broadcast_in_dim3A_2315 : vector<16xi1>, vector<16xf32>
    %swap3A_2317 = arith.constant 4 : i32
    %swap3A_2318 = arith.index_cast %swap3A_2317 : i32 to index
    %swap3A_2319 = arith.constant 112 : index
    %swap3A_2320 = tpu.vector_load %arg10[%swap3A_2318, %swap3A_2319] {strides = array<i32>} : memref<8x128xi32, #tpu.memory_space<vmem>>, vector<1x16xi32>,
    %swap3A_2321 = vector.shape_cast %swap3A_2320 : vector<1x16xi32> to vector<16xi32>
    %swap3A_2322 = vector.shape_cast %select_n3A_2313 : vector<16xi32> to vector<1x16xi32>
    tpu.vector_store %arg10[%swap3A_2318, %swap3A_2319], %swap3A_2322 {strides = array<i32>} : memref<8x128xi32, #tpu.memory_space<vmem>>, vector<1x16xi32>,
    %swap3A_2323 = arith.constant 4 : i32
    %swap3A_2324 = arith.index_cast %swap3A_2323 : i32 to index
    %swap3A_2325 = arith.constant 112 : index
    %swap3A_2326 = tpu.vector_load %arg11[%swap3A_2324, %swap3A_2325] {strides = array<i32>} : memref<8x128xf32, #tpu.memory_space<vmem>>, vector<1x16xf32>,
    %swap3A_2327 = vector.shape_cast %swap3A_2326 : vector<1x16xf32> to vector<16xf32>
    %swap3A_2328 = vector.shape_cast %select_n3A_2316 : vector<16xf32> to vector<1x16xf32>
    tpu.vector_store %arg11[%swap3A_2324, %swap3A_2325], %swap3A_2328 {strides = array<i32>} : memref<8x128xf32, #tpu.memory_space<vmem>>, vector<1x16xf32>,
    %jit3A_2329 = arith.constant 0 : i32
    %broadcast_in_dim3A_2330 = vector.broadcast %jit3A_2329 : i32 to vector<16xi32>
    %select_n3A_2331 = arith.select %lt3A_2306, %get3A_2296, %broadcast_in_dim3A_2330 : vector<16xi1>, vector<16xi32>
    %swap3A_2332 = arith.constant 4 : i32
    %swap3A_2333 = arith.index_cast %swap3A_2332 : i32 to index
    %swap3A_2334 = arith.constant 112 : index
    %swap3A_2335 = tpu.vector_load %arg12[%swap3A_2333, %swap3A_2334] {strides = array<i32>} : memref<8x128xi32, #tpu.memory_space<vmem>>, vector<1x16xi32>,
    %swap3A_2336 = vector.shape_cast %swap3A_2335 : vector<1x16xi32> to vector<16xi32>
    %swap3A_2337 = vector.shape_cast %select_n3A_2331 : vector<16xi32> to vector<1x16xi32>
    tpu.vector_store %arg12[%swap3A_2333, %swap3A_2334], %swap3A_2337 {strides = array<i32>} : memref<8x128xi32, #tpu.memory_space<vmem>>, vector<1x16xi32>,
    %jit3A_2338 = arith.constant 1.000000e+00 : f32
    %jit3A_2339 = arith.constant 0.000000e+00 : f32
    %broadcast_in_dim3A_2340 = vector.broadcast %jit3A_2338 : f32 to vector<16xf32>
    %broadcast_in_dim3A_2341 = vector.broadcast %jit3A_2339 : f32 to vector<16xf32>
    %select_n3A_2342 = arith.select %lt3A_2306, %broadcast_in_dim3A_2340, %broadcast_in_dim3A_2341 : vector<16xi1>, vector<16xf32>
    %swap3A_2343 = arith.constant 4 : i32
    %swap3A_2344 = arith.index_cast %swap3A_2343 : i32 to index
    %swap3A_2345 = arith.constant 112 : index
    %swap3A_2346 = tpu.vector_load %arg13[%swap3A_2344, %swap3A_2345] {strides = array<i32>} : memref<8x128xf32, #tpu.memory_space<vmem>>, vector<1x16xf32>,
    %swap3A_2347 = vector.shape_cast %swap3A_2346 : vector<1x16xf32> to vector<16xf32>
    %swap3A_2348 = vector.shape_cast %select_n3A_2342 : vector<16xf32> to vector<1x16xf32>
    tpu.vector_store %arg13[%swap3A_2344, %swap3A_2345], %swap3A_2348 {strides = array<i32>} : memref<8x128xf32, #tpu.memory_space<vmem>>, vector<1x16xf32>,
    %get3A_2349 = arith.constant 640 : index
    %get3A_2350 = tpu.vector_load %arg7[%get3A_2349] {strides = array<i32>} : memref<1024xi32, #tpu.memory_space<vmem>>, vector<16xi32>,
    %get3A_2351 = vector.shape_cast %get3A_2350 : vector<16xi32> to vector<16xi32>
    %get3A_2352 = arith.constant 640 : index
    %get3A_2353 = tpu.vector_load %arg8[%get3A_2352] {strides = array<i32>} : memref<1024xi32, #tpu.memory_space<vmem>>, vector<16xi32>,
    %get3A_2354 = vector.shape_cast %get3A_2353 : vector<16xi32> to vector<16xi32>
    %get3A_2355 = arith.constant 640 : index
    %get3A_2356 = tpu.vector_load %arg9[%get3A_2355] {strides = array<i32>} : memref<1024xf32, #tpu.memory_space<vmem>>, vector<16xf32>,
    %get3A_2357 = vector.shape_cast %get3A_2356 : vector<16xf32> to vector<16xf32>
    %iota3A_2358 = tpu.iota {dimensions = array<i32: 0>} : vector<16xi32>
    %add3A_2359 = arith.constant 640 : i32
    %add3A_2360 = vector.broadcast %add3A_2359 : i32 to vector<16xi32>
    %add3A_2361 = arith.addi %iota3A_2358, %add3A_2360 : vector<16xi32>
    %lt3A_2362 = arith.constant 1000 : i32
    %lt3A_2363 = vector.broadcast %lt3A_2362 : i32 to vector<16xi32>
    %lt3A_2364 = arith.cmpi slt, %add3A_2361, %lt3A_2363 : vector<16xi32>
    %mul3A_2365 = arith.constant 800 : i32
    %mul3A_2366 = vector.broadcast %mul3A_2365 : i32 to vector<16xi32>
    %mul3A_2367 = arith.muli %get3A_2351, %mul3A_2366 : vector<16xi32>
    %add3A_2368 = arith.addi %mul3A_2367, %get3A_2354 : vector<16xi32>
    %jit3A_2369 = arith.constant 0 : i32
    %broadcast_in_dim3A_2370 = vector.broadcast %jit3A_2369 : i32 to vector<16xi32>
    %select_n3A_2371 = arith.select %lt3A_2364, %add3A_2368, %broadcast_in_dim3A_2370 : vector<16xi1>, vector<16xi32>
    %jit3A_2372 = arith.constant 0.000000e+00 : f32
    %broadcast_in_dim3A_2373 = vector.broadcast %jit3A_2372 : f32 to vector<16xf32>
    %select_n3A_2374 = arith.select %lt3A_2364, %get3A_2357, %broadcast_in_dim3A_2373 : vector<16xi1>, vector<16xf32>
    %swap3A_2375 = arith.constant 5 : i32
    %swap3A_2376 = arith.index_cast %swap3A_2375 : i32 to index
    %swap3A_2377 = arith.constant 0 : index
    %swap3A_2378 = tpu.vector_load %arg10[%swap3A_2376, %swap3A_2377] {strides = array<i32>} : memref<8x128xi32, #tpu.memory_space<vmem>>, vector<1x16xi32>,
    %swap3A_2379 = vector.shape_cast %swap3A_2378 : vector<1x16xi32> to vector<16xi32>
    %swap3A_2380 = vector.shape_cast %select_n3A_2371 : vector<16xi32> to vector<1x16xi32>
    tpu.vector_store %arg10[%swap3A_2376, %swap3A_2377], %swap3A_2380 {strides = array<i32>} : memref<8x128xi32, #tpu.memory_space<vmem>>, vector<1x16xi32>,
    %swap3A_2381 = arith.constant 5 : i32
    %swap3A_2382 = arith.index_cast %swap3A_2381 : i32 to index
    %swap3A_2383 = arith.constant 0 : index
    %swap3A_2384 = tpu.vector_load %arg11[%swap3A_2382, %swap3A_2383] {strides = array<i32>} : memref<8x128xf32, #tpu.memory_space<vmem>>, vector<1x16xf32>,
    %swap3A_2385 = vector.shape_cast %swap3A_2384 : vector<1x16xf32> to vector<16xf32>
    %swap3A_2386 = vector.shape_cast %select_n3A_2374 : vector<16xf32> to vector<1x16xf32>
    tpu.vector_store %arg11[%swap3A_2382, %swap3A_2383], %swap3A_2386 {strides = array<i32>} : memref<8x128xf32, #tpu.memory_space<vmem>>, vector<1x16xf32>,
    %jit3A_2387 = arith.constant 0 : i32
    %broadcast_in_dim3A_2388 = vector.broadcast %jit3A_2387 : i32 to vector<16xi32>
    %select_n3A_2389 = arith.select %lt3A_2364, %get3A_2354, %broadcast_in_dim3A_2388 : vector<16xi1>, vector<16xi32>
    %swap3A_2390 = arith.constant 5 : i32
    %swap3A_2391 = arith.index_cast %swap3A_2390 : i32 to index
    %swap3A_2392 = arith.constant 0 : index
    %swap3A_2393 = tpu.vector_load %arg12[%swap3A_2391, %swap3A_2392] {strides = array<i32>} : memref<8x128xi32, #tpu.memory_space<vmem>>, vector<1x16xi32>,
    %swap3A_2394 = vector.shape_cast %swap3A_2393 : vector<1x16xi32> to vector<16xi32>
    %swap3A_2395 = vector.shape_cast %select_n3A_2389 : vector<16xi32> to vector<1x16xi32>
    tpu.vector_store %arg12[%swap3A_2391, %swap3A_2392], %swap3A_2395 {strides = array<i32>} : memref<8x128xi32, #tpu.memory_space<vmem>>, vector<1x16xi32>,
    %jit3A_2396 = arith.constant 1.000000e+00 : f32
    %jit3A_2397 = arith.constant 0.000000e+00 : f32
    %broadcast_in_dim3A_2398 = vector.broadcast %jit3A_2396 : f32 to vector<16xf32>
    %broadcast_in_dim3A_2399 = vector.broadcast %jit3A_2397 : f32 to vector<16xf32>
    %select_n3A_2400 = arith.select %lt3A_2364, %broadcast_in_dim3A_2398, %broadcast_in_dim3A_2399 : vector<16xi1>, vector<16xf32>
    %swap3A_2401 = arith.constant 5 : i32
    %swap3A_2402 = arith.index_cast %swap3A_2401 : i32 to index
    %swap3A_2403 = arith.constant 0 : index
    %swap3A_2404 = tpu.vector_load %arg13[%swap3A_2402, %swap3A_2403] {strides = array<i32>} : memref<8x128xf32, #tpu.memory_space<vmem>>, vector<1x16xf32>,
    %swap3A_2405 = vector.shape_cast %swap3A_2404 : vector<1x16xf32> to vector<16xf32>
    %swap3A_2406 = vector.shape_cast %select_n3A_2400 : vector<16xf32> to vector<1x16xf32>
    tpu.vector_store %arg13[%swap3A_2402, %swap3A_2403], %swap3A_2406 {strides = array<i32>} : memref<8x128xf32, #tpu.memory_space<vmem>>, vector<1x16xf32>,
    %get3A_2407 = arith.constant 656 : index
    %get3A_2408 = tpu.vector_load %arg7[%get3A_2407] {strides = array<i32>} : memref<1024xi32, #tpu.memory_space<vmem>>, vector<16xi32>,
    %get3A_2409 = vector.shape_cast %get3A_2408 : vector<16xi32> to vector<16xi32>
    %get3A_2410 = arith.constant 656 : index
    %get3A_2411 = tpu.vector_load %arg8[%get3A_2410] {strides = array<i32>} : memref<1024xi32, #tpu.memory_space<vmem>>, vector<16xi32>,
    %get3A_2412 = vector.shape_cast %get3A_2411 : vector<16xi32> to vector<16xi32>
    %get3A_2413 = arith.constant 656 : index
    %get3A_2414 = tpu.vector_load %arg9[%get3A_2413] {strides = array<i32>} : memref<1024xf32, #tpu.memory_space<vmem>>, vector<16xf32>,
    %get3A_2415 = vector.shape_cast %get3A_2414 : vector<16xf32> to vector<16xf32>
    %iota3A_2416 = tpu.iota {dimensions = array<i32: 0>} : vector<16xi32>
    %add3A_2417 = arith.constant 656 : i32
    %add3A_2418 = vector.broadcast %add3A_2417 : i32 to vector<16xi32>
    %add3A_2419 = arith.addi %iota3A_2416, %add3A_2418 : vector<16xi32>
    %lt3A_2420 = arith.constant 1000 : i32
    %lt3A_2421 = vector.broadcast %lt3A_2420 : i32 to vector<16xi32>
    %lt3A_2422 = arith.cmpi slt, %add3A_2419, %lt3A_2421 : vector<16xi32>
    %mul3A_2423 = arith.constant 800 : i32
    %mul3A_2424 = vector.broadcast %mul3A_2423 : i32 to vector<16xi32>
    %mul3A_2425 = arith.muli %get3A_2409, %mul3A_2424 : vector<16xi32>
    %add3A_2426 = arith.addi %mul3A_2425, %get3A_2412 : vector<16xi32>
    %jit3A_2427 = arith.constant 0 : i32
    %broadcast_in_dim3A_2428 = vector.broadcast %jit3A_2427 : i32 to vector<16xi32>
    %select_n3A_2429 = arith.select %lt3A_2422, %add3A_2426, %broadcast_in_dim3A_2428 : vector<16xi1>, vector<16xi32>
    %jit3A_2430 = arith.constant 0.000000e+00 : f32
    %broadcast_in_dim3A_2431 = vector.broadcast %jit3A_2430 : f32 to vector<16xf32>
    %select_n3A_2432 = arith.select %lt3A_2422, %get3A_2415, %broadcast_in_dim3A_2431 : vector<16xi1>, vector<16xf32>
    %swap3A_2433 = arith.constant 5 : i32
    %swap3A_2434 = arith.index_cast %swap3A_2433 : i32 to index
    %swap3A_2435 = arith.constant 16 : index
    %swap3A_2436 = tpu.vector_load %arg10[%swap3A_2434, %swap3A_2435] {strides = array<i32>} : memref<8x128xi32, #tpu.memory_space<vmem>>, vector<1x16xi32>,
    %swap3A_2437 = vector.shape_cast %swap3A_2436 : vector<1x16xi32> to vector<16xi32>
    %swap3A_2438 = vector.shape_cast %select_n3A_2429 : vector<16xi32> to vector<1x16xi32>
    tpu.vector_store %arg10[%swap3A_2434, %swap3A_2435], %swap3A_2438 {strides = array<i32>} : memref<8x128xi32, #tpu.memory_space<vmem>>, vector<1x16xi32>,
    %swap3A_2439 = arith.constant 5 : i32
    %swap3A_2440 = arith.index_cast %swap3A_2439 : i32 to index
    %swap3A_2441 = arith.constant 16 : index
    %swap3A_2442 = tpu.vector_load %arg11[%swap3A_2440, %swap3A_2441] {strides = array<i32>} : memref<8x128xf32, #tpu.memory_space<vmem>>, vector<1x16xf32>,
    %swap3A_2443 = vector.shape_cast %swap3A_2442 : vector<1x16xf32> to vector<16xf32>
    %swap3A_2444 = vector.shape_cast %select_n3A_2432 : vector<16xf32> to vector<1x16xf32>
    tpu.vector_store %arg11[%swap3A_2440, %swap3A_2441], %swap3A_2444 {strides = array<i32>} : memref<8x128xf32, #tpu.memory_space<vmem>>, vector<1x16xf32>,
    %jit3A_2445 = arith.constant 0 : i32
    %broadcast_in_dim3A_2446 = vector.broadcast %jit3A_2445 : i32 to vector<16xi32>
    %select_n3A_2447 = arith.select %lt3A_2422, %get3A_2412, %broadcast_in_dim3A_2446 : vector<16xi1>, vector<16xi32>
    %swap3A_2448 = arith.constant 5 : i32
    %swap3A_2449 = arith.index_cast %swap3A_2448 : i32 to index
    %swap3A_2450 = arith.constant 16 : index
    %swap3A_2451 = tpu.vector_load %arg12[%swap3A_2449, %swap3A_2450] {strides = array<i32>} : memref<8x128xi32, #tpu.memory_space<vmem>>, vector<1x16xi32>,
    %swap3A_2452 = vector.shape_cast %swap3A_2451 : vector<1x16xi32> to vector<16xi32>
    %swap3A_2453 = vector.shape_cast %select_n3A_2447 : vector<16xi32> to vector<1x16xi32>
    tpu.vector_store %arg12[%swap3A_2449, %swap3A_2450], %swap3A_2453 {strides = array<i32>} : memref<8x128xi32, #tpu.memory_space<vmem>>, vector<1x16xi32>,
    %jit3A_2454 = arith.constant 1.000000e+00 : f32
    %jit3A_2455 = arith.constant 0.000000e+00 : f32
    %broadcast_in_dim3A_2456 = vector.broadcast %jit3A_2454 : f32 to vector<16xf32>
    %broadcast_in_dim3A_2457 = vector.broadcast %jit3A_2455 : f32 to vector<16xf32>
    %select_n3A_2458 = arith.select %lt3A_2422, %broadcast_in_dim3A_2456, %broadcast_in_dim3A_2457 : vector<16xi1>, vector<16xf32>
    %swap3A_2459 = arith.constant 5 : i32
    %swap3A_2460 = arith.index_cast %swap3A_2459 : i32 to index
    %swap3A_2461 = arith.constant 16 : index
    %swap3A_2462 = tpu.vector_load %arg13[%swap3A_2460, %swap3A_2461] {strides = array<i32>} : memref<8x128xf32, #tpu.memory_space<vmem>>, vector<1x16xf32>,
    %swap3A_2463 = vector.shape_cast %swap3A_2462 : vector<1x16xf32> to vector<16xf32>
    %swap3A_2464 = vector.shape_cast %select_n3A_2458 : vector<16xf32> to vector<1x16xf32>
    tpu.vector_store %arg13[%swap3A_2460, %swap3A_2461], %swap3A_2464 {strides = array<i32>} : memref<8x128xf32, #tpu.memory_space<vmem>>, vector<1x16xf32>,
    %get3A_2465 = arith.constant 672 : index
    %get3A_2466 = tpu.vector_load %arg7[%get3A_2465] {strides = array<i32>} : memref<1024xi32, #tpu.memory_space<vmem>>, vector<16xi32>,
    %get3A_2467 = vector.shape_cast %get3A_2466 : vector<16xi32> to vector<16xi32>
    %get3A_2468 = arith.constant 672 : index
    %get3A_2469 = tpu.vector_load %arg8[%get3A_2468] {strides = array<i32>} : memref<1024xi32, #tpu.memory_space<vmem>>, vector<16xi32>,
    %get3A_2470 = vector.shape_cast %get3A_2469 : vector<16xi32> to vector<16xi32>
    %get3A_2471 = arith.constant 672 : index
    %get3A_2472 = tpu.vector_load %arg9[%get3A_2471] {strides = array<i32>} : memref<1024xf32, #tpu.memory_space<vmem>>, vector<16xf32>,
    %get3A_2473 = vector.shape_cast %get3A_2472 : vector<16xf32> to vector<16xf32>
    %iota3A_2474 = tpu.iota {dimensions = array<i32: 0>} : vector<16xi32>
    %add3A_2475 = arith.constant 672 : i32
    %add3A_2476 = vector.broadcast %add3A_2475 : i32 to vector<16xi32>
    %add3A_2477 = arith.addi %iota3A_2474, %add3A_2476 : vector<16xi32>
    %lt3A_2478 = arith.constant 1000 : i32
    %lt3A_2479 = vector.broadcast %lt3A_2478 : i32 to vector<16xi32>
    %lt3A_2480 = arith.cmpi slt, %add3A_2477, %lt3A_2479 : vector<16xi32>
    %mul3A_2481 = arith.constant 800 : i32
    %mul3A_2482 = vector.broadcast %mul3A_2481 : i32 to vector<16xi32>
    %mul3A_2483 = arith.muli %get3A_2467, %mul3A_2482 : vector<16xi32>
    %add3A_2484 = arith.addi %mul3A_2483, %get3A_2470 : vector<16xi32>
    %jit3A_2485 = arith.constant 0 : i32
    %broadcast_in_dim3A_2486 = vector.broadcast %jit3A_2485 : i32 to vector<16xi32>
    %select_n3A_2487 = arith.select %lt3A_2480, %add3A_2484, %broadcast_in_dim3A_2486 : vector<16xi1>, vector<16xi32>
    %jit3A_2488 = arith.constant 0.000000e+00 : f32
    %broadcast_in_dim3A_2489 = vector.broadcast %jit3A_2488 : f32 to vector<16xf32>
    %select_n3A_2490 = arith.select %lt3A_2480, %get3A_2473, %broadcast_in_dim3A_2489 : vector<16xi1>, vector<16xf32>
    %swap3A_2491 = arith.constant 5 : i32
    %swap3A_2492 = arith.index_cast %swap3A_2491 : i32 to index
    %swap3A_2493 = arith.constant 32 : index
    %swap3A_2494 = tpu.vector_load %arg10[%swap3A_2492, %swap3A_2493] {strides = array<i32>} : memref<8x128xi32, #tpu.memory_space<vmem>>, vector<1x16xi32>,
    %swap3A_2495 = vector.shape_cast %swap3A_2494 : vector<1x16xi32> to vector<16xi32>
    %swap3A_2496 = vector.shape_cast %select_n3A_2487 : vector<16xi32> to vector<1x16xi32>
    tpu.vector_store %arg10[%swap3A_2492, %swap3A_2493], %swap3A_2496 {strides = array<i32>} : memref<8x128xi32, #tpu.memory_space<vmem>>, vector<1x16xi32>,
    %swap3A_2497 = arith.constant 5 : i32
    %swap3A_2498 = arith.index_cast %swap3A_2497 : i32 to index
    %swap3A_2499 = arith.constant 32 : index
    %swap3A_2500 = tpu.vector_load %arg11[%swap3A_2498, %swap3A_2499] {strides = array<i32>} : memref<8x128xf32, #tpu.memory_space<vmem>>, vector<1x16xf32>,
    %swap3A_2501 = vector.shape_cast %swap3A_2500 : vector<1x16xf32> to vector<16xf32>
    %swap3A_2502 = vector.shape_cast %select_n3A_2490 : vector<16xf32> to vector<1x16xf32>
    tpu.vector_store %arg11[%swap3A_2498, %swap3A_2499], %swap3A_2502 {strides = array<i32>} : memref<8x128xf32, #tpu.memory_space<vmem>>, vector<1x16xf32>,
    %jit3A_2503 = arith.constant 0 : i32
    %broadcast_in_dim3A_2504 = vector.broadcast %jit3A_2503 : i32 to vector<16xi32>
    %select_n3A_2505 = arith.select %lt3A_2480, %get3A_2470, %broadcast_in_dim3A_2504 : vector<16xi1>, vector<16xi32>
    %swap3A_2506 = arith.constant 5 : i32
    %swap3A_2507 = arith.index_cast %swap3A_2506 : i32 to index
    %swap3A_2508 = arith.constant 32 : index
    %swap3A_2509 = tpu.vector_load %arg12[%swap3A_2507, %swap3A_2508] {strides = array<i32>} : memref<8x128xi32, #tpu.memory_space<vmem>>, vector<1x16xi32>,
    %swap3A_2510 = vector.shape_cast %swap3A_2509 : vector<1x16xi32> to vector<16xi32>
    %swap3A_2511 = vector.shape_cast %select_n3A_2505 : vector<16xi32> to vector<1x16xi32>
    tpu.vector_store %arg12[%swap3A_2507, %swap3A_2508], %swap3A_2511 {strides = array<i32>} : memref<8x128xi32, #tpu.memory_space<vmem>>, vector<1x16xi32>,
    %jit3A_2512 = arith.constant 1.000000e+00 : f32
    %jit3A_2513 = arith.constant 0.000000e+00 : f32
    %broadcast_in_dim3A_2514 = vector.broadcast %jit3A_2512 : f32 to vector<16xf32>
    %broadcast_in_dim3A_2515 = vector.broadcast %jit3A_2513 : f32 to vector<16xf32>
    %select_n3A_2516 = arith.select %lt3A_2480, %broadcast_in_dim3A_2514, %broadcast_in_dim3A_2515 : vector<16xi1>, vector<16xf32>
    %swap3A_2517 = arith.constant 5 : i32
    %swap3A_2518 = arith.index_cast %swap3A_2517 : i32 to index
    %swap3A_2519 = arith.constant 32 : index
    %swap3A_2520 = tpu.vector_load %arg13[%swap3A_2518, %swap3A_2519] {strides = array<i32>} : memref<8x128xf32, #tpu.memory_space<vmem>>, vector<1x16xf32>,
    %swap3A_2521 = vector.shape_cast %swap3A_2520 : vector<1x16xf32> to vector<16xf32>
    %swap3A_2522 = vector.shape_cast %select_n3A_2516 : vector<16xf32> to vector<1x16xf32>
    tpu.vector_store %arg13[%swap3A_2518, %swap3A_2519], %swap3A_2522 {strides = array<i32>} : memref<8x128xf32, #tpu.memory_space<vmem>>, vector<1x16xf32>,
    %get3A_2523 = arith.constant 688 : index
    %get3A_2524 = tpu.vector_load %arg7[%get3A_2523] {strides = array<i32>} : memref<1024xi32, #tpu.memory_space<vmem>>, vector<16xi32>,
    %get3A_2525 = vector.shape_cast %get3A_2524 : vector<16xi32> to vector<16xi32>
    %get3A_2526 = arith.constant 688 : index
    %get3A_2527 = tpu.vector_load %arg8[%get3A_2526] {strides = array<i32>} : memref<1024xi32, #tpu.memory_space<vmem>>, vector<16xi32>,
    %get3A_2528 = vector.shape_cast %get3A_2527 : vector<16xi32> to vector<16xi32>
    %get3A_2529 = arith.constant 688 : index
    %get3A_2530 = tpu.vector_load %arg9[%get3A_2529] {strides = array<i32>} : memref<1024xf32, #tpu.memory_space<vmem>>, vector<16xf32>,
    %get3A_2531 = vector.shape_cast %get3A_2530 : vector<16xf32> to vector<16xf32>
    %iota3A_2532 = tpu.iota {dimensions = array<i32: 0>} : vector<16xi32>
    %add3A_2533 = arith.constant 688 : i32
    %add3A_2534 = vector.broadcast %add3A_2533 : i32 to vector<16xi32>
    %add3A_2535 = arith.addi %iota3A_2532, %add3A_2534 : vector<16xi32>
    %lt3A_2536 = arith.constant 1000 : i32
    %lt3A_2537 = vector.broadcast %lt3A_2536 : i32 to vector<16xi32>
    %lt3A_2538 = arith.cmpi slt, %add3A_2535, %lt3A_2537 : vector<16xi32>
    %mul3A_2539 = arith.constant 800 : i32
    %mul3A_2540 = vector.broadcast %mul3A_2539 : i32 to vector<16xi32>
    %mul3A_2541 = arith.muli %get3A_2525, %mul3A_2540 : vector<16xi32>
    %add3A_2542 = arith.addi %mul3A_2541, %get3A_2528 : vector<16xi32>
    %jit3A_2543 = arith.constant 0 : i32
    %broadcast_in_dim3A_2544 = vector.broadcast %jit3A_2543 : i32 to vector<16xi32>
    %select_n3A_2545 = arith.select %lt3A_2538, %add3A_2542, %broadcast_in_dim3A_2544 : vector<16xi1>, vector<16xi32>
    %jit3A_2546 = arith.constant 0.000000e+00 : f32
    %broadcast_in_dim3A_2547 = vector.broadcast %jit3A_2546 : f32 to vector<16xf32>
    %select_n3A_2548 = arith.select %lt3A_2538, %get3A_2531, %broadcast_in_dim3A_2547 : vector<16xi1>, vector<16xf32>
    %swap3A_2549 = arith.constant 5 : i32
    %swap3A_2550 = arith.index_cast %swap3A_2549 : i32 to index
    %swap3A_2551 = arith.constant 48 : index
    %swap3A_2552 = tpu.vector_load %arg10[%swap3A_2550, %swap3A_2551] {strides = array<i32>} : memref<8x128xi32, #tpu.memory_space<vmem>>, vector<1x16xi32>,
    %swap3A_2553 = vector.shape_cast %swap3A_2552 : vector<1x16xi32> to vector<16xi32>
    %swap3A_2554 = vector.shape_cast %select_n3A_2545 : vector<16xi32> to vector<1x16xi32>
    tpu.vector_store %arg10[%swap3A_2550, %swap3A_2551], %swap3A_2554 {strides = array<i32>} : memref<8x128xi32, #tpu.memory_space<vmem>>, vector<1x16xi32>,
    %swap3A_2555 = arith.constant 5 : i32
    %swap3A_2556 = arith.index_cast %swap3A_2555 : i32 to index
    %swap3A_2557 = arith.constant 48 : index
    %swap3A_2558 = tpu.vector_load %arg11[%swap3A_2556, %swap3A_2557] {strides = array<i32>} : memref<8x128xf32, #tpu.memory_space<vmem>>, vector<1x16xf32>,
    %swap3A_2559 = vector.shape_cast %swap3A_2558 : vector<1x16xf32> to vector<16xf32>
    %swap3A_2560 = vector.shape_cast %select_n3A_2548 : vector<16xf32> to vector<1x16xf32>
    tpu.vector_store %arg11[%swap3A_2556, %swap3A_2557], %swap3A_2560 {strides = array<i32>} : memref<8x128xf32, #tpu.memory_space<vmem>>, vector<1x16xf32>,
    %jit3A_2561 = arith.constant 0 : i32
    %broadcast_in_dim3A_2562 = vector.broadcast %jit3A_2561 : i32 to vector<16xi32>
    %select_n3A_2563 = arith.select %lt3A_2538, %get3A_2528, %broadcast_in_dim3A_2562 : vector<16xi1>, vector<16xi32>
    %swap3A_2564 = arith.constant 5 : i32
    %swap3A_2565 = arith.index_cast %swap3A_2564 : i32 to index
    %swap3A_2566 = arith.constant 48 : index
    %swap3A_2567 = tpu.vector_load %arg12[%swap3A_2565, %swap3A_2566] {strides = array<i32>} : memref<8x128xi32, #tpu.memory_space<vmem>>, vector<1x16xi32>,
    %swap3A_2568 = vector.shape_cast %swap3A_2567 : vector<1x16xi32> to vector<16xi32>
    %swap3A_2569 = vector.shape_cast %select_n3A_2563 : vector<16xi32> to vector<1x16xi32>
    tpu.vector_store %arg12[%swap3A_2565, %swap3A_2566], %swap3A_2569 {strides = array<i32>} : memref<8x128xi32, #tpu.memory_space<vmem>>, vector<1x16xi32>,
    %jit3A_2570 = arith.constant 1.000000e+00 : f32
    %jit3A_2571 = arith.constant 0.000000e+00 : f32
    %broadcast_in_dim3A_2572 = vector.broadcast %jit3A_2570 : f32 to vector<16xf32>
    %broadcast_in_dim3A_2573 = vector.broadcast %jit3A_2571 : f32 to vector<16xf32>
    %select_n3A_2574 = arith.select %lt3A_2538, %broadcast_in_dim3A_2572, %broadcast_in_dim3A_2573 : vector<16xi1>, vector<16xf32>
    %swap3A_2575 = arith.constant 5 : i32
    %swap3A_2576 = arith.index_cast %swap3A_2575 : i32 to index
    %swap3A_2577 = arith.constant 48 : index
    %swap3A_2578 = tpu.vector_load %arg13[%swap3A_2576, %swap3A_2577] {strides = array<i32>} : memref<8x128xf32, #tpu.memory_space<vmem>>, vector<1x16xf32>,
    %swap3A_2579 = vector.shape_cast %swap3A_2578 : vector<1x16xf32> to vector<16xf32>
    %swap3A_2580 = vector.shape_cast %select_n3A_2574 : vector<16xf32> to vector<1x16xf32>
    tpu.vector_store %arg13[%swap3A_2576, %swap3A_2577], %swap3A_2580 {strides = array<i32>} : memref<8x128xf32, #tpu.memory_space<vmem>>, vector<1x16xf32>,
    %get3A_2581 = arith.constant 704 : index
    %get3A_2582 = tpu.vector_load %arg7[%get3A_2581] {strides = array<i32>} : memref<1024xi32, #tpu.memory_space<vmem>>, vector<16xi32>,
    %get3A_2583 = vector.shape_cast %get3A_2582 : vector<16xi32> to vector<16xi32>
    %get3A_2584 = arith.constant 704 : index
    %get3A_2585 = tpu.vector_load %arg8[%get3A_2584] {strides = array<i32>} : memref<1024xi32, #tpu.memory_space<vmem>>, vector<16xi32>,
    %get3A_2586 = vector.shape_cast %get3A_2585 : vector<16xi32> to vector<16xi32>
    %get3A_2587 = arith.constant 704 : index
    %get3A_2588 = tpu.vector_load %arg9[%get3A_2587] {strides = array<i32>} : memref<1024xf32, #tpu.memory_space<vmem>>, vector<16xf32>,
    %get3A_2589 = vector.shape_cast %get3A_2588 : vector<16xf32> to vector<16xf32>
    %iota3A_2590 = tpu.iota {dimensions = array<i32: 0>} : vector<16xi32>
    %add3A_2591 = arith.constant 704 : i32
    %add3A_2592 = vector.broadcast %add3A_2591 : i32 to vector<16xi32>
    %add3A_2593 = arith.addi %iota3A_2590, %add3A_2592 : vector<16xi32>
    %lt3A_2594 = arith.constant 1000 : i32
    %lt3A_2595 = vector.broadcast %lt3A_2594 : i32 to vector<16xi32>
    %lt3A_2596 = arith.cmpi slt, %add3A_2593, %lt3A_2595 : vector<16xi32>
    %mul3A_2597 = arith.constant 800 : i32
    %mul3A_2598 = vector.broadcast %mul3A_2597 : i32 to vector<16xi32>
    %mul3A_2599 = arith.muli %get3A_2583, %mul3A_2598 : vector<16xi32>
    %add3A_2600 = arith.addi %mul3A_2599, %get3A_2586 : vector<16xi32>
    %jit3A_2601 = arith.constant 0 : i32
    %broadcast_in_dim3A_2602 = vector.broadcast %jit3A_2601 : i32 to vector<16xi32>
    %select_n3A_2603 = arith.select %lt3A_2596, %add3A_2600, %broadcast_in_dim3A_2602 : vector<16xi1>, vector<16xi32>
    %jit3A_2604 = arith.constant 0.000000e+00 : f32
    %broadcast_in_dim3A_2605 = vector.broadcast %jit3A_2604 : f32 to vector<16xf32>
    %select_n3A_2606 = arith.select %lt3A_2596, %get3A_2589, %broadcast_in_dim3A_2605 : vector<16xi1>, vector<16xf32>
    %swap3A_2607 = arith.constant 5 : i32
    %swap3A_2608 = arith.index_cast %swap3A_2607 : i32 to index
    %swap3A_2609 = arith.constant 64 : index
    %swap3A_2610 = tpu.vector_load %arg10[%swap3A_2608, %swap3A_2609] {strides = array<i32>} : memref<8x128xi32, #tpu.memory_space<vmem>>, vector<1x16xi32>,
    %swap3A_2611 = vector.shape_cast %swap3A_2610 : vector<1x16xi32> to vector<16xi32>
    %swap3A_2612 = vector.shape_cast %select_n3A_2603 : vector<16xi32> to vector<1x16xi32>
    tpu.vector_store %arg10[%swap3A_2608, %swap3A_2609], %swap3A_2612 {strides = array<i32>} : memref<8x128xi32, #tpu.memory_space<vmem>>, vector<1x16xi32>,
    %swap3A_2613 = arith.constant 5 : i32
    %swap3A_2614 = arith.index_cast %swap3A_2613 : i32 to index
    %swap3A_2615 = arith.constant 64 : index
    %swap3A_2616 = tpu.vector_load %arg11[%swap3A_2614, %swap3A_2615] {strides = array<i32>} : memref<8x128xf32, #tpu.memory_space<vmem>>, vector<1x16xf32>,
    %swap3A_2617 = vector.shape_cast %swap3A_2616 : vector<1x16xf32> to vector<16xf32>
    %swap3A_2618 = vector.shape_cast %select_n3A_2606 : vector<16xf32> to vector<1x16xf32>
    tpu.vector_store %arg11[%swap3A_2614, %swap3A_2615], %swap3A_2618 {strides = array<i32>} : memref<8x128xf32, #tpu.memory_space<vmem>>, vector<1x16xf32>,
    %jit3A_2619 = arith.constant 0 : i32
    %broadcast_in_dim3A_2620 = vector.broadcast %jit3A_2619 : i32 to vector<16xi32>
    %select_n3A_2621 = arith.select %lt3A_2596, %get3A_2586, %broadcast_in_dim3A_2620 : vector<16xi1>, vector<16xi32>
    %swap3A_2622 = arith.constant 5 : i32
    %swap3A_2623 = arith.index_cast %swap3A_2622 : i32 to index
    %swap3A_2624 = arith.constant 64 : index
    %swap3A_2625 = tpu.vector_load %arg12[%swap3A_2623, %swap3A_2624] {strides = array<i32>} : memref<8x128xi32, #tpu.memory_space<vmem>>, vector<1x16xi32>,
    %swap3A_2626 = vector.shape_cast %swap3A_2625 : vector<1x16xi32> to vector<16xi32>
    %swap3A_2627 = vector.shape_cast %select_n3A_2621 : vector<16xi32> to vector<1x16xi32>
    tpu.vector_store %arg12[%swap3A_2623, %swap3A_2624], %swap3A_2627 {strides = array<i32>} : memref<8x128xi32, #tpu.memory_space<vmem>>, vector<1x16xi32>,
    %jit3A_2628 = arith.constant 1.000000e+00 : f32
    %jit3A_2629 = arith.constant 0.000000e+00 : f32
    %broadcast_in_dim3A_2630 = vector.broadcast %jit3A_2628 : f32 to vector<16xf32>
    %broadcast_in_dim3A_2631 = vector.broadcast %jit3A_2629 : f32 to vector<16xf32>
    %select_n3A_2632 = arith.select %lt3A_2596, %broadcast_in_dim3A_2630, %broadcast_in_dim3A_2631 : vector<16xi1>, vector<16xf32>
    %swap3A_2633 = arith.constant 5 : i32
    %swap3A_2634 = arith.index_cast %swap3A_2633 : i32 to index
    %swap3A_2635 = arith.constant 64 : index
    %swap3A_2636 = tpu.vector_load %arg13[%swap3A_2634, %swap3A_2635] {strides = array<i32>} : memref<8x128xf32, #tpu.memory_space<vmem>>, vector<1x16xf32>,
    %swap3A_2637 = vector.shape_cast %swap3A_2636 : vector<1x16xf32> to vector<16xf32>
    %swap3A_2638 = vector.shape_cast %select_n3A_2632 : vector<16xf32> to vector<1x16xf32>
    tpu.vector_store %arg13[%swap3A_2634, %swap3A_2635], %swap3A_2638 {strides = array<i32>} : memref<8x128xf32, #tpu.memory_space<vmem>>, vector<1x16xf32>,
    %get3A_2639 = arith.constant 720 : index
    %get3A_2640 = tpu.vector_load %arg7[%get3A_2639] {strides = array<i32>} : memref<1024xi32, #tpu.memory_space<vmem>>, vector<16xi32>,
    %get3A_2641 = vector.shape_cast %get3A_2640 : vector<16xi32> to vector<16xi32>
    %get3A_2642 = arith.constant 720 : index
    %get3A_2643 = tpu.vector_load %arg8[%get3A_2642] {strides = array<i32>} : memref<1024xi32, #tpu.memory_space<vmem>>, vector<16xi32>,
    %get3A_2644 = vector.shape_cast %get3A_2643 : vector<16xi32> to vector<16xi32>
    %get3A_2645 = arith.constant 720 : index
    %get3A_2646 = tpu.vector_load %arg9[%get3A_2645] {strides = array<i32>} : memref<1024xf32, #tpu.memory_space<vmem>>, vector<16xf32>,
    %get3A_2647 = vector.shape_cast %get3A_2646 : vector<16xf32> to vector<16xf32>
    %iota3A_2648 = tpu.iota {dimensions = array<i32: 0>} : vector<16xi32>
    %add3A_2649 = arith.constant 720 : i32
    %add3A_2650 = vector.broadcast %add3A_2649 : i32 to vector<16xi32>
    %add3A_2651 = arith.addi %iota3A_2648, %add3A_2650 : vector<16xi32>
    %lt3A_2652 = arith.constant 1000 : i32
    %lt3A_2653 = vector.broadcast %lt3A_2652 : i32 to vector<16xi32>
    %lt3A_2654 = arith.cmpi slt, %add3A_2651, %lt3A_2653 : vector<16xi32>
    %mul3A_2655 = arith.constant 800 : i32
    %mul3A_2656 = vector.broadcast %mul3A_2655 : i32 to vector<16xi32>
    %mul3A_2657 = arith.muli %get3A_2641, %mul3A_2656 : vector<16xi32>
    %add3A_2658 = arith.addi %mul3A_2657, %get3A_2644 : vector<16xi32>
    %jit3A_2659 = arith.constant 0 : i32
    %broadcast_in_dim3A_2660 = vector.broadcast %jit3A_2659 : i32 to vector<16xi32>
    %select_n3A_2661 = arith.select %lt3A_2654, %add3A_2658, %broadcast_in_dim3A_2660 : vector<16xi1>, vector<16xi32>
    %jit3A_2662 = arith.constant 0.000000e+00 : f32
    %broadcast_in_dim3A_2663 = vector.broadcast %jit3A_2662 : f32 to vector<16xf32>
    %select_n3A_2664 = arith.select %lt3A_2654, %get3A_2647, %broadcast_in_dim3A_2663 : vector<16xi1>, vector<16xf32>
    %swap3A_2665 = arith.constant 5 : i32
    %swap3A_2666 = arith.index_cast %swap3A_2665 : i32 to index
    %swap3A_2667 = arith.constant 80 : index
    %swap3A_2668 = tpu.vector_load %arg10[%swap3A_2666, %swap3A_2667] {strides = array<i32>} : memref<8x128xi32, #tpu.memory_space<vmem>>, vector<1x16xi32>,
    %swap3A_2669 = vector.shape_cast %swap3A_2668 : vector<1x16xi32> to vector<16xi32>
    %swap3A_2670 = vector.shape_cast %select_n3A_2661 : vector<16xi32> to vector<1x16xi32>
    tpu.vector_store %arg10[%swap3A_2666, %swap3A_2667], %swap3A_2670 {strides = array<i32>} : memref<8x128xi32, #tpu.memory_space<vmem>>, vector<1x16xi32>,
    %swap3A_2671 = arith.constant 5 : i32
    %swap3A_2672 = arith.index_cast %swap3A_2671 : i32 to index
    %swap3A_2673 = arith.constant 80 : index
    %swap3A_2674 = tpu.vector_load %arg11[%swap3A_2672, %swap3A_2673] {strides = array<i32>} : memref<8x128xf32, #tpu.memory_space<vmem>>, vector<1x16xf32>,
    %swap3A_2675 = vector.shape_cast %swap3A_2674 : vector<1x16xf32> to vector<16xf32>
    %swap3A_2676 = vector.shape_cast %select_n3A_2664 : vector<16xf32> to vector<1x16xf32>
    tpu.vector_store %arg11[%swap3A_2672, %swap3A_2673], %swap3A_2676 {strides = array<i32>} : memref<8x128xf32, #tpu.memory_space<vmem>>, vector<1x16xf32>,
    %jit3A_2677 = arith.constant 0 : i32
    %broadcast_in_dim3A_2678 = vector.broadcast %jit3A_2677 : i32 to vector<16xi32>
    %select_n3A_2679 = arith.select %lt3A_2654, %get3A_2644, %broadcast_in_dim3A_2678 : vector<16xi1>, vector<16xi32>
    %swap3A_2680 = arith.constant 5 : i32
    %swap3A_2681 = arith.index_cast %swap3A_2680 : i32 to index
    %swap3A_2682 = arith.constant 80 : index
    %swap3A_2683 = tpu.vector_load %arg12[%swap3A_2681, %swap3A_2682] {strides = array<i32>} : memref<8x128xi32, #tpu.memory_space<vmem>>, vector<1x16xi32>,
    %swap3A_2684 = vector.shape_cast %swap3A_2683 : vector<1x16xi32> to vector<16xi32>
    %swap3A_2685 = vector.shape_cast %select_n3A_2679 : vector<16xi32> to vector<1x16xi32>
    tpu.vector_store %arg12[%swap3A_2681, %swap3A_2682], %swap3A_2685 {strides = array<i32>} : memref<8x128xi32, #tpu.memory_space<vmem>>, vector<1x16xi32>,
    %jit3A_2686 = arith.constant 1.000000e+00 : f32
    %jit3A_2687 = arith.constant 0.000000e+00 : f32
    %broadcast_in_dim3A_2688 = vector.broadcast %jit3A_2686 : f32 to vector<16xf32>
    %broadcast_in_dim3A_2689 = vector.broadcast %jit3A_2687 : f32 to vector<16xf32>
    %select_n3A_2690 = arith.select %lt3A_2654, %broadcast_in_dim3A_2688, %broadcast_in_dim3A_2689 : vector<16xi1>, vector<16xf32>
    %swap3A_2691 = arith.constant 5 : i32
    %swap3A_2692 = arith.index_cast %swap3A_2691 : i32 to index
    %swap3A_2693 = arith.constant 80 : index
    %swap3A_2694 = tpu.vector_load %arg13[%swap3A_2692, %swap3A_2693] {strides = array<i32>} : memref<8x128xf32, #tpu.memory_space<vmem>>, vector<1x16xf32>,
    %swap3A_2695 = vector.shape_cast %swap3A_2694 : vector<1x16xf32> to vector<16xf32>
    %swap3A_2696 = vector.shape_cast %select_n3A_2690 : vector<16xf32> to vector<1x16xf32>
    tpu.vector_store %arg13[%swap3A_2692, %swap3A_2693], %swap3A_2696 {strides = array<i32>} : memref<8x128xf32, #tpu.memory_space<vmem>>, vector<1x16xf32>,
    %get3A_2697 = arith.constant 736 : index
    %get3A_2698 = tpu.vector_load %arg7[%get3A_2697] {strides = array<i32>} : memref<1024xi32, #tpu.memory_space<vmem>>, vector<16xi32>,
    %get3A_2699 = vector.shape_cast %get3A_2698 : vector<16xi32> to vector<16xi32>
    %get3A_2700 = arith.constant 736 : index
    %get3A_2701 = tpu.vector_load %arg8[%get3A_2700] {strides = array<i32>} : memref<1024xi32, #tpu.memory_space<vmem>>, vector<16xi32>,
    %get3A_2702 = vector.shape_cast %get3A_2701 : vector<16xi32> to vector<16xi32>
    %get3A_2703 = arith.constant 736 : index
    %get3A_2704 = tpu.vector_load %arg9[%get3A_2703] {strides = array<i32>} : memref<1024xf32, #tpu.memory_space<vmem>>, vector<16xf32>,
    %get3A_2705 = vector.shape_cast %get3A_2704 : vector<16xf32> to vector<16xf32>
    %iota3A_2706 = tpu.iota {dimensions = array<i32: 0>} : vector<16xi32>
    %add3A_2707 = arith.constant 736 : i32
    %add3A_2708 = vector.broadcast %add3A_2707 : i32 to vector<16xi32>
    %add3A_2709 = arith.addi %iota3A_2706, %add3A_2708 : vector<16xi32>
    %lt3A_2710 = arith.constant 1000 : i32
    %lt3A_2711 = vector.broadcast %lt3A_2710 : i32 to vector<16xi32>
    %lt3A_2712 = arith.cmpi slt, %add3A_2709, %lt3A_2711 : vector<16xi32>
    %mul3A_2713 = arith.constant 800 : i32
    %mul3A_2714 = vector.broadcast %mul3A_2713 : i32 to vector<16xi32>
    %mul3A_2715 = arith.muli %get3A_2699, %mul3A_2714 : vector<16xi32>
    %add3A_2716 = arith.addi %mul3A_2715, %get3A_2702 : vector<16xi32>
    %jit3A_2717 = arith.constant 0 : i32
    %broadcast_in_dim3A_2718 = vector.broadcast %jit3A_2717 : i32 to vector<16xi32>
    %select_n3A_2719 = arith.select %lt3A_2712, %add3A_2716, %broadcast_in_dim3A_2718 : vector<16xi1>, vector<16xi32>
    %jit3A_2720 = arith.constant 0.000000e+00 : f32
    %broadcast_in_dim3A_2721 = vector.broadcast %jit3A_2720 : f32 to vector<16xf32>
    %select_n3A_2722 = arith.select %lt3A_2712, %get3A_2705, %broadcast_in_dim3A_2721 : vector<16xi1>, vector<16xf32>
    %swap3A_2723 = arith.constant 5 : i32
    %swap3A_2724 = arith.index_cast %swap3A_2723 : i32 to index
    %swap3A_2725 = arith.constant 96 : index
    %swap3A_2726 = tpu.vector_load %arg10[%swap3A_2724, %swap3A_2725] {strides = array<i32>} : memref<8x128xi32, #tpu.memory_space<vmem>>, vector<1x16xi32>,
    %swap3A_2727 = vector.shape_cast %swap3A_2726 : vector<1x16xi32> to vector<16xi32>
    %swap3A_2728 = vector.shape_cast %select_n3A_2719 : vector<16xi32> to vector<1x16xi32>
    tpu.vector_store %arg10[%swap3A_2724, %swap3A_2725], %swap3A_2728 {strides = array<i32>} : memref<8x128xi32, #tpu.memory_space<vmem>>, vector<1x16xi32>,
    %swap3A_2729 = arith.constant 5 : i32
    %swap3A_2730 = arith.index_cast %swap3A_2729 : i32 to index
    %swap3A_2731 = arith.constant 96 : index
    %swap3A_2732 = tpu.vector_load %arg11[%swap3A_2730, %swap3A_2731] {strides = array<i32>} : memref<8x128xf32, #tpu.memory_space<vmem>>, vector<1x16xf32>,
    %swap3A_2733 = vector.shape_cast %swap3A_2732 : vector<1x16xf32> to vector<16xf32>
    %swap3A_2734 = vector.shape_cast %select_n3A_2722 : vector<16xf32> to vector<1x16xf32>
    tpu.vector_store %arg11[%swap3A_2730, %swap3A_2731], %swap3A_2734 {strides = array<i32>} : memref<8x128xf32, #tpu.memory_space<vmem>>, vector<1x16xf32>,
    %jit3A_2735 = arith.constant 0 : i32
    %broadcast_in_dim3A_2736 = vector.broadcast %jit3A_2735 : i32 to vector<16xi32>
    %select_n3A_2737 = arith.select %lt3A_2712, %get3A_2702, %broadcast_in_dim3A_2736 : vector<16xi1>, vector<16xi32>
    %swap3A_2738 = arith.constant 5 : i32
    %swap3A_2739 = arith.index_cast %swap3A_2738 : i32 to index
    %swap3A_2740 = arith.constant 96 : index
    %swap3A_2741 = tpu.vector_load %arg12[%swap3A_2739, %swap3A_2740] {strides = array<i32>} : memref<8x128xi32, #tpu.memory_space<vmem>>, vector<1x16xi32>,
    %swap3A_2742 = vector.shape_cast %swap3A_2741 : vector<1x16xi32> to vector<16xi32>
    %swap3A_2743 = vector.shape_cast %select_n3A_2737 : vector<16xi32> to vector<1x16xi32>
    tpu.vector_store %arg12[%swap3A_2739, %swap3A_2740], %swap3A_2743 {strides = array<i32>} : memref<8x128xi32, #tpu.memory_space<vmem>>, vector<1x16xi32>,
    %jit3A_2744 = arith.constant 1.000000e+00 : f32
    %jit3A_2745 = arith.constant 0.000000e+00 : f32
    %broadcast_in_dim3A_2746 = vector.broadcast %jit3A_2744 : f32 to vector<16xf32>
    %broadcast_in_dim3A_2747 = vector.broadcast %jit3A_2745 : f32 to vector<16xf32>
    %select_n3A_2748 = arith.select %lt3A_2712, %broadcast_in_dim3A_2746, %broadcast_in_dim3A_2747 : vector<16xi1>, vector<16xf32>
    %swap3A_2749 = arith.constant 5 : i32
    %swap3A_2750 = arith.index_cast %swap3A_2749 : i32 to index
    %swap3A_2751 = arith.constant 96 : index
    %swap3A_2752 = tpu.vector_load %arg13[%swap3A_2750, %swap3A_2751] {strides = array<i32>} : memref<8x128xf32, #tpu.memory_space<vmem>>, vector<1x16xf32>,
    %swap3A_2753 = vector.shape_cast %swap3A_2752 : vector<1x16xf32> to vector<16xf32>
    %swap3A_2754 = vector.shape_cast %select_n3A_2748 : vector<16xf32> to vector<1x16xf32>
    tpu.vector_store %arg13[%swap3A_2750, %swap3A_2751], %swap3A_2754 {strides = array<i32>} : memref<8x128xf32, #tpu.memory_space<vmem>>, vector<1x16xf32>,
    %get3A_2755 = arith.constant 752 : index
    %get3A_2756 = tpu.vector_load %arg7[%get3A_2755] {strides = array<i32>} : memref<1024xi32, #tpu.memory_space<vmem>>, vector<16xi32>,
    %get3A_2757 = vector.shape_cast %get3A_2756 : vector<16xi32> to vector<16xi32>
    %get3A_2758 = arith.constant 752 : index
    %get3A_2759 = tpu.vector_load %arg8[%get3A_2758] {strides = array<i32>} : memref<1024xi32, #tpu.memory_space<vmem>>, vector<16xi32>,
    %get3A_2760 = vector.shape_cast %get3A_2759 : vector<16xi32> to vector<16xi32>
    %get3A_2761 = arith.constant 752 : index
    %get3A_2762 = tpu.vector_load %arg9[%get3A_2761] {strides = array<i32>} : memref<1024xf32, #tpu.memory_space<vmem>>, vector<16xf32>,
    %get3A_2763 = vector.shape_cast %get3A_2762 : vector<16xf32> to vector<16xf32>
    %iota3A_2764 = tpu.iota {dimensions = array<i32: 0>} : vector<16xi32>
    %add3A_2765 = arith.constant 752 : i32
    %add3A_2766 = vector.broadcast %add3A_2765 : i32 to vector<16xi32>
    %add3A_2767 = arith.addi %iota3A_2764, %add3A_2766 : vector<16xi32>
    %lt3A_2768 = arith.constant 1000 : i32
    %lt3A_2769 = vector.broadcast %lt3A_2768 : i32 to vector<16xi32>
    %lt3A_2770 = arith.cmpi slt, %add3A_2767, %lt3A_2769 : vector<16xi32>
    %mul3A_2771 = arith.constant 800 : i32
    %mul3A_2772 = vector.broadcast %mul3A_2771 : i32 to vector<16xi32>
    %mul3A_2773 = arith.muli %get3A_2757, %mul3A_2772 : vector<16xi32>
    %add3A_2774 = arith.addi %mul3A_2773, %get3A_2760 : vector<16xi32>
    %jit3A_2775 = arith.constant 0 : i32
    %broadcast_in_dim3A_2776 = vector.broadcast %jit3A_2775 : i32 to vector<16xi32>
    %select_n3A_2777 = arith.select %lt3A_2770, %add3A_2774, %broadcast_in_dim3A_2776 : vector<16xi1>, vector<16xi32>
    %jit3A_2778 = arith.constant 0.000000e+00 : f32
    %broadcast_in_dim3A_2779 = vector.broadcast %jit3A_2778 : f32 to vector<16xf32>
    %select_n3A_2780 = arith.select %lt3A_2770, %get3A_2763, %broadcast_in_dim3A_2779 : vector<16xi1>, vector<16xf32>
    %swap3A_2781 = arith.constant 5 : i32
    %swap3A_2782 = arith.index_cast %swap3A_2781 : i32 to index
    %swap3A_2783 = arith.constant 112 : index
    %swap3A_2784 = tpu.vector_load %arg10[%swap3A_2782, %swap3A_2783] {strides = array<i32>} : memref<8x128xi32, #tpu.memory_space<vmem>>, vector<1x16xi32>,
    %swap3A_2785 = vector.shape_cast %swap3A_2784 : vector<1x16xi32> to vector<16xi32>
    %swap3A_2786 = vector.shape_cast %select_n3A_2777 : vector<16xi32> to vector<1x16xi32>
    tpu.vector_store %arg10[%swap3A_2782, %swap3A_2783], %swap3A_2786 {strides = array<i32>} : memref<8x128xi32, #tpu.memory_space<vmem>>, vector<1x16xi32>,
    %swap3A_2787 = arith.constant 5 : i32
    %swap3A_2788 = arith.index_cast %swap3A_2787 : i32 to index
    %swap3A_2789 = arith.constant 112 : index
    %swap3A_2790 = tpu.vector_load %arg11[%swap3A_2788, %swap3A_2789] {strides = array<i32>} : memref<8x128xf32, #tpu.memory_space<vmem>>, vector<1x16xf32>,
    %swap3A_2791 = vector.shape_cast %swap3A_2790 : vector<1x16xf32> to vector<16xf32>
    %swap3A_2792 = vector.shape_cast %select_n3A_2780 : vector<16xf32> to vector<1x16xf32>
    tpu.vector_store %arg11[%swap3A_2788, %swap3A_2789], %swap3A_2792 {strides = array<i32>} : memref<8x128xf32, #tpu.memory_space<vmem>>, vector<1x16xf32>,
    %jit3A_2793 = arith.constant 0 : i32
    %broadcast_in_dim3A_2794 = vector.broadcast %jit3A_2793 : i32 to vector<16xi32>
    %select_n3A_2795 = arith.select %lt3A_2770, %get3A_2760, %broadcast_in_dim3A_2794 : vector<16xi1>, vector<16xi32>
    %swap3A_2796 = arith.constant 5 : i32
    %swap3A_2797 = arith.index_cast %swap3A_2796 : i32 to index
    %swap3A_2798 = arith.constant 112 : index
    %swap3A_2799 = tpu.vector_load %arg12[%swap3A_2797, %swap3A_2798] {strides = array<i32>} : memref<8x128xi32, #tpu.memory_space<vmem>>, vector<1x16xi32>,
    %swap3A_2800 = vector.shape_cast %swap3A_2799 : vector<1x16xi32> to vector<16xi32>
    %swap3A_2801 = vector.shape_cast %select_n3A_2795 : vector<16xi32> to vector<1x16xi32>
    tpu.vector_store %arg12[%swap3A_2797, %swap3A_2798], %swap3A_2801 {strides = array<i32>} : memref<8x128xi32, #tpu.memory_space<vmem>>, vector<1x16xi32>,
    %jit3A_2802 = arith.constant 1.000000e+00 : f32
    %jit3A_2803 = arith.constant 0.000000e+00 : f32
    %broadcast_in_dim3A_2804 = vector.broadcast %jit3A_2802 : f32 to vector<16xf32>
    %broadcast_in_dim3A_2805 = vector.broadcast %jit3A_2803 : f32 to vector<16xf32>
    %select_n3A_2806 = arith.select %lt3A_2770, %broadcast_in_dim3A_2804, %broadcast_in_dim3A_2805 : vector<16xi1>, vector<16xf32>
    %swap3A_2807 = arith.constant 5 : i32
    %swap3A_2808 = arith.index_cast %swap3A_2807 : i32 to index
    %swap3A_2809 = arith.constant 112 : index
    %swap3A_2810 = tpu.vector_load %arg13[%swap3A_2808, %swap3A_2809] {strides = array<i32>} : memref<8x128xf32, #tpu.memory_space<vmem>>, vector<1x16xf32>,
    %swap3A_2811 = vector.shape_cast %swap3A_2810 : vector<1x16xf32> to vector<16xf32>
    %swap3A_2812 = vector.shape_cast %select_n3A_2806 : vector<16xf32> to vector<1x16xf32>
    tpu.vector_store %arg13[%swap3A_2808, %swap3A_2809], %swap3A_2812 {strides = array<i32>} : memref<8x128xf32, #tpu.memory_space<vmem>>, vector<1x16xf32>,
    %get3A_2813 = arith.constant 768 : index
    %get3A_2814 = tpu.vector_load %arg7[%get3A_2813] {strides = array<i32>} : memref<1024xi32, #tpu.memory_space<vmem>>, vector<16xi32>,
    %get3A_2815 = vector.shape_cast %get3A_2814 : vector<16xi32> to vector<16xi32>
    %get3A_2816 = arith.constant 768 : index
    %get3A_2817 = tpu.vector_load %arg8[%get3A_2816] {strides = array<i32>} : memref<1024xi32, #tpu.memory_space<vmem>>, vector<16xi32>,
    %get3A_2818 = vector.shape_cast %get3A_2817 : vector<16xi32> to vector<16xi32>
    %get3A_2819 = arith.constant 768 : index
    %get3A_2820 = tpu.vector_load %arg9[%get3A_2819] {strides = array<i32>} : memref<1024xf32, #tpu.memory_space<vmem>>, vector<16xf32>,
    %get3A_2821 = vector.shape_cast %get3A_2820 : vector<16xf32> to vector<16xf32>
    %iota3A_2822 = tpu.iota {dimensions = array<i32: 0>} : vector<16xi32>
    %add3A_2823 = arith.constant 768 : i32
    %add3A_2824 = vector.broadcast %add3A_2823 : i32 to vector<16xi32>
    %add3A_2825 = arith.addi %iota3A_2822, %add3A_2824 : vector<16xi32>
    %lt3A_2826 = arith.constant 1000 : i32
    %lt3A_2827 = vector.broadcast %lt3A_2826 : i32 to vector<16xi32>
    %lt3A_2828 = arith.cmpi slt, %add3A_2825, %lt3A_2827 : vector<16xi32>
    %mul3A_2829 = arith.constant 800 : i32
    %mul3A_2830 = vector.broadcast %mul3A_2829 : i32 to vector<16xi32>
    %mul3A_2831 = arith.muli %get3A_2815, %mul3A_2830 : vector<16xi32>
    %add3A_2832 = arith.addi %mul3A_2831, %get3A_2818 : vector<16xi32>
    %jit3A_2833 = arith.constant 0 : i32
    %broadcast_in_dim3A_2834 = vector.broadcast %jit3A_2833 : i32 to vector<16xi32>
    %select_n3A_2835 = arith.select %lt3A_2828, %add3A_2832, %broadcast_in_dim3A_2834 : vector<16xi1>, vector<16xi32>
    %jit3A_2836 = arith.constant 0.000000e+00 : f32
    %broadcast_in_dim3A_2837 = vector.broadcast %jit3A_2836 : f32 to vector<16xf32>
    %select_n3A_2838 = arith.select %lt3A_2828, %get3A_2821, %broadcast_in_dim3A_2837 : vector<16xi1>, vector<16xf32>
    %swap3A_2839 = arith.constant 6 : i32
    %swap3A_2840 = arith.index_cast %swap3A_2839 : i32 to index
    %swap3A_2841 = arith.constant 0 : index
    %swap3A_2842 = tpu.vector_load %arg10[%swap3A_2840, %swap3A_2841] {strides = array<i32>} : memref<8x128xi32, #tpu.memory_space<vmem>>, vector<1x16xi32>,
    %swap3A_2843 = vector.shape_cast %swap3A_2842 : vector<1x16xi32> to vector<16xi32>
    %swap3A_2844 = vector.shape_cast %select_n3A_2835 : vector<16xi32> to vector<1x16xi32>
    tpu.vector_store %arg10[%swap3A_2840, %swap3A_2841], %swap3A_2844 {strides = array<i32>} : memref<8x128xi32, #tpu.memory_space<vmem>>, vector<1x16xi32>,
    %swap3A_2845 = arith.constant 6 : i32
    %swap3A_2846 = arith.index_cast %swap3A_2845 : i32 to index
    %swap3A_2847 = arith.constant 0 : index
    %swap3A_2848 = tpu.vector_load %arg11[%swap3A_2846, %swap3A_2847] {strides = array<i32>} : memref<8x128xf32, #tpu.memory_space<vmem>>, vector<1x16xf32>,
    %swap3A_2849 = vector.shape_cast %swap3A_2848 : vector<1x16xf32> to vector<16xf32>
    %swap3A_2850 = vector.shape_cast %select_n3A_2838 : vector<16xf32> to vector<1x16xf32>
    tpu.vector_store %arg11[%swap3A_2846, %swap3A_2847], %swap3A_2850 {strides = array<i32>} : memref<8x128xf32, #tpu.memory_space<vmem>>, vector<1x16xf32>,
    %jit3A_2851 = arith.constant 0 : i32
    %broadcast_in_dim3A_2852 = vector.broadcast %jit3A_2851 : i32 to vector<16xi32>
    %select_n3A_2853 = arith.select %lt3A_2828, %get3A_2818, %broadcast_in_dim3A_2852 : vector<16xi1>, vector<16xi32>
    %swap3A_2854 = arith.constant 6 : i32
    %swap3A_2855 = arith.index_cast %swap3A_2854 : i32 to index
    %swap3A_2856 = arith.constant 0 : index
    %swap3A_2857 = tpu.vector_load %arg12[%swap3A_2855, %swap3A_2856] {strides = array<i32>} : memref<8x128xi32, #tpu.memory_space<vmem>>, vector<1x16xi32>,
    %swap3A_2858 = vector.shape_cast %swap3A_2857 : vector<1x16xi32> to vector<16xi32>
    %swap3A_2859 = vector.shape_cast %select_n3A_2853 : vector<16xi32> to vector<1x16xi32>
    tpu.vector_store %arg12[%swap3A_2855, %swap3A_2856], %swap3A_2859 {strides = array<i32>} : memref<8x128xi32, #tpu.memory_space<vmem>>, vector<1x16xi32>,
    %jit3A_2860 = arith.constant 1.000000e+00 : f32
    %jit3A_2861 = arith.constant 0.000000e+00 : f32
    %broadcast_in_dim3A_2862 = vector.broadcast %jit3A_2860 : f32 to vector<16xf32>
    %broadcast_in_dim3A_2863 = vector.broadcast %jit3A_2861 : f32 to vector<16xf32>
    %select_n3A_2864 = arith.select %lt3A_2828, %broadcast_in_dim3A_2862, %broadcast_in_dim3A_2863 : vector<16xi1>, vector<16xf32>
    %swap3A_2865 = arith.constant 6 : i32
    %swap3A_2866 = arith.index_cast %swap3A_2865 : i32 to index
    %swap3A_2867 = arith.constant 0 : index
    %swap3A_2868 = tpu.vector_load %arg13[%swap3A_2866, %swap3A_2867] {strides = array<i32>} : memref<8x128xf32, #tpu.memory_space<vmem>>, vector<1x16xf32>,
    %swap3A_2869 = vector.shape_cast %swap3A_2868 : vector<1x16xf32> to vector<16xf32>
    %swap3A_2870 = vector.shape_cast %select_n3A_2864 : vector<16xf32> to vector<1x16xf32>
    tpu.vector_store %arg13[%swap3A_2866, %swap3A_2867], %swap3A_2870 {strides = array<i32>} : memref<8x128xf32, #tpu.memory_space<vmem>>, vector<1x16xf32>,
    %get3A_2871 = arith.constant 784 : index
    %get3A_2872 = tpu.vector_load %arg7[%get3A_2871] {strides = array<i32>} : memref<1024xi32, #tpu.memory_space<vmem>>, vector<16xi32>,
    %get3A_2873 = vector.shape_cast %get3A_2872 : vector<16xi32> to vector<16xi32>
    %get3A_2874 = arith.constant 784 : index
    %get3A_2875 = tpu.vector_load %arg8[%get3A_2874] {strides = array<i32>} : memref<1024xi32, #tpu.memory_space<vmem>>, vector<16xi32>,
    %get3A_2876 = vector.shape_cast %get3A_2875 : vector<16xi32> to vector<16xi32>
    %get3A_2877 = arith.constant 784 : index
    %get3A_2878 = tpu.vector_load %arg9[%get3A_2877] {strides = array<i32>} : memref<1024xf32, #tpu.memory_space<vmem>>, vector<16xf32>,
    %get3A_2879 = vector.shape_cast %get3A_2878 : vector<16xf32> to vector<16xf32>
    %iota3A_2880 = tpu.iota {dimensions = array<i32: 0>} : vector<16xi32>
    %add3A_2881 = arith.constant 784 : i32
    %add3A_2882 = vector.broadcast %add3A_2881 : i32 to vector<16xi32>
    %add3A_2883 = arith.addi %iota3A_2880, %add3A_2882 : vector<16xi32>
    %lt3A_2884 = arith.constant 1000 : i32
    %lt3A_2885 = vector.broadcast %lt3A_2884 : i32 to vector<16xi32>
    %lt3A_2886 = arith.cmpi slt, %add3A_2883, %lt3A_2885 : vector<16xi32>
    %mul3A_2887 = arith.constant 800 : i32
    %mul3A_2888 = vector.broadcast %mul3A_2887 : i32 to vector<16xi32>
    %mul3A_2889 = arith.muli %get3A_2873, %mul3A_2888 : vector<16xi32>
    %add3A_2890 = arith.addi %mul3A_2889, %get3A_2876 : vector<16xi32>
    %jit3A_2891 = arith.constant 0 : i32
    %broadcast_in_dim3A_2892 = vector.broadcast %jit3A_2891 : i32 to vector<16xi32>
    %select_n3A_2893 = arith.select %lt3A_2886, %add3A_2890, %broadcast_in_dim3A_2892 : vector<16xi1>, vector<16xi32>
    %jit3A_2894 = arith.constant 0.000000e+00 : f32
    %broadcast_in_dim3A_2895 = vector.broadcast %jit3A_2894 : f32 to vector<16xf32>
    %select_n3A_2896 = arith.select %lt3A_2886, %get3A_2879, %broadcast_in_dim3A_2895 : vector<16xi1>, vector<16xf32>
    %swap3A_2897 = arith.constant 6 : i32
    %swap3A_2898 = arith.index_cast %swap3A_2897 : i32 to index
    %swap3A_2899 = arith.constant 16 : index
    %swap3A_2900 = tpu.vector_load %arg10[%swap3A_2898, %swap3A_2899] {strides = array<i32>} : memref<8x128xi32, #tpu.memory_space<vmem>>, vector<1x16xi32>,
    %swap3A_2901 = vector.shape_cast %swap3A_2900 : vector<1x16xi32> to vector<16xi32>
    %swap3A_2902 = vector.shape_cast %select_n3A_2893 : vector<16xi32> to vector<1x16xi32>
    tpu.vector_store %arg10[%swap3A_2898, %swap3A_2899], %swap3A_2902 {strides = array<i32>} : memref<8x128xi32, #tpu.memory_space<vmem>>, vector<1x16xi32>,
    %swap3A_2903 = arith.constant 6 : i32
    %swap3A_2904 = arith.index_cast %swap3A_2903 : i32 to index
    %swap3A_2905 = arith.constant 16 : index
    %swap3A_2906 = tpu.vector_load %arg11[%swap3A_2904, %swap3A_2905] {strides = array<i32>} : memref<8x128xf32, #tpu.memory_space<vmem>>, vector<1x16xf32>,
    %swap3A_2907 = vector.shape_cast %swap3A_2906 : vector<1x16xf32> to vector<16xf32>
    %swap3A_2908 = vector.shape_cast %select_n3A_2896 : vector<16xf32> to vector<1x16xf32>
    tpu.vector_store %arg11[%swap3A_2904, %swap3A_2905], %swap3A_2908 {strides = array<i32>} : memref<8x128xf32, #tpu.memory_space<vmem>>, vector<1x16xf32>,
    %jit3A_2909 = arith.constant 0 : i32
    %broadcast_in_dim3A_2910 = vector.broadcast %jit3A_2909 : i32 to vector<16xi32>
    %select_n3A_2911 = arith.select %lt3A_2886, %get3A_2876, %broadcast_in_dim3A_2910 : vector<16xi1>, vector<16xi32>
    %swap3A_2912 = arith.constant 6 : i32
    %swap3A_2913 = arith.index_cast %swap3A_2912 : i32 to index
    %swap3A_2914 = arith.constant 16 : index
    %swap3A_2915 = tpu.vector_load %arg12[%swap3A_2913, %swap3A_2914] {strides = array<i32>} : memref<8x128xi32, #tpu.memory_space<vmem>>, vector<1x16xi32>,
    %swap3A_2916 = vector.shape_cast %swap3A_2915 : vector<1x16xi32> to vector<16xi32>
    %swap3A_2917 = vector.shape_cast %select_n3A_2911 : vector<16xi32> to vector<1x16xi32>
    tpu.vector_store %arg12[%swap3A_2913, %swap3A_2914], %swap3A_2917 {strides = array<i32>} : memref<8x128xi32, #tpu.memory_space<vmem>>, vector<1x16xi32>,
    %jit3A_2918 = arith.constant 1.000000e+00 : f32
    %jit3A_2919 = arith.constant 0.000000e+00 : f32
    %broadcast_in_dim3A_2920 = vector.broadcast %jit3A_2918 : f32 to vector<16xf32>
    %broadcast_in_dim3A_2921 = vector.broadcast %jit3A_2919 : f32 to vector<16xf32>
    %select_n3A_2922 = arith.select %lt3A_2886, %broadcast_in_dim3A_2920, %broadcast_in_dim3A_2921 : vector<16xi1>, vector<16xf32>
    %swap3A_2923 = arith.constant 6 : i32
    %swap3A_2924 = arith.index_cast %swap3A_2923 : i32 to index
    %swap3A_2925 = arith.constant 16 : index
    %swap3A_2926 = tpu.vector_load %arg13[%swap3A_2924, %swap3A_2925] {strides = array<i32>} : memref<8x128xf32, #tpu.memory_space<vmem>>, vector<1x16xf32>,
    %swap3A_2927 = vector.shape_cast %swap3A_2926 : vector<1x16xf32> to vector<16xf32>
    %swap3A_2928 = vector.shape_cast %select_n3A_2922 : vector<16xf32> to vector<1x16xf32>
    tpu.vector_store %arg13[%swap3A_2924, %swap3A_2925], %swap3A_2928 {strides = array<i32>} : memref<8x128xf32, #tpu.memory_space<vmem>>, vector<1x16xf32>,
    %get3A_2929 = arith.constant 800 : index
    %get3A_2930 = tpu.vector_load %arg7[%get3A_2929] {strides = array<i32>} : memref<1024xi32, #tpu.memory_space<vmem>>, vector<16xi32>,
    %get3A_2931 = vector.shape_cast %get3A_2930 : vector<16xi32> to vector<16xi32>
    %get3A_2932 = arith.constant 800 : index
    %get3A_2933 = tpu.vector_load %arg8[%get3A_2932] {strides = array<i32>} : memref<1024xi32, #tpu.memory_space<vmem>>, vector<16xi32>,
    %get3A_2934 = vector.shape_cast %get3A_2933 : vector<16xi32> to vector<16xi32>
    %get3A_2935 = arith.constant 800 : index
    %get3A_2936 = tpu.vector_load %arg9[%get3A_2935] {strides = array<i32>} : memref<1024xf32, #tpu.memory_space<vmem>>, vector<16xf32>,
    %get3A_2937 = vector.shape_cast %get3A_2936 : vector<16xf32> to vector<16xf32>
    %iota3A_2938 = tpu.iota {dimensions = array<i32: 0>} : vector<16xi32>
    %add3A_2939 = arith.constant 800 : i32
    %add3A_2940 = vector.broadcast %add3A_2939 : i32 to vector<16xi32>
    %add3A_2941 = arith.addi %iota3A_2938, %add3A_2940 : vector<16xi32>
    %lt3A_2942 = arith.constant 1000 : i32
    %lt3A_2943 = vector.broadcast %lt3A_2942 : i32 to vector<16xi32>
    %lt3A_2944 = arith.cmpi slt, %add3A_2941, %lt3A_2943 : vector<16xi32>
    %mul3A_2945 = arith.constant 800 : i32
    %mul3A_2946 = vector.broadcast %mul3A_2945 : i32 to vector<16xi32>
    %mul3A_2947 = arith.muli %get3A_2931, %mul3A_2946 : vector<16xi32>
    %add3A_2948 = arith.addi %mul3A_2947, %get3A_2934 : vector<16xi32>
    %jit3A_2949 = arith.constant 0 : i32
    %broadcast_in_dim3A_2950 = vector.broadcast %jit3A_2949 : i32 to vector<16xi32>
    %select_n3A_2951 = arith.select %lt3A_2944, %add3A_2948, %broadcast_in_dim3A_2950 : vector<16xi1>, vector<16xi32>
    %jit3A_2952 = arith.constant 0.000000e+00 : f32
    %broadcast_in_dim3A_2953 = vector.broadcast %jit3A_2952 : f32 to vector<16xf32>
    %select_n3A_2954 = arith.select %lt3A_2944, %get3A_2937, %broadcast_in_dim3A_2953 : vector<16xi1>, vector<16xf32>
    %swap3A_2955 = arith.constant 6 : i32
    %swap3A_2956 = arith.index_cast %swap3A_2955 : i32 to index
    %swap3A_2957 = arith.constant 32 : index
    %swap3A_2958 = tpu.vector_load %arg10[%swap3A_2956, %swap3A_2957] {strides = array<i32>} : memref<8x128xi32, #tpu.memory_space<vmem>>, vector<1x16xi32>,
    %swap3A_2959 = vector.shape_cast %swap3A_2958 : vector<1x16xi32> to vector<16xi32>
    %swap3A_2960 = vector.shape_cast %select_n3A_2951 : vector<16xi32> to vector<1x16xi32>
    tpu.vector_store %arg10[%swap3A_2956, %swap3A_2957], %swap3A_2960 {strides = array<i32>} : memref<8x128xi32, #tpu.memory_space<vmem>>, vector<1x16xi32>,
    %swap3A_2961 = arith.constant 6 : i32
    %swap3A_2962 = arith.index_cast %swap3A_2961 : i32 to index
    %swap3A_2963 = arith.constant 32 : index
    %swap3A_2964 = tpu.vector_load %arg11[%swap3A_2962, %swap3A_2963] {strides = array<i32>} : memref<8x128xf32, #tpu.memory_space<vmem>>, vector<1x16xf32>,
    %swap3A_2965 = vector.shape_cast %swap3A_2964 : vector<1x16xf32> to vector<16xf32>
    %swap3A_2966 = vector.shape_cast %select_n3A_2954 : vector<16xf32> to vector<1x16xf32>
    tpu.vector_store %arg11[%swap3A_2962, %swap3A_2963], %swap3A_2966 {strides = array<i32>} : memref<8x128xf32, #tpu.memory_space<vmem>>, vector<1x16xf32>,
    %jit3A_2967 = arith.constant 0 : i32
    %broadcast_in_dim3A_2968 = vector.broadcast %jit3A_2967 : i32 to vector<16xi32>
    %select_n3A_2969 = arith.select %lt3A_2944, %get3A_2934, %broadcast_in_dim3A_2968 : vector<16xi1>, vector<16xi32>
    %swap3A_2970 = arith.constant 6 : i32
    %swap3A_2971 = arith.index_cast %swap3A_2970 : i32 to index
    %swap3A_2972 = arith.constant 32 : index
    %swap3A_2973 = tpu.vector_load %arg12[%swap3A_2971, %swap3A_2972] {strides = array<i32>} : memref<8x128xi32, #tpu.memory_space<vmem>>, vector<1x16xi32>,
    %swap3A_2974 = vector.shape_cast %swap3A_2973 : vector<1x16xi32> to vector<16xi32>
    %swap3A_2975 = vector.shape_cast %select_n3A_2969 : vector<16xi32> to vector<1x16xi32>
    tpu.vector_store %arg12[%swap3A_2971, %swap3A_2972], %swap3A_2975 {strides = array<i32>} : memref<8x128xi32, #tpu.memory_space<vmem>>, vector<1x16xi32>,
    %jit3A_2976 = arith.constant 1.000000e+00 : f32
    %jit3A_2977 = arith.constant 0.000000e+00 : f32
    %broadcast_in_dim3A_2978 = vector.broadcast %jit3A_2976 : f32 to vector<16xf32>
    %broadcast_in_dim3A_2979 = vector.broadcast %jit3A_2977 : f32 to vector<16xf32>
    %select_n3A_2980 = arith.select %lt3A_2944, %broadcast_in_dim3A_2978, %broadcast_in_dim3A_2979 : vector<16xi1>, vector<16xf32>
    %swap3A_2981 = arith.constant 6 : i32
    %swap3A_2982 = arith.index_cast %swap3A_2981 : i32 to index
    %swap3A_2983 = arith.constant 32 : index
    %swap3A_2984 = tpu.vector_load %arg13[%swap3A_2982, %swap3A_2983] {strides = array<i32>} : memref<8x128xf32, #tpu.memory_space<vmem>>, vector<1x16xf32>,
    %swap3A_2985 = vector.shape_cast %swap3A_2984 : vector<1x16xf32> to vector<16xf32>
    %swap3A_2986 = vector.shape_cast %select_n3A_2980 : vector<16xf32> to vector<1x16xf32>
    tpu.vector_store %arg13[%swap3A_2982, %swap3A_2983], %swap3A_2986 {strides = array<i32>} : memref<8x128xf32, #tpu.memory_space<vmem>>, vector<1x16xf32>,
    %get3A_2987 = arith.constant 816 : index
    %get3A_2988 = tpu.vector_load %arg7[%get3A_2987] {strides = array<i32>} : memref<1024xi32, #tpu.memory_space<vmem>>, vector<16xi32>,
    %get3A_2989 = vector.shape_cast %get3A_2988 : vector<16xi32> to vector<16xi32>
    %get3A_2990 = arith.constant 816 : index
    %get3A_2991 = tpu.vector_load %arg8[%get3A_2990] {strides = array<i32>} : memref<1024xi32, #tpu.memory_space<vmem>>, vector<16xi32>,
    %get3A_2992 = vector.shape_cast %get3A_2991 : vector<16xi32> to vector<16xi32>
    %get3A_2993 = arith.constant 816 : index
    %get3A_2994 = tpu.vector_load %arg9[%get3A_2993] {strides = array<i32>} : memref<1024xf32, #tpu.memory_space<vmem>>, vector<16xf32>,
    %get3A_2995 = vector.shape_cast %get3A_2994 : vector<16xf32> to vector<16xf32>
    %iota3A_2996 = tpu.iota {dimensions = array<i32: 0>} : vector<16xi32>
    %add3A_2997 = arith.constant 816 : i32
    %add3A_2998 = vector.broadcast %add3A_2997 : i32 to vector<16xi32>
    %add3A_2999 = arith.addi %iota3A_2996, %add3A_2998 : vector<16xi32>
    %lt3A_3000 = arith.constant 1000 : i32
    %lt3A_3001 = vector.broadcast %lt3A_3000 : i32 to vector<16xi32>
    %lt3A_3002 = arith.cmpi slt, %add3A_2999, %lt3A_3001 : vector<16xi32>
    %mul3A_3003 = arith.constant 800 : i32
    %mul3A_3004 = vector.broadcast %mul3A_3003 : i32 to vector<16xi32>
    %mul3A_3005 = arith.muli %get3A_2989, %mul3A_3004 : vector<16xi32>
    %add3A_3006 = arith.addi %mul3A_3005, %get3A_2992 : vector<16xi32>
    %jit3A_3007 = arith.constant 0 : i32
    %broadcast_in_dim3A_3008 = vector.broadcast %jit3A_3007 : i32 to vector<16xi32>
    %select_n3A_3009 = arith.select %lt3A_3002, %add3A_3006, %broadcast_in_dim3A_3008 : vector<16xi1>, vector<16xi32>
    %jit3A_3010 = arith.constant 0.000000e+00 : f32
    %broadcast_in_dim3A_3011 = vector.broadcast %jit3A_3010 : f32 to vector<16xf32>
    %select_n3A_3012 = arith.select %lt3A_3002, %get3A_2995, %broadcast_in_dim3A_3011 : vector<16xi1>, vector<16xf32>
    %swap3A_3013 = arith.constant 6 : i32
    %swap3A_3014 = arith.index_cast %swap3A_3013 : i32 to index
    %swap3A_3015 = arith.constant 48 : index
    %swap3A_3016 = tpu.vector_load %arg10[%swap3A_3014, %swap3A_3015] {strides = array<i32>} : memref<8x128xi32, #tpu.memory_space<vmem>>, vector<1x16xi32>,
    %swap3A_3017 = vector.shape_cast %swap3A_3016 : vector<1x16xi32> to vector<16xi32>
    %swap3A_3018 = vector.shape_cast %select_n3A_3009 : vector<16xi32> to vector<1x16xi32>
    tpu.vector_store %arg10[%swap3A_3014, %swap3A_3015], %swap3A_3018 {strides = array<i32>} : memref<8x128xi32, #tpu.memory_space<vmem>>, vector<1x16xi32>,
    %swap3A_3019 = arith.constant 6 : i32
    %swap3A_3020 = arith.index_cast %swap3A_3019 : i32 to index
    %swap3A_3021 = arith.constant 48 : index
    %swap3A_3022 = tpu.vector_load %arg11[%swap3A_3020, %swap3A_3021] {strides = array<i32>} : memref<8x128xf32, #tpu.memory_space<vmem>>, vector<1x16xf32>,
    %swap3A_3023 = vector.shape_cast %swap3A_3022 : vector<1x16xf32> to vector<16xf32>
    %swap3A_3024 = vector.shape_cast %select_n3A_3012 : vector<16xf32> to vector<1x16xf32>
    tpu.vector_store %arg11[%swap3A_3020, %swap3A_3021], %swap3A_3024 {strides = array<i32>} : memref<8x128xf32, #tpu.memory_space<vmem>>, vector<1x16xf32>,
    %jit3A_3025 = arith.constant 0 : i32
    %broadcast_in_dim3A_3026 = vector.broadcast %jit3A_3025 : i32 to vector<16xi32>
    %select_n3A_3027 = arith.select %lt3A_3002, %get3A_2992, %broadcast_in_dim3A_3026 : vector<16xi1>, vector<16xi32>
    %swap3A_3028 = arith.constant 6 : i32
    %swap3A_3029 = arith.index_cast %swap3A_3028 : i32 to index
    %swap3A_3030 = arith.constant 48 : index
    %swap3A_3031 = tpu.vector_load %arg12[%swap3A_3029, %swap3A_3030] {strides = array<i32>} : memref<8x128xi32, #tpu.memory_space<vmem>>, vector<1x16xi32>,
    %swap3A_3032 = vector.shape_cast %swap3A_3031 : vector<1x16xi32> to vector<16xi32>
    %swap3A_3033 = vector.shape_cast %select_n3A_3027 : vector<16xi32> to vector<1x16xi32>
    tpu.vector_store %arg12[%swap3A_3029, %swap3A_3030], %swap3A_3033 {strides = array<i32>} : memref<8x128xi32, #tpu.memory_space<vmem>>, vector<1x16xi32>,
    %jit3A_3034 = arith.constant 1.000000e+00 : f32
    %jit3A_3035 = arith.constant 0.000000e+00 : f32
    %broadcast_in_dim3A_3036 = vector.broadcast %jit3A_3034 : f32 to vector<16xf32>
    %broadcast_in_dim3A_3037 = vector.broadcast %jit3A_3035 : f32 to vector<16xf32>
    %select_n3A_3038 = arith.select %lt3A_3002, %broadcast_in_dim3A_3036, %broadcast_in_dim3A_3037 : vector<16xi1>, vector<16xf32>
    %swap3A_3039 = arith.constant 6 : i32
    %swap3A_3040 = arith.index_cast %swap3A_3039 : i32 to index
    %swap3A_3041 = arith.constant 48 : index
    %swap3A_3042 = tpu.vector_load %arg13[%swap3A_3040, %swap3A_3041] {strides = array<i32>} : memref<8x128xf32, #tpu.memory_space<vmem>>, vector<1x16xf32>,
    %swap3A_3043 = vector.shape_cast %swap3A_3042 : vector<1x16xf32> to vector<16xf32>
    %swap3A_3044 = vector.shape_cast %select_n3A_3038 : vector<16xf32> to vector<1x16xf32>
    tpu.vector_store %arg13[%swap3A_3040, %swap3A_3041], %swap3A_3044 {strides = array<i32>} : memref<8x128xf32, #tpu.memory_space<vmem>>, vector<1x16xf32>,
    %get3A_3045 = arith.constant 832 : index
    %get3A_3046 = tpu.vector_load %arg7[%get3A_3045] {strides = array<i32>} : memref<1024xi32, #tpu.memory_space<vmem>>, vector<16xi32>,
    %get3A_3047 = vector.shape_cast %get3A_3046 : vector<16xi32> to vector<16xi32>
    %get3A_3048 = arith.constant 832 : index
    %get3A_3049 = tpu.vector_load %arg8[%get3A_3048] {strides = array<i32>} : memref<1024xi32, #tpu.memory_space<vmem>>, vector<16xi32>,
    %get3A_3050 = vector.shape_cast %get3A_3049 : vector<16xi32> to vector<16xi32>
    %get3A_3051 = arith.constant 832 : index
    %get3A_3052 = tpu.vector_load %arg9[%get3A_3051] {strides = array<i32>} : memref<1024xf32, #tpu.memory_space<vmem>>, vector<16xf32>,
    %get3A_3053 = vector.shape_cast %get3A_3052 : vector<16xf32> to vector<16xf32>
    %iota3A_3054 = tpu.iota {dimensions = array<i32: 0>} : vector<16xi32>
    %add3A_3055 = arith.constant 832 : i32
    %add3A_3056 = vector.broadcast %add3A_3055 : i32 to vector<16xi32>
    %add3A_3057 = arith.addi %iota3A_3054, %add3A_3056 : vector<16xi32>
    %lt3A_3058 = arith.constant 1000 : i32
    %lt3A_3059 = vector.broadcast %lt3A_3058 : i32 to vector<16xi32>
    %lt3A_3060 = arith.cmpi slt, %add3A_3057, %lt3A_3059 : vector<16xi32>
    %mul3A_3061 = arith.constant 800 : i32
    %mul3A_3062 = vector.broadcast %mul3A_3061 : i32 to vector<16xi32>
    %mul3A_3063 = arith.muli %get3A_3047, %mul3A_3062 : vector<16xi32>
    %add3A_3064 = arith.addi %mul3A_3063, %get3A_3050 : vector<16xi32>
    %jit3A_3065 = arith.constant 0 : i32
    %broadcast_in_dim3A_3066 = vector.broadcast %jit3A_3065 : i32 to vector<16xi32>
    %select_n3A_3067 = arith.select %lt3A_3060, %add3A_3064, %broadcast_in_dim3A_3066 : vector<16xi1>, vector<16xi32>
    %jit3A_3068 = arith.constant 0.000000e+00 : f32
    %broadcast_in_dim3A_3069 = vector.broadcast %jit3A_3068 : f32 to vector<16xf32>
    %select_n3A_3070 = arith.select %lt3A_3060, %get3A_3053, %broadcast_in_dim3A_3069 : vector<16xi1>, vector<16xf32>
    %swap3A_3071 = arith.constant 6 : i32
    %swap3A_3072 = arith.index_cast %swap3A_3071 : i32 to index
    %swap3A_3073 = arith.constant 64 : index
    %swap3A_3074 = tpu.vector_load %arg10[%swap3A_3072, %swap3A_3073] {strides = array<i32>} : memref<8x128xi32, #tpu.memory_space<vmem>>, vector<1x16xi32>,
    %swap3A_3075 = vector.shape_cast %swap3A_3074 : vector<1x16xi32> to vector<16xi32>
    %swap3A_3076 = vector.shape_cast %select_n3A_3067 : vector<16xi32> to vector<1x16xi32>
    tpu.vector_store %arg10[%swap3A_3072, %swap3A_3073], %swap3A_3076 {strides = array<i32>} : memref<8x128xi32, #tpu.memory_space<vmem>>, vector<1x16xi32>,
    %swap3A_3077 = arith.constant 6 : i32
    %swap3A_3078 = arith.index_cast %swap3A_3077 : i32 to index
    %swap3A_3079 = arith.constant 64 : index
    %swap3A_3080 = tpu.vector_load %arg11[%swap3A_3078, %swap3A_3079] {strides = array<i32>} : memref<8x128xf32, #tpu.memory_space<vmem>>, vector<1x16xf32>,
    %swap3A_3081 = vector.shape_cast %swap3A_3080 : vector<1x16xf32> to vector<16xf32>
    %swap3A_3082 = vector.shape_cast %select_n3A_3070 : vector<16xf32> to vector<1x16xf32>
    tpu.vector_store %arg11[%swap3A_3078, %swap3A_3079], %swap3A_3082 {strides = array<i32>} : memref<8x128xf32, #tpu.memory_space<vmem>>, vector<1x16xf32>,
    %jit3A_3083 = arith.constant 0 : i32
    %broadcast_in_dim3A_3084 = vector.broadcast %jit3A_3083 : i32 to vector<16xi32>
    %select_n3A_3085 = arith.select %lt3A_3060, %get3A_3050, %broadcast_in_dim3A_3084 : vector<16xi1>, vector<16xi32>
    %swap3A_3086 = arith.constant 6 : i32
    %swap3A_3087 = arith.index_cast %swap3A_3086 : i32 to index
    %swap3A_3088 = arith.constant 64 : index
    %swap3A_3089 = tpu.vector_load %arg12[%swap3A_3087, %swap3A_3088] {strides = array<i32>} : memref<8x128xi32, #tpu.memory_space<vmem>>, vector<1x16xi32>,
    %swap3A_3090 = vector.shape_cast %swap3A_3089 : vector<1x16xi32> to vector<16xi32>
    %swap3A_3091 = vector.shape_cast %select_n3A_3085 : vector<16xi32> to vector<1x16xi32>
    tpu.vector_store %arg12[%swap3A_3087, %swap3A_3088], %swap3A_3091 {strides = array<i32>} : memref<8x128xi32, #tpu.memory_space<vmem>>, vector<1x16xi32>,
    %jit3A_3092 = arith.constant 1.000000e+00 : f32
    %jit3A_3093 = arith.constant 0.000000e+00 : f32
    %broadcast_in_dim3A_3094 = vector.broadcast %jit3A_3092 : f32 to vector<16xf32>
    %broadcast_in_dim3A_3095 = vector.broadcast %jit3A_3093 : f32 to vector<16xf32>
    %select_n3A_3096 = arith.select %lt3A_3060, %broadcast_in_dim3A_3094, %broadcast_in_dim3A_3095 : vector<16xi1>, vector<16xf32>
    %swap3A_3097 = arith.constant 6 : i32
    %swap3A_3098 = arith.index_cast %swap3A_3097 : i32 to index
    %swap3A_3099 = arith.constant 64 : index
    %swap3A_3100 = tpu.vector_load %arg13[%swap3A_3098, %swap3A_3099] {strides = array<i32>} : memref<8x128xf32, #tpu.memory_space<vmem>>, vector<1x16xf32>,
    %swap3A_3101 = vector.shape_cast %swap3A_3100 : vector<1x16xf32> to vector<16xf32>
    %swap3A_3102 = vector.shape_cast %select_n3A_3096 : vector<16xf32> to vector<1x16xf32>
    tpu.vector_store %arg13[%swap3A_3098, %swap3A_3099], %swap3A_3102 {strides = array<i32>} : memref<8x128xf32, #tpu.memory_space<vmem>>, vector<1x16xf32>,
    %get3A_3103 = arith.constant 848 : index
    %get3A_3104 = tpu.vector_load %arg7[%get3A_3103] {strides = array<i32>} : memref<1024xi32, #tpu.memory_space<vmem>>, vector<16xi32>,
    %get3A_3105 = vector.shape_cast %get3A_3104 : vector<16xi32> to vector<16xi32>
    %get3A_3106 = arith.constant 848 : index
    %get3A_3107 = tpu.vector_load %arg8[%get3A_3106] {strides = array<i32>} : memref<1024xi32, #tpu.memory_space<vmem>>, vector<16xi32>,
    %get3A_3108 = vector.shape_cast %get3A_3107 : vector<16xi32> to vector<16xi32>
    %get3A_3109 = arith.constant 848 : index
    %get3A_3110 = tpu.vector_load %arg9[%get3A_3109] {strides = array<i32>} : memref<1024xf32, #tpu.memory_space<vmem>>, vector<16xf32>,
    %get3A_3111 = vector.shape_cast %get3A_3110 : vector<16xf32> to vector<16xf32>
    %iota3A_3112 = tpu.iota {dimensions = array<i32: 0>} : vector<16xi32>
    %add3A_3113 = arith.constant 848 : i32
    %add3A_3114 = vector.broadcast %add3A_3113 : i32 to vector<16xi32>
    %add3A_3115 = arith.addi %iota3A_3112, %add3A_3114 : vector<16xi32>
    %lt3A_3116 = arith.constant 1000 : i32
    %lt3A_3117 = vector.broadcast %lt3A_3116 : i32 to vector<16xi32>
    %lt3A_3118 = arith.cmpi slt, %add3A_3115, %lt3A_3117 : vector<16xi32>
    %mul3A_3119 = arith.constant 800 : i32
    %mul3A_3120 = vector.broadcast %mul3A_3119 : i32 to vector<16xi32>
    %mul3A_3121 = arith.muli %get3A_3105, %mul3A_3120 : vector<16xi32>
    %add3A_3122 = arith.addi %mul3A_3121, %get3A_3108 : vector<16xi32>
    %jit3A_3123 = arith.constant 0 : i32
    %broadcast_in_dim3A_3124 = vector.broadcast %jit3A_3123 : i32 to vector<16xi32>
    %select_n3A_3125 = arith.select %lt3A_3118, %add3A_3122, %broadcast_in_dim3A_3124 : vector<16xi1>, vector<16xi32>
    %jit3A_3126 = arith.constant 0.000000e+00 : f32
    %broadcast_in_dim3A_3127 = vector.broadcast %jit3A_3126 : f32 to vector<16xf32>
    %select_n3A_3128 = arith.select %lt3A_3118, %get3A_3111, %broadcast_in_dim3A_3127 : vector<16xi1>, vector<16xf32>
    %swap3A_3129 = arith.constant 6 : i32
    %swap3A_3130 = arith.index_cast %swap3A_3129 : i32 to index
    %swap3A_3131 = arith.constant 80 : index
    %swap3A_3132 = tpu.vector_load %arg10[%swap3A_3130, %swap3A_3131] {strides = array<i32>} : memref<8x128xi32, #tpu.memory_space<vmem>>, vector<1x16xi32>,
    %swap3A_3133 = vector.shape_cast %swap3A_3132 : vector<1x16xi32> to vector<16xi32>
    %swap3A_3134 = vector.shape_cast %select_n3A_3125 : vector<16xi32> to vector<1x16xi32>
    tpu.vector_store %arg10[%swap3A_3130, %swap3A_3131], %swap3A_3134 {strides = array<i32>} : memref<8x128xi32, #tpu.memory_space<vmem>>, vector<1x16xi32>,
    %swap3A_3135 = arith.constant 6 : i32
    %swap3A_3136 = arith.index_cast %swap3A_3135 : i32 to index
    %swap3A_3137 = arith.constant 80 : index
    %swap3A_3138 = tpu.vector_load %arg11[%swap3A_3136, %swap3A_3137] {strides = array<i32>} : memref<8x128xf32, #tpu.memory_space<vmem>>, vector<1x16xf32>,
    %swap3A_3139 = vector.shape_cast %swap3A_3138 : vector<1x16xf32> to vector<16xf32>
    %swap3A_3140 = vector.shape_cast %select_n3A_3128 : vector<16xf32> to vector<1x16xf32>
    tpu.vector_store %arg11[%swap3A_3136, %swap3A_3137], %swap3A_3140 {strides = array<i32>} : memref<8x128xf32, #tpu.memory_space<vmem>>, vector<1x16xf32>,
    %jit3A_3141 = arith.constant 0 : i32
    %broadcast_in_dim3A_3142 = vector.broadcast %jit3A_3141 : i32 to vector<16xi32>
    %select_n3A_3143 = arith.select %lt3A_3118, %get3A_3108, %broadcast_in_dim3A_3142 : vector<16xi1>, vector<16xi32>
    %swap3A_3144 = arith.constant 6 : i32
    %swap3A_3145 = arith.index_cast %swap3A_3144 : i32 to index
    %swap3A_3146 = arith.constant 80 : index
    %swap3A_3147 = tpu.vector_load %arg12[%swap3A_3145, %swap3A_3146] {strides = array<i32>} : memref<8x128xi32, #tpu.memory_space<vmem>>, vector<1x16xi32>,
    %swap3A_3148 = vector.shape_cast %swap3A_3147 : vector<1x16xi32> to vector<16xi32>
    %swap3A_3149 = vector.shape_cast %select_n3A_3143 : vector<16xi32> to vector<1x16xi32>
    tpu.vector_store %arg12[%swap3A_3145, %swap3A_3146], %swap3A_3149 {strides = array<i32>} : memref<8x128xi32, #tpu.memory_space<vmem>>, vector<1x16xi32>,
    %jit3A_3150 = arith.constant 1.000000e+00 : f32
    %jit3A_3151 = arith.constant 0.000000e+00 : f32
    %broadcast_in_dim3A_3152 = vector.broadcast %jit3A_3150 : f32 to vector<16xf32>
    %broadcast_in_dim3A_3153 = vector.broadcast %jit3A_3151 : f32 to vector<16xf32>
    %select_n3A_3154 = arith.select %lt3A_3118, %broadcast_in_dim3A_3152, %broadcast_in_dim3A_3153 : vector<16xi1>, vector<16xf32>
    %swap3A_3155 = arith.constant 6 : i32
    %swap3A_3156 = arith.index_cast %swap3A_3155 : i32 to index
    %swap3A_3157 = arith.constant 80 : index
    %swap3A_3158 = tpu.vector_load %arg13[%swap3A_3156, %swap3A_3157] {strides = array<i32>} : memref<8x128xf32, #tpu.memory_space<vmem>>, vector<1x16xf32>,
    %swap3A_3159 = vector.shape_cast %swap3A_3158 : vector<1x16xf32> to vector<16xf32>
    %swap3A_3160 = vector.shape_cast %select_n3A_3154 : vector<16xf32> to vector<1x16xf32>
    tpu.vector_store %arg13[%swap3A_3156, %swap3A_3157], %swap3A_3160 {strides = array<i32>} : memref<8x128xf32, #tpu.memory_space<vmem>>, vector<1x16xf32>,
    %get3A_3161 = arith.constant 864 : index
    %get3A_3162 = tpu.vector_load %arg7[%get3A_3161] {strides = array<i32>} : memref<1024xi32, #tpu.memory_space<vmem>>, vector<16xi32>,
    %get3A_3163 = vector.shape_cast %get3A_3162 : vector<16xi32> to vector<16xi32>
    %get3A_3164 = arith.constant 864 : index
    %get3A_3165 = tpu.vector_load %arg8[%get3A_3164] {strides = array<i32>} : memref<1024xi32, #tpu.memory_space<vmem>>, vector<16xi32>,
    %get3A_3166 = vector.shape_cast %get3A_3165 : vector<16xi32> to vector<16xi32>
    %get3A_3167 = arith.constant 864 : index
    %get3A_3168 = tpu.vector_load %arg9[%get3A_3167] {strides = array<i32>} : memref<1024xf32, #tpu.memory_space<vmem>>, vector<16xf32>,
    %get3A_3169 = vector.shape_cast %get3A_3168 : vector<16xf32> to vector<16xf32>
    %iota3A_3170 = tpu.iota {dimensions = array<i32: 0>} : vector<16xi32>
    %add3A_3171 = arith.constant 864 : i32
    %add3A_3172 = vector.broadcast %add3A_3171 : i32 to vector<16xi32>
    %add3A_3173 = arith.addi %iota3A_3170, %add3A_3172 : vector<16xi32>
    %lt3A_3174 = arith.constant 1000 : i32
    %lt3A_3175 = vector.broadcast %lt3A_3174 : i32 to vector<16xi32>
    %lt3A_3176 = arith.cmpi slt, %add3A_3173, %lt3A_3175 : vector<16xi32>
    %mul3A_3177 = arith.constant 800 : i32
    %mul3A_3178 = vector.broadcast %mul3A_3177 : i32 to vector<16xi32>
    %mul3A_3179 = arith.muli %get3A_3163, %mul3A_3178 : vector<16xi32>
    %add3A_3180 = arith.addi %mul3A_3179, %get3A_3166 : vector<16xi32>
    %jit3A_3181 = arith.constant 0 : i32
    %broadcast_in_dim3A_3182 = vector.broadcast %jit3A_3181 : i32 to vector<16xi32>
    %select_n3A_3183 = arith.select %lt3A_3176, %add3A_3180, %broadcast_in_dim3A_3182 : vector<16xi1>, vector<16xi32>
    %jit3A_3184 = arith.constant 0.000000e+00 : f32
    %broadcast_in_dim3A_3185 = vector.broadcast %jit3A_3184 : f32 to vector<16xf32>
    %select_n3A_3186 = arith.select %lt3A_3176, %get3A_3169, %broadcast_in_dim3A_3185 : vector<16xi1>, vector<16xf32>
    %swap3A_3187 = arith.constant 6 : i32
    %swap3A_3188 = arith.index_cast %swap3A_3187 : i32 to index
    %swap3A_3189 = arith.constant 96 : index
    %swap3A_3190 = tpu.vector_load %arg10[%swap3A_3188, %swap3A_3189] {strides = array<i32>} : memref<8x128xi32, #tpu.memory_space<vmem>>, vector<1x16xi32>,
    %swap3A_3191 = vector.shape_cast %swap3A_3190 : vector<1x16xi32> to vector<16xi32>
    %swap3A_3192 = vector.shape_cast %select_n3A_3183 : vector<16xi32> to vector<1x16xi32>
    tpu.vector_store %arg10[%swap3A_3188, %swap3A_3189], %swap3A_3192 {strides = array<i32>} : memref<8x128xi32, #tpu.memory_space<vmem>>, vector<1x16xi32>,
    %swap3A_3193 = arith.constant 6 : i32
    %swap3A_3194 = arith.index_cast %swap3A_3193 : i32 to index
    %swap3A_3195 = arith.constant 96 : index
    %swap3A_3196 = tpu.vector_load %arg11[%swap3A_3194, %swap3A_3195] {strides = array<i32>} : memref<8x128xf32, #tpu.memory_space<vmem>>, vector<1x16xf32>,
    %swap3A_3197 = vector.shape_cast %swap3A_3196 : vector<1x16xf32> to vector<16xf32>
    %swap3A_3198 = vector.shape_cast %select_n3A_3186 : vector<16xf32> to vector<1x16xf32>
    tpu.vector_store %arg11[%swap3A_3194, %swap3A_3195], %swap3A_3198 {strides = array<i32>} : memref<8x128xf32, #tpu.memory_space<vmem>>, vector<1x16xf32>,
    %jit3A_3199 = arith.constant 0 : i32
    %broadcast_in_dim3A_3200 = vector.broadcast %jit3A_3199 : i32 to vector<16xi32>
    %select_n3A_3201 = arith.select %lt3A_3176, %get3A_3166, %broadcast_in_dim3A_3200 : vector<16xi1>, vector<16xi32>
    %swap3A_3202 = arith.constant 6 : i32
    %swap3A_3203 = arith.index_cast %swap3A_3202 : i32 to index
    %swap3A_3204 = arith.constant 96 : index
    %swap3A_3205 = tpu.vector_load %arg12[%swap3A_3203, %swap3A_3204] {strides = array<i32>} : memref<8x128xi32, #tpu.memory_space<vmem>>, vector<1x16xi32>,
    %swap3A_3206 = vector.shape_cast %swap3A_3205 : vector<1x16xi32> to vector<16xi32>
    %swap3A_3207 = vector.shape_cast %select_n3A_3201 : vector<16xi32> to vector<1x16xi32>
    tpu.vector_store %arg12[%swap3A_3203, %swap3A_3204], %swap3A_3207 {strides = array<i32>} : memref<8x128xi32, #tpu.memory_space<vmem>>, vector<1x16xi32>,
    %jit3A_3208 = arith.constant 1.000000e+00 : f32
    %jit3A_3209 = arith.constant 0.000000e+00 : f32
    %broadcast_in_dim3A_3210 = vector.broadcast %jit3A_3208 : f32 to vector<16xf32>
    %broadcast_in_dim3A_3211 = vector.broadcast %jit3A_3209 : f32 to vector<16xf32>
    %select_n3A_3212 = arith.select %lt3A_3176, %broadcast_in_dim3A_3210, %broadcast_in_dim3A_3211 : vector<16xi1>, vector<16xf32>
    %swap3A_3213 = arith.constant 6 : i32
    %swap3A_3214 = arith.index_cast %swap3A_3213 : i32 to index
    %swap3A_3215 = arith.constant 96 : index
    %swap3A_3216 = tpu.vector_load %arg13[%swap3A_3214, %swap3A_3215] {strides = array<i32>} : memref<8x128xf32, #tpu.memory_space<vmem>>, vector<1x16xf32>,
    %swap3A_3217 = vector.shape_cast %swap3A_3216 : vector<1x16xf32> to vector<16xf32>
    %swap3A_3218 = vector.shape_cast %select_n3A_3212 : vector<16xf32> to vector<1x16xf32>
    tpu.vector_store %arg13[%swap3A_3214, %swap3A_3215], %swap3A_3218 {strides = array<i32>} : memref<8x128xf32, #tpu.memory_space<vmem>>, vector<1x16xf32>,
    %get3A_3219 = arith.constant 880 : index
    %get3A_3220 = tpu.vector_load %arg7[%get3A_3219] {strides = array<i32>} : memref<1024xi32, #tpu.memory_space<vmem>>, vector<16xi32>,
    %get3A_3221 = vector.shape_cast %get3A_3220 : vector<16xi32> to vector<16xi32>
    %get3A_3222 = arith.constant 880 : index
    %get3A_3223 = tpu.vector_load %arg8[%get3A_3222] {strides = array<i32>} : memref<1024xi32, #tpu.memory_space<vmem>>, vector<16xi32>,
    %get3A_3224 = vector.shape_cast %get3A_3223 : vector<16xi32> to vector<16xi32>
    %get3A_3225 = arith.constant 880 : index
    %get3A_3226 = tpu.vector_load %arg9[%get3A_3225] {strides = array<i32>} : memref<1024xf32, #tpu.memory_space<vmem>>, vector<16xf32>,
    %get3A_3227 = vector.shape_cast %get3A_3226 : vector<16xf32> to vector<16xf32>
    %iota3A_3228 = tpu.iota {dimensions = array<i32: 0>} : vector<16xi32>
    %add3A_3229 = arith.constant 880 : i32
    %add3A_3230 = vector.broadcast %add3A_3229 : i32 to vector<16xi32>
    %add3A_3231 = arith.addi %iota3A_3228, %add3A_3230 : vector<16xi32>
    %lt3A_3232 = arith.constant 1000 : i32
    %lt3A_3233 = vector.broadcast %lt3A_3232 : i32 to vector<16xi32>
    %lt3A_3234 = arith.cmpi slt, %add3A_3231, %lt3A_3233 : vector<16xi32>
    %mul3A_3235 = arith.constant 800 : i32
    %mul3A_3236 = vector.broadcast %mul3A_3235 : i32 to vector<16xi32>
    %mul3A_3237 = arith.muli %get3A_3221, %mul3A_3236 : vector<16xi32>
    %add3A_3238 = arith.addi %mul3A_3237, %get3A_3224 : vector<16xi32>
    %jit3A_3239 = arith.constant 0 : i32
    %broadcast_in_dim3A_3240 = vector.broadcast %jit3A_3239 : i32 to vector<16xi32>
    %select_n3A_3241 = arith.select %lt3A_3234, %add3A_3238, %broadcast_in_dim3A_3240 : vector<16xi1>, vector<16xi32>
    %jit3A_3242 = arith.constant 0.000000e+00 : f32
    %broadcast_in_dim3A_3243 = vector.broadcast %jit3A_3242 : f32 to vector<16xf32>
    %select_n3A_3244 = arith.select %lt3A_3234, %get3A_3227, %broadcast_in_dim3A_3243 : vector<16xi1>, vector<16xf32>
    %swap3A_3245 = arith.constant 6 : i32
    %swap3A_3246 = arith.index_cast %swap3A_3245 : i32 to index
    %swap3A_3247 = arith.constant 112 : index
    %swap3A_3248 = tpu.vector_load %arg10[%swap3A_3246, %swap3A_3247] {strides = array<i32>} : memref<8x128xi32, #tpu.memory_space<vmem>>, vector<1x16xi32>,
    %swap3A_3249 = vector.shape_cast %swap3A_3248 : vector<1x16xi32> to vector<16xi32>
    %swap3A_3250 = vector.shape_cast %select_n3A_3241 : vector<16xi32> to vector<1x16xi32>
    tpu.vector_store %arg10[%swap3A_3246, %swap3A_3247], %swap3A_3250 {strides = array<i32>} : memref<8x128xi32, #tpu.memory_space<vmem>>, vector<1x16xi32>,
    %swap3A_3251 = arith.constant 6 : i32
    %swap3A_3252 = arith.index_cast %swap3A_3251 : i32 to index
    %swap3A_3253 = arith.constant 112 : index
    %swap3A_3254 = tpu.vector_load %arg11[%swap3A_3252, %swap3A_3253] {strides = array<i32>} : memref<8x128xf32, #tpu.memory_space<vmem>>, vector<1x16xf32>,
    %swap3A_3255 = vector.shape_cast %swap3A_3254 : vector<1x16xf32> to vector<16xf32>
    %swap3A_3256 = vector.shape_cast %select_n3A_3244 : vector<16xf32> to vector<1x16xf32>
    tpu.vector_store %arg11[%swap3A_3252, %swap3A_3253], %swap3A_3256 {strides = array<i32>} : memref<8x128xf32, #tpu.memory_space<vmem>>, vector<1x16xf32>,
    %jit3A_3257 = arith.constant 0 : i32
    %broadcast_in_dim3A_3258 = vector.broadcast %jit3A_3257 : i32 to vector<16xi32>
    %select_n3A_3259 = arith.select %lt3A_3234, %get3A_3224, %broadcast_in_dim3A_3258 : vector<16xi1>, vector<16xi32>
    %swap3A_3260 = arith.constant 6 : i32
    %swap3A_3261 = arith.index_cast %swap3A_3260 : i32 to index
    %swap3A_3262 = arith.constant 112 : index
    %swap3A_3263 = tpu.vector_load %arg12[%swap3A_3261, %swap3A_3262] {strides = array<i32>} : memref<8x128xi32, #tpu.memory_space<vmem>>, vector<1x16xi32>,
    %swap3A_3264 = vector.shape_cast %swap3A_3263 : vector<1x16xi32> to vector<16xi32>
    %swap3A_3265 = vector.shape_cast %select_n3A_3259 : vector<16xi32> to vector<1x16xi32>
    tpu.vector_store %arg12[%swap3A_3261, %swap3A_3262], %swap3A_3265 {strides = array<i32>} : memref<8x128xi32, #tpu.memory_space<vmem>>, vector<1x16xi32>,
    %jit3A_3266 = arith.constant 1.000000e+00 : f32
    %jit3A_3267 = arith.constant 0.000000e+00 : f32
    %broadcast_in_dim3A_3268 = vector.broadcast %jit3A_3266 : f32 to vector<16xf32>
    %broadcast_in_dim3A_3269 = vector.broadcast %jit3A_3267 : f32 to vector<16xf32>
    %select_n3A_3270 = arith.select %lt3A_3234, %broadcast_in_dim3A_3268, %broadcast_in_dim3A_3269 : vector<16xi1>, vector<16xf32>
    %swap3A_3271 = arith.constant 6 : i32
    %swap3A_3272 = arith.index_cast %swap3A_3271 : i32 to index
    %swap3A_3273 = arith.constant 112 : index
    %swap3A_3274 = tpu.vector_load %arg13[%swap3A_3272, %swap3A_3273] {strides = array<i32>} : memref<8x128xf32, #tpu.memory_space<vmem>>, vector<1x16xf32>,
    %swap3A_3275 = vector.shape_cast %swap3A_3274 : vector<1x16xf32> to vector<16xf32>
    %swap3A_3276 = vector.shape_cast %select_n3A_3270 : vector<16xf32> to vector<1x16xf32>
    tpu.vector_store %arg13[%swap3A_3272, %swap3A_3273], %swap3A_3276 {strides = array<i32>} : memref<8x128xf32, #tpu.memory_space<vmem>>, vector<1x16xf32>,
    %get3A_3277 = arith.constant 896 : index
    %get3A_3278 = tpu.vector_load %arg7[%get3A_3277] {strides = array<i32>} : memref<1024xi32, #tpu.memory_space<vmem>>, vector<16xi32>,
    %get3A_3279 = vector.shape_cast %get3A_3278 : vector<16xi32> to vector<16xi32>
    %get3A_3280 = arith.constant 896 : index
    %get3A_3281 = tpu.vector_load %arg8[%get3A_3280] {strides = array<i32>} : memref<1024xi32, #tpu.memory_space<vmem>>, vector<16xi32>,
    %get3A_3282 = vector.shape_cast %get3A_3281 : vector<16xi32> to vector<16xi32>
    %get3A_3283 = arith.constant 896 : index
    %get3A_3284 = tpu.vector_load %arg9[%get3A_3283] {strides = array<i32>} : memref<1024xf32, #tpu.memory_space<vmem>>, vector<16xf32>,
    %get3A_3285 = vector.shape_cast %get3A_3284 : vector<16xf32> to vector<16xf32>
    %iota3A_3286 = tpu.iota {dimensions = array<i32: 0>} : vector<16xi32>
    %add3A_3287 = arith.constant 896 : i32
    %add3A_3288 = vector.broadcast %add3A_3287 : i32 to vector<16xi32>
    %add3A_3289 = arith.addi %iota3A_3286, %add3A_3288 : vector<16xi32>
    %lt3A_3290 = arith.constant 1000 : i32
    %lt3A_3291 = vector.broadcast %lt3A_3290 : i32 to vector<16xi32>
    %lt3A_3292 = arith.cmpi slt, %add3A_3289, %lt3A_3291 : vector<16xi32>
    %mul3A_3293 = arith.constant 800 : i32
    %mul3A_3294 = vector.broadcast %mul3A_3293 : i32 to vector<16xi32>
    %mul3A_3295 = arith.muli %get3A_3279, %mul3A_3294 : vector<16xi32>
    %add3A_3296 = arith.addi %mul3A_3295, %get3A_3282 : vector<16xi32>
    %jit3A_3297 = arith.constant 0 : i32
    %broadcast_in_dim3A_3298 = vector.broadcast %jit3A_3297 : i32 to vector<16xi32>
    %select_n3A_3299 = arith.select %lt3A_3292, %add3A_3296, %broadcast_in_dim3A_3298 : vector<16xi1>, vector<16xi32>
    %jit3A_3300 = arith.constant 0.000000e+00 : f32
    %broadcast_in_dim3A_3301 = vector.broadcast %jit3A_3300 : f32 to vector<16xf32>
    %select_n3A_3302 = arith.select %lt3A_3292, %get3A_3285, %broadcast_in_dim3A_3301 : vector<16xi1>, vector<16xf32>
    %swap3A_3303 = arith.constant 7 : i32
    %swap3A_3304 = arith.index_cast %swap3A_3303 : i32 to index
    %swap3A_3305 = arith.constant 0 : index
    %swap3A_3306 = tpu.vector_load %arg10[%swap3A_3304, %swap3A_3305] {strides = array<i32>} : memref<8x128xi32, #tpu.memory_space<vmem>>, vector<1x16xi32>,
    %swap3A_3307 = vector.shape_cast %swap3A_3306 : vector<1x16xi32> to vector<16xi32>
    %swap3A_3308 = vector.shape_cast %select_n3A_3299 : vector<16xi32> to vector<1x16xi32>
    tpu.vector_store %arg10[%swap3A_3304, %swap3A_3305], %swap3A_3308 {strides = array<i32>} : memref<8x128xi32, #tpu.memory_space<vmem>>, vector<1x16xi32>,
    %swap3A_3309 = arith.constant 7 : i32
    %swap3A_3310 = arith.index_cast %swap3A_3309 : i32 to index
    %swap3A_3311 = arith.constant 0 : index
    %swap3A_3312 = tpu.vector_load %arg11[%swap3A_3310, %swap3A_3311] {strides = array<i32>} : memref<8x128xf32, #tpu.memory_space<vmem>>, vector<1x16xf32>,
    %swap3A_3313 = vector.shape_cast %swap3A_3312 : vector<1x16xf32> to vector<16xf32>
    %swap3A_3314 = vector.shape_cast %select_n3A_3302 : vector<16xf32> to vector<1x16xf32>
    tpu.vector_store %arg11[%swap3A_3310, %swap3A_3311], %swap3A_3314 {strides = array<i32>} : memref<8x128xf32, #tpu.memory_space<vmem>>, vector<1x16xf32>,
    %jit3A_3315 = arith.constant 0 : i32
    %broadcast_in_dim3A_3316 = vector.broadcast %jit3A_3315 : i32 to vector<16xi32>
    %select_n3A_3317 = arith.select %lt3A_3292, %get3A_3282, %broadcast_in_dim3A_3316 : vector<16xi1>, vector<16xi32>
    %swap3A_3318 = arith.constant 7 : i32
    %swap3A_3319 = arith.index_cast %swap3A_3318 : i32 to index
    %swap3A_3320 = arith.constant 0 : index
    %swap3A_3321 = tpu.vector_load %arg12[%swap3A_3319, %swap3A_3320] {strides = array<i32>} : memref<8x128xi32, #tpu.memory_space<vmem>>, vector<1x16xi32>,
    %swap3A_3322 = vector.shape_cast %swap3A_3321 : vector<1x16xi32> to vector<16xi32>
    %swap3A_3323 = vector.shape_cast %select_n3A_3317 : vector<16xi32> to vector<1x16xi32>
    tpu.vector_store %arg12[%swap3A_3319, %swap3A_3320], %swap3A_3323 {strides = array<i32>} : memref<8x128xi32, #tpu.memory_space<vmem>>, vector<1x16xi32>,
    %jit3A_3324 = arith.constant 1.000000e+00 : f32
    %jit3A_3325 = arith.constant 0.000000e+00 : f32
    %broadcast_in_dim3A_3326 = vector.broadcast %jit3A_3324 : f32 to vector<16xf32>
    %broadcast_in_dim3A_3327 = vector.broadcast %jit3A_3325 : f32 to vector<16xf32>
    %select_n3A_3328 = arith.select %lt3A_3292, %broadcast_in_dim3A_3326, %broadcast_in_dim3A_3327 : vector<16xi1>, vector<16xf32>
    %swap3A_3329 = arith.constant 7 : i32
    %swap3A_3330 = arith.index_cast %swap3A_3329 : i32 to index
    %swap3A_3331 = arith.constant 0 : index
    %swap3A_3332 = tpu.vector_load %arg13[%swap3A_3330, %swap3A_3331] {strides = array<i32>} : memref<8x128xf32, #tpu.memory_space<vmem>>, vector<1x16xf32>,
    %swap3A_3333 = vector.shape_cast %swap3A_3332 : vector<1x16xf32> to vector<16xf32>
    %swap3A_3334 = vector.shape_cast %select_n3A_3328 : vector<16xf32> to vector<1x16xf32>
    tpu.vector_store %arg13[%swap3A_3330, %swap3A_3331], %swap3A_3334 {strides = array<i32>} : memref<8x128xf32, #tpu.memory_space<vmem>>, vector<1x16xf32>,
    %get3A_3335 = arith.constant 912 : index
    %get3A_3336 = tpu.vector_load %arg7[%get3A_3335] {strides = array<i32>} : memref<1024xi32, #tpu.memory_space<vmem>>, vector<16xi32>,
    %get3A_3337 = vector.shape_cast %get3A_3336 : vector<16xi32> to vector<16xi32>
    %get3A_3338 = arith.constant 912 : index
    %get3A_3339 = tpu.vector_load %arg8[%get3A_3338] {strides = array<i32>} : memref<1024xi32, #tpu.memory_space<vmem>>, vector<16xi32>,
    %get3A_3340 = vector.shape_cast %get3A_3339 : vector<16xi32> to vector<16xi32>
    %get3A_3341 = arith.constant 912 : index
    %get3A_3342 = tpu.vector_load %arg9[%get3A_3341] {strides = array<i32>} : memref<1024xf32, #tpu.memory_space<vmem>>, vector<16xf32>,
    %get3A_3343 = vector.shape_cast %get3A_3342 : vector<16xf32> to vector<16xf32>
    %iota3A_3344 = tpu.iota {dimensions = array<i32: 0>} : vector<16xi32>
    %add3A_3345 = arith.constant 912 : i32
    %add3A_3346 = vector.broadcast %add3A_3345 : i32 to vector<16xi32>
    %add3A_3347 = arith.addi %iota3A_3344, %add3A_3346 : vector<16xi32>
    %lt3A_3348 = arith.constant 1000 : i32
    %lt3A_3349 = vector.broadcast %lt3A_3348 : i32 to vector<16xi32>
    %lt3A_3350 = arith.cmpi slt, %add3A_3347, %lt3A_3349 : vector<16xi32>
    %mul3A_3351 = arith.constant 800 : i32
    %mul3A_3352 = vector.broadcast %mul3A_3351 : i32 to vector<16xi32>
    %mul3A_3353 = arith.muli %get3A_3337, %mul3A_3352 : vector<16xi32>
    %add3A_3354 = arith.addi %mul3A_3353, %get3A_3340 : vector<16xi32>
    %jit3A_3355 = arith.constant 0 : i32
    %broadcast_in_dim3A_3356 = vector.broadcast %jit3A_3355 : i32 to vector<16xi32>
    %select_n3A_3357 = arith.select %lt3A_3350, %add3A_3354, %broadcast_in_dim3A_3356 : vector<16xi1>, vector<16xi32>
    %jit3A_3358 = arith.constant 0.000000e+00 : f32
    %broadcast_in_dim3A_3359 = vector.broadcast %jit3A_3358 : f32 to vector<16xf32>
    %select_n3A_3360 = arith.select %lt3A_3350, %get3A_3343, %broadcast_in_dim3A_3359 : vector<16xi1>, vector<16xf32>
    %swap3A_3361 = arith.constant 7 : i32
    %swap3A_3362 = arith.index_cast %swap3A_3361 : i32 to index
    %swap3A_3363 = arith.constant 16 : index
    %swap3A_3364 = tpu.vector_load %arg10[%swap3A_3362, %swap3A_3363] {strides = array<i32>} : memref<8x128xi32, #tpu.memory_space<vmem>>, vector<1x16xi32>,
    %swap3A_3365 = vector.shape_cast %swap3A_3364 : vector<1x16xi32> to vector<16xi32>
    %swap3A_3366 = vector.shape_cast %select_n3A_3357 : vector<16xi32> to vector<1x16xi32>
    tpu.vector_store %arg10[%swap3A_3362, %swap3A_3363], %swap3A_3366 {strides = array<i32>} : memref<8x128xi32, #tpu.memory_space<vmem>>, vector<1x16xi32>,
    %swap3A_3367 = arith.constant 7 : i32
    %swap3A_3368 = arith.index_cast %swap3A_3367 : i32 to index
    %swap3A_3369 = arith.constant 16 : index
    %swap3A_3370 = tpu.vector_load %arg11[%swap3A_3368, %swap3A_3369] {strides = array<i32>} : memref<8x128xf32, #tpu.memory_space<vmem>>, vector<1x16xf32>,
    %swap3A_3371 = vector.shape_cast %swap3A_3370 : vector<1x16xf32> to vector<16xf32>
    %swap3A_3372 = vector.shape_cast %select_n3A_3360 : vector<16xf32> to vector<1x16xf32>
    tpu.vector_store %arg11[%swap3A_3368, %swap3A_3369], %swap3A_3372 {strides = array<i32>} : memref<8x128xf32, #tpu.memory_space<vmem>>, vector<1x16xf32>,
    %jit3A_3373 = arith.constant 0 : i32
    %broadcast_in_dim3A_3374 = vector.broadcast %jit3A_3373 : i32 to vector<16xi32>
    %select_n3A_3375 = arith.select %lt3A_3350, %get3A_3340, %broadcast_in_dim3A_3374 : vector<16xi1>, vector<16xi32>
    %swap3A_3376 = arith.constant 7 : i32
    %swap3A_3377 = arith.index_cast %swap3A_3376 : i32 to index
    %swap3A_3378 = arith.constant 16 : index
    %swap3A_3379 = tpu.vector_load %arg12[%swap3A_3377, %swap3A_3378] {strides = array<i32>} : memref<8x128xi32, #tpu.memory_space<vmem>>, vector<1x16xi32>,
    %swap3A_3380 = vector.shape_cast %swap3A_3379 : vector<1x16xi32> to vector<16xi32>
    %swap3A_3381 = vector.shape_cast %select_n3A_3375 : vector<16xi32> to vector<1x16xi32>
    tpu.vector_store %arg12[%swap3A_3377, %swap3A_3378], %swap3A_3381 {strides = array<i32>} : memref<8x128xi32, #tpu.memory_space<vmem>>, vector<1x16xi32>,
    %jit3A_3382 = arith.constant 1.000000e+00 : f32
    %jit3A_3383 = arith.constant 0.000000e+00 : f32
    %broadcast_in_dim3A_3384 = vector.broadcast %jit3A_3382 : f32 to vector<16xf32>
    %broadcast_in_dim3A_3385 = vector.broadcast %jit3A_3383 : f32 to vector<16xf32>
    %select_n3A_3386 = arith.select %lt3A_3350, %broadcast_in_dim3A_3384, %broadcast_in_dim3A_3385 : vector<16xi1>, vector<16xf32>
    %swap3A_3387 = arith.constant 7 : i32
    %swap3A_3388 = arith.index_cast %swap3A_3387 : i32 to index
    %swap3A_3389 = arith.constant 16 : index
    %swap3A_3390 = tpu.vector_load %arg13[%swap3A_3388, %swap3A_3389] {strides = array<i32>} : memref<8x128xf32, #tpu.memory_space<vmem>>, vector<1x16xf32>,
    %swap3A_3391 = vector.shape_cast %swap3A_3390 : vector<1x16xf32> to vector<16xf32>
    %swap3A_3392 = vector.shape_cast %select_n3A_3386 : vector<16xf32> to vector<1x16xf32>
    tpu.vector_store %arg13[%swap3A_3388, %swap3A_3389], %swap3A_3392 {strides = array<i32>} : memref<8x128xf32, #tpu.memory_space<vmem>>, vector<1x16xf32>,
    %get3A_3393 = arith.constant 928 : index
    %get3A_3394 = tpu.vector_load %arg7[%get3A_3393] {strides = array<i32>} : memref<1024xi32, #tpu.memory_space<vmem>>, vector<16xi32>,
    %get3A_3395 = vector.shape_cast %get3A_3394 : vector<16xi32> to vector<16xi32>
    %get3A_3396 = arith.constant 928 : index
    %get3A_3397 = tpu.vector_load %arg8[%get3A_3396] {strides = array<i32>} : memref<1024xi32, #tpu.memory_space<vmem>>, vector<16xi32>,
    %get3A_3398 = vector.shape_cast %get3A_3397 : vector<16xi32> to vector<16xi32>
    %get3A_3399 = arith.constant 928 : index
    %get3A_3400 = tpu.vector_load %arg9[%get3A_3399] {strides = array<i32>} : memref<1024xf32, #tpu.memory_space<vmem>>, vector<16xf32>,
    %get3A_3401 = vector.shape_cast %get3A_3400 : vector<16xf32> to vector<16xf32>
    %iota3A_3402 = tpu.iota {dimensions = array<i32: 0>} : vector<16xi32>
    %add3A_3403 = arith.constant 928 : i32
    %add3A_3404 = vector.broadcast %add3A_3403 : i32 to vector<16xi32>
    %add3A_3405 = arith.addi %iota3A_3402, %add3A_3404 : vector<16xi32>
    %lt3A_3406 = arith.constant 1000 : i32
    %lt3A_3407 = vector.broadcast %lt3A_3406 : i32 to vector<16xi32>
    %lt3A_3408 = arith.cmpi slt, %add3A_3405, %lt3A_3407 : vector<16xi32>
    %mul3A_3409 = arith.constant 800 : i32
    %mul3A_3410 = vector.broadcast %mul3A_3409 : i32 to vector<16xi32>
    %mul3A_3411 = arith.muli %get3A_3395, %mul3A_3410 : vector<16xi32>
    %add3A_3412 = arith.addi %mul3A_3411, %get3A_3398 : vector<16xi32>
    %jit3A_3413 = arith.constant 0 : i32
    %broadcast_in_dim3A_3414 = vector.broadcast %jit3A_3413 : i32 to vector<16xi32>
    %select_n3A_3415 = arith.select %lt3A_3408, %add3A_3412, %broadcast_in_dim3A_3414 : vector<16xi1>, vector<16xi32>
    %jit3A_3416 = arith.constant 0.000000e+00 : f32
    %broadcast_in_dim3A_3417 = vector.broadcast %jit3A_3416 : f32 to vector<16xf32>
    %select_n3A_3418 = arith.select %lt3A_3408, %get3A_3401, %broadcast_in_dim3A_3417 : vector<16xi1>, vector<16xf32>
    %swap3A_3419 = arith.constant 7 : i32
    %swap3A_3420 = arith.index_cast %swap3A_3419 : i32 to index
    %swap3A_3421 = arith.constant 32 : index
    %swap3A_3422 = tpu.vector_load %arg10[%swap3A_3420, %swap3A_3421] {strides = array<i32>} : memref<8x128xi32, #tpu.memory_space<vmem>>, vector<1x16xi32>,
    %swap3A_3423 = vector.shape_cast %swap3A_3422 : vector<1x16xi32> to vector<16xi32>
    %swap3A_3424 = vector.shape_cast %select_n3A_3415 : vector<16xi32> to vector<1x16xi32>
    tpu.vector_store %arg10[%swap3A_3420, %swap3A_3421], %swap3A_3424 {strides = array<i32>} : memref<8x128xi32, #tpu.memory_space<vmem>>, vector<1x16xi32>,
    %swap3A_3425 = arith.constant 7 : i32
    %swap3A_3426 = arith.index_cast %swap3A_3425 : i32 to index
    %swap3A_3427 = arith.constant 32 : index
    %swap3A_3428 = tpu.vector_load %arg11[%swap3A_3426, %swap3A_3427] {strides = array<i32>} : memref<8x128xf32, #tpu.memory_space<vmem>>, vector<1x16xf32>,
    %swap3A_3429 = vector.shape_cast %swap3A_3428 : vector<1x16xf32> to vector<16xf32>
    %swap3A_3430 = vector.shape_cast %select_n3A_3418 : vector<16xf32> to vector<1x16xf32>
    tpu.vector_store %arg11[%swap3A_3426, %swap3A_3427], %swap3A_3430 {strides = array<i32>} : memref<8x128xf32, #tpu.memory_space<vmem>>, vector<1x16xf32>,
    %jit3A_3431 = arith.constant 0 : i32
    %broadcast_in_dim3A_3432 = vector.broadcast %jit3A_3431 : i32 to vector<16xi32>
    %select_n3A_3433 = arith.select %lt3A_3408, %get3A_3398, %broadcast_in_dim3A_3432 : vector<16xi1>, vector<16xi32>
    %swap3A_3434 = arith.constant 7 : i32
    %swap3A_3435 = arith.index_cast %swap3A_3434 : i32 to index
    %swap3A_3436 = arith.constant 32 : index
    %swap3A_3437 = tpu.vector_load %arg12[%swap3A_3435, %swap3A_3436] {strides = array<i32>} : memref<8x128xi32, #tpu.memory_space<vmem>>, vector<1x16xi32>,
    %swap3A_3438 = vector.shape_cast %swap3A_3437 : vector<1x16xi32> to vector<16xi32>
    %swap3A_3439 = vector.shape_cast %select_n3A_3433 : vector<16xi32> to vector<1x16xi32>
    tpu.vector_store %arg12[%swap3A_3435, %swap3A_3436], %swap3A_3439 {strides = array<i32>} : memref<8x128xi32, #tpu.memory_space<vmem>>, vector<1x16xi32>,
    %jit3A_3440 = arith.constant 1.000000e+00 : f32
    %jit3A_3441 = arith.constant 0.000000e+00 : f32
    %broadcast_in_dim3A_3442 = vector.broadcast %jit3A_3440 : f32 to vector<16xf32>
    %broadcast_in_dim3A_3443 = vector.broadcast %jit3A_3441 : f32 to vector<16xf32>
    %select_n3A_3444 = arith.select %lt3A_3408, %broadcast_in_dim3A_3442, %broadcast_in_dim3A_3443 : vector<16xi1>, vector<16xf32>
    %swap3A_3445 = arith.constant 7 : i32
    %swap3A_3446 = arith.index_cast %swap3A_3445 : i32 to index
    %swap3A_3447 = arith.constant 32 : index
    %swap3A_3448 = tpu.vector_load %arg13[%swap3A_3446, %swap3A_3447] {strides = array<i32>} : memref<8x128xf32, #tpu.memory_space<vmem>>, vector<1x16xf32>,
    %swap3A_3449 = vector.shape_cast %swap3A_3448 : vector<1x16xf32> to vector<16xf32>
    %swap3A_3450 = vector.shape_cast %select_n3A_3444 : vector<16xf32> to vector<1x16xf32>
    tpu.vector_store %arg13[%swap3A_3446, %swap3A_3447], %swap3A_3450 {strides = array<i32>} : memref<8x128xf32, #tpu.memory_space<vmem>>, vector<1x16xf32>,
    %get3A_3451 = arith.constant 944 : index
    %get3A_3452 = tpu.vector_load %arg7[%get3A_3451] {strides = array<i32>} : memref<1024xi32, #tpu.memory_space<vmem>>, vector<16xi32>,
    %get3A_3453 = vector.shape_cast %get3A_3452 : vector<16xi32> to vector<16xi32>
    %get3A_3454 = arith.constant 944 : index
    %get3A_3455 = tpu.vector_load %arg8[%get3A_3454] {strides = array<i32>} : memref<1024xi32, #tpu.memory_space<vmem>>, vector<16xi32>,
    %get3A_3456 = vector.shape_cast %get3A_3455 : vector<16xi32> to vector<16xi32>
    %get3A_3457 = arith.constant 944 : index
    %get3A_3458 = tpu.vector_load %arg9[%get3A_3457] {strides = array<i32>} : memref<1024xf32, #tpu.memory_space<vmem>>, vector<16xf32>,
    %get3A_3459 = vector.shape_cast %get3A_3458 : vector<16xf32> to vector<16xf32>
    %iota3A_3460 = tpu.iota {dimensions = array<i32: 0>} : vector<16xi32>
    %add3A_3461 = arith.constant 944 : i32
    %add3A_3462 = vector.broadcast %add3A_3461 : i32 to vector<16xi32>
    %add3A_3463 = arith.addi %iota3A_3460, %add3A_3462 : vector<16xi32>
    %lt3A_3464 = arith.constant 1000 : i32
    %lt3A_3465 = vector.broadcast %lt3A_3464 : i32 to vector<16xi32>
    %lt3A_3466 = arith.cmpi slt, %add3A_3463, %lt3A_3465 : vector<16xi32>
    %mul3A_3467 = arith.constant 800 : i32
    %mul3A_3468 = vector.broadcast %mul3A_3467 : i32 to vector<16xi32>
    %mul3A_3469 = arith.muli %get3A_3453, %mul3A_3468 : vector<16xi32>
    %add3A_3470 = arith.addi %mul3A_3469, %get3A_3456 : vector<16xi32>
    %jit3A_3471 = arith.constant 0 : i32
    %broadcast_in_dim3A_3472 = vector.broadcast %jit3A_3471 : i32 to vector<16xi32>
    %select_n3A_3473 = arith.select %lt3A_3466, %add3A_3470, %broadcast_in_dim3A_3472 : vector<16xi1>, vector<16xi32>
    %jit3A_3474 = arith.constant 0.000000e+00 : f32
    %broadcast_in_dim3A_3475 = vector.broadcast %jit3A_3474 : f32 to vector<16xf32>
    %select_n3A_3476 = arith.select %lt3A_3466, %get3A_3459, %broadcast_in_dim3A_3475 : vector<16xi1>, vector<16xf32>
    %swap3A_3477 = arith.constant 7 : i32
    %swap3A_3478 = arith.index_cast %swap3A_3477 : i32 to index
    %swap3A_3479 = arith.constant 48 : index
    %swap3A_3480 = tpu.vector_load %arg10[%swap3A_3478, %swap3A_3479] {strides = array<i32>} : memref<8x128xi32, #tpu.memory_space<vmem>>, vector<1x16xi32>,
    %swap3A_3481 = vector.shape_cast %swap3A_3480 : vector<1x16xi32> to vector<16xi32>
    %swap3A_3482 = vector.shape_cast %select_n3A_3473 : vector<16xi32> to vector<1x16xi32>
    tpu.vector_store %arg10[%swap3A_3478, %swap3A_3479], %swap3A_3482 {strides = array<i32>} : memref<8x128xi32, #tpu.memory_space<vmem>>, vector<1x16xi32>,
    %swap3A_3483 = arith.constant 7 : i32
    %swap3A_3484 = arith.index_cast %swap3A_3483 : i32 to index
    %swap3A_3485 = arith.constant 48 : index
    %swap3A_3486 = tpu.vector_load %arg11[%swap3A_3484, %swap3A_3485] {strides = array<i32>} : memref<8x128xf32, #tpu.memory_space<vmem>>, vector<1x16xf32>,
    %swap3A_3487 = vector.shape_cast %swap3A_3486 : vector<1x16xf32> to vector<16xf32>
    %swap3A_3488 = vector.shape_cast %select_n3A_3476 : vector<16xf32> to vector<1x16xf32>
    tpu.vector_store %arg11[%swap3A_3484, %swap3A_3485], %swap3A_3488 {strides = array<i32>} : memref<8x128xf32, #tpu.memory_space<vmem>>, vector<1x16xf32>,
    %jit3A_3489 = arith.constant 0 : i32
    %broadcast_in_dim3A_3490 = vector.broadcast %jit3A_3489 : i32 to vector<16xi32>
    %select_n3A_3491 = arith.select %lt3A_3466, %get3A_3456, %broadcast_in_dim3A_3490 : vector<16xi1>, vector<16xi32>
    %swap3A_3492 = arith.constant 7 : i32
    %swap3A_3493 = arith.index_cast %swap3A_3492 : i32 to index
    %swap3A_3494 = arith.constant 48 : index
    %swap3A_3495 = tpu.vector_load %arg12[%swap3A_3493, %swap3A_3494] {strides = array<i32>} : memref<8x128xi32, #tpu.memory_space<vmem>>, vector<1x16xi32>,
    %swap3A_3496 = vector.shape_cast %swap3A_3495 : vector<1x16xi32> to vector<16xi32>
    %swap3A_3497 = vector.shape_cast %select_n3A_3491 : vector<16xi32> to vector<1x16xi32>
    tpu.vector_store %arg12[%swap3A_3493, %swap3A_3494], %swap3A_3497 {strides = array<i32>} : memref<8x128xi32, #tpu.memory_space<vmem>>, vector<1x16xi32>,
    %jit3A_3498 = arith.constant 1.000000e+00 : f32
    %jit3A_3499 = arith.constant 0.000000e+00 : f32
    %broadcast_in_dim3A_3500 = vector.broadcast %jit3A_3498 : f32 to vector<16xf32>
    %broadcast_in_dim3A_3501 = vector.broadcast %jit3A_3499 : f32 to vector<16xf32>
    %select_n3A_3502 = arith.select %lt3A_3466, %broadcast_in_dim3A_3500, %broadcast_in_dim3A_3501 : vector<16xi1>, vector<16xf32>
    %swap3A_3503 = arith.constant 7 : i32
    %swap3A_3504 = arith.index_cast %swap3A_3503 : i32 to index
    %swap3A_3505 = arith.constant 48 : index
    %swap3A_3506 = tpu.vector_load %arg13[%swap3A_3504, %swap3A_3505] {strides = array<i32>} : memref<8x128xf32, #tpu.memory_space<vmem>>, vector<1x16xf32>,
    %swap3A_3507 = vector.shape_cast %swap3A_3506 : vector<1x16xf32> to vector<16xf32>
    %swap3A_3508 = vector.shape_cast %select_n3A_3502 : vector<16xf32> to vector<1x16xf32>
    tpu.vector_store %arg13[%swap3A_3504, %swap3A_3505], %swap3A_3508 {strides = array<i32>} : memref<8x128xf32, #tpu.memory_space<vmem>>, vector<1x16xf32>,
    %get3A_3509 = arith.constant 960 : index
    %get3A_3510 = tpu.vector_load %arg7[%get3A_3509] {strides = array<i32>} : memref<1024xi32, #tpu.memory_space<vmem>>, vector<16xi32>,
    %get3A_3511 = vector.shape_cast %get3A_3510 : vector<16xi32> to vector<16xi32>
    %get3A_3512 = arith.constant 960 : index
    %get3A_3513 = tpu.vector_load %arg8[%get3A_3512] {strides = array<i32>} : memref<1024xi32, #tpu.memory_space<vmem>>, vector<16xi32>,
    %get3A_3514 = vector.shape_cast %get3A_3513 : vector<16xi32> to vector<16xi32>
    %get3A_3515 = arith.constant 960 : index
    %get3A_3516 = tpu.vector_load %arg9[%get3A_3515] {strides = array<i32>} : memref<1024xf32, #tpu.memory_space<vmem>>, vector<16xf32>,
    %get3A_3517 = vector.shape_cast %get3A_3516 : vector<16xf32> to vector<16xf32>
    %iota3A_3518 = tpu.iota {dimensions = array<i32: 0>} : vector<16xi32>
    %add3A_3519 = arith.constant 960 : i32
    %add3A_3520 = vector.broadcast %add3A_3519 : i32 to vector<16xi32>
    %add3A_3521 = arith.addi %iota3A_3518, %add3A_3520 : vector<16xi32>
    %lt3A_3522 = arith.constant 1000 : i32
    %lt3A_3523 = vector.broadcast %lt3A_3522 : i32 to vector<16xi32>
    %lt3A_3524 = arith.cmpi slt, %add3A_3521, %lt3A_3523 : vector<16xi32>
    %mul3A_3525 = arith.constant 800 : i32
    %mul3A_3526 = vector.broadcast %mul3A_3525 : i32 to vector<16xi32>
    %mul3A_3527 = arith.muli %get3A_3511, %mul3A_3526 : vector<16xi32>
    %add3A_3528 = arith.addi %mul3A_3527, %get3A_3514 : vector<16xi32>
    %jit3A_3529 = arith.constant 0 : i32
    %broadcast_in_dim3A_3530 = vector.broadcast %jit3A_3529 : i32 to vector<16xi32>
    %select_n3A_3531 = arith.select %lt3A_3524, %add3A_3528, %broadcast_in_dim3A_3530 : vector<16xi1>, vector<16xi32>
    %jit3A_3532 = arith.constant 0.000000e+00 : f32
    %broadcast_in_dim3A_3533 = vector.broadcast %jit3A_3532 : f32 to vector<16xf32>
    %select_n3A_3534 = arith.select %lt3A_3524, %get3A_3517, %broadcast_in_dim3A_3533 : vector<16xi1>, vector<16xf32>
    %swap3A_3535 = arith.constant 7 : i32
    %swap3A_3536 = arith.index_cast %swap3A_3535 : i32 to index
    %swap3A_3537 = arith.constant 64 : index
    %swap3A_3538 = tpu.vector_load %arg10[%swap3A_3536, %swap3A_3537] {strides = array<i32>} : memref<8x128xi32, #tpu.memory_space<vmem>>, vector<1x16xi32>,
    %swap3A_3539 = vector.shape_cast %swap3A_3538 : vector<1x16xi32> to vector<16xi32>
    %swap3A_3540 = vector.shape_cast %select_n3A_3531 : vector<16xi32> to vector<1x16xi32>
    tpu.vector_store %arg10[%swap3A_3536, %swap3A_3537], %swap3A_3540 {strides = array<i32>} : memref<8x128xi32, #tpu.memory_space<vmem>>, vector<1x16xi32>,
    %swap3A_3541 = arith.constant 7 : i32
    %swap3A_3542 = arith.index_cast %swap3A_3541 : i32 to index
    %swap3A_3543 = arith.constant 64 : index
    %swap3A_3544 = tpu.vector_load %arg11[%swap3A_3542, %swap3A_3543] {strides = array<i32>} : memref<8x128xf32, #tpu.memory_space<vmem>>, vector<1x16xf32>,
    %swap3A_3545 = vector.shape_cast %swap3A_3544 : vector<1x16xf32> to vector<16xf32>
    %swap3A_3546 = vector.shape_cast %select_n3A_3534 : vector<16xf32> to vector<1x16xf32>
    tpu.vector_store %arg11[%swap3A_3542, %swap3A_3543], %swap3A_3546 {strides = array<i32>} : memref<8x128xf32, #tpu.memory_space<vmem>>, vector<1x16xf32>,
    %jit3A_3547 = arith.constant 0 : i32
    %broadcast_in_dim3A_3548 = vector.broadcast %jit3A_3547 : i32 to vector<16xi32>
    %select_n3A_3549 = arith.select %lt3A_3524, %get3A_3514, %broadcast_in_dim3A_3548 : vector<16xi1>, vector<16xi32>
    %swap3A_3550 = arith.constant 7 : i32
    %swap3A_3551 = arith.index_cast %swap3A_3550 : i32 to index
    %swap3A_3552 = arith.constant 64 : index
    %swap3A_3553 = tpu.vector_load %arg12[%swap3A_3551, %swap3A_3552] {strides = array<i32>} : memref<8x128xi32, #tpu.memory_space<vmem>>, vector<1x16xi32>,
    %swap3A_3554 = vector.shape_cast %swap3A_3553 : vector<1x16xi32> to vector<16xi32>
    %swap3A_3555 = vector.shape_cast %select_n3A_3549 : vector<16xi32> to vector<1x16xi32>
    tpu.vector_store %arg12[%swap3A_3551, %swap3A_3552], %swap3A_3555 {strides = array<i32>} : memref<8x128xi32, #tpu.memory_space<vmem>>, vector<1x16xi32>,
    %jit3A_3556 = arith.constant 1.000000e+00 : f32
    %jit3A_3557 = arith.constant 0.000000e+00 : f32
    %broadcast_in_dim3A_3558 = vector.broadcast %jit3A_3556 : f32 to vector<16xf32>
    %broadcast_in_dim3A_3559 = vector.broadcast %jit3A_3557 : f32 to vector<16xf32>
    %select_n3A_3560 = arith.select %lt3A_3524, %broadcast_in_dim3A_3558, %broadcast_in_dim3A_3559 : vector<16xi1>, vector<16xf32>
    %swap3A_3561 = arith.constant 7 : i32
    %swap3A_3562 = arith.index_cast %swap3A_3561 : i32 to index
    %swap3A_3563 = arith.constant 64 : index
    %swap3A_3564 = tpu.vector_load %arg13[%swap3A_3562, %swap3A_3563] {strides = array<i32>} : memref<8x128xf32, #tpu.memory_space<vmem>>, vector<1x16xf32>,
    %swap3A_3565 = vector.shape_cast %swap3A_3564 : vector<1x16xf32> to vector<16xf32>
    %swap3A_3566 = vector.shape_cast %select_n3A_3560 : vector<16xf32> to vector<1x16xf32>
    tpu.vector_store %arg13[%swap3A_3562, %swap3A_3563], %swap3A_3566 {strides = array<i32>} : memref<8x128xf32, #tpu.memory_space<vmem>>, vector<1x16xf32>,
    %get3A_3567 = arith.constant 976 : index
    %get3A_3568 = tpu.vector_load %arg7[%get3A_3567] {strides = array<i32>} : memref<1024xi32, #tpu.memory_space<vmem>>, vector<16xi32>,
    %get3A_3569 = vector.shape_cast %get3A_3568 : vector<16xi32> to vector<16xi32>
    %get3A_3570 = arith.constant 976 : index
    %get3A_3571 = tpu.vector_load %arg8[%get3A_3570] {strides = array<i32>} : memref<1024xi32, #tpu.memory_space<vmem>>, vector<16xi32>,
    %get3A_3572 = vector.shape_cast %get3A_3571 : vector<16xi32> to vector<16xi32>
    %get3A_3573 = arith.constant 976 : index
    %get3A_3574 = tpu.vector_load %arg9[%get3A_3573] {strides = array<i32>} : memref<1024xf32, #tpu.memory_space<vmem>>, vector<16xf32>,
    %get3A_3575 = vector.shape_cast %get3A_3574 : vector<16xf32> to vector<16xf32>
    %iota3A_3576 = tpu.iota {dimensions = array<i32: 0>} : vector<16xi32>
    %add3A_3577 = arith.constant 976 : i32
    %add3A_3578 = vector.broadcast %add3A_3577 : i32 to vector<16xi32>
    %add3A_3579 = arith.addi %iota3A_3576, %add3A_3578 : vector<16xi32>
    %lt3A_3580 = arith.constant 1000 : i32
    %lt3A_3581 = vector.broadcast %lt3A_3580 : i32 to vector<16xi32>
    %lt3A_3582 = arith.cmpi slt, %add3A_3579, %lt3A_3581 : vector<16xi32>
    %mul3A_3583 = arith.constant 800 : i32
    %mul3A_3584 = vector.broadcast %mul3A_3583 : i32 to vector<16xi32>
    %mul3A_3585 = arith.muli %get3A_3569, %mul3A_3584 : vector<16xi32>
    %add3A_3586 = arith.addi %mul3A_3585, %get3A_3572 : vector<16xi32>
    %jit3A_3587 = arith.constant 0 : i32
    %broadcast_in_dim3A_3588 = vector.broadcast %jit3A_3587 : i32 to vector<16xi32>
    %select_n3A_3589 = arith.select %lt3A_3582, %add3A_3586, %broadcast_in_dim3A_3588 : vector<16xi1>, vector<16xi32>
    %jit3A_3590 = arith.constant 0.000000e+00 : f32
    %broadcast_in_dim3A_3591 = vector.broadcast %jit3A_3590 : f32 to vector<16xf32>
    %select_n3A_3592 = arith.select %lt3A_3582, %get3A_3575, %broadcast_in_dim3A_3591 : vector<16xi1>, vector<16xf32>
    %swap3A_3593 = arith.constant 7 : i32
    %swap3A_3594 = arith.index_cast %swap3A_3593 : i32 to index
    %swap3A_3595 = arith.constant 80 : index
    %swap3A_3596 = tpu.vector_load %arg10[%swap3A_3594, %swap3A_3595] {strides = array<i32>} : memref<8x128xi32, #tpu.memory_space<vmem>>, vector<1x16xi32>,
    %swap3A_3597 = vector.shape_cast %swap3A_3596 : vector<1x16xi32> to vector<16xi32>
    %swap3A_3598 = vector.shape_cast %select_n3A_3589 : vector<16xi32> to vector<1x16xi32>
    tpu.vector_store %arg10[%swap3A_3594, %swap3A_3595], %swap3A_3598 {strides = array<i32>} : memref<8x128xi32, #tpu.memory_space<vmem>>, vector<1x16xi32>,
    %swap3A_3599 = arith.constant 7 : i32
    %swap3A_3600 = arith.index_cast %swap3A_3599 : i32 to index
    %swap3A_3601 = arith.constant 80 : index
    %swap3A_3602 = tpu.vector_load %arg11[%swap3A_3600, %swap3A_3601] {strides = array<i32>} : memref<8x128xf32, #tpu.memory_space<vmem>>, vector<1x16xf32>,
    %swap3A_3603 = vector.shape_cast %swap3A_3602 : vector<1x16xf32> to vector<16xf32>
    %swap3A_3604 = vector.shape_cast %select_n3A_3592 : vector<16xf32> to vector<1x16xf32>
    tpu.vector_store %arg11[%swap3A_3600, %swap3A_3601], %swap3A_3604 {strides = array<i32>} : memref<8x128xf32, #tpu.memory_space<vmem>>, vector<1x16xf32>,
    %jit3A_3605 = arith.constant 0 : i32
    %broadcast_in_dim3A_3606 = vector.broadcast %jit3A_3605 : i32 to vector<16xi32>
    %select_n3A_3607 = arith.select %lt3A_3582, %get3A_3572, %broadcast_in_dim3A_3606 : vector<16xi1>, vector<16xi32>
    %swap3A_3608 = arith.constant 7 : i32
    %swap3A_3609 = arith.index_cast %swap3A_3608 : i32 to index
    %swap3A_3610 = arith.constant 80 : index
    %swap3A_3611 = tpu.vector_load %arg12[%swap3A_3609, %swap3A_3610] {strides = array<i32>} : memref<8x128xi32, #tpu.memory_space<vmem>>, vector<1x16xi32>,
    %swap3A_3612 = vector.shape_cast %swap3A_3611 : vector<1x16xi32> to vector<16xi32>
    %swap3A_3613 = vector.shape_cast %select_n3A_3607 : vector<16xi32> to vector<1x16xi32>
    tpu.vector_store %arg12[%swap3A_3609, %swap3A_3610], %swap3A_3613 {strides = array<i32>} : memref<8x128xi32, #tpu.memory_space<vmem>>, vector<1x16xi32>,
    %jit3A_3614 = arith.constant 1.000000e+00 : f32
    %jit3A_3615 = arith.constant 0.000000e+00 : f32
    %broadcast_in_dim3A_3616 = vector.broadcast %jit3A_3614 : f32 to vector<16xf32>
    %broadcast_in_dim3A_3617 = vector.broadcast %jit3A_3615 : f32 to vector<16xf32>
    %select_n3A_3618 = arith.select %lt3A_3582, %broadcast_in_dim3A_3616, %broadcast_in_dim3A_3617 : vector<16xi1>, vector<16xf32>
    %swap3A_3619 = arith.constant 7 : i32
    %swap3A_3620 = arith.index_cast %swap3A_3619 : i32 to index
    %swap3A_3621 = arith.constant 80 : index
    %swap3A_3622 = tpu.vector_load %arg13[%swap3A_3620, %swap3A_3621] {strides = array<i32>} : memref<8x128xf32, #tpu.memory_space<vmem>>, vector<1x16xf32>,
    %swap3A_3623 = vector.shape_cast %swap3A_3622 : vector<1x16xf32> to vector<16xf32>
    %swap3A_3624 = vector.shape_cast %select_n3A_3618 : vector<16xf32> to vector<1x16xf32>
    tpu.vector_store %arg13[%swap3A_3620, %swap3A_3621], %swap3A_3624 {strides = array<i32>} : memref<8x128xf32, #tpu.memory_space<vmem>>, vector<1x16xf32>,
    %get3A_3625 = arith.constant 992 : index
    %get3A_3626 = tpu.vector_load %arg7[%get3A_3625] {strides = array<i32>} : memref<1024xi32, #tpu.memory_space<vmem>>, vector<16xi32>,
    %get3A_3627 = vector.shape_cast %get3A_3626 : vector<16xi32> to vector<16xi32>
    %get3A_3628 = arith.constant 992 : index
    %get3A_3629 = tpu.vector_load %arg8[%get3A_3628] {strides = array<i32>} : memref<1024xi32, #tpu.memory_space<vmem>>, vector<16xi32>,
    %get3A_3630 = vector.shape_cast %get3A_3629 : vector<16xi32> to vector<16xi32>
    %get3A_3631 = arith.constant 992 : index
    %get3A_3632 = tpu.vector_load %arg9[%get3A_3631] {strides = array<i32>} : memref<1024xf32, #tpu.memory_space<vmem>>, vector<16xf32>,
    %get3A_3633 = vector.shape_cast %get3A_3632 : vector<16xf32> to vector<16xf32>
    %iota3A_3634 = tpu.iota {dimensions = array<i32: 0>} : vector<16xi32>
    %add3A_3635 = arith.constant 992 : i32
    %add3A_3636 = vector.broadcast %add3A_3635 : i32 to vector<16xi32>
    %add3A_3637 = arith.addi %iota3A_3634, %add3A_3636 : vector<16xi32>
    %lt3A_3638 = arith.constant 1000 : i32
    %lt3A_3639 = vector.broadcast %lt3A_3638 : i32 to vector<16xi32>
    %lt3A_3640 = arith.cmpi slt, %add3A_3637, %lt3A_3639 : vector<16xi32>
    %mul3A_3641 = arith.constant 800 : i32
    %mul3A_3642 = vector.broadcast %mul3A_3641 : i32 to vector<16xi32>
    %mul3A_3643 = arith.muli %get3A_3627, %mul3A_3642 : vector<16xi32>
    %add3A_3644 = arith.addi %mul3A_3643, %get3A_3630 : vector<16xi32>
    %jit3A_3645 = arith.constant 0 : i32
    %broadcast_in_dim3A_3646 = vector.broadcast %jit3A_3645 : i32 to vector<16xi32>
    %select_n3A_3647 = arith.select %lt3A_3640, %add3A_3644, %broadcast_in_dim3A_3646 : vector<16xi1>, vector<16xi32>
    %jit3A_3648 = arith.constant 0.000000e+00 : f32
    %broadcast_in_dim3A_3649 = vector.broadcast %jit3A_3648 : f32 to vector<16xf32>
    %select_n3A_3650 = arith.select %lt3A_3640, %get3A_3633, %broadcast_in_dim3A_3649 : vector<16xi1>, vector<16xf32>
    %swap3A_3651 = arith.constant 7 : i32
    %swap3A_3652 = arith.index_cast %swap3A_3651 : i32 to index
    %swap3A_3653 = arith.constant 96 : index
    %swap3A_3654 = tpu.vector_load %arg10[%swap3A_3652, %swap3A_3653] {strides = array<i32>} : memref<8x128xi32, #tpu.memory_space<vmem>>, vector<1x16xi32>,
    %swap3A_3655 = vector.shape_cast %swap3A_3654 : vector<1x16xi32> to vector<16xi32>
    %swap3A_3656 = vector.shape_cast %select_n3A_3647 : vector<16xi32> to vector<1x16xi32>
    tpu.vector_store %arg10[%swap3A_3652, %swap3A_3653], %swap3A_3656 {strides = array<i32>} : memref<8x128xi32, #tpu.memory_space<vmem>>, vector<1x16xi32>,
    %swap3A_3657 = arith.constant 7 : i32
    %swap3A_3658 = arith.index_cast %swap3A_3657 : i32 to index
    %swap3A_3659 = arith.constant 96 : index
    %swap3A_3660 = tpu.vector_load %arg11[%swap3A_3658, %swap3A_3659] {strides = array<i32>} : memref<8x128xf32, #tpu.memory_space<vmem>>, vector<1x16xf32>,
    %swap3A_3661 = vector.shape_cast %swap3A_3660 : vector<1x16xf32> to vector<16xf32>
    %swap3A_3662 = vector.shape_cast %select_n3A_3650 : vector<16xf32> to vector<1x16xf32>
    tpu.vector_store %arg11[%swap3A_3658, %swap3A_3659], %swap3A_3662 {strides = array<i32>} : memref<8x128xf32, #tpu.memory_space<vmem>>, vector<1x16xf32>,
    %jit3A_3663 = arith.constant 0 : i32
    %broadcast_in_dim3A_3664 = vector.broadcast %jit3A_3663 : i32 to vector<16xi32>
    %select_n3A_3665 = arith.select %lt3A_3640, %get3A_3630, %broadcast_in_dim3A_3664 : vector<16xi1>, vector<16xi32>
    %swap3A_3666 = arith.constant 7 : i32
    %swap3A_3667 = arith.index_cast %swap3A_3666 : i32 to index
    %swap3A_3668 = arith.constant 96 : index
    %swap3A_3669 = tpu.vector_load %arg12[%swap3A_3667, %swap3A_3668] {strides = array<i32>} : memref<8x128xi32, #tpu.memory_space<vmem>>, vector<1x16xi32>,
    %swap3A_3670 = vector.shape_cast %swap3A_3669 : vector<1x16xi32> to vector<16xi32>
    %swap3A_3671 = vector.shape_cast %select_n3A_3665 : vector<16xi32> to vector<1x16xi32>
    tpu.vector_store %arg12[%swap3A_3667, %swap3A_3668], %swap3A_3671 {strides = array<i32>} : memref<8x128xi32, #tpu.memory_space<vmem>>, vector<1x16xi32>,
    %jit3A_3672 = arith.constant 1.000000e+00 : f32
    %jit3A_3673 = arith.constant 0.000000e+00 : f32
    %broadcast_in_dim3A_3674 = vector.broadcast %jit3A_3672 : f32 to vector<16xf32>
    %broadcast_in_dim3A_3675 = vector.broadcast %jit3A_3673 : f32 to vector<16xf32>
    %select_n3A_3676 = arith.select %lt3A_3640, %broadcast_in_dim3A_3674, %broadcast_in_dim3A_3675 : vector<16xi1>, vector<16xf32>
    %swap3A_3677 = arith.constant 7 : i32
    %swap3A_3678 = arith.index_cast %swap3A_3677 : i32 to index
    %swap3A_3679 = arith.constant 96 : index
    %swap3A_3680 = tpu.vector_load %arg13[%swap3A_3678, %swap3A_3679] {strides = array<i32>} : memref<8x128xf32, #tpu.memory_space<vmem>>, vector<1x16xf32>,
    %swap3A_3681 = vector.shape_cast %swap3A_3680 : vector<1x16xf32> to vector<16xf32>
    %swap3A_3682 = vector.shape_cast %select_n3A_3676 : vector<16xf32> to vector<1x16xf32>
    tpu.vector_store %arg13[%swap3A_3678, %swap3A_3679], %swap3A_3682 {strides = array<i32>} : memref<8x128xf32, #tpu.memory_space<vmem>>, vector<1x16xf32>,
    %get3A_3683 = arith.constant 1008 : index
    %get3A_3684 = tpu.vector_load %arg7[%get3A_3683] {strides = array<i32>} : memref<1024xi32, #tpu.memory_space<vmem>>, vector<16xi32>,
    %get3A_3685 = vector.shape_cast %get3A_3684 : vector<16xi32> to vector<16xi32>
    %get3A_3686 = arith.constant 1008 : index
    %get3A_3687 = tpu.vector_load %arg8[%get3A_3686] {strides = array<i32>} : memref<1024xi32, #tpu.memory_space<vmem>>, vector<16xi32>,
    %get3A_3688 = vector.shape_cast %get3A_3687 : vector<16xi32> to vector<16xi32>
    %get3A_3689 = arith.constant 1008 : index
    %get3A_3690 = tpu.vector_load %arg9[%get3A_3689] {strides = array<i32>} : memref<1024xf32, #tpu.memory_space<vmem>>, vector<16xf32>,
    %get3A_3691 = vector.shape_cast %get3A_3690 : vector<16xf32> to vector<16xf32>
    %iota3A_3692 = tpu.iota {dimensions = array<i32: 0>} : vector<16xi32>
    %add3A_3693 = arith.constant 1008 : i32
    %add3A_3694 = vector.broadcast %add3A_3693 : i32 to vector<16xi32>
    %add3A_3695 = arith.addi %iota3A_3692, %add3A_3694 : vector<16xi32>
    %lt3A_3696 = arith.constant 1000 : i32
    %lt3A_3697 = vector.broadcast %lt3A_3696 : i32 to vector<16xi32>
    %lt3A_3698 = arith.cmpi slt, %add3A_3695, %lt3A_3697 : vector<16xi32>
    %mul3A_3699 = arith.constant 800 : i32
    %mul3A_3700 = vector.broadcast %mul3A_3699 : i32 to vector<16xi32>
    %mul3A_3701 = arith.muli %get3A_3685, %mul3A_3700 : vector<16xi32>
    %add3A_3702 = arith.addi %mul3A_3701, %get3A_3688 : vector<16xi32>
    %jit3A_3703 = arith.constant 0 : i32
    %broadcast_in_dim3A_3704 = vector.broadcast %jit3A_3703 : i32 to vector<16xi32>
    %select_n3A_3705 = arith.select %lt3A_3698, %add3A_3702, %broadcast_in_dim3A_3704 : vector<16xi1>, vector<16xi32>
    %jit3A_3706 = arith.constant 0.000000e+00 : f32
    %broadcast_in_dim3A_3707 = vector.broadcast %jit3A_3706 : f32 to vector<16xf32>
    %select_n3A_3708 = arith.select %lt3A_3698, %get3A_3691, %broadcast_in_dim3A_3707 : vector<16xi1>, vector<16xf32>
    %swap3A_3709 = arith.constant 7 : i32
    %swap3A_3710 = arith.index_cast %swap3A_3709 : i32 to index
    %swap3A_3711 = arith.constant 112 : index
    %swap3A_3712 = tpu.vector_load %arg10[%swap3A_3710, %swap3A_3711] {strides = array<i32>} : memref<8x128xi32, #tpu.memory_space<vmem>>, vector<1x16xi32>,
    %swap3A_3713 = vector.shape_cast %swap3A_3712 : vector<1x16xi32> to vector<16xi32>
    %swap3A_3714 = vector.shape_cast %select_n3A_3705 : vector<16xi32> to vector<1x16xi32>
    tpu.vector_store %arg10[%swap3A_3710, %swap3A_3711], %swap3A_3714 {strides = array<i32>} : memref<8x128xi32, #tpu.memory_space<vmem>>, vector<1x16xi32>,
    %swap3A_3715 = arith.constant 7 : i32
    %swap3A_3716 = arith.index_cast %swap3A_3715 : i32 to index
    %swap3A_3717 = arith.constant 112 : index
    %swap3A_3718 = tpu.vector_load %arg11[%swap3A_3716, %swap3A_3717] {strides = array<i32>} : memref<8x128xf32, #tpu.memory_space<vmem>>, vector<1x16xf32>,
    %swap3A_3719 = vector.shape_cast %swap3A_3718 : vector<1x16xf32> to vector<16xf32>
    %swap3A_3720 = vector.shape_cast %select_n3A_3708 : vector<16xf32> to vector<1x16xf32>
    tpu.vector_store %arg11[%swap3A_3716, %swap3A_3717], %swap3A_3720 {strides = array<i32>} : memref<8x128xf32, #tpu.memory_space<vmem>>, vector<1x16xf32>,
    %jit3A_3721 = arith.constant 0 : i32
    %broadcast_in_dim3A_3722 = vector.broadcast %jit3A_3721 : i32 to vector<16xi32>
    %select_n3A_3723 = arith.select %lt3A_3698, %get3A_3688, %broadcast_in_dim3A_3722 : vector<16xi1>, vector<16xi32>
    %swap3A_3724 = arith.constant 7 : i32
    %swap3A_3725 = arith.index_cast %swap3A_3724 : i32 to index
    %swap3A_3726 = arith.constant 112 : index
    %swap3A_3727 = tpu.vector_load %arg12[%swap3A_3725, %swap3A_3726] {strides = array<i32>} : memref<8x128xi32, #tpu.memory_space<vmem>>, vector<1x16xi32>,
    %swap3A_3728 = vector.shape_cast %swap3A_3727 : vector<1x16xi32> to vector<16xi32>
    %swap3A_3729 = vector.shape_cast %select_n3A_3723 : vector<16xi32> to vector<1x16xi32>
    tpu.vector_store %arg12[%swap3A_3725, %swap3A_3726], %swap3A_3729 {strides = array<i32>} : memref<8x128xi32, #tpu.memory_space<vmem>>, vector<1x16xi32>,
    %jit3A_3730 = arith.constant 1.000000e+00 : f32
    %jit3A_3731 = arith.constant 0.000000e+00 : f32
    %broadcast_in_dim3A_3732 = vector.broadcast %jit3A_3730 : f32 to vector<16xf32>
    %broadcast_in_dim3A_3733 = vector.broadcast %jit3A_3731 : f32 to vector<16xf32>
    %select_n3A_3734 = arith.select %lt3A_3698, %broadcast_in_dim3A_3732, %broadcast_in_dim3A_3733 : vector<16xi1>, vector<16xf32>
    %swap3A_3735 = arith.constant 7 : i32
    %swap3A_3736 = arith.index_cast %swap3A_3735 : i32 to index
    %swap3A_3737 = arith.constant 112 : index
    %swap3A_3738 = tpu.vector_load %arg13[%swap3A_3736, %swap3A_3737] {strides = array<i32>} : memref<8x128xf32, #tpu.memory_space<vmem>>, vector<1x16xf32>,
    %swap3A_3739 = vector.shape_cast %swap3A_3738 : vector<1x16xf32> to vector<16xf32>
    %swap3A_3740 = vector.shape_cast %select_n3A_3734 : vector<16xf32> to vector<1x16xf32>
    tpu.vector_store %arg13[%swap3A_3736, %swap3A_3737], %swap3A_3740 {strides = array<i32>} : memref<8x128xf32, #tpu.memory_space<vmem>>, vector<1x16xf32>,
    %barrier3A = arith.constant 0 : index
    tpu.barrier barrier_id(%barrier3A)
    %run_scoped3A = arith.constant 0 : i32
    %run_scoped3A_3741 = arith.constant 0 : i32
    "tpu.region"() ({
      %run_scoped3A_3787 = tpu.sem_alloc : memref<!tpu.dma_semaphore, #tpu.memory_space<semaphore_mem>>
      %dma_start3A = arith.constant 0 : i32
      %dma_start3A_3788 = tpu.memref_slice %arg11[%run_scoped3A, %dma_start3A] : memref<8x128xf32, #tpu.memory_space<vmem>> -> memref<1x128xf32, #tpu.memory_space<vmem>>
      %dma_start3A_3789 = tpu.memref_squeeze %dma_start3A_3788 : memref<1x128xf32, #tpu.memory_space<vmem>> -> memref<128xf32, #tpu.memory_space<vmem>>
      %dma_start3A_3790 = arith.constant 0 : i32
      %dma_start3A_3791 = tpu.memref_slice %arg10[%run_scoped3A_3741, %dma_start3A_3790] : memref<8x128xi32, #tpu.memory_space<vmem>> -> memref<1x128xi32, #tpu.memory_space<vmem>>
      %dma_start3A_3792 = tpu.memref_squeeze %dma_start3A_3791 : memref<1x128xi32, #tpu.memory_space<vmem>> -> memref<128xi32, #tpu.memory_space<vmem>>
      %dma_start3A_3793 = arith.constant 0 : i32
      %dma_start3A_3794 = tpu.memref_slice %arg16[%dma_start3A_3793] : memref<640000xf32, #tpu.memory_space<vmem_shared>> -> memref<640000xf32, #tpu.memory_space<vmem_shared>>
      tpu.enqueue_indirect_dma source(%dma_start3A_3789 : memref<128xf32, #tpu.memory_space<vmem>>) target(%dma_start3A_3794 : memref<640000xf32, #tpu.memory_space<vmem_shared>>) offsets(%dma_start3A_3792 : memref<128xi32, #tpu.memory_space<vmem>>) semaphore(%run_scoped3A_3787 : memref<!tpu.dma_semaphore, #tpu.memory_space<semaphore_mem>>) {add = true}
      %dma_wait3A = arith.constant 0 : i32
      %dma_wait3A_3795 = tpu.memref_slice %arg11[%run_scoped3A, %dma_wait3A] : memref<8x128xf32, #tpu.memory_space<vmem>> -> memref<1x128xf32, #tpu.memory_space<vmem>>
      %dma_wait3A_3796 = tpu.memref_squeeze %dma_wait3A_3795 : memref<1x128xf32, #tpu.memory_space<vmem>> -> memref<128xf32, #tpu.memory_space<vmem>>
      %dma_wait3A_3797 = arith.constant 0 : i32
      %dma_wait3A_3798 = tpu.memref_slice %arg10[%run_scoped3A_3741, %dma_wait3A_3797] : memref<8x128xi32, #tpu.memory_space<vmem>> -> memref<1x128xi32, #tpu.memory_space<vmem>>
      %dma_wait3A_3799 = tpu.memref_squeeze %dma_wait3A_3798 : memref<1x128xi32, #tpu.memory_space<vmem>> -> memref<128xi32, #tpu.memory_space<vmem>>
      %dma_wait3A_3800 = arith.constant 0 : i32
      %dma_wait3A_3801 = tpu.memref_slice %arg16[%dma_wait3A_3800] : memref<640000xf32, #tpu.memory_space<vmem_shared>> -> memref<640000xf32, #tpu.memory_space<vmem_shared>>
      tpu.wait_indirect_dma semaphore(%run_scoped3A_3787 : memref<!tpu.dma_semaphore, #tpu.memory_space<semaphore_mem>>) src(%dma_wait3A_3796 : memref<128xf32, #tpu.memory_space<vmem>>) dst(%dma_wait3A_3801 : memref<640000xf32, #tpu.memory_space<vmem_shared>>)
      tpu.yield
    }) : () -> ()
    %run_scoped3A_3742 = arith.constant 0 : i32
    %run_scoped3A_3743 = arith.constant 0 : i32
    "tpu.region"() ({
      %run_scoped3A_3787 = tpu.sem_alloc : memref<!tpu.dma_semaphore, #tpu.memory_space<semaphore_mem>>
      %dma_start3A = arith.constant 0 : i32
      %dma_start3A_3788 = tpu.memref_slice %arg13[%run_scoped3A_3742, %dma_start3A] : memref<8x128xf32, #tpu.memory_space<vmem>> -> memref<1x128xf32, #tpu.memory_space<vmem>>
      %dma_start3A_3789 = tpu.memref_squeeze %dma_start3A_3788 : memref<1x128xf32, #tpu.memory_space<vmem>> -> memref<128xf32, #tpu.memory_space<vmem>>
      %dma_start3A_3790 = arith.constant 0 : i32
      %dma_start3A_3791 = tpu.memref_slice %arg12[%run_scoped3A_3743, %dma_start3A_3790] : memref<8x128xi32, #tpu.memory_space<vmem>> -> memref<1x128xi32, #tpu.memory_space<vmem>>
      %dma_start3A_3792 = tpu.memref_squeeze %dma_start3A_3791 : memref<1x128xi32, #tpu.memory_space<vmem>> -> memref<128xi32, #tpu.memory_space<vmem>>
      %dma_start3A_3793 = arith.constant 0 : i32
      %dma_start3A_3794 = tpu.memref_slice %arg17[%dma_start3A_3793] : memref<800xf32, #tpu.memory_space<vmem_shared>> -> memref<800xf32, #tpu.memory_space<vmem_shared>>
      tpu.enqueue_indirect_dma source(%dma_start3A_3789 : memref<128xf32, #tpu.memory_space<vmem>>) target(%dma_start3A_3794 : memref<800xf32, #tpu.memory_space<vmem_shared>>) offsets(%dma_start3A_3792 : memref<128xi32, #tpu.memory_space<vmem>>) semaphore(%run_scoped3A_3787 : memref<!tpu.dma_semaphore, #tpu.memory_space<semaphore_mem>>) {add = true}
      %dma_wait3A = arith.constant 0 : i32
      %dma_wait3A_3795 = tpu.memref_slice %arg13[%run_scoped3A_3742, %dma_wait3A] : memref<8x128xf32, #tpu.memory_space<vmem>> -> memref<1x128xf32, #tpu.memory_space<vmem>>
      %dma_wait3A_3796 = tpu.memref_squeeze %dma_wait3A_3795 : memref<1x128xf32, #tpu.memory_space<vmem>> -> memref<128xf32, #tpu.memory_space<vmem>>
      %dma_wait3A_3797 = arith.constant 0 : i32
      %dma_wait3A_3798 = tpu.memref_slice %arg12[%run_scoped3A_3743, %dma_wait3A_3797] : memref<8x128xi32, #tpu.memory_space<vmem>> -> memref<1x128xi32, #tpu.memory_space<vmem>>
      %dma_wait3A_3799 = tpu.memref_squeeze %dma_wait3A_3798 : memref<1x128xi32, #tpu.memory_space<vmem>> -> memref<128xi32, #tpu.memory_space<vmem>>
      %dma_wait3A_3800 = arith.constant 0 : i32
      %dma_wait3A_3801 = tpu.memref_slice %arg17[%dma_wait3A_3800] : memref<800xf32, #tpu.memory_space<vmem_shared>> -> memref<800xf32, #tpu.memory_space<vmem_shared>>
      tpu.wait_indirect_dma semaphore(%run_scoped3A_3787 : memref<!tpu.dma_semaphore, #tpu.memory_space<semaphore_mem>>) src(%dma_wait3A_3796 : memref<128xf32, #tpu.memory_space<vmem>>) dst(%dma_wait3A_3801 : memref<800xf32, #tpu.memory_space<vmem_shared>>)
      tpu.yield
    }) : () -> ()
    %run_scoped3A_3744 = arith.constant 1 : i32
    %run_scoped3A_3745 = arith.constant 1 : i32
    "tpu.region"() ({
      %run_scoped3A_3787 = tpu.sem_alloc : memref<!tpu.dma_semaphore, #tpu.memory_space<semaphore_mem>>
      %dma_start3A = arith.constant 0 : i32
      %dma_start3A_3788 = tpu.memref_slice %arg11[%run_scoped3A_3744, %dma_start3A] : memref<8x128xf32, #tpu.memory_space<vmem>> -> memref<1x128xf32, #tpu.memory_space<vmem>>
      %dma_start3A_3789 = tpu.memref_squeeze %dma_start3A_3788 : memref<1x128xf32, #tpu.memory_space<vmem>> -> memref<128xf32, #tpu.memory_space<vmem>>
      %dma_start3A_3790 = arith.constant 0 : i32
      %dma_start3A_3791 = tpu.memref_slice %arg10[%run_scoped3A_3745, %dma_start3A_3790] : memref<8x128xi32, #tpu.memory_space<vmem>> -> memref<1x128xi32, #tpu.memory_space<vmem>>
      %dma_start3A_3792 = tpu.memref_squeeze %dma_start3A_3791 : memref<1x128xi32, #tpu.memory_space<vmem>> -> memref<128xi32, #tpu.memory_space<vmem>>
      %dma_start3A_3793 = arith.constant 0 : i32
      %dma_start3A_3794 = tpu.memref_slice %arg16[%dma_start3A_3793] : memref<640000xf32, #tpu.memory_space<vmem_shared>> -> memref<640000xf32, #tpu.memory_space<vmem_shared>>
      tpu.enqueue_indirect_dma source(%dma_start3A_3789 : memref<128xf32, #tpu.memory_space<vmem>>) target(%dma_start3A_3794 : memref<640000xf32, #tpu.memory_space<vmem_shared>>) offsets(%dma_start3A_3792 : memref<128xi32, #tpu.memory_space<vmem>>) semaphore(%run_scoped3A_3787 : memref<!tpu.dma_semaphore, #tpu.memory_space<semaphore_mem>>) {add = true}
      %dma_wait3A = arith.constant 0 : i32
      %dma_wait3A_3795 = tpu.memref_slice %arg11[%run_scoped3A_3744, %dma_wait3A] : memref<8x128xf32, #tpu.memory_space<vmem>> -> memref<1x128xf32, #tpu.memory_space<vmem>>
      %dma_wait3A_3796 = tpu.memref_squeeze %dma_wait3A_3795 : memref<1x128xf32, #tpu.memory_space<vmem>> -> memref<128xf32, #tpu.memory_space<vmem>>
      %dma_wait3A_3797 = arith.constant 0 : i32
      %dma_wait3A_3798 = tpu.memref_slice %arg10[%run_scoped3A_3745, %dma_wait3A_3797] : memref<8x128xi32, #tpu.memory_space<vmem>> -> memref<1x128xi32, #tpu.memory_space<vmem>>
      %dma_wait3A_3799 = tpu.memref_squeeze %dma_wait3A_3798 : memref<1x128xi32, #tpu.memory_space<vmem>> -> memref<128xi32, #tpu.memory_space<vmem>>
      %dma_wait3A_3800 = arith.constant 0 : i32
      %dma_wait3A_3801 = tpu.memref_slice %arg16[%dma_wait3A_3800] : memref<640000xf32, #tpu.memory_space<vmem_shared>> -> memref<640000xf32, #tpu.memory_space<vmem_shared>>
      tpu.wait_indirect_dma semaphore(%run_scoped3A_3787 : memref<!tpu.dma_semaphore, #tpu.memory_space<semaphore_mem>>) src(%dma_wait3A_3796 : memref<128xf32, #tpu.memory_space<vmem>>) dst(%dma_wait3A_3801 : memref<640000xf32, #tpu.memory_space<vmem_shared>>)
      tpu.yield
    }) : () -> ()
    %run_scoped3A_3746 = arith.constant 1 : i32
    %run_scoped3A_3747 = arith.constant 1 : i32
    "tpu.region"() ({
      %run_scoped3A_3787 = tpu.sem_alloc : memref<!tpu.dma_semaphore, #tpu.memory_space<semaphore_mem>>
      %dma_start3A = arith.constant 0 : i32
      %dma_start3A_3788 = tpu.memref_slice %arg13[%run_scoped3A_3746, %dma_start3A] : memref<8x128xf32, #tpu.memory_space<vmem>> -> memref<1x128xf32, #tpu.memory_space<vmem>>
      %dma_start3A_3789 = tpu.memref_squeeze %dma_start3A_3788 : memref<1x128xf32, #tpu.memory_space<vmem>> -> memref<128xf32, #tpu.memory_space<vmem>>
      %dma_start3A_3790 = arith.constant 0 : i32
      %dma_start3A_3791 = tpu.memref_slice %arg12[%run_scoped3A_3747, %dma_start3A_3790] : memref<8x128xi32, #tpu.memory_space<vmem>> -> memref<1x128xi32, #tpu.memory_space<vmem>>
      %dma_start3A_3792 = tpu.memref_squeeze %dma_start3A_3791 : memref<1x128xi32, #tpu.memory_space<vmem>> -> memref<128xi32, #tpu.memory_space<vmem>>
      %dma_start3A_3793 = arith.constant 0 : i32
      %dma_start3A_3794 = tpu.memref_slice %arg17[%dma_start3A_3793] : memref<800xf32, #tpu.memory_space<vmem_shared>> -> memref<800xf32, #tpu.memory_space<vmem_shared>>
      tpu.enqueue_indirect_dma source(%dma_start3A_3789 : memref<128xf32, #tpu.memory_space<vmem>>) target(%dma_start3A_3794 : memref<800xf32, #tpu.memory_space<vmem_shared>>) offsets(%dma_start3A_3792 : memref<128xi32, #tpu.memory_space<vmem>>) semaphore(%run_scoped3A_3787 : memref<!tpu.dma_semaphore, #tpu.memory_space<semaphore_mem>>) {add = true}
      %dma_wait3A = arith.constant 0 : i32
      %dma_wait3A_3795 = tpu.memref_slice %arg13[%run_scoped3A_3746, %dma_wait3A] : memref<8x128xf32, #tpu.memory_space<vmem>> -> memref<1x128xf32, #tpu.memory_space<vmem>>
      %dma_wait3A_3796 = tpu.memref_squeeze %dma_wait3A_3795 : memref<1x128xf32, #tpu.memory_space<vmem>> -> memref<128xf32, #tpu.memory_space<vmem>>
      %dma_wait3A_3797 = arith.constant 0 : i32
      %dma_wait3A_3798 = tpu.memref_slice %arg12[%run_scoped3A_3747, %dma_wait3A_3797] : memref<8x128xi32, #tpu.memory_space<vmem>> -> memref<1x128xi32, #tpu.memory_space<vmem>>
      %dma_wait3A_3799 = tpu.memref_squeeze %dma_wait3A_3798 : memref<1x128xi32, #tpu.memory_space<vmem>> -> memref<128xi32, #tpu.memory_space<vmem>>
      %dma_wait3A_3800 = arith.constant 0 : i32
      %dma_wait3A_3801 = tpu.memref_slice %arg17[%dma_wait3A_3800] : memref<800xf32, #tpu.memory_space<vmem_shared>> -> memref<800xf32, #tpu.memory_space<vmem_shared>>
      tpu.wait_indirect_dma semaphore(%run_scoped3A_3787 : memref<!tpu.dma_semaphore, #tpu.memory_space<semaphore_mem>>) src(%dma_wait3A_3796 : memref<128xf32, #tpu.memory_space<vmem>>) dst(%dma_wait3A_3801 : memref<800xf32, #tpu.memory_space<vmem_shared>>)
      tpu.yield
    }) : () -> ()
    %run_scoped3A_3748 = arith.constant 2 : i32
    %run_scoped3A_3749 = arith.constant 2 : i32
    "tpu.region"() ({
      %run_scoped3A_3787 = tpu.sem_alloc : memref<!tpu.dma_semaphore, #tpu.memory_space<semaphore_mem>>
      %dma_start3A = arith.constant 0 : i32
      %dma_start3A_3788 = tpu.memref_slice %arg11[%run_scoped3A_3748, %dma_start3A] : memref<8x128xf32, #tpu.memory_space<vmem>> -> memref<1x128xf32, #tpu.memory_space<vmem>>
      %dma_start3A_3789 = tpu.memref_squeeze %dma_start3A_3788 : memref<1x128xf32, #tpu.memory_space<vmem>> -> memref<128xf32, #tpu.memory_space<vmem>>
      %dma_start3A_3790 = arith.constant 0 : i32
      %dma_start3A_3791 = tpu.memref_slice %arg10[%run_scoped3A_3749, %dma_start3A_3790] : memref<8x128xi32, #tpu.memory_space<vmem>> -> memref<1x128xi32, #tpu.memory_space<vmem>>
      %dma_start3A_3792 = tpu.memref_squeeze %dma_start3A_3791 : memref<1x128xi32, #tpu.memory_space<vmem>> -> memref<128xi32, #tpu.memory_space<vmem>>
      %dma_start3A_3793 = arith.constant 0 : i32
      %dma_start3A_3794 = tpu.memref_slice %arg16[%dma_start3A_3793] : memref<640000xf32, #tpu.memory_space<vmem_shared>> -> memref<640000xf32, #tpu.memory_space<vmem_shared>>
      tpu.enqueue_indirect_dma source(%dma_start3A_3789 : memref<128xf32, #tpu.memory_space<vmem>>) target(%dma_start3A_3794 : memref<640000xf32, #tpu.memory_space<vmem_shared>>) offsets(%dma_start3A_3792 : memref<128xi32, #tpu.memory_space<vmem>>) semaphore(%run_scoped3A_3787 : memref<!tpu.dma_semaphore, #tpu.memory_space<semaphore_mem>>) {add = true}
      %dma_wait3A = arith.constant 0 : i32
      %dma_wait3A_3795 = tpu.memref_slice %arg11[%run_scoped3A_3748, %dma_wait3A] : memref<8x128xf32, #tpu.memory_space<vmem>> -> memref<1x128xf32, #tpu.memory_space<vmem>>
      %dma_wait3A_3796 = tpu.memref_squeeze %dma_wait3A_3795 : memref<1x128xf32, #tpu.memory_space<vmem>> -> memref<128xf32, #tpu.memory_space<vmem>>
      %dma_wait3A_3797 = arith.constant 0 : i32
      %dma_wait3A_3798 = tpu.memref_slice %arg10[%run_scoped3A_3749, %dma_wait3A_3797] : memref<8x128xi32, #tpu.memory_space<vmem>> -> memref<1x128xi32, #tpu.memory_space<vmem>>
      %dma_wait3A_3799 = tpu.memref_squeeze %dma_wait3A_3798 : memref<1x128xi32, #tpu.memory_space<vmem>> -> memref<128xi32, #tpu.memory_space<vmem>>
      %dma_wait3A_3800 = arith.constant 0 : i32
      %dma_wait3A_3801 = tpu.memref_slice %arg16[%dma_wait3A_3800] : memref<640000xf32, #tpu.memory_space<vmem_shared>> -> memref<640000xf32, #tpu.memory_space<vmem_shared>>
      tpu.wait_indirect_dma semaphore(%run_scoped3A_3787 : memref<!tpu.dma_semaphore, #tpu.memory_space<semaphore_mem>>) src(%dma_wait3A_3796 : memref<128xf32, #tpu.memory_space<vmem>>) dst(%dma_wait3A_3801 : memref<640000xf32, #tpu.memory_space<vmem_shared>>)
      tpu.yield
    }) : () -> ()
    %run_scoped3A_3750 = arith.constant 2 : i32
    %run_scoped3A_3751 = arith.constant 2 : i32
    "tpu.region"() ({
      %run_scoped3A_3787 = tpu.sem_alloc : memref<!tpu.dma_semaphore, #tpu.memory_space<semaphore_mem>>
      %dma_start3A = arith.constant 0 : i32
      %dma_start3A_3788 = tpu.memref_slice %arg13[%run_scoped3A_3750, %dma_start3A] : memref<8x128xf32, #tpu.memory_space<vmem>> -> memref<1x128xf32, #tpu.memory_space<vmem>>
      %dma_start3A_3789 = tpu.memref_squeeze %dma_start3A_3788 : memref<1x128xf32, #tpu.memory_space<vmem>> -> memref<128xf32, #tpu.memory_space<vmem>>
      %dma_start3A_3790 = arith.constant 0 : i32
      %dma_start3A_3791 = tpu.memref_slice %arg12[%run_scoped3A_3751, %dma_start3A_3790] : memref<8x128xi32, #tpu.memory_space<vmem>> -> memref<1x128xi32, #tpu.memory_space<vmem>>
      %dma_start3A_3792 = tpu.memref_squeeze %dma_start3A_3791 : memref<1x128xi32, #tpu.memory_space<vmem>> -> memref<128xi32, #tpu.memory_space<vmem>>
      %dma_start3A_3793 = arith.constant 0 : i32
      %dma_start3A_3794 = tpu.memref_slice %arg17[%dma_start3A_3793] : memref<800xf32, #tpu.memory_space<vmem_shared>> -> memref<800xf32, #tpu.memory_space<vmem_shared>>
      tpu.enqueue_indirect_dma source(%dma_start3A_3789 : memref<128xf32, #tpu.memory_space<vmem>>) target(%dma_start3A_3794 : memref<800xf32, #tpu.memory_space<vmem_shared>>) offsets(%dma_start3A_3792 : memref<128xi32, #tpu.memory_space<vmem>>) semaphore(%run_scoped3A_3787 : memref<!tpu.dma_semaphore, #tpu.memory_space<semaphore_mem>>) {add = true}
      %dma_wait3A = arith.constant 0 : i32
      %dma_wait3A_3795 = tpu.memref_slice %arg13[%run_scoped3A_3750, %dma_wait3A] : memref<8x128xf32, #tpu.memory_space<vmem>> -> memref<1x128xf32, #tpu.memory_space<vmem>>
      %dma_wait3A_3796 = tpu.memref_squeeze %dma_wait3A_3795 : memref<1x128xf32, #tpu.memory_space<vmem>> -> memref<128xf32, #tpu.memory_space<vmem>>
      %dma_wait3A_3797 = arith.constant 0 : i32
      %dma_wait3A_3798 = tpu.memref_slice %arg12[%run_scoped3A_3751, %dma_wait3A_3797] : memref<8x128xi32, #tpu.memory_space<vmem>> -> memref<1x128xi32, #tpu.memory_space<vmem>>
      %dma_wait3A_3799 = tpu.memref_squeeze %dma_wait3A_3798 : memref<1x128xi32, #tpu.memory_space<vmem>> -> memref<128xi32, #tpu.memory_space<vmem>>
      %dma_wait3A_3800 = arith.constant 0 : i32
      %dma_wait3A_3801 = tpu.memref_slice %arg17[%dma_wait3A_3800] : memref<800xf32, #tpu.memory_space<vmem_shared>> -> memref<800xf32, #tpu.memory_space<vmem_shared>>
      tpu.wait_indirect_dma semaphore(%run_scoped3A_3787 : memref<!tpu.dma_semaphore, #tpu.memory_space<semaphore_mem>>) src(%dma_wait3A_3796 : memref<128xf32, #tpu.memory_space<vmem>>) dst(%dma_wait3A_3801 : memref<800xf32, #tpu.memory_space<vmem_shared>>)
      tpu.yield
    }) : () -> ()
    %run_scoped3A_3752 = arith.constant 3 : i32
    %run_scoped3A_3753 = arith.constant 3 : i32
    "tpu.region"() ({
      %run_scoped3A_3787 = tpu.sem_alloc : memref<!tpu.dma_semaphore, #tpu.memory_space<semaphore_mem>>
      %dma_start3A = arith.constant 0 : i32
      %dma_start3A_3788 = tpu.memref_slice %arg11[%run_scoped3A_3752, %dma_start3A] : memref<8x128xf32, #tpu.memory_space<vmem>> -> memref<1x128xf32, #tpu.memory_space<vmem>>
      %dma_start3A_3789 = tpu.memref_squeeze %dma_start3A_3788 : memref<1x128xf32, #tpu.memory_space<vmem>> -> memref<128xf32, #tpu.memory_space<vmem>>
      %dma_start3A_3790 = arith.constant 0 : i32
      %dma_start3A_3791 = tpu.memref_slice %arg10[%run_scoped3A_3753, %dma_start3A_3790] : memref<8x128xi32, #tpu.memory_space<vmem>> -> memref<1x128xi32, #tpu.memory_space<vmem>>
      %dma_start3A_3792 = tpu.memref_squeeze %dma_start3A_3791 : memref<1x128xi32, #tpu.memory_space<vmem>> -> memref<128xi32, #tpu.memory_space<vmem>>
      %dma_start3A_3793 = arith.constant 0 : i32
      %dma_start3A_3794 = tpu.memref_slice %arg16[%dma_start3A_3793] : memref<640000xf32, #tpu.memory_space<vmem_shared>> -> memref<640000xf32, #tpu.memory_space<vmem_shared>>
      tpu.enqueue_indirect_dma source(%dma_start3A_3789 : memref<128xf32, #tpu.memory_space<vmem>>) target(%dma_start3A_3794 : memref<640000xf32, #tpu.memory_space<vmem_shared>>) offsets(%dma_start3A_3792 : memref<128xi32, #tpu.memory_space<vmem>>) semaphore(%run_scoped3A_3787 : memref<!tpu.dma_semaphore, #tpu.memory_space<semaphore_mem>>) {add = true}
      %dma_wait3A = arith.constant 0 : i32
      %dma_wait3A_3795 = tpu.memref_slice %arg11[%run_scoped3A_3752, %dma_wait3A] : memref<8x128xf32, #tpu.memory_space<vmem>> -> memref<1x128xf32, #tpu.memory_space<vmem>>
      %dma_wait3A_3796 = tpu.memref_squeeze %dma_wait3A_3795 : memref<1x128xf32, #tpu.memory_space<vmem>> -> memref<128xf32, #tpu.memory_space<vmem>>
      %dma_wait3A_3797 = arith.constant 0 : i32
      %dma_wait3A_3798 = tpu.memref_slice %arg10[%run_scoped3A_3753, %dma_wait3A_3797] : memref<8x128xi32, #tpu.memory_space<vmem>> -> memref<1x128xi32, #tpu.memory_space<vmem>>
      %dma_wait3A_3799 = tpu.memref_squeeze %dma_wait3A_3798 : memref<1x128xi32, #tpu.memory_space<vmem>> -> memref<128xi32, #tpu.memory_space<vmem>>
      %dma_wait3A_3800 = arith.constant 0 : i32
      %dma_wait3A_3801 = tpu.memref_slice %arg16[%dma_wait3A_3800] : memref<640000xf32, #tpu.memory_space<vmem_shared>> -> memref<640000xf32, #tpu.memory_space<vmem_shared>>
      tpu.wait_indirect_dma semaphore(%run_scoped3A_3787 : memref<!tpu.dma_semaphore, #tpu.memory_space<semaphore_mem>>) src(%dma_wait3A_3796 : memref<128xf32, #tpu.memory_space<vmem>>) dst(%dma_wait3A_3801 : memref<640000xf32, #tpu.memory_space<vmem_shared>>)
      tpu.yield
    }) : () -> ()
    %run_scoped3A_3754 = arith.constant 3 : i32
    %run_scoped3A_3755 = arith.constant 3 : i32
    "tpu.region"() ({
      %run_scoped3A_3787 = tpu.sem_alloc : memref<!tpu.dma_semaphore, #tpu.memory_space<semaphore_mem>>
      %dma_start3A = arith.constant 0 : i32
      %dma_start3A_3788 = tpu.memref_slice %arg13[%run_scoped3A_3754, %dma_start3A] : memref<8x128xf32, #tpu.memory_space<vmem>> -> memref<1x128xf32, #tpu.memory_space<vmem>>
      %dma_start3A_3789 = tpu.memref_squeeze %dma_start3A_3788 : memref<1x128xf32, #tpu.memory_space<vmem>> -> memref<128xf32, #tpu.memory_space<vmem>>
      %dma_start3A_3790 = arith.constant 0 : i32
      %dma_start3A_3791 = tpu.memref_slice %arg12[%run_scoped3A_3755, %dma_start3A_3790] : memref<8x128xi32, #tpu.memory_space<vmem>> -> memref<1x128xi32, #tpu.memory_space<vmem>>
      %dma_start3A_3792 = tpu.memref_squeeze %dma_start3A_3791 : memref<1x128xi32, #tpu.memory_space<vmem>> -> memref<128xi32, #tpu.memory_space<vmem>>
      %dma_start3A_3793 = arith.constant 0 : i32
      %dma_start3A_3794 = tpu.memref_slice %arg17[%dma_start3A_3793] : memref<800xf32, #tpu.memory_space<vmem_shared>> -> memref<800xf32, #tpu.memory_space<vmem_shared>>
      tpu.enqueue_indirect_dma source(%dma_start3A_3789 : memref<128xf32, #tpu.memory_space<vmem>>) target(%dma_start3A_3794 : memref<800xf32, #tpu.memory_space<vmem_shared>>) offsets(%dma_start3A_3792 : memref<128xi32, #tpu.memory_space<vmem>>) semaphore(%run_scoped3A_3787 : memref<!tpu.dma_semaphore, #tpu.memory_space<semaphore_mem>>) {add = true}
      %dma_wait3A = arith.constant 0 : i32
      %dma_wait3A_3795 = tpu.memref_slice %arg13[%run_scoped3A_3754, %dma_wait3A] : memref<8x128xf32, #tpu.memory_space<vmem>> -> memref<1x128xf32, #tpu.memory_space<vmem>>
      %dma_wait3A_3796 = tpu.memref_squeeze %dma_wait3A_3795 : memref<1x128xf32, #tpu.memory_space<vmem>> -> memref<128xf32, #tpu.memory_space<vmem>>
      %dma_wait3A_3797 = arith.constant 0 : i32
      %dma_wait3A_3798 = tpu.memref_slice %arg12[%run_scoped3A_3755, %dma_wait3A_3797] : memref<8x128xi32, #tpu.memory_space<vmem>> -> memref<1x128xi32, #tpu.memory_space<vmem>>
      %dma_wait3A_3799 = tpu.memref_squeeze %dma_wait3A_3798 : memref<1x128xi32, #tpu.memory_space<vmem>> -> memref<128xi32, #tpu.memory_space<vmem>>
      %dma_wait3A_3800 = arith.constant 0 : i32
      %dma_wait3A_3801 = tpu.memref_slice %arg17[%dma_wait3A_3800] : memref<800xf32, #tpu.memory_space<vmem_shared>> -> memref<800xf32, #tpu.memory_space<vmem_shared>>
      tpu.wait_indirect_dma semaphore(%run_scoped3A_3787 : memref<!tpu.dma_semaphore, #tpu.memory_space<semaphore_mem>>) src(%dma_wait3A_3796 : memref<128xf32, #tpu.memory_space<vmem>>) dst(%dma_wait3A_3801 : memref<800xf32, #tpu.memory_space<vmem_shared>>)
      tpu.yield
    }) : () -> ()
    %run_scoped3A_3756 = arith.constant 4 : i32
    %run_scoped3A_3757 = arith.constant 4 : i32
    "tpu.region"() ({
      %run_scoped3A_3787 = tpu.sem_alloc : memref<!tpu.dma_semaphore, #tpu.memory_space<semaphore_mem>>
      %dma_start3A = arith.constant 0 : i32
      %dma_start3A_3788 = tpu.memref_slice %arg11[%run_scoped3A_3756, %dma_start3A] : memref<8x128xf32, #tpu.memory_space<vmem>> -> memref<1x128xf32, #tpu.memory_space<vmem>>
      %dma_start3A_3789 = tpu.memref_squeeze %dma_start3A_3788 : memref<1x128xf32, #tpu.memory_space<vmem>> -> memref<128xf32, #tpu.memory_space<vmem>>
      %dma_start3A_3790 = arith.constant 0 : i32
      %dma_start3A_3791 = tpu.memref_slice %arg10[%run_scoped3A_3757, %dma_start3A_3790] : memref<8x128xi32, #tpu.memory_space<vmem>> -> memref<1x128xi32, #tpu.memory_space<vmem>>
      %dma_start3A_3792 = tpu.memref_squeeze %dma_start3A_3791 : memref<1x128xi32, #tpu.memory_space<vmem>> -> memref<128xi32, #tpu.memory_space<vmem>>
      %dma_start3A_3793 = arith.constant 0 : i32
      %dma_start3A_3794 = tpu.memref_slice %arg16[%dma_start3A_3793] : memref<640000xf32, #tpu.memory_space<vmem_shared>> -> memref<640000xf32, #tpu.memory_space<vmem_shared>>
      tpu.enqueue_indirect_dma source(%dma_start3A_3789 : memref<128xf32, #tpu.memory_space<vmem>>) target(%dma_start3A_3794 : memref<640000xf32, #tpu.memory_space<vmem_shared>>) offsets(%dma_start3A_3792 : memref<128xi32, #tpu.memory_space<vmem>>) semaphore(%run_scoped3A_3787 : memref<!tpu.dma_semaphore, #tpu.memory_space<semaphore_mem>>) {add = true}
      %dma_wait3A = arith.constant 0 : i32
      %dma_wait3A_3795 = tpu.memref_slice %arg11[%run_scoped3A_3756, %dma_wait3A] : memref<8x128xf32, #tpu.memory_space<vmem>> -> memref<1x128xf32, #tpu.memory_space<vmem>>
      %dma_wait3A_3796 = tpu.memref_squeeze %dma_wait3A_3795 : memref<1x128xf32, #tpu.memory_space<vmem>> -> memref<128xf32, #tpu.memory_space<vmem>>
      %dma_wait3A_3797 = arith.constant 0 : i32
      %dma_wait3A_3798 = tpu.memref_slice %arg10[%run_scoped3A_3757, %dma_wait3A_3797] : memref<8x128xi32, #tpu.memory_space<vmem>> -> memref<1x128xi32, #tpu.memory_space<vmem>>
      %dma_wait3A_3799 = tpu.memref_squeeze %dma_wait3A_3798 : memref<1x128xi32, #tpu.memory_space<vmem>> -> memref<128xi32, #tpu.memory_space<vmem>>
      %dma_wait3A_3800 = arith.constant 0 : i32
      %dma_wait3A_3801 = tpu.memref_slice %arg16[%dma_wait3A_3800] : memref<640000xf32, #tpu.memory_space<vmem_shared>> -> memref<640000xf32, #tpu.memory_space<vmem_shared>>
      tpu.wait_indirect_dma semaphore(%run_scoped3A_3787 : memref<!tpu.dma_semaphore, #tpu.memory_space<semaphore_mem>>) src(%dma_wait3A_3796 : memref<128xf32, #tpu.memory_space<vmem>>) dst(%dma_wait3A_3801 : memref<640000xf32, #tpu.memory_space<vmem_shared>>)
      tpu.yield
    }) : () -> ()
    %run_scoped3A_3758 = arith.constant 4 : i32
    %run_scoped3A_3759 = arith.constant 4 : i32
    "tpu.region"() ({
      %run_scoped3A_3787 = tpu.sem_alloc : memref<!tpu.dma_semaphore, #tpu.memory_space<semaphore_mem>>
      %dma_start3A = arith.constant 0 : i32
      %dma_start3A_3788 = tpu.memref_slice %arg13[%run_scoped3A_3758, %dma_start3A] : memref<8x128xf32, #tpu.memory_space<vmem>> -> memref<1x128xf32, #tpu.memory_space<vmem>>
      %dma_start3A_3789 = tpu.memref_squeeze %dma_start3A_3788 : memref<1x128xf32, #tpu.memory_space<vmem>> -> memref<128xf32, #tpu.memory_space<vmem>>
      %dma_start3A_3790 = arith.constant 0 : i32
      %dma_start3A_3791 = tpu.memref_slice %arg12[%run_scoped3A_3759, %dma_start3A_3790] : memref<8x128xi32, #tpu.memory_space<vmem>> -> memref<1x128xi32, #tpu.memory_space<vmem>>
      %dma_start3A_3792 = tpu.memref_squeeze %dma_start3A_3791 : memref<1x128xi32, #tpu.memory_space<vmem>> -> memref<128xi32, #tpu.memory_space<vmem>>
      %dma_start3A_3793 = arith.constant 0 : i32
      %dma_start3A_3794 = tpu.memref_slice %arg17[%dma_start3A_3793] : memref<800xf32, #tpu.memory_space<vmem_shared>> -> memref<800xf32, #tpu.memory_space<vmem_shared>>
      tpu.enqueue_indirect_dma source(%dma_start3A_3789 : memref<128xf32, #tpu.memory_space<vmem>>) target(%dma_start3A_3794 : memref<800xf32, #tpu.memory_space<vmem_shared>>) offsets(%dma_start3A_3792 : memref<128xi32, #tpu.memory_space<vmem>>) semaphore(%run_scoped3A_3787 : memref<!tpu.dma_semaphore, #tpu.memory_space<semaphore_mem>>) {add = true}
      %dma_wait3A = arith.constant 0 : i32
      %dma_wait3A_3795 = tpu.memref_slice %arg13[%run_scoped3A_3758, %dma_wait3A] : memref<8x128xf32, #tpu.memory_space<vmem>> -> memref<1x128xf32, #tpu.memory_space<vmem>>
      %dma_wait3A_3796 = tpu.memref_squeeze %dma_wait3A_3795 : memref<1x128xf32, #tpu.memory_space<vmem>> -> memref<128xf32, #tpu.memory_space<vmem>>
      %dma_wait3A_3797 = arith.constant 0 : i32
      %dma_wait3A_3798 = tpu.memref_slice %arg12[%run_scoped3A_3759, %dma_wait3A_3797] : memref<8x128xi32, #tpu.memory_space<vmem>> -> memref<1x128xi32, #tpu.memory_space<vmem>>
      %dma_wait3A_3799 = tpu.memref_squeeze %dma_wait3A_3798 : memref<1x128xi32, #tpu.memory_space<vmem>> -> memref<128xi32, #tpu.memory_space<vmem>>
      %dma_wait3A_3800 = arith.constant 0 : i32
      %dma_wait3A_3801 = tpu.memref_slice %arg17[%dma_wait3A_3800] : memref<800xf32, #tpu.memory_space<vmem_shared>> -> memref<800xf32, #tpu.memory_space<vmem_shared>>
      tpu.wait_indirect_dma semaphore(%run_scoped3A_3787 : memref<!tpu.dma_semaphore, #tpu.memory_space<semaphore_mem>>) src(%dma_wait3A_3796 : memref<128xf32, #tpu.memory_space<vmem>>) dst(%dma_wait3A_3801 : memref<800xf32, #tpu.memory_space<vmem_shared>>)
      tpu.yield
    }) : () -> ()
    %run_scoped3A_3760 = arith.constant 5 : i32
    %run_scoped3A_3761 = arith.constant 5 : i32
    "tpu.region"() ({
      %run_scoped3A_3787 = tpu.sem_alloc : memref<!tpu.dma_semaphore, #tpu.memory_space<semaphore_mem>>
      %dma_start3A = arith.constant 0 : i32
      %dma_start3A_3788 = tpu.memref_slice %arg11[%run_scoped3A_3760, %dma_start3A] : memref<8x128xf32, #tpu.memory_space<vmem>> -> memref<1x128xf32, #tpu.memory_space<vmem>>
      %dma_start3A_3789 = tpu.memref_squeeze %dma_start3A_3788 : memref<1x128xf32, #tpu.memory_space<vmem>> -> memref<128xf32, #tpu.memory_space<vmem>>
      %dma_start3A_3790 = arith.constant 0 : i32
      %dma_start3A_3791 = tpu.memref_slice %arg10[%run_scoped3A_3761, %dma_start3A_3790] : memref<8x128xi32, #tpu.memory_space<vmem>> -> memref<1x128xi32, #tpu.memory_space<vmem>>
      %dma_start3A_3792 = tpu.memref_squeeze %dma_start3A_3791 : memref<1x128xi32, #tpu.memory_space<vmem>> -> memref<128xi32, #tpu.memory_space<vmem>>
      %dma_start3A_3793 = arith.constant 0 : i32
      %dma_start3A_3794 = tpu.memref_slice %arg16[%dma_start3A_3793] : memref<640000xf32, #tpu.memory_space<vmem_shared>> -> memref<640000xf32, #tpu.memory_space<vmem_shared>>
      tpu.enqueue_indirect_dma source(%dma_start3A_3789 : memref<128xf32, #tpu.memory_space<vmem>>) target(%dma_start3A_3794 : memref<640000xf32, #tpu.memory_space<vmem_shared>>) offsets(%dma_start3A_3792 : memref<128xi32, #tpu.memory_space<vmem>>) semaphore(%run_scoped3A_3787 : memref<!tpu.dma_semaphore, #tpu.memory_space<semaphore_mem>>) {add = true}
      %dma_wait3A = arith.constant 0 : i32
      %dma_wait3A_3795 = tpu.memref_slice %arg11[%run_scoped3A_3760, %dma_wait3A] : memref<8x128xf32, #tpu.memory_space<vmem>> -> memref<1x128xf32, #tpu.memory_space<vmem>>
      %dma_wait3A_3796 = tpu.memref_squeeze %dma_wait3A_3795 : memref<1x128xf32, #tpu.memory_space<vmem>> -> memref<128xf32, #tpu.memory_space<vmem>>
      %dma_wait3A_3797 = arith.constant 0 : i32
      %dma_wait3A_3798 = tpu.memref_slice %arg10[%run_scoped3A_3761, %dma_wait3A_3797] : memref<8x128xi32, #tpu.memory_space<vmem>> -> memref<1x128xi32, #tpu.memory_space<vmem>>
      %dma_wait3A_3799 = tpu.memref_squeeze %dma_wait3A_3798 : memref<1x128xi32, #tpu.memory_space<vmem>> -> memref<128xi32, #tpu.memory_space<vmem>>
      %dma_wait3A_3800 = arith.constant 0 : i32
      %dma_wait3A_3801 = tpu.memref_slice %arg16[%dma_wait3A_3800] : memref<640000xf32, #tpu.memory_space<vmem_shared>> -> memref<640000xf32, #tpu.memory_space<vmem_shared>>
      tpu.wait_indirect_dma semaphore(%run_scoped3A_3787 : memref<!tpu.dma_semaphore, #tpu.memory_space<semaphore_mem>>) src(%dma_wait3A_3796 : memref<128xf32, #tpu.memory_space<vmem>>) dst(%dma_wait3A_3801 : memref<640000xf32, #tpu.memory_space<vmem_shared>>)
      tpu.yield
    }) : () -> ()
    %run_scoped3A_3762 = arith.constant 5 : i32
    %run_scoped3A_3763 = arith.constant 5 : i32
    "tpu.region"() ({
      %run_scoped3A_3787 = tpu.sem_alloc : memref<!tpu.dma_semaphore, #tpu.memory_space<semaphore_mem>>
      %dma_start3A = arith.constant 0 : i32
      %dma_start3A_3788 = tpu.memref_slice %arg13[%run_scoped3A_3762, %dma_start3A] : memref<8x128xf32, #tpu.memory_space<vmem>> -> memref<1x128xf32, #tpu.memory_space<vmem>>
      %dma_start3A_3789 = tpu.memref_squeeze %dma_start3A_3788 : memref<1x128xf32, #tpu.memory_space<vmem>> -> memref<128xf32, #tpu.memory_space<vmem>>
      %dma_start3A_3790 = arith.constant 0 : i32
      %dma_start3A_3791 = tpu.memref_slice %arg12[%run_scoped3A_3763, %dma_start3A_3790] : memref<8x128xi32, #tpu.memory_space<vmem>> -> memref<1x128xi32, #tpu.memory_space<vmem>>
      %dma_start3A_3792 = tpu.memref_squeeze %dma_start3A_3791 : memref<1x128xi32, #tpu.memory_space<vmem>> -> memref<128xi32, #tpu.memory_space<vmem>>
      %dma_start3A_3793 = arith.constant 0 : i32
      %dma_start3A_3794 = tpu.memref_slice %arg17[%dma_start3A_3793] : memref<800xf32, #tpu.memory_space<vmem_shared>> -> memref<800xf32, #tpu.memory_space<vmem_shared>>
      tpu.enqueue_indirect_dma source(%dma_start3A_3789 : memref<128xf32, #tpu.memory_space<vmem>>) target(%dma_start3A_3794 : memref<800xf32, #tpu.memory_space<vmem_shared>>) offsets(%dma_start3A_3792 : memref<128xi32, #tpu.memory_space<vmem>>) semaphore(%run_scoped3A_3787 : memref<!tpu.dma_semaphore, #tpu.memory_space<semaphore_mem>>) {add = true}
      %dma_wait3A = arith.constant 0 : i32
      %dma_wait3A_3795 = tpu.memref_slice %arg13[%run_scoped3A_3762, %dma_wait3A] : memref<8x128xf32, #tpu.memory_space<vmem>> -> memref<1x128xf32, #tpu.memory_space<vmem>>
      %dma_wait3A_3796 = tpu.memref_squeeze %dma_wait3A_3795 : memref<1x128xf32, #tpu.memory_space<vmem>> -> memref<128xf32, #tpu.memory_space<vmem>>
      %dma_wait3A_3797 = arith.constant 0 : i32
      %dma_wait3A_3798 = tpu.memref_slice %arg12[%run_scoped3A_3763, %dma_wait3A_3797] : memref<8x128xi32, #tpu.memory_space<vmem>> -> memref<1x128xi32, #tpu.memory_space<vmem>>
      %dma_wait3A_3799 = tpu.memref_squeeze %dma_wait3A_3798 : memref<1x128xi32, #tpu.memory_space<vmem>> -> memref<128xi32, #tpu.memory_space<vmem>>
      %dma_wait3A_3800 = arith.constant 0 : i32
      %dma_wait3A_3801 = tpu.memref_slice %arg17[%dma_wait3A_3800] : memref<800xf32, #tpu.memory_space<vmem_shared>> -> memref<800xf32, #tpu.memory_space<vmem_shared>>
      tpu.wait_indirect_dma semaphore(%run_scoped3A_3787 : memref<!tpu.dma_semaphore, #tpu.memory_space<semaphore_mem>>) src(%dma_wait3A_3796 : memref<128xf32, #tpu.memory_space<vmem>>) dst(%dma_wait3A_3801 : memref<800xf32, #tpu.memory_space<vmem_shared>>)
      tpu.yield
    }) : () -> ()
    %run_scoped3A_3764 = arith.constant 6 : i32
    %run_scoped3A_3765 = arith.constant 6 : i32
    "tpu.region"() ({
      %run_scoped3A_3787 = tpu.sem_alloc : memref<!tpu.dma_semaphore, #tpu.memory_space<semaphore_mem>>
      %dma_start3A = arith.constant 0 : i32
      %dma_start3A_3788 = tpu.memref_slice %arg11[%run_scoped3A_3764, %dma_start3A] : memref<8x128xf32, #tpu.memory_space<vmem>> -> memref<1x128xf32, #tpu.memory_space<vmem>>
      %dma_start3A_3789 = tpu.memref_squeeze %dma_start3A_3788 : memref<1x128xf32, #tpu.memory_space<vmem>> -> memref<128xf32, #tpu.memory_space<vmem>>
      %dma_start3A_3790 = arith.constant 0 : i32
      %dma_start3A_3791 = tpu.memref_slice %arg10[%run_scoped3A_3765, %dma_start3A_3790] : memref<8x128xi32, #tpu.memory_space<vmem>> -> memref<1x128xi32, #tpu.memory_space<vmem>>
      %dma_start3A_3792 = tpu.memref_squeeze %dma_start3A_3791 : memref<1x128xi32, #tpu.memory_space<vmem>> -> memref<128xi32, #tpu.memory_space<vmem>>
      %dma_start3A_3793 = arith.constant 0 : i32
      %dma_start3A_3794 = tpu.memref_slice %arg16[%dma_start3A_3793] : memref<640000xf32, #tpu.memory_space<vmem_shared>> -> memref<640000xf32, #tpu.memory_space<vmem_shared>>
      tpu.enqueue_indirect_dma source(%dma_start3A_3789 : memref<128xf32, #tpu.memory_space<vmem>>) target(%dma_start3A_3794 : memref<640000xf32, #tpu.memory_space<vmem_shared>>) offsets(%dma_start3A_3792 : memref<128xi32, #tpu.memory_space<vmem>>) semaphore(%run_scoped3A_3787 : memref<!tpu.dma_semaphore, #tpu.memory_space<semaphore_mem>>) {add = true}
      %dma_wait3A = arith.constant 0 : i32
      %dma_wait3A_3795 = tpu.memref_slice %arg11[%run_scoped3A_3764, %dma_wait3A] : memref<8x128xf32, #tpu.memory_space<vmem>> -> memref<1x128xf32, #tpu.memory_space<vmem>>
      %dma_wait3A_3796 = tpu.memref_squeeze %dma_wait3A_3795 : memref<1x128xf32, #tpu.memory_space<vmem>> -> memref<128xf32, #tpu.memory_space<vmem>>
      %dma_wait3A_3797 = arith.constant 0 : i32
      %dma_wait3A_3798 = tpu.memref_slice %arg10[%run_scoped3A_3765, %dma_wait3A_3797] : memref<8x128xi32, #tpu.memory_space<vmem>> -> memref<1x128xi32, #tpu.memory_space<vmem>>
      %dma_wait3A_3799 = tpu.memref_squeeze %dma_wait3A_3798 : memref<1x128xi32, #tpu.memory_space<vmem>> -> memref<128xi32, #tpu.memory_space<vmem>>
      %dma_wait3A_3800 = arith.constant 0 : i32
      %dma_wait3A_3801 = tpu.memref_slice %arg16[%dma_wait3A_3800] : memref<640000xf32, #tpu.memory_space<vmem_shared>> -> memref<640000xf32, #tpu.memory_space<vmem_shared>>
      tpu.wait_indirect_dma semaphore(%run_scoped3A_3787 : memref<!tpu.dma_semaphore, #tpu.memory_space<semaphore_mem>>) src(%dma_wait3A_3796 : memref<128xf32, #tpu.memory_space<vmem>>) dst(%dma_wait3A_3801 : memref<640000xf32, #tpu.memory_space<vmem_shared>>)
      tpu.yield
    }) : () -> ()
    %run_scoped3A_3766 = arith.constant 6 : i32
    %run_scoped3A_3767 = arith.constant 6 : i32
    "tpu.region"() ({
      %run_scoped3A_3787 = tpu.sem_alloc : memref<!tpu.dma_semaphore, #tpu.memory_space<semaphore_mem>>
      %dma_start3A = arith.constant 0 : i32
      %dma_start3A_3788 = tpu.memref_slice %arg13[%run_scoped3A_3766, %dma_start3A] : memref<8x128xf32, #tpu.memory_space<vmem>> -> memref<1x128xf32, #tpu.memory_space<vmem>>
      %dma_start3A_3789 = tpu.memref_squeeze %dma_start3A_3788 : memref<1x128xf32, #tpu.memory_space<vmem>> -> memref<128xf32, #tpu.memory_space<vmem>>
      %dma_start3A_3790 = arith.constant 0 : i32
      %dma_start3A_3791 = tpu.memref_slice %arg12[%run_scoped3A_3767, %dma_start3A_3790] : memref<8x128xi32, #tpu.memory_space<vmem>> -> memref<1x128xi32, #tpu.memory_space<vmem>>
      %dma_start3A_3792 = tpu.memref_squeeze %dma_start3A_3791 : memref<1x128xi32, #tpu.memory_space<vmem>> -> memref<128xi32, #tpu.memory_space<vmem>>
      %dma_start3A_3793 = arith.constant 0 : i32
      %dma_start3A_3794 = tpu.memref_slice %arg17[%dma_start3A_3793] : memref<800xf32, #tpu.memory_space<vmem_shared>> -> memref<800xf32, #tpu.memory_space<vmem_shared>>
      tpu.enqueue_indirect_dma source(%dma_start3A_3789 : memref<128xf32, #tpu.memory_space<vmem>>) target(%dma_start3A_3794 : memref<800xf32, #tpu.memory_space<vmem_shared>>) offsets(%dma_start3A_3792 : memref<128xi32, #tpu.memory_space<vmem>>) semaphore(%run_scoped3A_3787 : memref<!tpu.dma_semaphore, #tpu.memory_space<semaphore_mem>>) {add = true}
      %dma_wait3A = arith.constant 0 : i32
      %dma_wait3A_3795 = tpu.memref_slice %arg13[%run_scoped3A_3766, %dma_wait3A] : memref<8x128xf32, #tpu.memory_space<vmem>> -> memref<1x128xf32, #tpu.memory_space<vmem>>
      %dma_wait3A_3796 = tpu.memref_squeeze %dma_wait3A_3795 : memref<1x128xf32, #tpu.memory_space<vmem>> -> memref<128xf32, #tpu.memory_space<vmem>>
      %dma_wait3A_3797 = arith.constant 0 : i32
      %dma_wait3A_3798 = tpu.memref_slice %arg12[%run_scoped3A_3767, %dma_wait3A_3797] : memref<8x128xi32, #tpu.memory_space<vmem>> -> memref<1x128xi32, #tpu.memory_space<vmem>>
      %dma_wait3A_3799 = tpu.memref_squeeze %dma_wait3A_3798 : memref<1x128xi32, #tpu.memory_space<vmem>> -> memref<128xi32, #tpu.memory_space<vmem>>
      %dma_wait3A_3800 = arith.constant 0 : i32
      %dma_wait3A_3801 = tpu.memref_slice %arg17[%dma_wait3A_3800] : memref<800xf32, #tpu.memory_space<vmem_shared>> -> memref<800xf32, #tpu.memory_space<vmem_shared>>
      tpu.wait_indirect_dma semaphore(%run_scoped3A_3787 : memref<!tpu.dma_semaphore, #tpu.memory_space<semaphore_mem>>) src(%dma_wait3A_3796 : memref<128xf32, #tpu.memory_space<vmem>>) dst(%dma_wait3A_3801 : memref<800xf32, #tpu.memory_space<vmem_shared>>)
      tpu.yield
    }) : () -> ()
    %run_scoped3A_3768 = arith.constant 7 : i32
    %run_scoped3A_3769 = arith.constant 7 : i32
    "tpu.region"() ({
      %run_scoped3A_3787 = tpu.sem_alloc : memref<!tpu.dma_semaphore, #tpu.memory_space<semaphore_mem>>
      %dma_start3A = arith.constant 0 : i32
      %dma_start3A_3788 = tpu.memref_slice %arg11[%run_scoped3A_3768, %dma_start3A] : memref<8x128xf32, #tpu.memory_space<vmem>> -> memref<1x128xf32, #tpu.memory_space<vmem>>
      %dma_start3A_3789 = tpu.memref_squeeze %dma_start3A_3788 : memref<1x128xf32, #tpu.memory_space<vmem>> -> memref<128xf32, #tpu.memory_space<vmem>>
      %dma_start3A_3790 = arith.constant 0 : i32
      %dma_start3A_3791 = tpu.memref_slice %arg10[%run_scoped3A_3769, %dma_start3A_3790] : memref<8x128xi32, #tpu.memory_space<vmem>> -> memref<1x128xi32, #tpu.memory_space<vmem>>
      %dma_start3A_3792 = tpu.memref_squeeze %dma_start3A_3791 : memref<1x128xi32, #tpu.memory_space<vmem>> -> memref<128xi32, #tpu.memory_space<vmem>>
      %dma_start3A_3793 = arith.constant 0 : i32
      %dma_start3A_3794 = tpu.memref_slice %arg16[%dma_start3A_3793] : memref<640000xf32, #tpu.memory_space<vmem_shared>> -> memref<640000xf32, #tpu.memory_space<vmem_shared>>
      tpu.enqueue_indirect_dma source(%dma_start3A_3789 : memref<128xf32, #tpu.memory_space<vmem>>) target(%dma_start3A_3794 : memref<640000xf32, #tpu.memory_space<vmem_shared>>) offsets(%dma_start3A_3792 : memref<128xi32, #tpu.memory_space<vmem>>) semaphore(%run_scoped3A_3787 : memref<!tpu.dma_semaphore, #tpu.memory_space<semaphore_mem>>) {add = true}
      %dma_wait3A = arith.constant 0 : i32
      %dma_wait3A_3795 = tpu.memref_slice %arg11[%run_scoped3A_3768, %dma_wait3A] : memref<8x128xf32, #tpu.memory_space<vmem>> -> memref<1x128xf32, #tpu.memory_space<vmem>>
      %dma_wait3A_3796 = tpu.memref_squeeze %dma_wait3A_3795 : memref<1x128xf32, #tpu.memory_space<vmem>> -> memref<128xf32, #tpu.memory_space<vmem>>
      %dma_wait3A_3797 = arith.constant 0 : i32
      %dma_wait3A_3798 = tpu.memref_slice %arg10[%run_scoped3A_3769, %dma_wait3A_3797] : memref<8x128xi32, #tpu.memory_space<vmem>> -> memref<1x128xi32, #tpu.memory_space<vmem>>
      %dma_wait3A_3799 = tpu.memref_squeeze %dma_wait3A_3798 : memref<1x128xi32, #tpu.memory_space<vmem>> -> memref<128xi32, #tpu.memory_space<vmem>>
      %dma_wait3A_3800 = arith.constant 0 : i32
      %dma_wait3A_3801 = tpu.memref_slice %arg16[%dma_wait3A_3800] : memref<640000xf32, #tpu.memory_space<vmem_shared>> -> memref<640000xf32, #tpu.memory_space<vmem_shared>>
      tpu.wait_indirect_dma semaphore(%run_scoped3A_3787 : memref<!tpu.dma_semaphore, #tpu.memory_space<semaphore_mem>>) src(%dma_wait3A_3796 : memref<128xf32, #tpu.memory_space<vmem>>) dst(%dma_wait3A_3801 : memref<640000xf32, #tpu.memory_space<vmem_shared>>)
      tpu.yield
    }) : () -> ()
    %run_scoped3A_3770 = arith.constant 7 : i32
    %run_scoped3A_3771 = arith.constant 7 : i32
    "tpu.region"() ({
      %run_scoped3A_3787 = tpu.sem_alloc : memref<!tpu.dma_semaphore, #tpu.memory_space<semaphore_mem>>
      %dma_start3A = arith.constant 0 : i32
      %dma_start3A_3788 = tpu.memref_slice %arg13[%run_scoped3A_3770, %dma_start3A] : memref<8x128xf32, #tpu.memory_space<vmem>> -> memref<1x128xf32, #tpu.memory_space<vmem>>
      %dma_start3A_3789 = tpu.memref_squeeze %dma_start3A_3788 : memref<1x128xf32, #tpu.memory_space<vmem>> -> memref<128xf32, #tpu.memory_space<vmem>>
      %dma_start3A_3790 = arith.constant 0 : i32
      %dma_start3A_3791 = tpu.memref_slice %arg12[%run_scoped3A_3771, %dma_start3A_3790] : memref<8x128xi32, #tpu.memory_space<vmem>> -> memref<1x128xi32, #tpu.memory_space<vmem>>
      %dma_start3A_3792 = tpu.memref_squeeze %dma_start3A_3791 : memref<1x128xi32, #tpu.memory_space<vmem>> -> memref<128xi32, #tpu.memory_space<vmem>>
      %dma_start3A_3793 = arith.constant 0 : i32
      %dma_start3A_3794 = tpu.memref_slice %arg17[%dma_start3A_3793] : memref<800xf32, #tpu.memory_space<vmem_shared>> -> memref<800xf32, #tpu.memory_space<vmem_shared>>
      tpu.enqueue_indirect_dma source(%dma_start3A_3789 : memref<128xf32, #tpu.memory_space<vmem>>) target(%dma_start3A_3794 : memref<800xf32, #tpu.memory_space<vmem_shared>>) offsets(%dma_start3A_3792 : memref<128xi32, #tpu.memory_space<vmem>>) semaphore(%run_scoped3A_3787 : memref<!tpu.dma_semaphore, #tpu.memory_space<semaphore_mem>>) {add = true}
      %dma_wait3A = arith.constant 0 : i32
      %dma_wait3A_3795 = tpu.memref_slice %arg13[%run_scoped3A_3770, %dma_wait3A] : memref<8x128xf32, #tpu.memory_space<vmem>> -> memref<1x128xf32, #tpu.memory_space<vmem>>
      %dma_wait3A_3796 = tpu.memref_squeeze %dma_wait3A_3795 : memref<1x128xf32, #tpu.memory_space<vmem>> -> memref<128xf32, #tpu.memory_space<vmem>>
      %dma_wait3A_3797 = arith.constant 0 : i32
      %dma_wait3A_3798 = tpu.memref_slice %arg12[%run_scoped3A_3771, %dma_wait3A_3797] : memref<8x128xi32, #tpu.memory_space<vmem>> -> memref<1x128xi32, #tpu.memory_space<vmem>>
      %dma_wait3A_3799 = tpu.memref_squeeze %dma_wait3A_3798 : memref<1x128xi32, #tpu.memory_space<vmem>> -> memref<128xi32, #tpu.memory_space<vmem>>
      %dma_wait3A_3800 = arith.constant 0 : i32
      %dma_wait3A_3801 = tpu.memref_slice %arg17[%dma_wait3A_3800] : memref<800xf32, #tpu.memory_space<vmem_shared>> -> memref<800xf32, #tpu.memory_space<vmem_shared>>
      tpu.wait_indirect_dma semaphore(%run_scoped3A_3787 : memref<!tpu.dma_semaphore, #tpu.memory_space<semaphore_mem>>) src(%dma_wait3A_3796 : memref<128xf32, #tpu.memory_space<vmem>>) dst(%dma_wait3A_3801 : memref<800xf32, #tpu.memory_space<vmem_shared>>)
      tpu.yield
    }) : () -> ()
    %barrier3A_3772 = arith.constant 0 : index
    tpu.barrier barrier_id(%barrier3A_3772)
    %mul3A_3773 = arith.constant 640000 : i32
    %mul3A_3774 = arith.muli %arg0, %mul3A_3773 : i32
    %mul3A_3775 = arith.constant 40000 : i32
    %mul3A_3776 = arith.muli %arg1, %mul3A_3775 : i32
    %add3A_3777 = arith.addi %mul3A_3774, %mul3A_3776 : i32
    %multiple_of3A_3778 = tpu.assume_multiple %add3A_3777, 8 : i32
    %mul3A_3779 = arith.constant 40000 : i32
    %mul3A_3780 = arith.muli %arg1, %mul3A_3779 : i32
    %multiple_of3A_3781 = tpu.assume_multiple %mul3A_3780, 8 : i32
    "tpu.region"() ({
      %run_scoped3A_3787 = tpu.sem_alloc : memref<!tpu.dma_semaphore, #tpu.memory_space<semaphore_mem>>
      %dma_start3A = tpu.memref_slice %arg16[%multiple_of3A_3781] : memref<640000xf32, #tpu.memory_space<vmem_shared>> -> memref<40000xf32, #tpu.memory_space<vmem_shared>>
      %dma_start3A_3788 = tpu.memref_slice %arg16[%multiple_of3A_3781] : memref<640000xf32, #tpu.memory_space<vmem_shared>> -> memref<40000xf32, #tpu.memory_space<vmem_shared>>
      tpu.enqueue_dma source(%dma_start3A_3788 : memref<40000xf32, #tpu.memory_space<vmem_shared>>) target(%arg15 : memref<40000xf32, #tpu.memory_space<vmem>>) target_semaphore(%run_scoped3A_3787 : memref<!tpu.dma_semaphore, #tpu.memory_space<semaphore_mem>>)
      %dma_wait3A = tpu.memref_slice %arg16[%multiple_of3A_3781] : memref<640000xf32, #tpu.memory_space<vmem_shared>> -> memref<40000xf32, #tpu.memory_space<vmem_shared>>
      %dma_wait3A_3789 = tpu.memref_slice %arg16[%multiple_of3A_3781] : memref<640000xf32, #tpu.memory_space<vmem_shared>> -> memref<40000xf32, #tpu.memory_space<vmem_shared>>
      tpu.wait_dma2 semaphore(%run_scoped3A_3787 : memref<!tpu.dma_semaphore, #tpu.memory_space<semaphore_mem>>) src(%dma_wait3A_3789 : memref<40000xf32, #tpu.memory_space<vmem_shared>>) dst(%arg15 : memref<40000xf32, #tpu.memory_space<vmem>>)
      tpu.yield
    }) : () -> ()
    "tpu.region"() ({
      %run_scoped3A_3787 = tpu.sem_alloc : memref<!tpu.dma_semaphore, #tpu.memory_space<semaphore_mem>>
      %dma_start3A = tpu.memref_slice %arg5[%multiple_of3A_3778] : memref<1280000xf32, #tpu.memory_space<hbm>> -> memref<40000xf32, #tpu.memory_space<hbm>>
      %dma_start3A_3788 = tpu.memref_slice %arg5[%multiple_of3A_3778] : memref<1280000xf32, #tpu.memory_space<hbm>> -> memref<40000xf32, #tpu.memory_space<hbm>>
      tpu.enqueue_dma source(%arg15 : memref<40000xf32, #tpu.memory_space<vmem>>) target(%dma_start3A_3788 : memref<40000xf32, #tpu.memory_space<hbm>>) target_semaphore(%run_scoped3A_3787 : memref<!tpu.dma_semaphore, #tpu.memory_space<semaphore_mem>>)
      %dma_wait3A = tpu.memref_slice %arg5[%multiple_of3A_3778] : memref<1280000xf32, #tpu.memory_space<hbm>> -> memref<40000xf32, #tpu.memory_space<hbm>>
      %dma_wait3A_3789 = tpu.memref_slice %arg5[%multiple_of3A_3778] : memref<1280000xf32, #tpu.memory_space<hbm>> -> memref<40000xf32, #tpu.memory_space<hbm>>
      tpu.wait_dma2 semaphore(%run_scoped3A_3787 : memref<!tpu.dma_semaphore, #tpu.memory_space<semaphore_mem>>) src(%arg15 : memref<40000xf32, #tpu.memory_space<vmem>>) dst(%dma_wait3A_3789 : memref<40000xf32, #tpu.memory_space<hbm>>)
      tpu.yield
    }) : () -> ()
    %eq3A_3782 = arith.constant 1 : i32
    %eq3A_3783 = arith.cmpi eq, %arg1, %eq3A_3782 : i32
    %convert_element_type3A_3784 = arith.extui %eq3A_3783 : i1 to i32
    %cond3A_3785 = arith.constant 0 : i32
    %cond3A_3786 = arith.cmpi ne, %convert_element_type3A_3784, %cond3A_3785 : i32
    scf.if %cond3A_3786 {
      "tpu.region"() ({
        %run_scoped3A_3790 = tpu.sem_alloc : memref<!tpu.dma_semaphore, #tpu.memory_space<semaphore_mem>>
        %dma_start3A = arith.constant 0 : i32
        %dma_start3A_3791 = tpu.memref_slice %arg14[%dma_start3A] : memref<8000xf32, #tpu.memory_space<vmem>> -> memref<800xf32, #tpu.memory_space<vmem>>
        %dma_start3A_3792 = arith.constant 0 : i32
        %dma_start3A_3793 = tpu.memref_slice %arg17[%dma_start3A_3792] : memref<800xf32, #tpu.memory_space<vmem_shared>> -> memref<800xf32, #tpu.memory_space<vmem_shared>>
        %dma_start3A_3794 = arith.constant 0 : i32
        %dma_start3A_3795 = tpu.memref_slice %arg14[%dma_start3A_3794] : memref<8000xf32, #tpu.memory_space<vmem>> -> memref<800xf32, #tpu.memory_space<vmem>>
        %dma_start3A_3796 = arith.constant 0 : i32
        %dma_start3A_3797 = tpu.memref_slice %arg17[%dma_start3A_3796] : memref<800xf32, #tpu.memory_space<vmem_shared>> -> memref<800xf32, #tpu.memory_space<vmem_shared>>
        tpu.enqueue_dma source(%dma_start3A_3797 : memref<800xf32, #tpu.memory_space<vmem_shared>>) target(%dma_start3A_3795 : memref<800xf32, #tpu.memory_space<vmem>>) target_semaphore(%run_scoped3A_3790 : memref<!tpu.dma_semaphore, #tpu.memory_space<semaphore_mem>>)
        %dma_wait3A = arith.constant 0 : i32
        %dma_wait3A_3798 = tpu.memref_slice %arg14[%dma_wait3A] : memref<8000xf32, #tpu.memory_space<vmem>> -> memref<800xf32, #tpu.memory_space<vmem>>
        %dma_wait3A_3799 = arith.constant 0 : i32
        %dma_wait3A_3800 = tpu.memref_slice %arg17[%dma_wait3A_3799] : memref<800xf32, #tpu.memory_space<vmem_shared>> -> memref<800xf32, #tpu.memory_space<vmem_shared>>
        %dma_wait3A_3801 = arith.constant 0 : i32
        %dma_wait3A_3802 = tpu.memref_slice %arg14[%dma_wait3A_3801] : memref<8000xf32, #tpu.memory_space<vmem>> -> memref<800xf32, #tpu.memory_space<vmem>>
        %dma_wait3A_3803 = arith.constant 0 : i32
        %dma_wait3A_3804 = tpu.memref_slice %arg17[%dma_wait3A_3803] : memref<800xf32, #tpu.memory_space<vmem_shared>> -> memref<800xf32, #tpu.memory_space<vmem_shared>>
        tpu.wait_dma2 semaphore(%run_scoped3A_3790 : memref<!tpu.dma_semaphore, #tpu.memory_space<semaphore_mem>>) src(%dma_wait3A_3804 : memref<800xf32, #tpu.memory_space<vmem_shared>>) dst(%dma_wait3A_3802 : memref<800xf32, #tpu.memory_space<vmem>>)
        tpu.yield
      }) : () -> ()
      %mul3A_3787 = arith.constant 800 : i32
      %mul3A_3788 = arith.muli %arg0, %mul3A_3787 : i32
      %multiple_of3A_3789 = tpu.assume_multiple %mul3A_3788, 8 : i32
      "tpu.region"() ({
        %run_scoped3A_3790 = tpu.sem_alloc : memref<!tpu.dma_semaphore, #tpu.memory_space<semaphore_mem>>
        %dma_start3A = arith.constant 0 : i32
        %dma_start3A_3791 = tpu.memref_slice %arg14[%dma_start3A] : memref<8000xf32, #tpu.memory_space<vmem>> -> memref<800xf32, #tpu.memory_space<vmem>>
        %dma_start3A_3792 = tpu.memref_slice %arg6[%multiple_of3A_3789] : memref<1600xf32, #tpu.memory_space<hbm>> -> memref<800xf32, #tpu.memory_space<hbm>>
        %dma_start3A_3793 = tpu.memref_slice %arg6[%multiple_of3A_3789] : memref<1600xf32, #tpu.memory_space<hbm>> -> memref<800xf32, #tpu.memory_space<hbm>>
        %dma_start3A_3794 = arith.constant 0 : i32
        %dma_start3A_3795 = tpu.memref_slice %arg14[%dma_start3A_3794] : memref<8000xf32, #tpu.memory_space<vmem>> -> memref<800xf32, #tpu.memory_space<vmem>>
        tpu.enqueue_dma source(%dma_start3A_3795 : memref<800xf32, #tpu.memory_space<vmem>>) target(%dma_start3A_3793 : memref<800xf32, #tpu.memory_space<hbm>>) target_semaphore(%run_scoped3A_3790 : memref<!tpu.dma_semaphore, #tpu.memory_space<semaphore_mem>>)
        %dma_wait3A = arith.constant 0 : i32
        %dma_wait3A_3796 = tpu.memref_slice %arg14[%dma_wait3A] : memref<8000xf32, #tpu.memory_space<vmem>> -> memref<800xf32, #tpu.memory_space<vmem>>
        %dma_wait3A_3797 = tpu.memref_slice %arg6[%multiple_of3A_3789] : memref<1600xf32, #tpu.memory_space<hbm>> -> memref<800xf32, #tpu.memory_space<hbm>>
        %dma_wait3A_3798 = tpu.memref_slice %arg6[%multiple_of3A_3789] : memref<1600xf32, #tpu.memory_space<hbm>> -> memref<800xf32, #tpu.memory_space<hbm>>
        %dma_wait3A_3799 = arith.constant 0 : i32
        %dma_wait3A_3800 = tpu.memref_slice %arg14[%dma_wait3A_3799] : memref<8000xf32, #tpu.memory_space<vmem>> -> memref<800xf32, #tpu.memory_space<vmem>>
        tpu.wait_dma2 semaphore(%run_scoped3A_3790 : memref<!tpu.dma_semaphore, #tpu.memory_space<semaphore_mem>>) src(%dma_wait3A_3800 : memref<800xf32, #tpu.memory_space<vmem>>) dst(%dma_wait3A_3798 : memref<800xf32, #tpu.memory_space<hbm>>)
        tpu.yield
      }) : () -> ()
    } else {
    }
    return
  }
}

</mosaic_0001>

<sc_bundles>
// kernel: _sc_scatter.3.cloned.1.call-start
scs
__scs_entry_jumppad:
0x0: {  	(pc) =	sbr.rel $0x88, $3  }
0x1: {  	(tag) =	ssettag $0x0;
	lr =	simm.s32 $0x1  }
0x2: {  	[smem:$0x3F9E] =	sst lr;
	_ =	strace $0xD0000000  }
0x3: {  	_ = 	snop  }
0x4: {  	_ = 	snop  }
0x5: {  	_ = 	snop  }
0x6: {  	_ = 	snop  }
0x7: {  	_ = 	snop  }
__scs_overlays_trampoline_lowered:
0x8: {  	[smem:$0x3FAD] =	sst s0  }
0x9: {  	[smem:$0x3FAE] =	sst s1  }
0xa: {  	[smem:$0x3FAF] =	sst s2  }
0xb: {  	[smem:$0x3FB0] =	sst s3  }
0xc: {  	[smem:$0x3FB1] =	sst s4  }
0xd: {  	[smem:$0x3FB2] =	sst s5  }
0xe: {  	[smem:$0x3FB3] =	sst s6  }
0xf: {  	[smem:$0x3FB4] =	sst s7  }
0x10: {  	[smem:$0x3FB5] =	sst s8  }
0x11: {  	[smem:$0x3FB6] =	sst s9;
	s0 =	simm.s32 @!p0 $0x0  }
0x12: {  	s1 =	sld [smem:$0x3F9C];
	s0 =	simm.s32 @p0 $0x1  }
0x13: {  	[smem:$0x3FB7] =	sst s0;
	s0 =	simm.s32 @!p1 $0x0  }
0x14: {  	s2 =	sld [smem:$0x3F9B];
	s0 =	simm.s32 @p1 $0x1  }
0x15: {  	[smem:$0x3FB8] =	sst s0;
	s0 =	simm.s32 @!p2 $0x0  }
0x16: {  	s3 =	sld [smem:$0x3FDB];
	s0 =	simm.s32 @p2 $0x1  }
0x17: {  	s4 =	simm.s32 $0x1BF5;
	[smem:$0x3FBA] =	sst s0  }
0x18: {  	s0 =	sld [smem:$0x3F9D];
	_ =	swait.ge [sflag:s4], $0x0  }
0x19: {  	s7 =	sld [smem:$0x3F9E]  }
0x1a: {  	s8 =	sadd.s32 $0xFFFFE003, lr  }
0x1b: {  	s9 =	sadd.s32 $0xFFFFFEF7, lr;
	s5 =	simm.s32 $0xFFFFFFFF;
	p2 =	slt.u32 s8, $0xFFFFF086  }
0x1c: {  	p1 =	slt.u32 s9, $0xF7A;
	s5 =	simm.s32 @!p2 $0x0  }
0x1d: {  	s5 =	simm.s32 @p1 $0x1;
	p0 =	seq.s32 s7, s2  }
0x1e: {  	s7 =	smul.u32 @!p0 $0xF7A, s2;
	p2 =	seq.s32 @!p0 s5, $0x0  }
0x1f: {  	s9 =	smul.u32 $0xF7A, s1;
	s8 =	simm.s32 @!p0 $0x1BF5;
	p2 =	por !p2, p0  }
0x20: {  	[sflag:s8] =	ssyncset.s32 @!p0 $0xFFFFF086;
	s6 =	sadd.s32 @!p0 s3, s7;
	s7 =	simm.s32 @!p0 $0x108  }
0x21: {  	s3 =	sadd.s32 s3, s9;
	s6 =	sadd.s32 @!p0 $0x88, s6;
	s7 =	simm.s32 @p2 $0x1082  }
0x22: {  	[simem:s7], [sflag:s8] =	dma.local @!p0 [hbm:s6], $0xF7A  }
0x23: {  	s9 =	sor.u32 $0xD0000000, s2;
	s6 =	simm.s32 $0x108;
	_ =	swait.ge @!p0 [sflag:s8], $0x0  }
0x24: {  	s3 =	sadd.s32 $0x88, s3;
	s6 =	simm.s32 @!p1 $0x1082;
	[sflag:s4] =	ssyncset.s32 $0xFFFFF086  }
0x25: {  	[simem:s6], [sflag:s4] =	dma.local [hbm:s3], $0xF7A  }
0x26: {  	[smem:$0x3F9E] =	sst s1;
	(tag) =	ssettag s2;
	_ =	strace s9  }
0x27: {  	s1 =	sld [smem:$0x3FAE]  }
0x28: {  	s2 =	sld [smem:$0x3FAF]  }
0x29: {  	s4 =	sld [smem:$0x3FB1]  }
0x2a: {  	p0 =	seq.s32 s5, $0x0;
	s5 =	sld [smem:$0x3FB2]  }
0x2b: {  	s6 =	sld [smem:$0x3FB3]  }
0x2c: {  	s7 =	sld [smem:$0x3FB4]  }
0x2d: {  	s3 =	simm.s32 $0x108;
	s8 =	sld [smem:$0x3FB5]  }
0x2e: {  	s3 =	simm.s32 @!p0 $0x1082;
	s9 =	sld [smem:$0x3FB6]  }
0x2f: {  	lr =	sadd.s32 s0, s3;
	s0 =	sld [smem:$0x3FAD]  }
0x30: {  	s3 =	sld [smem:$0x3FB0]  }
0x31: {  	[smem:$0x3FB9] =	sst s10  }
0x32: {  	s10 =	sld [smem:$0x3FB7];
	_ =	sdelay $0x3  }
0x33: {  	p0 =	seq.s32 s10, $0x1;
	s10 =	sld [smem:$0x3FB9];
	_ =	sdelay $0x3  }
0x34: {  	[smem:$0x3FB9] =	sst s10  }
0x35: {  	s10 =	sld [smem:$0x3FB8];
	_ =	sdelay $0x3  }
0x36: {  	p1 =	seq.s32 s10, $0x1;
	s10 =	sld [smem:$0x3FB9];
	_ =	sdelay $0x3  }
0x37: {  	[smem:$0x3FB9] =	sst s10  }
0x38: {  	s10 =	sld [smem:$0x3FBA]  }
0x39: {  	_ = 	snop;
	(pc) =	sbr.ind lr, $3  }
0x3a: {  	_ = 	snop  }
0x3b: {  	_ = 	snop  }
0x3c: {  	p2 =	seq.s32 s10, $0x1;
	s10 =	sld [smem:$0x3FB9]  }
0x3d: {  	_ =	shalt  }
0x3e: {  	_ =	shalt  }
0x3f: {  	_ =	shalt  }
0x40: {  	_ =	shalt  }
0x41: {  	_ =	shalt  }
0x42: {  	_ =	shalt  }
0x43: {  	_ =	shalt  }
0x44: {  	_ =	shalt  }
0x45: {  	_ =	shalt  }
0x46: {  	_ =	shalt  }
0x47: {  	_ =	shalt  }
0x48: {  	_ =	shalt  }
0x49: {  	_ =	shalt  }
0x4a: {  	_ =	shalt  }
0x4b: {  	_ =	shalt  }
0x4c: {  	_ =	shalt  }
0x4d: {  	_ =	shalt  }
0x4e: {  	_ =	shalt  }
0x4f: {  	_ =	shalt  }
0x50: {  	_ =	shalt  }
0x51: {  	_ =	shalt  }
0x52: {  	_ =	shalt  }
0x53: {  	_ =	shalt  }
0x54: {  	_ =	shalt  }
0x55: {  	_ =	shalt  }
0x56: {  	_ =	shalt  }
0x57: {  	_ =	shalt  }
0x58: {  	_ =	shalt  }
0x59: {  	_ =	shalt  }
0x5a: {  	_ =	shalt  }
0x5b: {  	_ =	shalt  }
0x5c: {  	_ =	shalt  }
0x5d: {  	_ =	shalt  }
0x5e: {  	_ =	shalt  }
0x5f: {  	_ =	shalt  }
0x60: {  	_ =	shalt  }
0x61: {  	_ =	shalt  }
0x62: {  	_ =	shalt  }
0x63: {  	_ =	shalt  }
0x64: {  	_ =	shalt  }
0x65: {  	_ =	shalt  }
0x66: {  	_ =	shalt  }
0x67: {  	_ =	shalt  }
0x68: {  	_ =	shalt  }
0x69: {  	_ =	shalt  }
0x6a: {  	_ =	shalt  }
0x6b: {  	_ =	shalt  }
0x6c: {  	_ =	shalt  }
0x6d: {  	_ =	shalt  }
0x6e: {  	_ =	shalt  }
0x6f: {  	_ =	shalt  }
0x70: {  	_ =	shalt  }
0x71: {  	_ =	shalt  }
0x72: {  	_ =	shalt  }
0x73: {  	_ =	shalt  }
0x74: {  	_ =	shalt  }
0x75: {  	_ =	shalt  }
0x76: {  	_ =	shalt  }
0x77: {  	_ =	shalt  }
0x78: {  	_ =	shalt  }
0x79: {  	_ =	shalt  }
0x7a: {  	_ =	shalt  }
0x7b: {  	_ =	shalt  }
0x7c: {  	_ =	shalt  }
0x7d: {  	_ =	shalt  }
0x7e: {  	_ =	shalt  }
0x7f: {  	_ =	shalt  }
0x80: {  	_ =	shalt  }
0x81: {  	_ =	shalt  }
0x82: {  	_ =	shalt  }
0x83: {  	_ =	shalt  }
0x84: {  	_ =	shalt  }
0x85: {  	_ =	shalt  }
0x86: {  	_ =	shalt  }
0x87: {  	_ =	shalt  }
.Lfunc_end0:
.L_simem_size_0:
called_computation_lowered:
.L_overlay_start_0:
0x88: {  	s2 =	sld [smem:$0x3FD9]  }
0x89: {  	s3 =	sld [smem:$0x3FFE];
	_ =	sdelay $0x1  }
0x8a: {  	s1 =	srdreg.scid  }
0x8b: {  	s0 =	sand.u32 $0x1, s1  }
0x8c: {  	s15 =	sshll.u32 s0, $0xA;
	s2 =	sadd.s32 s3, s2  }
0x8d: {  	s2 =	sadd.s32 s2, s15  }
0x8e: {  	[smem:$0x3FC5] =	sst s2  }
0x8f: {  	_ = 	snop  }
0x90: {  	s2 =	sld [smem:$0x3FD0]  }
0x91: {  	s16 =	sld [smem:$0x3FC9]  }
0x92: {  	s4 =	sld [smem:$0x3FC8]  }
0x93: {  	s6 =	simm.s32 $0xA;
	s7 =	simm.s32 $0x10;
	s5 =	sld [smem:$0x3FC7]  }
0x94: {  	[smem:s7], [sflag:s6] =	dma.local [hbm:s2], $0x1  }
0x95: {  	_ =	swait.eq [sflag:s6], $0x1  }
0x96: {  	[sflag:s6] =	ssyncset.done $0x0  }
0x97: {  	s17 =	sld [smem:$0x10];
	[sflag:s6] =	ssyncadd.s32 $0xFFFFFFFF  }
0x98: {  	s18 =	sld [smem:$0x11];
	(tm) =	ssettm $0x1  }
0x99: {  	s19 =	sld [smem:$0x3FFB];
	_ =	sdelay $0x3  }
0x9a: {  	_ =	strace s19  }
0x9b: {  	s7 =	sld [smem:$0x3FFC];
	_ =	sdelay $0x3  }
0x9c: {  	_ =	strace s7  }
0x9d: {  	s7 =	sld [smem:$0x3FFD];
	_ =	sdelay $0x3  }
0x9e: {  	_ =	strace s7  }
0x9f: {  	_ =	strace $0x8FFFFFFF  }
0xa0: {  	s20 =	sld [smem:$0x3FDB];
	_ =	sdelay $0x1  }
0xa1: {  	s8 =	simm.s32 $_scs_section_size  }
0xa2: {  	s9 =	simm.s32 $_size__tile_overlayer_lowered;
	s10 =	simm.s32 $_tile_overlayer_lowered  }
0xa3: {  	s23 =	simm.s32 $0x1BFF;
	s22 =	sshll.u32 s10, $0x1;
	s7 =	sadd.s32 s8, s20  }
0xa4: {  	s11 =	simm.s32 $0x0;
	s21 =	sshll.u32 s9, $0x1;
	s9 =	sadd.s32 s22, s7  }
0xa5: {  	[timem:s11], [sflag:s23] =	dma.local [hbm:s9], s21  }
0xa6: {  	_ =	swait.ge [sflag:s23], s21  }
0xa7: {  	s8 =	ssub.s32 $0x0, s21;
	[sflag:s23] =	ssyncset.done $0x0  }
0xa8: {  	[sflag:s23] =	ssyncadd.s32 s8;
	_ =	sdelay $0x1  }
0xa9: {  	s24 =	simm.s32 $0x1B8B  }
0xaa: {  	_ =	swait.ge [sflag:s24], $0x1  }
0xab: {  	[sflag:s24] =	ssyncset.done $0x0  }
0xac: {  	s25 =	simm.s32 $0x1B8E;
	[sflag:s24] =	ssyncadd.s32 $0xFFFFFFFF  }
0xad: {  	s26 =	simm.s32 $execute0_lowered;
	[smem:$0x3FD2] =	sst s25  }
0xae: {  	s8 =	sshll.u32 s26, $0x1;
	_ =	strace $0x80000046;
	[dreg:$0x1] =	wrdreg $0xFFFFFFFF  }
0xaf: {  	s28 =	simm.s32 $_size_execute0_lowered;
	s7 =	sadd.s32 s7, s8;
	[dreg:$0x0] =	wrdreg $0x0  }
0xb0: {  	s8 =	sshll.u32 s28, $0x1;
	[dreg:$0x2] =	wrdreg s7  }
0xb1: {  	[dreg:$0x3] =	wrdreg s8  }
0xb2: {  	[dreg:$0x4] =	wrdreg $0xC0  }
0xb3: {  	_ =	task [dreg:s11], $0x5FFFF  }
0xb4: {  	[dreg:$0x1] =	wrdreg $0xFFFFFFFF  }
0xb5: {  	[dreg:$0x0] =	wrdreg $0x60  }
0xb6: {  	[dreg:$0x2] =	wrdreg s16  }
0xb7: {  	[dreg:$0x3] =	wrdreg s4  }
0xb8: {  	[dreg:$0x4] =	wrdreg s5  }
0xb9: {  	[dreg:$0x5] =	wrdreg s17  }
0xba: {  	[dreg:$0x6] =	wrdreg s18  }
0xbb: {  	[dreg:$0x7] =	wrdreg $0xD8000  }
0xbc: {  	[dreg:$0x8] =	wrdreg $0x174400  }
0xbd: {  	[dreg:$0x9] =	wrdreg $0x9  }
0xbe: {  	_ =	task.clear_ibuf [dreg:s11], $0xAFFFF;
	_ =	strace $0x90000046  }
0xbf: {  	s29 =	simm.s32 $0x9;
	_ =	strace $0x80000048  }
0xc0: {  	_ =	swait.ge [sflag:s29], $0x1  }
0xc1: {  	[sflag:s29] =	ssyncadd.s32 $0xFFFFFFFF  }
0xc2: {  	_ =	strace $0x90000048  }
0xc3: {  	_ =	sfence  }
0xc4: {  	s30 =	sld [smem:$0x0];
	_ =	sdelay $0x2  }
0xc5: {  	s31 =	sshll.u32 s1, $0xD;
	s1 =	sshrl.u32 s1, $0x2  }
0xc6: {  	s3 =	sand.u32 $0x4000, s31;
	s1 =	sadd.s32 s1, s30  }
0xc7: {  	s0 =	sor.u32 s3, s0;
	s1 =	sshll.u32 s1, $0x11  }
0xc8: {  	s0 =	sor.u32 s1, s0  }
0xc9: {  	s0 =	sadd.s32 $0x8F2B, s0  }
0xca: {  	[sflag:s0] =	ssyncadd.remote.s32 $0x1  }
0xcb: {  	_ =	sfence.sel $0xFFFF  }
0xcc: {  	[dreg:$0x0] =	wrdreg $0xFFFFFFFF;
	(pc) =	sbr.abs _section_cstart, $3  }
0xcd: {  	[dreg:$0x1] =	wrdreg $0xFFFFFFFF  }
0xce: {  	_ =	task.clear_ibuf [dreg:s11], $0x2FFFF;
	_ =	strace $0x9FFFFFFF  }
0xcf: {  	(tm) =	ssettm $0x7FFFFFFF  }
tec
execute0_lowered:
.L_overlay_start_1:
0x0: {  	(tag) =	ssettag $0x1  }
0x1: {  	s0 =	rddreg [dreg:$0x0]  }
0x2: {  	s10 =	rddreg [dreg:$0x1]  }
0x3: {  	s11 =	rddreg [dreg:$0x2]  }
0x4: {  	s12 =	rddreg [dreg:$0x3]  }
0x5: {  	s13 =	rddreg [dreg:$0x4]  }
0x6: {  	s1 =	rddreg [dreg:$0x5]  }
0x7: {  	s2 =	rddreg [dreg:$0x6];
	s4 =	srdreg.scid;
	s3 =	simm.s32 $0x0  }
0x8: {  	s17 =	stileid.u32;
	s19 =	simm.s32 $0x80;
	s30 =	simm.s32 $0x1A80  }
0x9: {  	s31 =	simm.s32 $0xF00;
	s20 =	simm.s32 $0xF80;
	s21 =	simm.s32 $0x1380  }
0xa: {  	s22 =	simm.s32 $0x1780;
	s23 =	simm.s32 $0x1B80;
	s24 =	simm.s32 $0x3B80  }
0xb: {  	s25 =	simm.s32 $0x0;
	s9 =	sand.u32 $0x1, s4;
	[smem:$0x7FF] =	sst s3  }
0xc: {  	s14 =	smul.u32 $0x9C40, s17;
	p0 =	sne.s32 s17, $0x0;
	p1 =	sne.s32 s17, $0x1  }
0xd: {  	s4 =	ssub.s32 $0x2, s9;
	_ =	strace $0x80000047;
	s16 =	smul.u32 $0x9C400, s9  }
0xe: {  	s26 =	sshll.u32 s9, $0x4;
	s28 =	smul.u32 $0x64, s9;
	s5 =	sshrl.u32 s4, $0x1  }
0xf: {  	s8 =	sor.u32 s17, s26;
	s17 =	simm.s32 $0x1700;
	s15 =	ssub.s32 s4, s5  }
0x10: {  	s4 =	sadd.s32 s14, s1;
	s18 =	smul.u32 $0x7D, s8;
	s14 =	sadd.s32 s14, s16  }
0x11: {  	s13 =	sadd.s32 s13, s28;
	s16 =	simm.s32 $0x1;
	s5 =	sadd.s32 $0x1F40, s4  }
0x12: {  	s6 =	sadd.s32 $0x3E80, s4;
	s7 =	sadd.s32 $0x5DC0, s4;
	s8 =	sadd.s32 $0x7D00, s4  }
0x13: {  	s29 =	sshrl.u32 s14, $0x3;
	s14 =	smax.u32 s15, $0x1;
	s15 =	simm.s32 $0x1C00  }
0x14: {  	v0 =	vimm.f32 $0.0e+00;
	v1 =	vimm.f32 $1.000000000e+00;
	vm1 =	vcmask $0x1F00;
	s9 =	sadd.s32 s0, s18;
	s10 =	sadd.s32 s10, s18;
	s11 =	sadd.s32 s11, s18  }
0x15: {  	vm0 =	vmmov $0xff;
	v3 =	vimm.s32 $0x0;
	v2 =	vsel vm1, $0x3F800000, v0;
	s12 =	sadd.s32 s12, s29;
	s0 =	simm.s32 $0x1300;
	s18 =	simm.s32 $0x1B00  }
.LBB2_1:
0x16: {  	s26 =	simm.s32 $0x40;
	s28 =	simm.s32 $0x0  }
.LBB2_2:
0x17: {  	p2 =	sne.s32 s26, $0x7CC0;
	[tilespmem:s28+$0x1C00] =	vst v0;
	s28 =	smov.u32 s26;
	s26 =	sadd.s32 $0x40, s26  }
.Ltmp0:
0x18: {  	(pc) =	sbr.rel @p2 .LBB2_2-.Ltmp0, $2  }
0x19: {  	_ =	sdelay $0x2  }
0x1a: {  	s28 =	sshra.s32 s28, $0x2  }
0x1b: {  	[tilespmem:s28+$0x1C00] =	vst v0  }
0x1c: {  	[spmem:s4] =	stream.linear.scatter [tilespmem:s15], [sflag:$0x1], $0x1F40, $0x38;
	[tilespmem:$0x17478] =	vst v63  }
0x1d: {  	_ =	swait.ge [sflag:s16], $0x1F40  }
0x1e: {  	[sflag:s16] =	ssyncset.done $0x0  }
0x1f: {  	[sflag:s16] =	ssyncadd.s32 $0xFFFFE0C0  }
0x20: {  	[spmem:s5] =	stream.linear.scatter [tilespmem:s15], [sflag:$0x1], $0x1F40, $0x38;
	[tilespmem:$0x17478] =	vst v63  }
0x21: {  	_ =	swait.ge [sflag:s16], $0x1F40  }
0x22: {  	[sflag:s16] =	ssyncset.done $0x0  }
0x23: {  	[sflag:s16] =	ssyncadd.s32 $0xFFFFE0C0  }
0x24: {  	[spmem:s6] =	stream.linear.scatter [tilespmem:s15], [sflag:$0x1], $0x1F40, $0x38;
	[tilespmem:$0x17478] =	vst v63  }
0x25: {  	_ =	swait.ge [sflag:s16], $0x1F40  }
0x26: {  	[sflag:s16] =	ssyncset.done $0x0  }
0x27: {  	[sflag:s16] =	ssyncadd.s32 $0xFFFFE0C0  }
0x28: {  	[spmem:s7] =	stream.linear.scatter [tilespmem:s15], [sflag:$0x1], $0x1F40, $0x38;
	[tilespmem:$0x17478] =	vst v63  }
0x29: {  	_ =	swait.ge [sflag:s16], $0x1F40  }
0x2a: {  	[sflag:s16] =	ssyncset.done $0x0  }
0x2b: {  	[sflag:s16] =	ssyncadd.s32 $0xFFFFE0C0  }
0x2c: {  	[spmem:s8] =	stream.linear.scatter [tilespmem:s15], [sflag:$0x1], $0x1F40, $0x38;
	[tilespmem:$0x17478] =	vst v63  }
0x2d: {  	_ =	swait.ge [sflag:s16], $0x1F40  }
0x2e: {  	[sflag:s16] =	ssyncset.done $0x0  }
0x2f: {  	s26 =	simm.s32 @!p0 $0x1C00;
	[sflag:s16] =	ssyncadd.s32 $0xFFFFE0C0  }
0x30: {  	[spmem:s2] =	stream.linear.scatter @!p0 [tilespmem:s26], [sflag:$0x1], $0x320, $0x38;
	[tilespmem:$0x17478] =	vst v63  }
0x31: {  	s26 =	simm.s32 @!p0 $0x1  }
0x32: {  	_ =	swait.ge @!p0 [sflag:s26], $0x320  }
0x33: {  	[sflag:s26] =	ssyncset.done @!p0 $0x0  }
0x34: {  	[sflag:s26] =	ssyncadd.s32 @!p0 $0xFFFFFCE0  }
0x35: {  	[tilespmem:s3], [sflag:$0x1] =	stream.linear.gather [hbm4b:s9+s3], $0x400, $0x38;
	[tilespmem:$0x17478] =	vst v63  }
0x36: {  	_ =	swait.ge [sflag:s16], $0x400  }
0x37: {  	[sflag:s16] =	ssyncset.done $0x0  }
0x38: {  	s29 =	simm.s32 $0x400;
	[sflag:s16] =	ssyncadd.s32 $0xFFFFFC00  }
0x39: {  	[tilespmem:s29], [sflag:$0x1] =	stream.linear.gather [hbm4b:s10+s3], $0x400, $0x38;
	[tilespmem:$0x17478] =	vst v63  }
0x3a: {  	_ =	swait.ge [sflag:s16], $0x400  }
0x3b: {  	[sflag:s16] =	ssyncset.done $0x0  }
0x3c: {  	s28 =	simm.s32 $0x800;
	[sflag:s16] =	ssyncadd.s32 $0xFFFFFC00  }
0x3d: {  	[tilespmem:s28], [sflag:$0x1] =	stream.linear.gather [hbm4b:s11+s3], $0x400, $0x38;
	[tilespmem:$0x17478] =	vst v63  }
0x3e: {  	_ =	swait.ge [sflag:s16], $0x400  }
0x3f: {  	[sflag:s16] =	ssyncset.done $0x0  }
0x40: {  	[sflag:s16] =	ssyncadd.s32 $0xFFFFFC00  }
0x41: {  	v4 =	vld [tilespmem:$0x0]  }
0x42: {  	v5 =	vld [tilespmem:$0x400]  }
0x43: {  	v6 =	vld [tilespmem:$0x800];
	_ =	sdelay $0x2  }
0x44: {  	v4 =	vmul.u32 $0x320, v4;
	_ =	sdelay $0x1  }
0x45: {  	[tilespmem:$0x1000] =	vst v6;
	v4 =	vadd.s32 v5, v4  }
0x46: {  	[tilespmem:$0xC00] =	vst v4  }
0x47: {  	[tilespmem:$0x1400] =	vst v5  }
0x48: {  	[tilespmem:$0x1800] =	vst v1;
	v4 =	vld [tilespmem:$0x10]  }
0x49: {  	[tilespmem:$0x1810] =	vst v1  }
0x4a: {  	[tilespmem:$0x1820] =	vst v1;
	v5 =	vld [tilespmem:$0x410]  }
0x4b: {  	[tilespmem:$0x1830] =	vst v1;
	v36 =	vld [tilespmem:$0x20]  }
0x4c: {  	[tilespmem:$0x1840] =	vst v1  }
0x4d: {  	[tilespmem:$0x1850] =	vst v1;
	v8 =	vld [tilespmem:$0x420];
	v4 =	vmul.u32 $0x320, v4  }
0x4e: {  	[tilespmem:$0x1860] =	vst v1;
	v9 =	vld [tilespmem:$0x30]  }
0x4f: {  	[tilespmem:$0x1870] =	vst v1;
	v4 =	vadd.s32 v5, v4  }
0x50: {  	v37 =	vld [tilespmem:$0x430];
	[tilespmem:$0xC10] =	vst v4;
	v4 =	vmul.u32 $0x320, v36  }
0x51: {  	[tilespmem:$0x1880] =	vst v1;
	v38 =	vld [tilespmem:$0x40]  }
0x52: {  	[tilespmem:$0x1410] =	vst v5;
	v5 =	vld [tilespmem:$0x830];
	v4 =	vadd.s32 v8, v4  }
0x53: {  	v39 =	vld [tilespmem:$0x440];
	[tilespmem:$0xC20] =	vst v4;
	v4 =	vmul.u32 $0x320, v9  }
0x54: {  	[tilespmem:$0x1890] =	vst v1;
	v40 =	vld [tilespmem:$0x50]  }
0x55: {  	[tilespmem:$0x18A0] =	vst v1;
	v4 =	vadd.s32 v37, v4  }
0x56: {  	v42 =	vld [tilespmem:$0x450];
	[tilespmem:$0xC30] =	vst v4;
	v4 =	vmul.u32 $0x320, v38  }
0x57: {  	[tilespmem:$0x1030] =	vst v5;
	v5 =	vld [tilespmem:$0x60]  }
0x58: {  	[tilespmem:$0x18B0] =	vst v1;
	v4 =	vadd.s32 v39, v4  }
0x59: {  	v44 =	vld [tilespmem:$0x460];
	[tilespmem:$0xC40] =	vst v4;
	v4 =	vmul.u32 $0x320, v40  }
0x5a: {  	[tilespmem:$0x18C0] =	vst v1;
	v45 =	vld [tilespmem:$0x70]  }
0x5b: {  	[tilespmem:$0x18D0] =	vst v1;
	v4 =	vadd.s32 v42, v4  }
0x5c: {  	[tilespmem:$0xC50] =	vst v4;
	v4 =	vmul.u32 $0x320, v5;
	v5 =	vld [tilespmem:$0x470]  }
0x5d: {  	[tilespmem:$0x18E0] =	vst v1;
	v47 =	vld [tilespmem:$0x80]  }
0x5e: {  	[tilespmem:$0x18F0] =	vst v1;
	v4 =	vadd.s32 v44, v4  }
0x5f: {  	v49 =	vld [tilespmem:$0x480];
	[tilespmem:$0xC60] =	vst v4;
	v4 =	vmul.u32 $0x320, v45  }
0x60: {  	[tilespmem:$0x1900] =	vst v1;
	v50 =	vld [tilespmem:$0x90]  }
0x61: {  	[tilespmem:$0x1910] =	vst v1;
	v4 =	vadd.s32 v5, v4  }
0x62: {  	v52 =	vld [tilespmem:$0x490];
	[tilespmem:$0xC70] =	vst v4;
	v4 =	vmul.u32 $0x320, v47  }
0x63: {  	[tilespmem:$0x1920] =	vst v1;
	v53 =	vld [tilespmem:$0xA0]  }
0x64: {  	[tilespmem:$0x1470] =	vst v5;
	v5 =	vld [tilespmem:$0x890];
	v4 =	vadd.s32 v49, v4  }
0x65: {  	v54 =	vld [tilespmem:$0x4A0];
	[tilespmem:$0xC80] =	vst v4;
	v4 =	vmul.u32 $0x320, v50  }
0x66: {  	[tilespmem:$0x1930] =	vst v1;
	v55 =	vld [tilespmem:$0xB0]  }
0x67: {  	[tilespmem:$0x1940] =	vst v1;
	v4 =	vadd.s32 v52, v4  }
0x68: {  	v57 =	vld [tilespmem:$0x4B0];
	[tilespmem:$0xC90] =	vst v4;
	v4 =	vmul.u32 $0x320, v53  }
0x69: {  	[tilespmem:$0x1090] =	vst v5;
	v5 =	vld [tilespmem:$0xC0]  }
0x6a: {  	[tilespmem:$0x1950] =	vst v1;
	v4 =	vadd.s32 v54, v4  }
0x6b: {  	v59 =	vld [tilespmem:$0x4C0];
	[tilespmem:$0xCA0] =	vst v4;
	v4 =	vmul.u32 $0x320, v55  }
0x6c: {  	[tilespmem:$0x1960] =	vst v1;
	v60 =	vld [tilespmem:$0xD0]  }
0x6d: {  	[tilespmem:$0x1970] =	vst v1;
	v4 =	vadd.s32 v57, v4  }
0x6e: {  	[tilespmem:$0xCB0] =	vst v4;
	v4 =	vmul.u32 $0x320, v5;
	v5 =	vld [tilespmem:$0x4D0]  }
0x6f: {  	[tilespmem:$0x1980] =	vst v1;
	v62 =	vld [tilespmem:$0xE0]  }
0x70: {  	[tilespmem:$0x1990] =	vst v1;
	v4 =	vadd.s32 v59, v4  }
0x71: {  	v12 =	vld [tilespmem:$0x4E0];
	[tilespmem:$0xCC0] =	vst v4;
	v4 =	vmul.u32 $0x320, v60  }
0x72: {  	[tilespmem:$0x19A0] =	vst v1;
	v13 =	vld [tilespmem:$0xF0]  }
0x73: {  	[tilespmem:$0x19B0] =	vst v1;
	v4 =	vadd.s32 v5, v4  }
0x74: {  	v15 =	vld [tilespmem:$0x4F0];
	[tilespmem:$0xCD0] =	vst v4;
	v4 =	vmul.u32 $0x320, v62  }
0x75: {  	[tilespmem:$0x19C0] =	vst v1;
	v16 =	vld [tilespmem:$0x100]  }
0x76: {  	[tilespmem:$0x14D0] =	vst v5;
	v5 =	vld [tilespmem:$0x8F0];
	v4 =	vadd.s32 v12, v4  }
0x77: {  	v17 =	vld [tilespmem:$0x500];
	[tilespmem:$0xCE0] =	vst v4;
	v4 =	vmul.u32 $0x320, v13  }
0x78: {  	[tilespmem:$0x19D0] =	vst v1;
	v18 =	vld [tilespmem:$0x110]  }
0x79: {  	[tilespmem:$0x19E0] =	vst v1;
	v4 =	vadd.s32 v15, v4  }
0x7a: {  	v20 =	vld [tilespmem:$0x510];
	[tilespmem:$0xCF0] =	vst v4;
	v4 =	vmul.u32 $0x320, v16  }
0x7b: {  	[tilespmem:$0x10F0] =	vst v5;
	v5 =	vld [tilespmem:$0x120]  }
0x7c: {  	[tilespmem:$0x19F0] =	vst v1;
	v4 =	vadd.s32 v17, v4  }
0x7d: {  	v22 =	vld [tilespmem:$0x520];
	[tilespmem:$0xD00] =	vst v4;
	v4 =	vmul.u32 $0x320, v18  }
0x7e: {  	[tilespmem:$0x1A00] =	vst v1;
	v23 =	vld [tilespmem:$0x130]  }
0x7f: {  	[tilespmem:$0x1A10] =	vst v1;
	v4 =	vadd.s32 v20, v4  }
0x80: {  	[tilespmem:$0xD10] =	vst v4;
	v4 =	vmul.u32 $0x320, v5;
	v5 =	vld [tilespmem:$0x530]  }
0x81: {  	[tilespmem:$0x1A20] =	vst v1;
	v25 =	vld [tilespmem:$0x140]  }
0x82: {  	[tilespmem:$0x1A30] =	vst v1;
	v4 =	vadd.s32 v22, v4  }
0x83: {  	v27 =	vld [tilespmem:$0x540];
	[tilespmem:$0xD20] =	vst v4;
	v4 =	vmul.u32 $0x320, v23  }
0x84: {  	[tilespmem:$0x1A40] =	vst v1;
	v28 =	vld [tilespmem:$0x150]  }
0x85: {  	[tilespmem:$0x1A50] =	vst v1;
	v4 =	vadd.s32 v5, v4  }
0x86: {  	v30 =	vld [tilespmem:$0x550];
	[tilespmem:$0xD30] =	vst v4;
	v4 =	vmul.u32 $0x320, v25  }
0x87: {  	[tilespmem:$0x1A60] =	vst v1;
	v31 =	vld [tilespmem:$0x160]  }
0x88: {  	[tilespmem:$0x1530] =	vst v5;
	v5 =	vld [tilespmem:$0x950];
	v4 =	vadd.s32 v27, v4  }
0x89: {  	v32 =	vld [tilespmem:$0x560];
	[tilespmem:$0xD40] =	vst v4;
	v4 =	vmul.u32 $0x320, v28  }
0x8a: {  	[tilespmem:$0x1A70] =	vst v1;
	v33 =	vld [tilespmem:$0x170]  }
0x8b: {  	[tilespmem:$0x1A80] =	vst v1;
	v4 =	vadd.s32 v30, v4  }
0x8c: {  	v35 =	vld [tilespmem:$0x570];
	[tilespmem:$0xD50] =	vst v4;
	v4 =	vmul.u32 $0x320, v31  }
0x8d: {  	[tilespmem:$0x1150] =	vst v5;
	v5 =	vld [tilespmem:$0x180]  }
0x8e: {  	[tilespmem:$0x1430] =	vst v37;
	v4 =	vadd.s32 v32, v4  }
0x8f: {  	v37 =	vld [tilespmem:$0x580];
	[tilespmem:$0xD60] =	vst v4;
	v4 =	vmul.u32 $0x320, v33  }
0x90: {  	[tilespmem:$0x1A90] =	vst v1;
	v38 =	vld [tilespmem:$0x190]  }
0x91: {  	[tilespmem:$0x1AA0] =	vst v1;
	v43 =	vld [tilespmem:$0x850];
	v4 =	vadd.s32 v35, v4  }
0x92: {  	[tilespmem:$0xD70] =	vst v4;
	v4 =	vmul.u32 $0x320, v5;
	v5 =	vld [tilespmem:$0x590]  }
0x93: {  	[tilespmem:$0x1AB0] =	vst v1;
	v40 =	vld [tilespmem:$0x1A0]  }
0x94: {  	v46 =	vld [tilespmem:$0x860];
	[tilespmem:$0x1450] =	vst v42;
	v4 =	vadd.s32 v37, v4  }
0x95: {  	v42 =	vld [tilespmem:$0x5A0];
	[tilespmem:$0xD80] =	vst v4;
	v4 =	vmul.u32 $0x320, v38  }
0x96: {  	[tilespmem:$0x1050] =	vst v43;
	v43 =	vld [tilespmem:$0x1B0]  }
0x97: {  	[tilespmem:$0x1AC0] =	vst v1;
	v48 =	vld [tilespmem:$0x870];
	v4 =	vadd.s32 v5, v4  }
0x98: {  	v45 =	vld [tilespmem:$0x5B0];
	[tilespmem:$0xD90] =	vst v4;
	v4 =	vmul.u32 $0x320, v40  }
0x99: {  	[tilespmem:$0x1060] =	vst v46;
	v46 =	vld [tilespmem:$0x1C0]  }
0x9a: {  	[tilespmem:$0x1590] =	vst v5;
	v5 =	vld [tilespmem:$0x9B0];
	v4 =	vadd.s32 v42, v4  }
0x9b: {  	v47 =	vld [tilespmem:$0x5C0];
	[tilespmem:$0xDA0] =	vst v4;
	v4 =	vmul.u32 $0x320, v43  }
0x9c: {  	[tilespmem:$0x1070] =	vst v48;
	v48 =	vld [tilespmem:$0x1D0]  }
0x9d: {  	[tilespmem:$0x1AD0] =	vst v1;
	v4 =	vadd.s32 v45, v4  }
0x9e: {  	v50 =	vld [tilespmem:$0x5D0];
	[tilespmem:$0xDB0] =	vst v4;
	v4 =	vmul.u32 $0x320, v46  }
0x9f: {  	[tilespmem:$0x11B0] =	vst v5;
	v5 =	vld [tilespmem:$0x1E0]  }
0xa0: {  	[tilespmem:$0x1490] =	vst v52;
	v4 =	vadd.s32 v47, v4  }
0xa1: {  	v52 =	vld [tilespmem:$0x5E0];
	[tilespmem:$0xDC0] =	vst v4;
	v4 =	vmul.u32 $0x320, v48  }
0xa2: {  	[tilespmem:$0x1AE0] =	vst v1;
	v53 =	vld [tilespmem:$0x1F0]  }
0xa3: {  	[tilespmem:$0x1AF0] =	vst v1;
	v58 =	vld [tilespmem:$0x8B0];
	v4 =	vadd.s32 v50, v4  }
0xa4: {  	[tilespmem:$0xDD0] =	vst v4;
	v4 =	vmul.u32 $0x320, v5;
	v5 =	vld [tilespmem:$0x5F0]  }
0xa5: {  	[tilespmem:$0x1B00] =	vst v1;
	v55 =	vld [tilespmem:$0x200]  }
0xa6: {  	v61 =	vld [tilespmem:$0x8C0];
	[tilespmem:$0x14B0] =	vst v57;
	v4 =	vadd.s32 v52, v4  }
0xa7: {  	v57 =	vld [tilespmem:$0x600];
	[tilespmem:$0xDE0] =	vst v4;
	v4 =	vmul.u32 $0x320, v53  }
0xa8: {  	[tilespmem:$0x10B0] =	vst v58;
	v58 =	vld [tilespmem:$0x210]  }
0xa9: {  	[tilespmem:$0x1B10] =	vst v1;
	v63 =	vld [tilespmem:$0x8D0];
	v4 =	vadd.s32 v5, v4  }
0xaa: {  	v60 =	vld [tilespmem:$0x610];
	[tilespmem:$0xDF0] =	vst v4;
	v4 =	vmul.u32 $0x320, v55  }
0xab: {  	[tilespmem:$0x10C0] =	vst v61;
	v61 =	vld [tilespmem:$0x220]  }
0xac: {  	[tilespmem:$0x15F0] =	vst v5;
	v5 =	vld [tilespmem:$0xA10];
	v4 =	vadd.s32 v57, v4  }
0xad: {  	v62 =	vld [tilespmem:$0x620];
	[tilespmem:$0xE00] =	vst v4;
	v4 =	vmul.u32 $0x320, v58  }
0xae: {  	[tilespmem:$0x10D0] =	vst v63;
	v63 =	vld [tilespmem:$0x230]  }
0xaf: {  	[tilespmem:$0x1B20] =	vst v1;
	v4 =	vadd.s32 v60, v4  }
0xb0: {  	v13 =	vld [tilespmem:$0x630];
	[tilespmem:$0xE10] =	vst v4;
	v4 =	vmul.u32 $0x320, v61  }
0xb1: {  	[tilespmem:$0x1210] =	vst v5;
	v5 =	vld [tilespmem:$0x240]  }
0xb2: {  	[tilespmem:$0x14F0] =	vst v15;
	v4 =	vadd.s32 v62, v4  }
0xb3: {  	v15 =	vld [tilespmem:$0x640];
	[tilespmem:$0xE20] =	vst v4;
	v4 =	vmul.u32 $0x320, v63  }
0xb4: {  	[tilespmem:$0x1B30] =	vst v1;
	v16 =	vld [tilespmem:$0x250]  }
0xb5: {  	[tilespmem:$0x1B40] =	vst v1;
	v21 =	vld [tilespmem:$0x910];
	v4 =	vadd.s32 v13, v4  }
0xb6: {  	[tilespmem:$0xE30] =	vst v4;
	v4 =	vmul.u32 $0x320, v5;
	v5 =	vld [tilespmem:$0x650]  }
0xb7: {  	[tilespmem:$0x1B50] =	vst v1;
	v18 =	vld [tilespmem:$0x260]  }
0xb8: {  	v24 =	vld [tilespmem:$0x920];
	[tilespmem:$0x1510] =	vst v20;
	v4 =	vadd.s32 v15, v4  }
0xb9: {  	v20 =	vld [tilespmem:$0x660];
	[tilespmem:$0xE40] =	vst v4;
	v4 =	vmul.u32 $0x320, v16  }
0xba: {  	[tilespmem:$0x1110] =	vst v21;
	v21 =	vld [tilespmem:$0x270]  }
0xbb: {  	[tilespmem:$0x1B60] =	vst v1;
	v26 =	vld [tilespmem:$0x930];
	v4 =	vadd.s32 v5, v4  }
0xbc: {  	v23 =	vld [tilespmem:$0x670];
	[tilespmem:$0xE50] =	vst v4;
	v4 =	vmul.u32 $0x320, v18  }
0xbd: {  	[tilespmem:$0x1120] =	vst v24;
	v24 =	vld [tilespmem:$0x280]  }
0xbe: {  	[tilespmem:$0x1650] =	vst v5;
	v5 =	vld [tilespmem:$0xA70];
	v4 =	vadd.s32 v20, v4  }
0xbf: {  	v25 =	vld [tilespmem:$0x680];
	[tilespmem:$0xE60] =	vst v4;
	v4 =	vmul.u32 $0x320, v21  }
0xc0: {  	[tilespmem:$0x1130] =	vst v26;
	v26 =	vld [tilespmem:$0x290]  }
0xc1: {  	[tilespmem:$0x1B70] =	vst v1;
	v4 =	vadd.s32 v23, v4  }
0xc2: {  	v28 =	vld [tilespmem:$0x690];
	[tilespmem:$0xE70] =	vst v4;
	v4 =	vmul.u32 $0x320, v24  }
0xc3: {  	[tilespmem:$0x1270] =	vst v5;
	v5 =	vld [tilespmem:$0x2A0]  }
0xc4: {  	v41 =	vld [tilespmem:$0x840];
	[tilespmem:$0x1550] =	vst v30;
	v4 =	vadd.s32 v25, v4  }
0xc5: {  	v30 =	vld [tilespmem:$0x6A0];
	[tilespmem:$0xE80] =	vst v4;
	v4 =	vmul.u32 $0x320, v26  }
0xc6: {  	[tilespmem:$0x1B80] =	vst v1;
	v31 =	vld [tilespmem:$0x2B0]  }
0xc7: {  	[tilespmem:$0x1B90] =	vst v1;
	v36 =	vld [tilespmem:$0x970];
	v4 =	vadd.s32 v28, v4  }
0xc8: {  	[tilespmem:$0xE90] =	vst v4;
	v4 =	vmul.u32 $0x320, v5;
	v5 =	vld [tilespmem:$0x6B0]  }
0xc9: {  	[tilespmem:$0x1440] =	vst v39;
	v33 =	vld [tilespmem:$0x2C0]  }
0xca: {  	[tilespmem:$0x1570] =	vst v35;
	v39 =	vld [tilespmem:$0x980];
	v4 =	vadd.s32 v30, v4  }
0xcb: {  	v35 =	vld [tilespmem:$0x6C0];
	[tilespmem:$0xEA0] =	vst v4;
	v4 =	vmul.u32 $0x320, v31  }
0xcc: {  	[tilespmem:$0x1170] =	vst v36;
	v36 =	vld [tilespmem:$0x2D0]  }
0xcd: {  	[tilespmem:$0x1040] =	vst v41;
	v41 =	vld [tilespmem:$0x990];
	v4 =	vadd.s32 v5, v4  }
0xce: {  	v38 =	vld [tilespmem:$0x6D0];
	[tilespmem:$0xEB0] =	vst v4;
	v4 =	vmul.u32 $0x320, v33  }
0xcf: {  	[tilespmem:$0x1180] =	vst v39;
	v39 =	vld [tilespmem:$0x2E0]  }
0xd0: {  	[tilespmem:$0x16B0] =	vst v5;
	v5 =	vld [tilespmem:$0xAD0];
	v4 =	vadd.s32 v35, v4  }
0xd1: {  	v40 =	vld [tilespmem:$0x6E0];
	[tilespmem:$0xEC0] =	vst v4;
	v4 =	vmul.u32 $0x320, v36  }
0xd2: {  	[tilespmem:$0x1190] =	vst v41;
	v41 =	vld [tilespmem:$0x2F0]  }
0xd3: {  	v51 =	vld [tilespmem:$0x880];
	[tilespmem:$0x1480] =	vst v49;
	v4 =	vadd.s32 v38, v4  }
0xd4: {  	v43 =	vld [tilespmem:$0x6F0];
	[tilespmem:$0xED0] =	vst v4;
	v4 =	vmul.u32 $0x320, v39  }
0xd5: {  	[tilespmem:$0x12D0] =	vst v5;
	v5 =	vld [tilespmem:$0x300]  }
0xd6: {  	v49 =	vld [tilespmem:$0x9C0];
	[tilespmem:$0x15B0] =	vst v45;
	v4 =	vadd.s32 v40, v4  }
0xd7: {  	v45 =	vld [tilespmem:$0x700];
	[tilespmem:$0xEE0] =	vst v4;
	v4 =	vmul.u32 $0x320, v41  }
0xd8: {  	[tilespmem:$0x1BA0] =	vst v1;
	v46 =	vld [tilespmem:$0x310]  }
0xd9: {  	[tilespmem:$0x1080] =	vst v51;
	v51 =	vld [tilespmem:$0x9D0];
	v4 =	vadd.s32 v43, v4  }
0xda: {  	[tilespmem:$0xEF0] =	vst v4;
	v4 =	vmul.u32 $0x320, v5;
	v5 =	vld [tilespmem:$0x710]  }
0xdb: {  	[tilespmem:$0x11C0] =	vst v49;
	v49 =	vld [tilespmem:$0x320]  }
0xdc: {  	[tilespmem:$0x15D0] =	vst v50;
	v4 =	vadd.s32 v45, v4  }
0xdd: {  	v50 =	vld [tilespmem:$0x720];
	[tilespmem:$0xF00] =	vst v4;
	v4 =	vmul.u32 $0x320, v46  }
0xde: {  	[tilespmem:$0x1BB0] =	vst v1  }
0xdf: {  	[tilespmem:$0x11D0] =	vst v51;
	v4 =	vadd.s32 v5, v4  }
0xe0: {  	v51 =	vmul.u32 $0x320, v49;
	[tilespmem:$0xF10] =	vst v4;
	v4 =	vld [tilespmem:$0xB20]  }
0xe1: {  	[tilespmem:$0x1BC0] =	vst v1  }
0xe2: {  	[tilespmem:$0x1710] =	vst v5;
	v5 =	vadd.s32 v50, v51  }
0xe3: {  	[tilespmem:$0xF20] =	vst v5;
	v5 =	vld [tilespmem:$0x330]  }
0xe4: {  	[tilespmem:$0x1BD0] =	vst v1  }
0xe5: {  	[tilespmem:$0x1320] =	vst v4;
	v4 =	vld [tilespmem:$0x730]  }
0xe6: {  	[tilespmem:$0x1BE0] =	vst v2  }
0xe7: {  	[tilespmem:$0xFF0] =	vst v3;
	v7 =	vld [tilespmem:$0x810]  }
0xe8: {  	[tilespmem:$0x13F0] =	vst v0;
	v10 =	vld [tilespmem:$0x820];
	v5 =	vmul.u32 $0x320, v5  }
0xe9: {  	[tilespmem:$0x17F0] =	vst v3  }
0xea: {  	[tilespmem:$0x1BF0] =	vst v0;
	v5 =	vadd.s32 v4, v5  }
0xeb: {  	[tilespmem:$0xF30] =	vst v5;
	v5 =	vld [tilespmem:$0x340]  }
0xec: {  	v56 =	vld [tilespmem:$0x8A0];
	[tilespmem:$0x1010] =	vst v7  }
0xed: {  	[tilespmem:$0x1020] =	vst v10;
	v53 =	vld [tilespmem:$0x740]  }
0xee: {  	[tilespmem:$0x1420] =	vst v8  }
0xef: {  	[tilespmem:$0x1460] =	vst v44  }
0xf0: {  	[tilespmem:$0x1730] =	vst v4;
	v4 =	vld [tilespmem:$0xB40];
	v5 =	vmul.u32 $0x320, v5  }
0xf1: {  	v14 =	vld [tilespmem:$0x8E0];
	[tilespmem:$0x10A0] =	vst v56  }
0xf2: {  	v19 =	vld [tilespmem:$0x900];
	[tilespmem:$0x14A0] =	vst v54;
	v5 =	vadd.s32 v53, v5  }
0xf3: {  	[tilespmem:$0xF40] =	vst v5;
	v5 =	vld [tilespmem:$0x350]  }
0xf4: {  	[tilespmem:$0x14C0] =	vst v59  }
0xf5: {  	[tilespmem:$0x1340] =	vst v4;
	v4 =	vld [tilespmem:$0x750]  }
0xf6: {  	[tilespmem:$0x10E0] =	vst v14  }
0xf7: {  	v29 =	vld [tilespmem:$0x940];
	[tilespmem:$0x14E0] =	vst v12  }
0xf8: {  	[tilespmem:$0x1100] =	vst v19;
	v5 =	vmul.u32 $0x320, v5  }
0xf9: {  	v34 =	vld [tilespmem:$0x960];
	[tilespmem:$0x1500] =	vst v17  }
0xfa: {  	[tilespmem:$0x1520] =	vst v22;
	v56 =	vld [tilespmem:$0x9F0];
	v5 =	vadd.s32 v4, v5  }
0xfb: {  	[tilespmem:$0xF50] =	vst v5;
	v5 =	vld [tilespmem:$0x360]  }
0xfc: {  	[tilespmem:$0x1140] =	vst v29;
	v14 =	vld [tilespmem:$0xA30]  }
0xfd: {  	[tilespmem:$0x1540] =	vst v27;
	v55 =	vld [tilespmem:$0x760]  }
0xfe: {  	[tilespmem:$0x1160] =	vst v34;
	v19 =	vld [tilespmem:$0xA50]  }
0xff: {  	[tilespmem:$0x1560] =	vst v32;
	v29 =	vld [tilespmem:$0xA90]  }
0x100: {  	[tilespmem:$0x1750] =	vst v4;
	v4 =	vld [tilespmem:$0xB60];
	v5 =	vmul.u32 $0x320, v5  }
0x101: {  	v34 =	vld [tilespmem:$0xAB0];
	[tilespmem:$0x11F0] =	vst v56  }
0x102: {  	[tilespmem:$0x1230] =	vst v14;
	v56 =	vld [tilespmem:$0xB70];
	v5 =	vadd.s32 v55, v5  }
0x103: {  	[tilespmem:$0xF60] =	vst v5;
	v5 =	vld [tilespmem:$0x370]  }
0x104: {  	[tilespmem:$0x1250] =	vst v19;
	v44 =	vld [tilespmem:$0x9A0]  }
0x105: {  	[tilespmem:$0x1360] =	vst v4;
	v4 =	vld [tilespmem:$0x770]  }
0x106: {  	[tilespmem:$0x1290] =	vst v29  }
0x107: {  	[tilespmem:$0x12B0] =	vst v34  }
0x108: {  	[tilespmem:$0x1370] =	vst v56;
	v5 =	vmul.u32 $0x320, v5  }
0x109: {  	[tilespmem:$0x11A0] =	vst v44;
	v44 =	vld [tilespmem:$0xAF0]  }
0x10a: {  	[tilespmem:$0x1580] =	vst v37;
	v54 =	vld [tilespmem:$0x9E0];
	v5 =	vadd.s32 v4, v5  }
0x10b: {  	[tilespmem:$0xF70] =	vst v5;
	v5 =	vld [tilespmem:$0x380]  }
0x10c: {  	[tilespmem:$0x15A0] =	vst v42;
	v59 =	vld [tilespmem:$0xA00]  }
0x10d: {  	[tilespmem:$0x1600] =	vst v57;
	v57 =	vld [tilespmem:$0x780]  }
0x10e: {  	[tilespmem:$0x15C0] =	vst v47  }
0x10f: {  	[tilespmem:$0x12F0] =	vst v44  }
0x110: {  	[tilespmem:$0x1770] =	vst v4;
	v4 =	vld [tilespmem:$0xB80];
	v5 =	vmul.u32 $0x320, v5  }
0x111: {  	[tilespmem:$0x11E0] =	vst v54;
	v54 =	vld [tilespmem:$0xB50]  }
0x112: {  	[tilespmem:$0x1200] =	vst v59;
	v59 =	vld [tilespmem:$0x7A0];
	v5 =	vadd.s32 v57, v5  }
0x113: {  	[tilespmem:$0xF80] =	vst v5;
	v5 =	vld [tilespmem:$0x390]  }
0x114: {  	[tilespmem:$0x15E0] =	vst v52;
	v12 =	vld [tilespmem:$0xA20]  }
0x115: {  	[tilespmem:$0x1380] =	vst v4;
	v4 =	vld [tilespmem:$0x790]  }
0x116: {  	[tilespmem:$0x1350] =	vst v54  }
0x117: {  	[tilespmem:$0x1610] =	vst v60  }
0x118: {  	[tilespmem:$0x1620] =	vst v62;
	v5 =	vmul.u32 $0x320, v5  }
0x119: {  	[tilespmem:$0x17A0] =	vst v59;
	v17 =	vld [tilespmem:$0xA40]  }
0x11a: {  	[tilespmem:$0x1220] =	vst v12;
	v5 =	vadd.s32 v4, v5  }
0x11b: {  	[tilespmem:$0xF90] =	vst v5;
	v5 =	vld [tilespmem:$0x3A0]  }
0x11c: {  	[tilespmem:$0x1630] =	vst v13;
	v22 =	vld [tilespmem:$0xA60]  }
0x11d: {  	[tilespmem:$0x1640] =	vst v15  }
0x11e: {  	[tilespmem:$0x1240] =	vst v17  }
0x11f: {  	[tilespmem:$0x1660] =	vst v20  }
0x120: {  	[tilespmem:$0x1790] =	vst v4;
	v4 =	vld [tilespmem:$0xBA0];
	v5 =	vmul.u32 $0x320, v5  }
0x121: {  	[tilespmem:$0x1260] =	vst v22;
	v27 =	vld [tilespmem:$0xA80]  }
0x122: {  	[tilespmem:$0x1670] =	vst v23;
	v5 =	vadd.s32 v59, v5  }
0x123: {  	[tilespmem:$0xFA0] =	vst v5;
	v5 =	vld [tilespmem:$0x3B0]  }
0x124: {  	[tilespmem:$0x1680] =	vst v25;
	v32 =	vld [tilespmem:$0xAA0]  }
0x125: {  	[tilespmem:$0x13A0] =	vst v4;
	v4 =	vld [tilespmem:$0x7B0]  }
0x126: {  	[tilespmem:$0x1280] =	vst v27  }
0x127: {  	[tilespmem:$0x1690] =	vst v28;
	v37 =	vld [tilespmem:$0xAC0]  }
0x128: {  	[tilespmem:$0x16A0] =	vst v30;
	v5 =	vmul.u32 $0x320, v5  }
0x129: {  	[tilespmem:$0x12A0] =	vst v32  }
0x12a: {  	[tilespmem:$0x16C0] =	vst v35;
	v42 =	vld [tilespmem:$0xAE0];
	v5 =	vadd.s32 v4, v5  }
0x12b: {  	[tilespmem:$0xFB0] =	vst v5;
	v5 =	vld [tilespmem:$0x3C0]  }
0x12c: {  	[tilespmem:$0x12C0] =	vst v37  }
0x12d: {  	[tilespmem:$0x16D0] =	vst v38;
	v61 =	vld [tilespmem:$0x7C0]  }
0x12e: {  	[tilespmem:$0x16E0] =	vst v40  }
0x12f: {  	[tilespmem:$0x12E0] =	vst v42;
	v47 =	vld [tilespmem:$0xB00]  }
0x130: {  	[tilespmem:$0x17B0] =	vst v4;
	v4 =	vld [tilespmem:$0xBC0];
	v5 =	vmul.u32 $0x320, v5  }
0x131: {  	[tilespmem:$0x16F0] =	vst v43;
	v48 =	vld [tilespmem:$0xB10]  }
0x132: {  	[tilespmem:$0x1700] =	vst v45;
	v52 =	vld [tilespmem:$0xB30];
	v5 =	vadd.s32 v61, v5  }
0x133: {  	[tilespmem:$0xFC0] =	vst v5;
	v5 =	vld [tilespmem:$0x3D0]  }
0x134: {  	[tilespmem:$0x1300] =	vst v47  }
0x135: {  	[tilespmem:$0x13C0] =	vst v4;
	v4 =	vld [tilespmem:$0x7D0]  }
0x136: {  	[tilespmem:$0x1310] =	vst v48  }
0x137: {  	[tilespmem:$0x1720] =	vst v50  }
0x138: {  	[tilespmem:$0x1330] =	vst v52;
	v58 =	vld [tilespmem:$0xB90];
	v5 =	vmul.u32 $0x320, v5  }
0x139: {  	[tilespmem:$0x1740] =	vst v53;
	v60 =	vld [tilespmem:$0xBB0]  }
0x13a: {  	[tilespmem:$0x1760] =	vst v55;
	v62 =	vld [tilespmem:$0xBD0];
	v5 =	vadd.s32 v4, v5  }
0x13b: {  	[tilespmem:$0xFD0] =	vst v5;
	v5 =	vld [tilespmem:$0x3E0]  }
0x13c: {  	[tilespmem:$0x17D0] =	vst v4;
	v4 =	vld [tilespmem:$0xBE0]  }
0x13d: {  	[tilespmem:$0x1780] =	vst v57;
	v63 =	vld [tilespmem:$0x7E0]  }
0x13e: {  	[tilespmem:$0x1390] =	vst v58  }
0x13f: {  	[tilespmem:$0x13B0] =	vst v60  }
0x140: {  	[tilespmem:$0x17C0] =	vst v61;
	v5 =	vmul.u32 $0x320, v5  }
0x141: {  	[tilespmem:$0x13D0] =	vst v62;
	v4 =	vnsel vm0, $0x0, v4  }
0x142: {  	[tilespmem:$0x13E0] =	vst v4;
	v4 =	vnsel vm0, $0x0, v63;
	v5 =	vadd.s32 v63, v5  }
0x143: {  	[tilespmem:$0x17E0] =	vst v4;
	v5 =	vnsel vm0, $0x0, v5  }
0x144: {  	[tilespmem:$0xFE0] =	vst v5  }
0x145: {  	s26 =	simm.s32 $0xC00;
	s29 =	simm.s32 $0x1000;
	[bflag:$0x0] =	sbarrier.arrive $0xFFFF  }
0x146: {  	[spmem:s1] =	stream.indirect.scatter.add.f32 [tilespmem:s29], [sflag:$0x1], $0x1, s26, s19, $0xb8;
	[tilespmem:$0x17478] =	vst v63  }
0x147: {  	_ =	swait.ge [sflag:s16], $0x80  }
0x148: {  	[sflag:s16] =	ssyncset.done $0x0  }
0x149: {  	s26 =	simm.s32 $0x1400;
	s29 =	simm.s32 $0x1800;
	[sflag:s16] =	ssyncadd.s32 $0xFFFFFF80  }
0x14a: {  	[spmem:s2] =	stream.indirect.scatter.add.f32 [tilespmem:s29], [sflag:$0x1], $0x1, s26, s19, $0xb8;
	[tilespmem:$0x17478] =	vst v63  }
0x14b: {  	_ =	swait.ge [sflag:s16], $0x80  }
0x14c: {  	[sflag:s16] =	ssyncset.done $0x0  }
0x14d: {  	s26 =	simm.s32 $0xC80;
	s29 =	simm.s32 $0x1080;
	[sflag:s16] =	ssyncadd.s32 $0xFFFFFF80  }
0x14e: {  	[spmem:s1] =	stream.indirect.scatter.add.f32 [tilespmem:s29], [sflag:$0x1], $0x1, s26, s19, $0xb8;
	[tilespmem:$0x17478] =	vst v63  }
0x14f: {  	_ =	swait.ge [sflag:s16], $0x80  }
0x150: {  	[sflag:s16] =	ssyncset.done $0x0  }
0x151: {  	s26 =	simm.s32 $0x1480;
	s29 =	simm.s32 $0x1880;
	[sflag:s16] =	ssyncadd.s32 $0xFFFFFF80  }
0x152: {  	[spmem:s2] =	stream.indirect.scatter.add.f32 [tilespmem:s29], [sflag:$0x1], $0x1, s26, s19, $0xb8;
	[tilespmem:$0x17478] =	vst v63  }
0x153: {  	_ =	swait.ge [sflag:s16], $0x80  }
0x154: {  	[sflag:s16] =	ssyncset.done $0x0  }
0x155: {  	s26 =	simm.s32 $0xD00;
	s29 =	simm.s32 $0x1100;
	[sflag:s16] =	ssyncadd.s32 $0xFFFFFF80  }
0x156: {  	[spmem:s1] =	stream.indirect.scatter.add.f32 [tilespmem:s29], [sflag:$0x1], $0x1, s26, s19, $0xb8;
	[tilespmem:$0x17478] =	vst v63  }
0x157: {  	_ =	swait.ge [sflag:s16], $0x80  }
0x158: {  	[sflag:s16] =	ssyncset.done $0x0  }
0x159: {  	s26 =	simm.s32 $0x1500;
	s29 =	simm.s32 $0x1900;
	[sflag:s16] =	ssyncadd.s32 $0xFFFFFF80  }
0x15a: {  	[spmem:s2] =	stream.indirect.scatter.add.f32 [tilespmem:s29], [sflag:$0x1], $0x1, s26, s19, $0xb8;
	[tilespmem:$0x17478] =	vst v63  }
0x15b: {  	_ =	swait.ge [sflag:s16], $0x80  }
0x15c: {  	[sflag:s16] =	ssyncset.done $0x0  }
0x15d: {  	s26 =	simm.s32 $0xD80;
	s29 =	simm.s32 $0x1180;
	[sflag:s16] =	ssyncadd.s32 $0xFFFFFF80  }
0x15e: {  	[spmem:s1] =	stream.indirect.scatter.add.f32 [tilespmem:s29], [sflag:$0x1], $0x1, s26, s19, $0xb8;
	[tilespmem:$0x17478] =	vst v63  }
0x15f: {  	_ =	swait.ge [sflag:s16], $0x80  }
0x160: {  	[sflag:s16] =	ssyncset.done $0x0  }
0x161: {  	s26 =	simm.s32 $0x1580;
	s29 =	simm.s32 $0x1980;
	[sflag:s16] =	ssyncadd.s32 $0xFFFFFF80  }
0x162: {  	[spmem:s2] =	stream.indirect.scatter.add.f32 [tilespmem:s29], [sflag:$0x1], $0x1, s26, s19, $0xb8;
	[tilespmem:$0x17478] =	vst v63  }
0x163: {  	_ =	swait.ge [sflag:s16], $0x80  }
0x164: {  	[sflag:s16] =	ssyncset.done $0x0  }
0x165: {  	s26 =	simm.s32 $0xE00;
	s29 =	simm.s32 $0x1200;
	[sflag:s16] =	ssyncadd.s32 $0xFFFFFF80  }
0x166: {  	[spmem:s1] =	stream.indirect.scatter.add.f32 [tilespmem:s29], [sflag:$0x1], $0x1, s26, s19, $0xb8;
	[tilespmem:$0x17478] =	vst v63  }
0x167: {  	_ =	swait.ge [sflag:s16], $0x80  }
0x168: {  	[sflag:s16] =	ssyncset.done $0x0  }
0x169: {  	s26 =	simm.s32 $0x1600;
	s29 =	simm.s32 $0x1A00;
	[sflag:s16] =	ssyncadd.s32 $0xFFFFFF80  }
0x16a: {  	[spmem:s2] =	stream.indirect.scatter.add.f32 [tilespmem:s29], [sflag:$0x1], $0x1, s26, s19, $0xb8;
	[tilespmem:$0x17478] =	vst v63  }
0x16b: {  	_ =	swait.ge [sflag:s16], $0x80  }
0x16c: {  	[sflag:s16] =	ssyncset.done $0x0  }
0x16d: {  	s26 =	simm.s32 $0xE80;
	s29 =	simm.s32 $0x1280;
	[sflag:s16] =	ssyncadd.s32 $0xFFFFFF80  }
0x16e: {  	[spmem:s1] =	stream.indirect.scatter.add.f32 [tilespmem:s29], [sflag:$0x1], $0x1, s26, s19, $0xb8;
	[tilespmem:$0x17478] =	vst v63  }
0x16f: {  	_ =	swait.ge [sflag:s16], $0x80  }
0x170: {  	[sflag:s16] =	ssyncset.done $0x0  }
0x171: {  	s29 =	simm.s32 $0x1680;
	[sflag:s16] =	ssyncadd.s32 $0xFFFFFF80  }
0x172: {  	[spmem:s2] =	stream.indirect.scatter.add.f32 [tilespmem:s30], [sflag:$0x1], $0x1, s29, s19, $0xb8;
	[tilespmem:$0x17478] =	vst v63  }
0x173: {  	_ =	swait.ge [sflag:s16], $0x80  }
0x174: {  	[sflag:s16] =	ssyncset.done $0x0  }
0x175: {  	[sflag:s16] =	ssyncadd.s32 $0xFFFFFF80  }
0x176: {  	[spmem:s1] =	stream.indirect.scatter.add.f32 [tilespmem:s0], [sflag:$0x1], $0x1, s31, s19, $0xb8;
	[tilespmem:$0x17478] =	vst v63  }
0x177: {  	_ =	swait.ge [sflag:s16], $0x80  }
0x178: {  	[sflag:s16] =	ssyncset.done $0x0  }
0x179: {  	[sflag:s16] =	ssyncadd.s32 $0xFFFFFF80  }
0x17a: {  	[spmem:s2] =	stream.indirect.scatter.add.f32 [tilespmem:s18], [sflag:$0x1], $0x1, s17, s19, $0xb8;
	[tilespmem:$0x17478] =	vst v63  }
0x17b: {  	_ =	swait.ge [sflag:s16], $0x80  }
0x17c: {  	[sflag:s16] =	ssyncset.done $0x0  }
0x17d: {  	[sflag:s16] =	ssyncadd.s32 $0xFFFFFF80  }
0x17e: {  	[spmem:s1] =	stream.indirect.scatter.add.f32 [tilespmem:s21], [sflag:$0x1], $0x1, s20, s19, $0xb8;
	[tilespmem:$0x17478] =	vst v63  }
0x17f: {  	_ =	swait.ge [sflag:s16], $0x80  }
0x180: {  	[sflag:s16] =	ssyncset.done $0x0  }
0x181: {  	[sflag:s16] =	ssyncadd.s32 $0xFFFFFF80  }
0x182: {  	[spmem:s2] =	stream.indirect.scatter.add.f32 [tilespmem:s23], [sflag:$0x1], $0x1, s22, s19, $0xb8;
	[tilespmem:$0x17478] =	vst v63  }
0x183: {  	_ =	swait.ge [sflag:s16], $0x80  }
0x184: {  	[sflag:s16] =	ssyncset.done $0x0  }
0x185: {  	[sflag:s16] =	ssyncadd.s32 $0xFFFFFF80  }
0x186: {  	[bflag:$0x0] =	sbarrier.arrive $0xFFFF  }
0x187: {  	[tilespmem:s24], [sflag:$0x1] =	stream.linear.gather [spmem:s4], $0x9C40, $0x38;
	[tilespmem:$0x17478] =	vst v63  }
0x188: {  	_ =	swait.ge [sflag:s16], $0x9C40  }
0x189: {  	[sflag:s16] =	ssyncset.done $0x0  }
0x18a: {  	[sflag:s16] =	ssyncadd.s32 $0xFFFF63C0  }
0x18b: {  	[hbm4b:s12+s3] =	stream.linear.scatter [tilespmem:s24], [sflag:$0x1], $0x9C40, $0x38;
	[tilespmem:$0x17478] =	vst v63  }
0x18c: {  	_ =	swait.ge [sflag:s16], $0x9C40  }
0x18d: {  	[sflag:s16] =	ssyncset.done $0x0  }
0x18e: {  	s28 =	simm.s32 @!p1 $0x1;
	s26 =	simm.s32 @!p1 $0x1C00;
	[sflag:s16] =	ssyncadd.s32 $0xFFFF63C0  }
0x18f: {  	[tilespmem:s26], [sflag:$0x1] =	stream.linear.gather @!p1 [spmem:s2], $0x320, $0x38;
	[tilespmem:$0x17478] =	vst v63  }
0x190: {  	s25 =	sadd.s32 $0x1, s25;
	_ =	swait.ge @!p1 [sflag:s28], $0x320  }
0x191: {  	p2 =	sne.s32 s25, s14;
	[sflag:s28] =	ssyncset.done @!p1 $0x0  }
.Ltmp1:
0x192: {  	s29 =	simm.s32 @!p1 $0x0;
	[sflag:s28] =	ssyncadd.s32 @!p1 $0xFFFFFCE0;
	(pc) =	sbr.rel @p2 .LBB2_1-.Ltmp1, $4  }
0x193: {  	[hbm4b:s13+s29] =	stream.linear.scatter @!p1 [tilespmem:s26], [sflag:$0x1], $0x320, $0x38;
	[tilespmem:$0x17478] =	vst v63  }
0x194: {  	_ =	swait.ge @!p1 [sflag:s28], $0x320  }
0x195: {  	[sflag:s28] =	ssyncset.done @!p1 $0x0  }
0x196: {  	[sflag:s28] =	ssyncadd.s32 @!p1 $0xFFFFFCE0  }
0x197: {  	_ =	sfence.sel $0x180000  }
0x198: {  	[bflag:$0x0] =	sbarrier.arrive $0xFFFF  }
0x199: {  	_ =	strace $0x90000047  }
0x19a: {  	[bflag:$0x2] =	sbarrier.arrive $0xFFFF  }
0x19b: {  	s0 =	rddreg [dreg:$0x7]  }
0x19c: {  	s0 =	sadd.s32 @!p0 $0x100000, s0  }
0x19d: {  	[sflag:s0] =	ssyncadd.tile.s32 @!p0 $0x1;
	_ =	shalt  }
.Lfunc_end2:
_tile_overlayer_lowered:
.L_overlay_start_2:
0x19e: {  	(tag) =	ssettag $0x2  }
0x19f: {  	s0 =	rddreg [dreg:$0x0];
	s2 =	stileid.u32  }
0x1a0: {  	s1 =	rddreg [dreg:$0x1];
	p0 =	sne.s32 s2, $0x0  }
0x1a1: {  	s3 =	rddreg [dreg:$0x2];
	[bflag:$0x3] =	sbarrier.arrive $0xFFFF;
	s2 =	simm.s32 @!p0 $0x1C01  }
0x1a2: {  	[timem:s3], [sflag:s2] =	dma.local @!p0 [hbm:s0], s1  }
0x1a3: {  	s0 =	simm.s32 @!p0 $0x1  }
0x1a4: {  	_ =	swait.ge @!p0 [sflag:s0], s1  }
0x1a5: {  	s1 =	ssub.s32 @!p0 $0x0, s1;
	[sflag:s0] =	ssyncset.done @!p0 $0x0  }
0x1a6: {  	[sflag:s0] =	ssyncadd.s32 @!p0 s1  }
0x1a7: {  	[bflag:$0x3] =	sbarrier.arrive $0xFFFF  }
0x1a8: {  	_ =	shalt  }

</sc_bundles>
